<compile_context>
chip_gen: v7x
topology: tpu7x:2x2x1
jax: 0.10.2.dev20260603
libtpu: 0.0.44.dev20260713+nightly
codegen_flags: <defaults>
</compile_context>

<pallas_src>
import functools

import jax
import jax.numpy as jnp
from jax import lax
from jax.experimental import pallas as pl
from jax.experimental.pallas import tpu as pltpu
from jax.experimental.pallas import tpu_sc as plsc

N_NODES = 10000
D_FEAT = 128
N_EDGES = 320000

NC = 2
NS = 16
NW = NC * NS
CHUNK = 128
NITER = 80
EPW = NITER * CHUNK
E_PAD = NW * EPW
N_PAD = 10240
RPN = N_PAD // NS
NIB = 4
NQ = NITER // 4


def _sc_segment_sum(x, idx4, zeros):
    mesh = plsc.VectorSubcoreMesh(core_axis_name="c", subcore_axis_name="s")

    @functools.partial(
        pl.kernel,
        out_type=jax.ShapeDtypeStruct((NC, N_PAD, D_FEAT), jnp.float32),
        mesh=mesh,
        scratch_types=[
            pltpu.VMEM((NIB, 2, CHUNK), jnp.int32),
            pltpu.VMEM((2, CHUNK, D_FEAT), jnp.float32),
            pltpu.VMEM_SHARED((N_PAD, D_FEAT), jnp.float32),
            pltpu.SemaphoreType.DMA((NIB,)),
            pltpu.SemaphoreType.DMA((2,)),
            pltpu.SemaphoreType.DMA,
        ],
    )
    def k(x_hbm, idx_hbm, z_hbm, out_hbm, idx_v, rows_v, acc,
          isem, gsem, ssem):
        c = lax.axis_index("c")
        s = lax.axis_index("s")
        w = c * NS + s

        pltpu.sync_copy(z_hbm.at[pl.ds(s * RPN, RPN)],
                        acc.at[pl.ds(s * RPN, RPN)])

        def start_fetch(i, r):
            pltpu.async_copy(idx_hbm.at[w].at[i], idx_v.at[r], isem.at[r])

        def wait_fetch(r):
            pltpu.make_async_copy(idx_hbm.at[w].at[0], idx_v.at[r],
                                  isem.at[r]).wait()

        def start_gather(r, b):
            pltpu.async_copy(x_hbm.at[idx_v.at[r].at[0]], rows_v.at[b],
                             gsem.at[b])

        def wait_gather(b):
            pltpu.make_async_copy(x_hbm.at[idx_v.at[0].at[0]],
                                  rows_v.at[b], gsem.at[b]).wait()

        def scatter(r, b):
            pltpu.async_copy(rows_v.at[b], acc.at[idx_v.at[r].at[1]],
                             ssem, add=True).wait()

        def slot(i, j, do_fetch, do_gather):
            if do_gather:
                wait_fetch((j + 1) % NIB)
                start_gather((j + 1) % NIB, (j + 1) % 2)
            if do_fetch:
                start_fetch(i + 3, (j + 3) % NIB)
            wait_gather(j % 2)
            scatter(j % NIB, j % 2)

        start_fetch(0, 0)
        start_fetch(1, 1)
        start_fetch(2, 2)
        wait_fetch(0)
        start_gather(0, 0)
        plsc.subcore_barrier()

        for j in range(4):
            slot(j, j, True, True)

        @pl.loop(1, NQ - 1)
        def _(q):
            i0 = q * 4
            for j in range(4):
                slot(i0 + j, j, True, True)

        i0 = (NQ - 1) * 4
        slot(i0, 0, True, True)
        slot(i0 + 1, 1, False, True)
        slot(i0 + 2, 2, False, True)
        slot(i0 + 3, 3, False, False)

        plsc.subcore_barrier()
        pltpu.sync_copy(acc.at[pl.ds(s * RPN, RPN)],
                        out_hbm.at[c].at[pl.ds(s * RPN, RPN)])

    return k(x, idx4, zeros)


def _tc_dense(x, p, W_relT, b_rel, W_rootT):
    def body(x_ref, p_ref, wr_ref, b_ref, wt_ref, o_ref):
        aggr = p_ref[0] + p_ref[1]
        rel = jnp.dot(aggr, wr_ref[...], preferred_element_type=jnp.float32)
        v = (rel[:N_NODES]
             + jnp.dot(x_ref[...], wt_ref[...],
                       preferred_element_type=jnp.float32)
             + b_ref[...])
        o_ref[...] = jnp.where(v > 0, v, 0.01 * v)

    return pl.pallas_call(
        body,
        out_shape=jax.ShapeDtypeStruct((N_NODES, D_FEAT), jnp.float32),
    )(x, p, W_relT, b_rel, W_rootT)


def kernel(x, edge_index, W_rel0, b_rel0, W_root0, W_rel1, b_rel1, W_root1):
    src = edge_index[0].astype(jnp.int32)
    dst = edge_index[1].astype(jnp.int32)
    pad = E_PAD - N_EDGES
    pad_idx = jnp.arange(pad, dtype=jnp.int32)
    src3 = jnp.concatenate([src, pad_idx % N_NODES]).reshape(NW, NITER, CHUNK)
    dst3 = jnp.concatenate(
        [dst, N_NODES + pad_idx % (N_PAD - N_NODES)]).reshape(NW, NITER, CHUNK)
    idx4 = jnp.stack([src3, dst3], axis=2)
    zeros = jnp.zeros((N_PAD, D_FEAT), jnp.float32)

    p = _sc_segment_sum(x, idx4, zeros)
    h = _tc_dense(x, p, W_rel0.T, b_rel0.reshape(1, D_FEAT), W_root0.T)
    p = _sc_segment_sum(h, idx4, zeros)
    return _tc_dense(h, p, W_rel1.T, b_rel1.reshape(1, D_FEAT), W_root1.T)

# --- scband reference (transcript-rebuilt; emitter-appended) ---
"""Pipeline reference for scband-gi-g-19481971655359 (READ-ONLY COPY).

The authoritative reference and input builder live on the scoring server;
editing this copy changes nothing except your own understanding.
"""

import jax, jax.numpy as jnp
import numpy as np

N_NODES = 10000
N_EDGES = 320000
D_FEAT = 128
LAYERS = [128, 128]


def leaky_relu(v):
    return jnp.where(v > 0, v, 0.01 * v)


def setup_inputs(seed: int = 0) -> dict:
    key = jax.random.key(seed)
    k_x, k_e, k0, k1, k2, k3 = jax.random.split(key, 6)
    x = jax.random.normal(k_x, (N_NODES, D_FEAT), dtype=jnp.float32)
    edge_index = jax.random.randint(k_e, (2, N_EDGES), 0, N_NODES, dtype=jnp.int64)
    # GraphConv layer 0: in=128, out=128
    W_rel0 = jax.random.normal(k0, (LAYERS[0], D_FEAT), dtype=jnp.float32) * 0.05
    b_rel0 = jnp.zeros((LAYERS[0],), dtype=jnp.float32)
    W_root0 = jax.random.normal(k1, (LAYERS[0], D_FEAT), dtype=jnp.float32) * 0.05
    # GraphConv layer 1: in=128, out=128
    W_rel1 = jax.random.normal(k2, (LAYERS[1], LAYERS[0]), dtype=jnp.float32) * 0.05
    b_rel1 = jnp.zeros((LAYERS[1],), dtype=jnp.float32)
    W_root1 = jax.random.normal(k3, (LAYERS[1], LAYERS[0]), dtype=jnp.float32) * 0.05
    return {"x": x, "edge_index": edge_index,
            "W_rel0": W_rel0, "b_rel0": b_rel0, "W_root0": W_root0,
            "W_rel1": W_rel1, "b_rel1": b_rel1, "W_root1": W_root1}


def graph_conv(x, edge_index, W_rel, b_rel, W_root):
    # PyG GraphConv with aggr='add':
    #   out_i = lin_rel(sum_{j in N(i)} x_j) + lin_root(x_i)
    # lin_rel has bias; lin_root has no bias.
    src = edge_index[0]
    dst = edge_index[1]
    msgs = x[src]  # gather: [E, d]
    aggr = jax.ops.segment_sum(msgs, dst, num_segments=x.shape[0])  # scatter-add
    return aggr @ W_rel.T + b_rel + x @ W_root.T


def reference(x, edge_index, W_rel0, b_rel0, W_root0, W_rel1, b_rel1, W_root1):
    h = graph_conv(x, edge_index, W_rel0, b_rel0, W_root0)
    h = leaky_relu(h)
    h = graph_conv(h, edge_index, W_rel1, b_rel1, W_root1)
    h = leaky_relu(h)
    return h

if __name__ == "__main__":
    import jax
    _d = setup_inputs()
    print(jax.jit(kernel)(*tuple(_d.values())))

</pallas_src>

<mosaic_0001>
#map = affine_map<(d0, d1) -> (0, 0)>
#map1 = affine_map<(d0, d1) -> (0, 0, 0, 0)>
#map2 = affine_map<(d0, d1) -> (0, 0, 0)>
module attributes {stable_mosaic.version = 14 : i64} {
  func.func @k(%arg0: i32, %arg1: i32, %arg2: memref<10000x128xf32, #tpu.memory_space<hbm>>, %arg3: memref<32x80x2x128xi32, #tpu.memory_space<hbm>>, %arg4: memref<10240x128xf32, #tpu.memory_space<hbm>>, %arg5: memref<2x10240x128xf32, #tpu.memory_space<hbm>>, %arg6: memref<4x2x128xi32, #tpu.memory_space<vmem>>, %arg7: memref<2x128x128xf32, #tpu.memory_space<vmem>>, %arg8: memref<10240x128xf32, #tpu.memory_space<vmem_shared>>, %arg9: memref<4x!tpu.dma_semaphore, #tpu.memory_space<semaphore_mem>>, %arg10: memref<2x!tpu.dma_semaphore, #tpu.memory_space<semaphore_mem>>, %arg11: memref<!tpu.dma_semaphore, #tpu.memory_space<semaphore_mem>>) attributes {dimension_semantics = [#tpu.dimension_semantics<core_parallel>, #tpu.dimension_semantics<subcore_parallel>], iteration_bounds = array<i64: 2, 16>, scalar_prefetch = 0 : i64, scratch_operands = 6 : i64, tpu.core_type = #tpu.core_type<sc_vector_subcore>, window_params = [{transform_indices = #map}, {transform_indices = #map1}, {transform_indices = #map}, {transform_indices = #map2}]} {
    %mul3A = arith.constant 16 : i32
    %mul3A_0 = arith.muli %arg0, %mul3A : i32
    %add3A = arith.addi %mul3A_0, %arg1 : i32
    %mul3A_1 = arith.constant 640 : i32
    %mul3A_2 = arith.muli %arg1, %mul3A_1 : i32
    %mul3A_3 = arith.constant 640 : i32
    %mul3A_4 = arith.muli %arg1, %mul3A_3 : i32
    "tpu.region"() ({
      %run_scoped3A = tpu.sem_alloc : memref<!tpu.dma_semaphore, #tpu.memory_space<semaphore_mem>>
      %dma_start3A_1100 = arith.constant 0 : i32
      %dma_start3A_1101 = tpu.memref_slice %arg8[%mul3A_4, %dma_start3A_1100] : memref<10240x128xf32, #tpu.memory_space<vmem_shared>> -> memref<640x128xf32, #tpu.memory_space<vmem_shared>>
      %dma_start3A_1102 = arith.constant 0 : i32
      %dma_start3A_1103 = tpu.memref_slice %arg4[%mul3A_2, %dma_start3A_1102] : memref<10240x128xf32, #tpu.memory_space<hbm>> -> memref<640x128xf32, #tpu.memory_space<hbm>>
      tpu.enqueue_dma source(%dma_start3A_1103 : memref<640x128xf32, #tpu.memory_space<hbm>>) target(%dma_start3A_1101 : memref<640x128xf32, #tpu.memory_space<vmem_shared>>) target_semaphore(%run_scoped3A : memref<!tpu.dma_semaphore, #tpu.memory_space<semaphore_mem>>)
      %dma_wait3A_1104 = arith.constant 0 : i32
      %dma_wait3A_1105 = tpu.memref_slice %arg8[%mul3A_4, %dma_wait3A_1104] : memref<10240x128xf32, #tpu.memory_space<vmem_shared>> -> memref<640x128xf32, #tpu.memory_space<vmem_shared>>
      %dma_wait3A_1106 = arith.constant 0 : i32
      %dma_wait3A_1107 = tpu.memref_slice %arg4[%mul3A_2, %dma_wait3A_1106] : memref<10240x128xf32, #tpu.memory_space<hbm>> -> memref<640x128xf32, #tpu.memory_space<hbm>>
      tpu.wait_dma2 semaphore(%run_scoped3A : memref<!tpu.dma_semaphore, #tpu.memory_space<semaphore_mem>>) src(%dma_wait3A_1107 : memref<640x128xf32, #tpu.memory_space<hbm>>) dst(%dma_wait3A_1105 : memref<640x128xf32, #tpu.memory_space<vmem_shared>>)
      tpu.yield
    }) : () -> ()
    %dma_start3A = arith.constant 0 : i32
    %dma_start3A_5 = arith.constant 0 : i32
    %dma_start3A_6 = arith.constant 0 : i32
    %dma_start3A_7 = arith.constant 0 : i32
    %dma_start3A_8 = arith.constant 0 : i32
    %dma_start3A_9 = tpu.memref_slice %arg6[%dma_start3A_5, %dma_start3A_7, %dma_start3A_8] : memref<4x2x128xi32, #tpu.memory_space<vmem>> -> memref<1x2x128xi32, #tpu.memory_space<vmem>>
    %dma_start3A_10 = tpu.memref_squeeze %dma_start3A_9 : memref<1x2x128xi32, #tpu.memory_space<vmem>> -> memref<2x128xi32, #tpu.memory_space<vmem>>
    %dma_start3A_11 = arith.constant 0 : i32
    %dma_start3A_12 = arith.constant 0 : i32
    %dma_start3A_13 = arith.constant 0 : i32
    %dma_start3A_14 = tpu.memref_slice %arg3[%add3A, %dma_start3A_11, %dma_start3A_12, %dma_start3A_13] : memref<32x80x2x128xi32, #tpu.memory_space<hbm>> -> memref<1x80x2x128xi32, #tpu.memory_space<hbm>>
    %dma_start3A_15 = tpu.memref_squeeze %dma_start3A_14 : memref<1x80x2x128xi32, #tpu.memory_space<hbm>> -> memref<80x2x128xi32, #tpu.memory_space<hbm>>
    %dma_start3A_16 = arith.constant 0 : i32
    %dma_start3A_17 = arith.constant 0 : i32
    %dma_start3A_18 = tpu.memref_slice %dma_start3A_15[%dma_start3A, %dma_start3A_16, %dma_start3A_17] : memref<80x2x128xi32, #tpu.memory_space<hbm>> -> memref<1x2x128xi32, #tpu.memory_space<hbm>>
    %dma_start3A_19 = tpu.memref_squeeze %dma_start3A_18 : memref<1x2x128xi32, #tpu.memory_space<hbm>> -> memref<2x128xi32, #tpu.memory_space<hbm>>
    %dma_start3A_20 = tpu.memref_slice %arg9[%dma_start3A_6] : memref<4x!tpu.dma_semaphore, #tpu.memory_space<semaphore_mem>> -> memref<1x!tpu.dma_semaphore, #tpu.memory_space<semaphore_mem>>
    %dma_start3A_21 = tpu.memref_squeeze %dma_start3A_20 : memref<1x!tpu.dma_semaphore, #tpu.memory_space<semaphore_mem>> -> memref<!tpu.dma_semaphore, #tpu.memory_space<semaphore_mem>>
    %dma_start3A_22 = arith.constant 0 : i32
    %dma_start3A_23 = arith.constant 0 : i32
    %dma_start3A_24 = tpu.memref_slice %arg6[%dma_start3A_5, %dma_start3A_22, %dma_start3A_23] : memref<4x2x128xi32, #tpu.memory_space<vmem>> -> memref<1x2x128xi32, #tpu.memory_space<vmem>>
    %dma_start3A_25 = tpu.memref_squeeze %dma_start3A_24 : memref<1x2x128xi32, #tpu.memory_space<vmem>> -> memref<2x128xi32, #tpu.memory_space<vmem>>
    %dma_start3A_26 = arith.constant 0 : i32
    %dma_start3A_27 = arith.constant 0 : i32
    %dma_start3A_28 = arith.constant 0 : i32
    %dma_start3A_29 = tpu.memref_slice %arg3[%add3A, %dma_start3A_26, %dma_start3A_27, %dma_start3A_28] : memref<32x80x2x128xi32, #tpu.memory_space<hbm>> -> memref<1x80x2x128xi32, #tpu.memory_space<hbm>>
    %dma_start3A_30 = tpu.memref_squeeze %dma_start3A_29 : memref<1x80x2x128xi32, #tpu.memory_space<hbm>> -> memref<80x2x128xi32, #tpu.memory_space<hbm>>
    %dma_start3A_31 = arith.constant 0 : i32
    %dma_start3A_32 = arith.constant 0 : i32
    %dma_start3A_33 = tpu.memref_slice %dma_start3A_30[%dma_start3A, %dma_start3A_31, %dma_start3A_32] : memref<80x2x128xi32, #tpu.memory_space<hbm>> -> memref<1x2x128xi32, #tpu.memory_space<hbm>>
    %dma_start3A_34 = tpu.memref_squeeze %dma_start3A_33 : memref<1x2x128xi32, #tpu.memory_space<hbm>> -> memref<2x128xi32, #tpu.memory_space<hbm>>
    tpu.enqueue_dma source(%dma_start3A_34 : memref<2x128xi32, #tpu.memory_space<hbm>>) target(%dma_start3A_25 : memref<2x128xi32, #tpu.memory_space<vmem>>) target_semaphore(%dma_start3A_21 : memref<!tpu.dma_semaphore, #tpu.memory_space<semaphore_mem>>)
    %dma_start3A_35 = arith.constant 1 : i32
    %dma_start3A_36 = arith.constant 1 : i32
    %dma_start3A_37 = arith.constant 1 : i32
    %dma_start3A_38 = arith.constant 0 : i32
    %dma_start3A_39 = arith.constant 0 : i32
    %dma_start3A_40 = tpu.memref_slice %arg6[%dma_start3A_36, %dma_start3A_38, %dma_start3A_39] : memref<4x2x128xi32, #tpu.memory_space<vmem>> -> memref<1x2x128xi32, #tpu.memory_space<vmem>>
    %dma_start3A_41 = tpu.memref_squeeze %dma_start3A_40 : memref<1x2x128xi32, #tpu.memory_space<vmem>> -> memref<2x128xi32, #tpu.memory_space<vmem>>
    %dma_start3A_42 = arith.constant 0 : i32
    %dma_start3A_43 = arith.constant 0 : i32
    %dma_start3A_44 = arith.constant 0 : i32
    %dma_start3A_45 = tpu.memref_slice %arg3[%add3A, %dma_start3A_42, %dma_start3A_43, %dma_start3A_44] : memref<32x80x2x128xi32, #tpu.memory_space<hbm>> -> memref<1x80x2x128xi32, #tpu.memory_space<hbm>>
    %dma_start3A_46 = tpu.memref_squeeze %dma_start3A_45 : memref<1x80x2x128xi32, #tpu.memory_space<hbm>> -> memref<80x2x128xi32, #tpu.memory_space<hbm>>
    %dma_start3A_47 = arith.constant 0 : i32
    %dma_start3A_48 = arith.constant 0 : i32
    %dma_start3A_49 = tpu.memref_slice %dma_start3A_46[%dma_start3A_35, %dma_start3A_47, %dma_start3A_48] : memref<80x2x128xi32, #tpu.memory_space<hbm>> -> memref<1x2x128xi32, #tpu.memory_space<hbm>>
    %dma_start3A_50 = tpu.memref_squeeze %dma_start3A_49 : memref<1x2x128xi32, #tpu.memory_space<hbm>> -> memref<2x128xi32, #tpu.memory_space<hbm>>
    %dma_start3A_51 = tpu.memref_slice %arg9[%dma_start3A_37] : memref<4x!tpu.dma_semaphore, #tpu.memory_space<semaphore_mem>> -> memref<1x!tpu.dma_semaphore, #tpu.memory_space<semaphore_mem>>
    %dma_start3A_52 = tpu.memref_squeeze %dma_start3A_51 : memref<1x!tpu.dma_semaphore, #tpu.memory_space<semaphore_mem>> -> memref<!tpu.dma_semaphore, #tpu.memory_space<semaphore_mem>>
    %dma_start3A_53 = arith.constant 0 : i32
    %dma_start3A_54 = arith.constant 0 : i32
    %dma_start3A_55 = tpu.memref_slice %arg6[%dma_start3A_36, %dma_start3A_53, %dma_start3A_54] : memref<4x2x128xi32, #tpu.memory_space<vmem>> -> memref<1x2x128xi32, #tpu.memory_space<vmem>>
    %dma_start3A_56 = tpu.memref_squeeze %dma_start3A_55 : memref<1x2x128xi32, #tpu.memory_space<vmem>> -> memref<2x128xi32, #tpu.memory_space<vmem>>
    %dma_start3A_57 = arith.constant 0 : i32
    %dma_start3A_58 = arith.constant 0 : i32
    %dma_start3A_59 = arith.constant 0 : i32
    %dma_start3A_60 = tpu.memref_slice %arg3[%add3A, %dma_start3A_57, %dma_start3A_58, %dma_start3A_59] : memref<32x80x2x128xi32, #tpu.memory_space<hbm>> -> memref<1x80x2x128xi32, #tpu.memory_space<hbm>>
    %dma_start3A_61 = tpu.memref_squeeze %dma_start3A_60 : memref<1x80x2x128xi32, #tpu.memory_space<hbm>> -> memref<80x2x128xi32, #tpu.memory_space<hbm>>
    %dma_start3A_62 = arith.constant 0 : i32
    %dma_start3A_63 = arith.constant 0 : i32
    %dma_start3A_64 = tpu.memref_slice %dma_start3A_61[%dma_start3A_35, %dma_start3A_62, %dma_start3A_63] : memref<80x2x128xi32, #tpu.memory_space<hbm>> -> memref<1x2x128xi32, #tpu.memory_space<hbm>>
    %dma_start3A_65 = tpu.memref_squeeze %dma_start3A_64 : memref<1x2x128xi32, #tpu.memory_space<hbm>> -> memref<2x128xi32, #tpu.memory_space<hbm>>
    tpu.enqueue_dma source(%dma_start3A_65 : memref<2x128xi32, #tpu.memory_space<hbm>>) target(%dma_start3A_56 : memref<2x128xi32, #tpu.memory_space<vmem>>) target_semaphore(%dma_start3A_52 : memref<!tpu.dma_semaphore, #tpu.memory_space<semaphore_mem>>)
    %dma_start3A_66 = arith.constant 2 : i32
    %dma_start3A_67 = arith.constant 2 : i32
    %dma_start3A_68 = arith.constant 2 : i32
    %dma_start3A_69 = arith.constant 0 : i32
    %dma_start3A_70 = arith.constant 0 : i32
    %dma_start3A_71 = tpu.memref_slice %arg6[%dma_start3A_67, %dma_start3A_69, %dma_start3A_70] : memref<4x2x128xi32, #tpu.memory_space<vmem>> -> memref<1x2x128xi32, #tpu.memory_space<vmem>>
    %dma_start3A_72 = tpu.memref_squeeze %dma_start3A_71 : memref<1x2x128xi32, #tpu.memory_space<vmem>> -> memref<2x128xi32, #tpu.memory_space<vmem>>
    %dma_start3A_73 = arith.constant 0 : i32
    %dma_start3A_74 = arith.constant 0 : i32
    %dma_start3A_75 = arith.constant 0 : i32
    %dma_start3A_76 = tpu.memref_slice %arg3[%add3A, %dma_start3A_73, %dma_start3A_74, %dma_start3A_75] : memref<32x80x2x128xi32, #tpu.memory_space<hbm>> -> memref<1x80x2x128xi32, #tpu.memory_space<hbm>>
    %dma_start3A_77 = tpu.memref_squeeze %dma_start3A_76 : memref<1x80x2x128xi32, #tpu.memory_space<hbm>> -> memref<80x2x128xi32, #tpu.memory_space<hbm>>
    %dma_start3A_78 = arith.constant 0 : i32
    %dma_start3A_79 = arith.constant 0 : i32
    %dma_start3A_80 = tpu.memref_slice %dma_start3A_77[%dma_start3A_66, %dma_start3A_78, %dma_start3A_79] : memref<80x2x128xi32, #tpu.memory_space<hbm>> -> memref<1x2x128xi32, #tpu.memory_space<hbm>>
    %dma_start3A_81 = tpu.memref_squeeze %dma_start3A_80 : memref<1x2x128xi32, #tpu.memory_space<hbm>> -> memref<2x128xi32, #tpu.memory_space<hbm>>
    %dma_start3A_82 = tpu.memref_slice %arg9[%dma_start3A_68] : memref<4x!tpu.dma_semaphore, #tpu.memory_space<semaphore_mem>> -> memref<1x!tpu.dma_semaphore, #tpu.memory_space<semaphore_mem>>
    %dma_start3A_83 = tpu.memref_squeeze %dma_start3A_82 : memref<1x!tpu.dma_semaphore, #tpu.memory_space<semaphore_mem>> -> memref<!tpu.dma_semaphore, #tpu.memory_space<semaphore_mem>>
    %dma_start3A_84 = arith.constant 0 : i32
    %dma_start3A_85 = arith.constant 0 : i32
    %dma_start3A_86 = tpu.memref_slice %arg6[%dma_start3A_67, %dma_start3A_84, %dma_start3A_85] : memref<4x2x128xi32, #tpu.memory_space<vmem>> -> memref<1x2x128xi32, #tpu.memory_space<vmem>>
    %dma_start3A_87 = tpu.memref_squeeze %dma_start3A_86 : memref<1x2x128xi32, #tpu.memory_space<vmem>> -> memref<2x128xi32, #tpu.memory_space<vmem>>
    %dma_start3A_88 = arith.constant 0 : i32
    %dma_start3A_89 = arith.constant 0 : i32
    %dma_start3A_90 = arith.constant 0 : i32
    %dma_start3A_91 = tpu.memref_slice %arg3[%add3A, %dma_start3A_88, %dma_start3A_89, %dma_start3A_90] : memref<32x80x2x128xi32, #tpu.memory_space<hbm>> -> memref<1x80x2x128xi32, #tpu.memory_space<hbm>>
    %dma_start3A_92 = tpu.memref_squeeze %dma_start3A_91 : memref<1x80x2x128xi32, #tpu.memory_space<hbm>> -> memref<80x2x128xi32, #tpu.memory_space<hbm>>
    %dma_start3A_93 = arith.constant 0 : i32
    %dma_start3A_94 = arith.constant 0 : i32
    %dma_start3A_95 = tpu.memref_slice %dma_start3A_92[%dma_start3A_66, %dma_start3A_93, %dma_start3A_94] : memref<80x2x128xi32, #tpu.memory_space<hbm>> -> memref<1x2x128xi32, #tpu.memory_space<hbm>>
    %dma_start3A_96 = tpu.memref_squeeze %dma_start3A_95 : memref<1x2x128xi32, #tpu.memory_space<hbm>> -> memref<2x128xi32, #tpu.memory_space<hbm>>
    tpu.enqueue_dma source(%dma_start3A_96 : memref<2x128xi32, #tpu.memory_space<hbm>>) target(%dma_start3A_87 : memref<2x128xi32, #tpu.memory_space<vmem>>) target_semaphore(%dma_start3A_83 : memref<!tpu.dma_semaphore, #tpu.memory_space<semaphore_mem>>)
    %dma_wait3A = arith.constant 0 : i32
    %dma_wait3A_97 = arith.constant 0 : i32
    %dma_wait3A_98 = arith.constant 0 : i32
    %dma_wait3A_99 = arith.constant 0 : i32
    %dma_wait3A_100 = arith.constant 0 : i32
    %dma_wait3A_101 = tpu.memref_slice %arg6[%dma_wait3A_97, %dma_wait3A_99, %dma_wait3A_100] : memref<4x2x128xi32, #tpu.memory_space<vmem>> -> memref<1x2x128xi32, #tpu.memory_space<vmem>>
    %dma_wait3A_102 = tpu.memref_squeeze %dma_wait3A_101 : memref<1x2x128xi32, #tpu.memory_space<vmem>> -> memref<2x128xi32, #tpu.memory_space<vmem>>
    %dma_wait3A_103 = arith.constant 0 : i32
    %dma_wait3A_104 = arith.constant 0 : i32
    %dma_wait3A_105 = arith.constant 0 : i32
    %dma_wait3A_106 = tpu.memref_slice %arg3[%add3A, %dma_wait3A_103, %dma_wait3A_104, %dma_wait3A_105] : memref<32x80x2x128xi32, #tpu.memory_space<hbm>> -> memref<1x80x2x128xi32, #tpu.memory_space<hbm>>
    %dma_wait3A_107 = tpu.memref_squeeze %dma_wait3A_106 : memref<1x80x2x128xi32, #tpu.memory_space<hbm>> -> memref<80x2x128xi32, #tpu.memory_space<hbm>>
    %dma_wait3A_108 = arith.constant 0 : i32
    %dma_wait3A_109 = arith.constant 0 : i32
    %dma_wait3A_110 = tpu.memref_slice %dma_wait3A_107[%dma_wait3A, %dma_wait3A_108, %dma_wait3A_109] : memref<80x2x128xi32, #tpu.memory_space<hbm>> -> memref<1x2x128xi32, #tpu.memory_space<hbm>>
    %dma_wait3A_111 = tpu.memref_squeeze %dma_wait3A_110 : memref<1x2x128xi32, #tpu.memory_space<hbm>> -> memref<2x128xi32, #tpu.memory_space<hbm>>
    %dma_wait3A_112 = tpu.memref_slice %arg9[%dma_wait3A_98] : memref<4x!tpu.dma_semaphore, #tpu.memory_space<semaphore_mem>> -> memref<1x!tpu.dma_semaphore, #tpu.memory_space<semaphore_mem>>
    %dma_wait3A_113 = tpu.memref_squeeze %dma_wait3A_112 : memref<1x!tpu.dma_semaphore, #tpu.memory_space<semaphore_mem>> -> memref<!tpu.dma_semaphore, #tpu.memory_space<semaphore_mem>>
    %dma_wait3A_114 = arith.constant 0 : i32
    %dma_wait3A_115 = arith.constant 0 : i32
    %dma_wait3A_116 = tpu.memref_slice %arg6[%dma_wait3A_97, %dma_wait3A_114, %dma_wait3A_115] : memref<4x2x128xi32, #tpu.memory_space<vmem>> -> memref<1x2x128xi32, #tpu.memory_space<vmem>>
    %dma_wait3A_117 = tpu.memref_squeeze %dma_wait3A_116 : memref<1x2x128xi32, #tpu.memory_space<vmem>> -> memref<2x128xi32, #tpu.memory_space<vmem>>
    %dma_wait3A_118 = arith.constant 0 : i32
    %dma_wait3A_119 = arith.constant 0 : i32
    %dma_wait3A_120 = arith.constant 0 : i32
    %dma_wait3A_121 = tpu.memref_slice %arg3[%add3A, %dma_wait3A_118, %dma_wait3A_119, %dma_wait3A_120] : memref<32x80x2x128xi32, #tpu.memory_space<hbm>> -> memref<1x80x2x128xi32, #tpu.memory_space<hbm>>
    %dma_wait3A_122 = tpu.memref_squeeze %dma_wait3A_121 : memref<1x80x2x128xi32, #tpu.memory_space<hbm>> -> memref<80x2x128xi32, #tpu.memory_space<hbm>>
    %dma_wait3A_123 = arith.constant 0 : i32
    %dma_wait3A_124 = arith.constant 0 : i32
    %dma_wait3A_125 = tpu.memref_slice %dma_wait3A_122[%dma_wait3A, %dma_wait3A_123, %dma_wait3A_124] : memref<80x2x128xi32, #tpu.memory_space<hbm>> -> memref<1x2x128xi32, #tpu.memory_space<hbm>>
    %dma_wait3A_126 = tpu.memref_squeeze %dma_wait3A_125 : memref<1x2x128xi32, #tpu.memory_space<hbm>> -> memref<2x128xi32, #tpu.memory_space<hbm>>
    tpu.wait_dma2 semaphore(%dma_wait3A_113 : memref<!tpu.dma_semaphore, #tpu.memory_space<semaphore_mem>>) src(%dma_wait3A_126 : memref<2x128xi32, #tpu.memory_space<hbm>>) dst(%dma_wait3A_117 : memref<2x128xi32, #tpu.memory_space<vmem>>)
    %dma_start3A_127 = arith.constant 0 : i32
    %dma_start3A_128 = arith.constant 0 : i32
    %dma_start3A_129 = arith.constant 0 : i32
    %dma_start3A_130 = arith.constant 0 : i32
    %dma_start3A_131 = arith.constant 0 : i32
    %dma_start3A_132 = arith.constant 0 : i32
    %dma_start3A_133 = tpu.memref_slice %arg7[%dma_start3A_129, %dma_start3A_131, %dma_start3A_132] : memref<2x128x128xf32, #tpu.memory_space<vmem>> -> memref<1x128x128xf32, #tpu.memory_space<vmem>>
    %dma_start3A_134 = tpu.memref_squeeze %dma_start3A_133 : memref<1x128x128xf32, #tpu.memory_space<vmem>> -> memref<128x128xf32, #tpu.memory_space<vmem>>
    %dma_start3A_135 = arith.constant 0 : i32
    %dma_start3A_136 = arith.constant 0 : i32
    %dma_start3A_137 = tpu.memref_slice %arg6[%dma_start3A_127, %dma_start3A_135, %dma_start3A_136] : memref<4x2x128xi32, #tpu.memory_space<vmem>> -> memref<1x2x128xi32, #tpu.memory_space<vmem>>
    %dma_start3A_138 = tpu.memref_squeeze %dma_start3A_137 : memref<1x2x128xi32, #tpu.memory_space<vmem>> -> memref<2x128xi32, #tpu.memory_space<vmem>>
    %dma_start3A_139 = arith.constant 0 : i32
    %dma_start3A_140 = tpu.memref_slice %dma_start3A_138[%dma_start3A_128, %dma_start3A_139] : memref<2x128xi32, #tpu.memory_space<vmem>> -> memref<1x128xi32, #tpu.memory_space<vmem>>
    %dma_start3A_141 = tpu.memref_squeeze %dma_start3A_140 : memref<1x128xi32, #tpu.memory_space<vmem>> -> memref<128xi32, #tpu.memory_space<vmem>>
    %dma_start3A_142 = arith.constant 0 : i32
    %dma_start3A_143 = arith.constant 0 : i32
    %dma_start3A_144 = tpu.memref_slice %arg2[%dma_start3A_142, %dma_start3A_143] : memref<10000x128xf32, #tpu.memory_space<hbm>> -> memref<10000x128xf32, #tpu.memory_space<hbm>>
    %dma_start3A_145 = tpu.memref_slice %arg10[%dma_start3A_130] : memref<2x!tpu.dma_semaphore, #tpu.memory_space<semaphore_mem>> -> memref<1x!tpu.dma_semaphore, #tpu.memory_space<semaphore_mem>>
    %dma_start3A_146 = tpu.memref_squeeze %dma_start3A_145 : memref<1x!tpu.dma_semaphore, #tpu.memory_space<semaphore_mem>> -> memref<!tpu.dma_semaphore, #tpu.memory_space<semaphore_mem>>
    tpu.enqueue_indirect_dma source(%dma_start3A_144 : memref<10000x128xf32, #tpu.memory_space<hbm>>) target(%dma_start3A_134 : memref<128x128xf32, #tpu.memory_space<vmem>>) offsets(%dma_start3A_141 : memref<128xi32, #tpu.memory_space<vmem>>) semaphore(%dma_start3A_146 : memref<!tpu.dma_semaphore, #tpu.memory_space<semaphore_mem>>)
    %barrier3A = arith.constant 0 : index
    tpu.barrier barrier_id(%barrier3A)
    %dma_wait3A_147 = arith.constant 0 : i32
    %dma_wait3A_148 = arith.constant 1 : i32
    %dma_wait3A_149 = arith.constant 1 : i32
    %dma_wait3A_150 = arith.constant 0 : i32
    %dma_wait3A_151 = arith.constant 0 : i32
    %dma_wait3A_152 = tpu.memref_slice %arg6[%dma_wait3A_148, %dma_wait3A_150, %dma_wait3A_151] : memref<4x2x128xi32, #tpu.memory_space<vmem>> -> memref<1x2x128xi32, #tpu.memory_space<vmem>>
    %dma_wait3A_153 = tpu.memref_squeeze %dma_wait3A_152 : memref<1x2x128xi32, #tpu.memory_space<vmem>> -> memref<2x128xi32, #tpu.memory_space<vmem>>
    %dma_wait3A_154 = arith.constant 0 : i32
    %dma_wait3A_155 = arith.constant 0 : i32
    %dma_wait3A_156 = arith.constant 0 : i32
    %dma_wait3A_157 = tpu.memref_slice %arg3[%add3A, %dma_wait3A_154, %dma_wait3A_155, %dma_wait3A_156] : memref<32x80x2x128xi32, #tpu.memory_space<hbm>> -> memref<1x80x2x128xi32, #tpu.memory_space<hbm>>
    %dma_wait3A_158 = tpu.memref_squeeze %dma_wait3A_157 : memref<1x80x2x128xi32, #tpu.memory_space<hbm>> -> memref<80x2x128xi32, #tpu.memory_space<hbm>>
    %dma_wait3A_159 = arith.constant 0 : i32
    %dma_wait3A_160 = arith.constant 0 : i32
    %dma_wait3A_161 = tpu.memref_slice %dma_wait3A_158[%dma_wait3A_147, %dma_wait3A_159, %dma_wait3A_160] : memref<80x2x128xi32, #tpu.memory_space<hbm>> -> memref<1x2x128xi32, #tpu.memory_space<hbm>>
    %dma_wait3A_162 = tpu.memref_squeeze %dma_wait3A_161 : memref<1x2x128xi32, #tpu.memory_space<hbm>> -> memref<2x128xi32, #tpu.memory_space<hbm>>
    %dma_wait3A_163 = tpu.memref_slice %arg9[%dma_wait3A_149] : memref<4x!tpu.dma_semaphore, #tpu.memory_space<semaphore_mem>> -> memref<1x!tpu.dma_semaphore, #tpu.memory_space<semaphore_mem>>
    %dma_wait3A_164 = tpu.memref_squeeze %dma_wait3A_163 : memref<1x!tpu.dma_semaphore, #tpu.memory_space<semaphore_mem>> -> memref<!tpu.dma_semaphore, #tpu.memory_space<semaphore_mem>>
    %dma_wait3A_165 = arith.constant 0 : i32
    %dma_wait3A_166 = arith.constant 0 : i32
    %dma_wait3A_167 = tpu.memref_slice %arg6[%dma_wait3A_148, %dma_wait3A_165, %dma_wait3A_166] : memref<4x2x128xi32, #tpu.memory_space<vmem>> -> memref<1x2x128xi32, #tpu.memory_space<vmem>>
    %dma_wait3A_168 = tpu.memref_squeeze %dma_wait3A_167 : memref<1x2x128xi32, #tpu.memory_space<vmem>> -> memref<2x128xi32, #tpu.memory_space<vmem>>
    %dma_wait3A_169 = arith.constant 0 : i32
    %dma_wait3A_170 = arith.constant 0 : i32
    %dma_wait3A_171 = arith.constant 0 : i32
    %dma_wait3A_172 = tpu.memref_slice %arg3[%add3A, %dma_wait3A_169, %dma_wait3A_170, %dma_wait3A_171] : memref<32x80x2x128xi32, #tpu.memory_space<hbm>> -> memref<1x80x2x128xi32, #tpu.memory_space<hbm>>
    %dma_wait3A_173 = tpu.memref_squeeze %dma_wait3A_172 : memref<1x80x2x128xi32, #tpu.memory_space<hbm>> -> memref<80x2x128xi32, #tpu.memory_space<hbm>>
    %dma_wait3A_174 = arith.constant 0 : i32
    %dma_wait3A_175 = arith.constant 0 : i32
    %dma_wait3A_176 = tpu.memref_slice %dma_wait3A_173[%dma_wait3A_147, %dma_wait3A_174, %dma_wait3A_175] : memref<80x2x128xi32, #tpu.memory_space<hbm>> -> memref<1x2x128xi32, #tpu.memory_space<hbm>>
    %dma_wait3A_177 = tpu.memref_squeeze %dma_wait3A_176 : memref<1x2x128xi32, #tpu.memory_space<hbm>> -> memref<2x128xi32, #tpu.memory_space<hbm>>
    tpu.wait_dma2 semaphore(%dma_wait3A_164 : memref<!tpu.dma_semaphore, #tpu.memory_space<semaphore_mem>>) src(%dma_wait3A_177 : memref<2x128xi32, #tpu.memory_space<hbm>>) dst(%dma_wait3A_168 : memref<2x128xi32, #tpu.memory_space<vmem>>)
    %dma_start3A_178 = arith.constant 1 : i32
    %dma_start3A_179 = arith.constant 0 : i32
    %dma_start3A_180 = arith.constant 1 : i32
    %dma_start3A_181 = arith.constant 1 : i32
    %dma_start3A_182 = arith.constant 0 : i32
    %dma_start3A_183 = arith.constant 0 : i32
    %dma_start3A_184 = tpu.memref_slice %arg7[%dma_start3A_180, %dma_start3A_182, %dma_start3A_183] : memref<2x128x128xf32, #tpu.memory_space<vmem>> -> memref<1x128x128xf32, #tpu.memory_space<vmem>>
    %dma_start3A_185 = tpu.memref_squeeze %dma_start3A_184 : memref<1x128x128xf32, #tpu.memory_space<vmem>> -> memref<128x128xf32, #tpu.memory_space<vmem>>
    %dma_start3A_186 = arith.constant 0 : i32
    %dma_start3A_187 = arith.constant 0 : i32
    %dma_start3A_188 = tpu.memref_slice %arg6[%dma_start3A_178, %dma_start3A_186, %dma_start3A_187] : memref<4x2x128xi32, #tpu.memory_space<vmem>> -> memref<1x2x128xi32, #tpu.memory_space<vmem>>
    %dma_start3A_189 = tpu.memref_squeeze %dma_start3A_188 : memref<1x2x128xi32, #tpu.memory_space<vmem>> -> memref<2x128xi32, #tpu.memory_space<vmem>>
    %dma_start3A_190 = arith.constant 0 : i32
    %dma_start3A_191 = tpu.memref_slice %dma_start3A_189[%dma_start3A_179, %dma_start3A_190] : memref<2x128xi32, #tpu.memory_space<vmem>> -> memref<1x128xi32, #tpu.memory_space<vmem>>
    %dma_start3A_192 = tpu.memref_squeeze %dma_start3A_191 : memref<1x128xi32, #tpu.memory_space<vmem>> -> memref<128xi32, #tpu.memory_space<vmem>>
    %dma_start3A_193 = arith.constant 0 : i32
    %dma_start3A_194 = arith.constant 0 : i32
    %dma_start3A_195 = tpu.memref_slice %arg2[%dma_start3A_193, %dma_start3A_194] : memref<10000x128xf32, #tpu.memory_space<hbm>> -> memref<10000x128xf32, #tpu.memory_space<hbm>>
    %dma_start3A_196 = tpu.memref_slice %arg10[%dma_start3A_181] : memref<2x!tpu.dma_semaphore, #tpu.memory_space<semaphore_mem>> -> memref<1x!tpu.dma_semaphore, #tpu.memory_space<semaphore_mem>>
    %dma_start3A_197 = tpu.memref_squeeze %dma_start3A_196 : memref<1x!tpu.dma_semaphore, #tpu.memory_space<semaphore_mem>> -> memref<!tpu.dma_semaphore, #tpu.memory_space<semaphore_mem>>
    tpu.enqueue_indirect_dma source(%dma_start3A_195 : memref<10000x128xf32, #tpu.memory_space<hbm>>) target(%dma_start3A_185 : memref<128x128xf32, #tpu.memory_space<vmem>>) offsets(%dma_start3A_192 : memref<128xi32, #tpu.memory_space<vmem>>) semaphore(%dma_start3A_197 : memref<!tpu.dma_semaphore, #tpu.memory_space<semaphore_mem>>)
    %dma_start3A_198 = arith.constant 3 : i32
    %dma_start3A_199 = arith.constant 3 : i32
    %dma_start3A_200 = arith.constant 3 : i32
    %dma_start3A_201 = arith.constant 0 : i32
    %dma_start3A_202 = arith.constant 0 : i32
    %dma_start3A_203 = tpu.memref_slice %arg6[%dma_start3A_199, %dma_start3A_201, %dma_start3A_202] : memref<4x2x128xi32, #tpu.memory_space<vmem>> -> memref<1x2x128xi32, #tpu.memory_space<vmem>>
    %dma_start3A_204 = tpu.memref_squeeze %dma_start3A_203 : memref<1x2x128xi32, #tpu.memory_space<vmem>> -> memref<2x128xi32, #tpu.memory_space<vmem>>
    %dma_start3A_205 = arith.constant 0 : i32
    %dma_start3A_206 = arith.constant 0 : i32
    %dma_start3A_207 = arith.constant 0 : i32
    %dma_start3A_208 = tpu.memref_slice %arg3[%add3A, %dma_start3A_205, %dma_start3A_206, %dma_start3A_207] : memref<32x80x2x128xi32, #tpu.memory_space<hbm>> -> memref<1x80x2x128xi32, #tpu.memory_space<hbm>>
    %dma_start3A_209 = tpu.memref_squeeze %dma_start3A_208 : memref<1x80x2x128xi32, #tpu.memory_space<hbm>> -> memref<80x2x128xi32, #tpu.memory_space<hbm>>
    %dma_start3A_210 = arith.constant 0 : i32
    %dma_start3A_211 = arith.constant 0 : i32
    %dma_start3A_212 = tpu.memref_slice %dma_start3A_209[%dma_start3A_198, %dma_start3A_210, %dma_start3A_211] : memref<80x2x128xi32, #tpu.memory_space<hbm>> -> memref<1x2x128xi32, #tpu.memory_space<hbm>>
    %dma_start3A_213 = tpu.memref_squeeze %dma_start3A_212 : memref<1x2x128xi32, #tpu.memory_space<hbm>> -> memref<2x128xi32, #tpu.memory_space<hbm>>
    %dma_start3A_214 = tpu.memref_slice %arg9[%dma_start3A_200] : memref<4x!tpu.dma_semaphore, #tpu.memory_space<semaphore_mem>> -> memref<1x!tpu.dma_semaphore, #tpu.memory_space<semaphore_mem>>
    %dma_start3A_215 = tpu.memref_squeeze %dma_start3A_214 : memref<1x!tpu.dma_semaphore, #tpu.memory_space<semaphore_mem>> -> memref<!tpu.dma_semaphore, #tpu.memory_space<semaphore_mem>>
    %dma_start3A_216 = arith.constant 0 : i32
    %dma_start3A_217 = arith.constant 0 : i32
    %dma_start3A_218 = tpu.memref_slice %arg6[%dma_start3A_199, %dma_start3A_216, %dma_start3A_217] : memref<4x2x128xi32, #tpu.memory_space<vmem>> -> memref<1x2x128xi32, #tpu.memory_space<vmem>>
    %dma_start3A_219 = tpu.memref_squeeze %dma_start3A_218 : memref<1x2x128xi32, #tpu.memory_space<vmem>> -> memref<2x128xi32, #tpu.memory_space<vmem>>
    %dma_start3A_220 = arith.constant 0 : i32
    %dma_start3A_221 = arith.constant 0 : i32
    %dma_start3A_222 = arith.constant 0 : i32
    %dma_start3A_223 = tpu.memref_slice %arg3[%add3A, %dma_start3A_220, %dma_start3A_221, %dma_start3A_222] : memref<32x80x2x128xi32, #tpu.memory_space<hbm>> -> memref<1x80x2x128xi32, #tpu.memory_space<hbm>>
    %dma_start3A_224 = tpu.memref_squeeze %dma_start3A_223 : memref<1x80x2x128xi32, #tpu.memory_space<hbm>> -> memref<80x2x128xi32, #tpu.memory_space<hbm>>
    %dma_start3A_225 = arith.constant 0 : i32
    %dma_start3A_226 = arith.constant 0 : i32
    %dma_start3A_227 = tpu.memref_slice %dma_start3A_224[%dma_start3A_198, %dma_start3A_225, %dma_start3A_226] : memref<80x2x128xi32, #tpu.memory_space<hbm>> -> memref<1x2x128xi32, #tpu.memory_space<hbm>>
    %dma_start3A_228 = tpu.memref_squeeze %dma_start3A_227 : memref<1x2x128xi32, #tpu.memory_space<hbm>> -> memref<2x128xi32, #tpu.memory_space<hbm>>
    tpu.enqueue_dma source(%dma_start3A_228 : memref<2x128xi32, #tpu.memory_space<hbm>>) target(%dma_start3A_219 : memref<2x128xi32, #tpu.memory_space<vmem>>) target_semaphore(%dma_start3A_215 : memref<!tpu.dma_semaphore, #tpu.memory_space<semaphore_mem>>)
    %dma_wait3A_229 = arith.constant 0 : i32
    %dma_wait3A_230 = arith.constant 0 : i32
    %dma_wait3A_231 = arith.constant 0 : i32
    %dma_wait3A_232 = arith.constant 0 : i32
    %dma_wait3A_233 = arith.constant 0 : i32
    %dma_wait3A_234 = arith.constant 0 : i32
    %dma_wait3A_235 = tpu.memref_slice %arg7[%dma_wait3A_231, %dma_wait3A_233, %dma_wait3A_234] : memref<2x128x128xf32, #tpu.memory_space<vmem>> -> memref<1x128x128xf32, #tpu.memory_space<vmem>>
    %dma_wait3A_236 = tpu.memref_squeeze %dma_wait3A_235 : memref<1x128x128xf32, #tpu.memory_space<vmem>> -> memref<128x128xf32, #tpu.memory_space<vmem>>
    %dma_wait3A_237 = arith.constant 0 : i32
    %dma_wait3A_238 = arith.constant 0 : i32
    %dma_wait3A_239 = tpu.memref_slice %arg6[%dma_wait3A_229, %dma_wait3A_237, %dma_wait3A_238] : memref<4x2x128xi32, #tpu.memory_space<vmem>> -> memref<1x2x128xi32, #tpu.memory_space<vmem>>
    %dma_wait3A_240 = tpu.memref_squeeze %dma_wait3A_239 : memref<1x2x128xi32, #tpu.memory_space<vmem>> -> memref<2x128xi32, #tpu.memory_space<vmem>>
    %dma_wait3A_241 = arith.constant 0 : i32
    %dma_wait3A_242 = tpu.memref_slice %dma_wait3A_240[%dma_wait3A_230, %dma_wait3A_241] : memref<2x128xi32, #tpu.memory_space<vmem>> -> memref<1x128xi32, #tpu.memory_space<vmem>>
    %dma_wait3A_243 = tpu.memref_squeeze %dma_wait3A_242 : memref<1x128xi32, #tpu.memory_space<vmem>> -> memref<128xi32, #tpu.memory_space<vmem>>
    %dma_wait3A_244 = arith.constant 0 : i32
    %dma_wait3A_245 = arith.constant 0 : i32
    %dma_wait3A_246 = tpu.memref_slice %arg2[%dma_wait3A_244, %dma_wait3A_245] : memref<10000x128xf32, #tpu.memory_space<hbm>> -> memref<10000x128xf32, #tpu.memory_space<hbm>>
    %dma_wait3A_247 = tpu.memref_slice %arg10[%dma_wait3A_232] : memref<2x!tpu.dma_semaphore, #tpu.memory_space<semaphore_mem>> -> memref<1x!tpu.dma_semaphore, #tpu.memory_space<semaphore_mem>>
    %dma_wait3A_248 = tpu.memref_squeeze %dma_wait3A_247 : memref<1x!tpu.dma_semaphore, #tpu.memory_space<semaphore_mem>> -> memref<!tpu.dma_semaphore, #tpu.memory_space<semaphore_mem>>
    tpu.wait_indirect_dma semaphore(%dma_wait3A_248 : memref<!tpu.dma_semaphore, #tpu.memory_space<semaphore_mem>>) src(%dma_wait3A_246 : memref<10000x128xf32, #tpu.memory_space<hbm>>) dst(%dma_wait3A_236 : memref<128x128xf32, #tpu.memory_space<vmem>>)
    %dma_start3A_249 = arith.constant 0 : i32
    %dma_start3A_250 = arith.constant 0 : i32
    %dma_start3A_251 = arith.constant 1 : i32
    %dma_start3A_252 = arith.constant 0 : i32
    %dma_start3A_253 = arith.constant 0 : i32
    %dma_start3A_254 = tpu.memref_slice %arg7[%dma_start3A_249, %dma_start3A_252, %dma_start3A_253] : memref<2x128x128xf32, #tpu.memory_space<vmem>> -> memref<1x128x128xf32, #tpu.memory_space<vmem>>
    %dma_start3A_255 = tpu.memref_squeeze %dma_start3A_254 : memref<1x128x128xf32, #tpu.memory_space<vmem>> -> memref<128x128xf32, #tpu.memory_space<vmem>>
    %dma_start3A_256 = arith.constant 0 : i32
    %dma_start3A_257 = arith.constant 0 : i32
    %dma_start3A_258 = tpu.memref_slice %arg6[%dma_start3A_250, %dma_start3A_256, %dma_start3A_257] : memref<4x2x128xi32, #tpu.memory_space<vmem>> -> memref<1x2x128xi32, #tpu.memory_space<vmem>>
    %dma_start3A_259 = tpu.memref_squeeze %dma_start3A_258 : memref<1x2x128xi32, #tpu.memory_space<vmem>> -> memref<2x128xi32, #tpu.memory_space<vmem>>
    %dma_start3A_260 = arith.constant 0 : i32
    %dma_start3A_261 = tpu.memref_slice %dma_start3A_259[%dma_start3A_251, %dma_start3A_260] : memref<2x128xi32, #tpu.memory_space<vmem>> -> memref<1x128xi32, #tpu.memory_space<vmem>>
    %dma_start3A_262 = tpu.memref_squeeze %dma_start3A_261 : memref<1x128xi32, #tpu.memory_space<vmem>> -> memref<128xi32, #tpu.memory_space<vmem>>
    %dma_start3A_263 = arith.constant 0 : i32
    %dma_start3A_264 = arith.constant 0 : i32
    %dma_start3A_265 = tpu.memref_slice %arg8[%dma_start3A_263, %dma_start3A_264] : memref<10240x128xf32, #tpu.memory_space<vmem_shared>> -> memref<10240x128xf32, #tpu.memory_space<vmem_shared>>
    tpu.enqueue_indirect_dma source(%dma_start3A_255 : memref<128x128xf32, #tpu.memory_space<vmem>>) target(%dma_start3A_265 : memref<10240x128xf32, #tpu.memory_space<vmem_shared>>) offsets(%dma_start3A_262 : memref<128xi32, #tpu.memory_space<vmem>>) semaphore(%arg11 : memref<!tpu.dma_semaphore, #tpu.memory_space<semaphore_mem>>) {add = true}
    %dma_wait3A_266 = arith.constant 0 : i32
    %dma_wait3A_267 = arith.constant 0 : i32
    %dma_wait3A_268 = arith.constant 1 : i32
    %dma_wait3A_269 = arith.constant 0 : i32
    %dma_wait3A_270 = arith.constant 0 : i32
    %dma_wait3A_271 = tpu.memref_slice %arg7[%dma_wait3A_266, %dma_wait3A_269, %dma_wait3A_270] : memref<2x128x128xf32, #tpu.memory_space<vmem>> -> memref<1x128x128xf32, #tpu.memory_space<vmem>>
    %dma_wait3A_272 = tpu.memref_squeeze %dma_wait3A_271 : memref<1x128x128xf32, #tpu.memory_space<vmem>> -> memref<128x128xf32, #tpu.memory_space<vmem>>
    %dma_wait3A_273 = arith.constant 0 : i32
    %dma_wait3A_274 = arith.constant 0 : i32
    %dma_wait3A_275 = tpu.memref_slice %arg6[%dma_wait3A_267, %dma_wait3A_273, %dma_wait3A_274] : memref<4x2x128xi32, #tpu.memory_space<vmem>> -> memref<1x2x128xi32, #tpu.memory_space<vmem>>
    %dma_wait3A_276 = tpu.memref_squeeze %dma_wait3A_275 : memref<1x2x128xi32, #tpu.memory_space<vmem>> -> memref<2x128xi32, #tpu.memory_space<vmem>>
    %dma_wait3A_277 = arith.constant 0 : i32
    %dma_wait3A_278 = tpu.memref_slice %dma_wait3A_276[%dma_wait3A_268, %dma_wait3A_277] : memref<2x128xi32, #tpu.memory_space<vmem>> -> memref<1x128xi32, #tpu.memory_space<vmem>>
    %dma_wait3A_279 = tpu.memref_squeeze %dma_wait3A_278 : memref<1x128xi32, #tpu.memory_space<vmem>> -> memref<128xi32, #tpu.memory_space<vmem>>
    %dma_wait3A_280 = arith.constant 0 : i32
    %dma_wait3A_281 = arith.constant 0 : i32
    %dma_wait3A_282 = tpu.memref_slice %arg8[%dma_wait3A_280, %dma_wait3A_281] : memref<10240x128xf32, #tpu.memory_space<vmem_shared>> -> memref<10240x128xf32, #tpu.memory_space<vmem_shared>>
    tpu.wait_indirect_dma semaphore(%arg11 : memref<!tpu.dma_semaphore, #tpu.memory_space<semaphore_mem>>) src(%dma_wait3A_272 : memref<128x128xf32, #tpu.memory_space<vmem>>) dst(%dma_wait3A_282 : memref<10240x128xf32, #tpu.memory_space<vmem_shared>>)
    %dma_wait3A_283 = arith.constant 0 : i32
    %dma_wait3A_284 = arith.constant 2 : i32
    %dma_wait3A_285 = arith.constant 2 : i32
    %dma_wait3A_286 = arith.constant 0 : i32
    %dma_wait3A_287 = arith.constant 0 : i32
    %dma_wait3A_288 = tpu.memref_slice %arg6[%dma_wait3A_284, %dma_wait3A_286, %dma_wait3A_287] : memref<4x2x128xi32, #tpu.memory_space<vmem>> -> memref<1x2x128xi32, #tpu.memory_space<vmem>>
    %dma_wait3A_289 = tpu.memref_squeeze %dma_wait3A_288 : memref<1x2x128xi32, #tpu.memory_space<vmem>> -> memref<2x128xi32, #tpu.memory_space<vmem>>
    %dma_wait3A_290 = arith.constant 0 : i32
    %dma_wait3A_291 = arith.constant 0 : i32
    %dma_wait3A_292 = arith.constant 0 : i32
    %dma_wait3A_293 = tpu.memref_slice %arg3[%add3A, %dma_wait3A_290, %dma_wait3A_291, %dma_wait3A_292] : memref<32x80x2x128xi32, #tpu.memory_space<hbm>> -> memref<1x80x2x128xi32, #tpu.memory_space<hbm>>
    %dma_wait3A_294 = tpu.memref_squeeze %dma_wait3A_293 : memref<1x80x2x128xi32, #tpu.memory_space<hbm>> -> memref<80x2x128xi32, #tpu.memory_space<hbm>>
    %dma_wait3A_295 = arith.constant 0 : i32
    %dma_wait3A_296 = arith.constant 0 : i32
    %dma_wait3A_297 = tpu.memref_slice %dma_wait3A_294[%dma_wait3A_283, %dma_wait3A_295, %dma_wait3A_296] : memref<80x2x128xi32, #tpu.memory_space<hbm>> -> memref<1x2x128xi32, #tpu.memory_space<hbm>>
    %dma_wait3A_298 = tpu.memref_squeeze %dma_wait3A_297 : memref<1x2x128xi32, #tpu.memory_space<hbm>> -> memref<2x128xi32, #tpu.memory_space<hbm>>
    %dma_wait3A_299 = tpu.memref_slice %arg9[%dma_wait3A_285] : memref<4x!tpu.dma_semaphore, #tpu.memory_space<semaphore_mem>> -> memref<1x!tpu.dma_semaphore, #tpu.memory_space<semaphore_mem>>
    %dma_wait3A_300 = tpu.memref_squeeze %dma_wait3A_299 : memref<1x!tpu.dma_semaphore, #tpu.memory_space<semaphore_mem>> -> memref<!tpu.dma_semaphore, #tpu.memory_space<semaphore_mem>>
    %dma_wait3A_301 = arith.constant 0 : i32
    %dma_wait3A_302 = arith.constant 0 : i32
    %dma_wait3A_303 = tpu.memref_slice %arg6[%dma_wait3A_284, %dma_wait3A_301, %dma_wait3A_302] : memref<4x2x128xi32, #tpu.memory_space<vmem>> -> memref<1x2x128xi32, #tpu.memory_space<vmem>>
    %dma_wait3A_304 = tpu.memref_squeeze %dma_wait3A_303 : memref<1x2x128xi32, #tpu.memory_space<vmem>> -> memref<2x128xi32, #tpu.memory_space<vmem>>
    %dma_wait3A_305 = arith.constant 0 : i32
    %dma_wait3A_306 = arith.constant 0 : i32
    %dma_wait3A_307 = arith.constant 0 : i32
    %dma_wait3A_308 = tpu.memref_slice %arg3[%add3A, %dma_wait3A_305, %dma_wait3A_306, %dma_wait3A_307] : memref<32x80x2x128xi32, #tpu.memory_space<hbm>> -> memref<1x80x2x128xi32, #tpu.memory_space<hbm>>
    %dma_wait3A_309 = tpu.memref_squeeze %dma_wait3A_308 : memref<1x80x2x128xi32, #tpu.memory_space<hbm>> -> memref<80x2x128xi32, #tpu.memory_space<hbm>>
    %dma_wait3A_310 = arith.constant 0 : i32
    %dma_wait3A_311 = arith.constant 0 : i32
    %dma_wait3A_312 = tpu.memref_slice %dma_wait3A_309[%dma_wait3A_283, %dma_wait3A_310, %dma_wait3A_311] : memref<80x2x128xi32, #tpu.memory_space<hbm>> -> memref<1x2x128xi32, #tpu.memory_space<hbm>>
    %dma_wait3A_313 = tpu.memref_squeeze %dma_wait3A_312 : memref<1x2x128xi32, #tpu.memory_space<hbm>> -> memref<2x128xi32, #tpu.memory_space<hbm>>
    tpu.wait_dma2 semaphore(%dma_wait3A_300 : memref<!tpu.dma_semaphore, #tpu.memory_space<semaphore_mem>>) src(%dma_wait3A_313 : memref<2x128xi32, #tpu.memory_space<hbm>>) dst(%dma_wait3A_304 : memref<2x128xi32, #tpu.memory_space<vmem>>)
    %dma_start3A_314 = arith.constant 2 : i32
    %dma_start3A_315 = arith.constant 0 : i32
    %dma_start3A_316 = arith.constant 0 : i32
    %dma_start3A_317 = arith.constant 0 : i32
    %dma_start3A_318 = arith.constant 0 : i32
    %dma_start3A_319 = arith.constant 0 : i32
    %dma_start3A_320 = tpu.memref_slice %arg7[%dma_start3A_316, %dma_start3A_318, %dma_start3A_319] : memref<2x128x128xf32, #tpu.memory_space<vmem>> -> memref<1x128x128xf32, #tpu.memory_space<vmem>>
    %dma_start3A_321 = tpu.memref_squeeze %dma_start3A_320 : memref<1x128x128xf32, #tpu.memory_space<vmem>> -> memref<128x128xf32, #tpu.memory_space<vmem>>
    %dma_start3A_322 = arith.constant 0 : i32
    %dma_start3A_323 = arith.constant 0 : i32
    %dma_start3A_324 = tpu.memref_slice %arg6[%dma_start3A_314, %dma_start3A_322, %dma_start3A_323] : memref<4x2x128xi32, #tpu.memory_space<vmem>> -> memref<1x2x128xi32, #tpu.memory_space<vmem>>
    %dma_start3A_325 = tpu.memref_squeeze %dma_start3A_324 : memref<1x2x128xi32, #tpu.memory_space<vmem>> -> memref<2x128xi32, #tpu.memory_space<vmem>>
    %dma_start3A_326 = arith.constant 0 : i32
    %dma_start3A_327 = tpu.memref_slice %dma_start3A_325[%dma_start3A_315, %dma_start3A_326] : memref<2x128xi32, #tpu.memory_space<vmem>> -> memref<1x128xi32, #tpu.memory_space<vmem>>
    %dma_start3A_328 = tpu.memref_squeeze %dma_start3A_327 : memref<1x128xi32, #tpu.memory_space<vmem>> -> memref<128xi32, #tpu.memory_space<vmem>>
    %dma_start3A_329 = arith.constant 0 : i32
    %dma_start3A_330 = arith.constant 0 : i32
    %dma_start3A_331 = tpu.memref_slice %arg2[%dma_start3A_329, %dma_start3A_330] : memref<10000x128xf32, #tpu.memory_space<hbm>> -> memref<10000x128xf32, #tpu.memory_space<hbm>>
    %dma_start3A_332 = tpu.memref_slice %arg10[%dma_start3A_317] : memref<2x!tpu.dma_semaphore, #tpu.memory_space<semaphore_mem>> -> memref<1x!tpu.dma_semaphore, #tpu.memory_space<semaphore_mem>>
    %dma_start3A_333 = tpu.memref_squeeze %dma_start3A_332 : memref<1x!tpu.dma_semaphore, #tpu.memory_space<semaphore_mem>> -> memref<!tpu.dma_semaphore, #tpu.memory_space<semaphore_mem>>
    tpu.enqueue_indirect_dma source(%dma_start3A_331 : memref<10000x128xf32, #tpu.memory_space<hbm>>) target(%dma_start3A_321 : memref<128x128xf32, #tpu.memory_space<vmem>>) offsets(%dma_start3A_328 : memref<128xi32, #tpu.memory_space<vmem>>) semaphore(%dma_start3A_333 : memref<!tpu.dma_semaphore, #tpu.memory_space<semaphore_mem>>)
    %dma_start3A_334 = arith.constant 4 : i32
    %dma_start3A_335 = arith.constant 0 : i32
    %dma_start3A_336 = arith.constant 0 : i32
    %dma_start3A_337 = arith.constant 0 : i32
    %dma_start3A_338 = arith.constant 0 : i32
    %dma_start3A_339 = tpu.memref_slice %arg6[%dma_start3A_335, %dma_start3A_337, %dma_start3A_338] : memref<4x2x128xi32, #tpu.memory_space<vmem>> -> memref<1x2x128xi32, #tpu.memory_space<vmem>>
    %dma_start3A_340 = tpu.memref_squeeze %dma_start3A_339 : memref<1x2x128xi32, #tpu.memory_space<vmem>> -> memref<2x128xi32, #tpu.memory_space<vmem>>
    %dma_start3A_341 = arith.constant 0 : i32
    %dma_start3A_342 = arith.constant 0 : i32
    %dma_start3A_343 = arith.constant 0 : i32
    %dma_start3A_344 = tpu.memref_slice %arg3[%add3A, %dma_start3A_341, %dma_start3A_342, %dma_start3A_343] : memref<32x80x2x128xi32, #tpu.memory_space<hbm>> -> memref<1x80x2x128xi32, #tpu.memory_space<hbm>>
    %dma_start3A_345 = tpu.memref_squeeze %dma_start3A_344 : memref<1x80x2x128xi32, #tpu.memory_space<hbm>> -> memref<80x2x128xi32, #tpu.memory_space<hbm>>
    %dma_start3A_346 = arith.constant 0 : i32
    %dma_start3A_347 = arith.constant 0 : i32
    %dma_start3A_348 = tpu.memref_slice %dma_start3A_345[%dma_start3A_334, %dma_start3A_346, %dma_start3A_347] : memref<80x2x128xi32, #tpu.memory_space<hbm>> -> memref<1x2x128xi32, #tpu.memory_space<hbm>>
    %dma_start3A_349 = tpu.memref_squeeze %dma_start3A_348 : memref<1x2x128xi32, #tpu.memory_space<hbm>> -> memref<2x128xi32, #tpu.memory_space<hbm>>
    %dma_start3A_350 = tpu.memref_slice %arg9[%dma_start3A_336] : memref<4x!tpu.dma_semaphore, #tpu.memory_space<semaphore_mem>> -> memref<1x!tpu.dma_semaphore, #tpu.memory_space<semaphore_mem>>
    %dma_start3A_351 = tpu.memref_squeeze %dma_start3A_350 : memref<1x!tpu.dma_semaphore, #tpu.memory_space<semaphore_mem>> -> memref<!tpu.dma_semaphore, #tpu.memory_space<semaphore_mem>>
    %dma_start3A_352 = arith.constant 0 : i32
    %dma_start3A_353 = arith.constant 0 : i32
    %dma_start3A_354 = tpu.memref_slice %arg6[%dma_start3A_335, %dma_start3A_352, %dma_start3A_353] : memref<4x2x128xi32, #tpu.memory_space<vmem>> -> memref<1x2x128xi32, #tpu.memory_space<vmem>>
    %dma_start3A_355 = tpu.memref_squeeze %dma_start3A_354 : memref<1x2x128xi32, #tpu.memory_space<vmem>> -> memref<2x128xi32, #tpu.memory_space<vmem>>
    %dma_start3A_356 = arith.constant 0 : i32
    %dma_start3A_357 = arith.constant 0 : i32
    %dma_start3A_358 = arith.constant 0 : i32
    %dma_start3A_359 = tpu.memref_slice %arg3[%add3A, %dma_start3A_356, %dma_start3A_357, %dma_start3A_358] : memref<32x80x2x128xi32, #tpu.memory_space<hbm>> -> memref<1x80x2x128xi32, #tpu.memory_space<hbm>>
    %dma_start3A_360 = tpu.memref_squeeze %dma_start3A_359 : memref<1x80x2x128xi32, #tpu.memory_space<hbm>> -> memref<80x2x128xi32, #tpu.memory_space<hbm>>
    %dma_start3A_361 = arith.constant 0 : i32
    %dma_start3A_362 = arith.constant 0 : i32
    %dma_start3A_363 = tpu.memref_slice %dma_start3A_360[%dma_start3A_334, %dma_start3A_361, %dma_start3A_362] : memref<80x2x128xi32, #tpu.memory_space<hbm>> -> memref<1x2x128xi32, #tpu.memory_space<hbm>>
    %dma_start3A_364 = tpu.memref_squeeze %dma_start3A_363 : memref<1x2x128xi32, #tpu.memory_space<hbm>> -> memref<2x128xi32, #tpu.memory_space<hbm>>
    tpu.enqueue_dma source(%dma_start3A_364 : memref<2x128xi32, #tpu.memory_space<hbm>>) target(%dma_start3A_355 : memref<2x128xi32, #tpu.memory_space<vmem>>) target_semaphore(%dma_start3A_351 : memref<!tpu.dma_semaphore, #tpu.memory_space<semaphore_mem>>)
    %dma_wait3A_365 = arith.constant 0 : i32
    %dma_wait3A_366 = arith.constant 0 : i32
    %dma_wait3A_367 = arith.constant 1 : i32
    %dma_wait3A_368 = arith.constant 1 : i32
    %dma_wait3A_369 = arith.constant 0 : i32
    %dma_wait3A_370 = arith.constant 0 : i32
    %dma_wait3A_371 = tpu.memref_slice %arg7[%dma_wait3A_367, %dma_wait3A_369, %dma_wait3A_370] : memref<2x128x128xf32, #tpu.memory_space<vmem>> -> memref<1x128x128xf32, #tpu.memory_space<vmem>>
    %dma_wait3A_372 = tpu.memref_squeeze %dma_wait3A_371 : memref<1x128x128xf32, #tpu.memory_space<vmem>> -> memref<128x128xf32, #tpu.memory_space<vmem>>
    %dma_wait3A_373 = arith.constant 0 : i32
    %dma_wait3A_374 = arith.constant 0 : i32
    %dma_wait3A_375 = tpu.memref_slice %arg6[%dma_wait3A_365, %dma_wait3A_373, %dma_wait3A_374] : memref<4x2x128xi32, #tpu.memory_space<vmem>> -> memref<1x2x128xi32, #tpu.memory_space<vmem>>
    %dma_wait3A_376 = tpu.memref_squeeze %dma_wait3A_375 : memref<1x2x128xi32, #tpu.memory_space<vmem>> -> memref<2x128xi32, #tpu.memory_space<vmem>>
    %dma_wait3A_377 = arith.constant 0 : i32
    %dma_wait3A_378 = tpu.memref_slice %dma_wait3A_376[%dma_wait3A_366, %dma_wait3A_377] : memref<2x128xi32, #tpu.memory_space<vmem>> -> memref<1x128xi32, #tpu.memory_space<vmem>>
    %dma_wait3A_379 = tpu.memref_squeeze %dma_wait3A_378 : memref<1x128xi32, #tpu.memory_space<vmem>> -> memref<128xi32, #tpu.memory_space<vmem>>
    %dma_wait3A_380 = arith.constant 0 : i32
    %dma_wait3A_381 = arith.constant 0 : i32
    %dma_wait3A_382 = tpu.memref_slice %arg2[%dma_wait3A_380, %dma_wait3A_381] : memref<10000x128xf32, #tpu.memory_space<hbm>> -> memref<10000x128xf32, #tpu.memory_space<hbm>>
    %dma_wait3A_383 = tpu.memref_slice %arg10[%dma_wait3A_368] : memref<2x!tpu.dma_semaphore, #tpu.memory_space<semaphore_mem>> -> memref<1x!tpu.dma_semaphore, #tpu.memory_space<semaphore_mem>>
    %dma_wait3A_384 = tpu.memref_squeeze %dma_wait3A_383 : memref<1x!tpu.dma_semaphore, #tpu.memory_space<semaphore_mem>> -> memref<!tpu.dma_semaphore, #tpu.memory_space<semaphore_mem>>
    tpu.wait_indirect_dma semaphore(%dma_wait3A_384 : memref<!tpu.dma_semaphore, #tpu.memory_space<semaphore_mem>>) src(%dma_wait3A_382 : memref<10000x128xf32, #tpu.memory_space<hbm>>) dst(%dma_wait3A_372 : memref<128x128xf32, #tpu.memory_space<vmem>>)
    %dma_start3A_385 = arith.constant 1 : i32
    %dma_start3A_386 = arith.constant 1 : i32
    %dma_start3A_387 = arith.constant 1 : i32
    %dma_start3A_388 = arith.constant 0 : i32
    %dma_start3A_389 = arith.constant 0 : i32
    %dma_start3A_390 = tpu.memref_slice %arg7[%dma_start3A_385, %dma_start3A_388, %dma_start3A_389] : memref<2x128x128xf32, #tpu.memory_space<vmem>> -> memref<1x128x128xf32, #tpu.memory_space<vmem>>
    %dma_start3A_391 = tpu.memref_squeeze %dma_start3A_390 : memref<1x128x128xf32, #tpu.memory_space<vmem>> -> memref<128x128xf32, #tpu.memory_space<vmem>>
    %dma_start3A_392 = arith.constant 0 : i32
    %dma_start3A_393 = arith.constant 0 : i32
    %dma_start3A_394 = tpu.memref_slice %arg6[%dma_start3A_386, %dma_start3A_392, %dma_start3A_393] : memref<4x2x128xi32, #tpu.memory_space<vmem>> -> memref<1x2x128xi32, #tpu.memory_space<vmem>>
    %dma_start3A_395 = tpu.memref_squeeze %dma_start3A_394 : memref<1x2x128xi32, #tpu.memory_space<vmem>> -> memref<2x128xi32, #tpu.memory_space<vmem>>
    %dma_start3A_396 = arith.constant 0 : i32
    %dma_start3A_397 = tpu.memref_slice %dma_start3A_395[%dma_start3A_387, %dma_start3A_396] : memref<2x128xi32, #tpu.memory_space<vmem>> -> memref<1x128xi32, #tpu.memory_space<vmem>>
    %dma_start3A_398 = tpu.memref_squeeze %dma_start3A_397 : memref<1x128xi32, #tpu.memory_space<vmem>> -> memref<128xi32, #tpu.memory_space<vmem>>
    %dma_start3A_399 = arith.constant 0 : i32
    %dma_start3A_400 = arith.constant 0 : i32
    %dma_start3A_401 = tpu.memref_slice %arg8[%dma_start3A_399, %dma_start3A_400] : memref<10240x128xf32, #tpu.memory_space<vmem_shared>> -> memref<10240x128xf32, #tpu.memory_space<vmem_shared>>
    tpu.enqueue_indirect_dma source(%dma_start3A_391 : memref<128x128xf32, #tpu.memory_space<vmem>>) target(%dma_start3A_401 : memref<10240x128xf32, #tpu.memory_space<vmem_shared>>) offsets(%dma_start3A_398 : memref<128xi32, #tpu.memory_space<vmem>>) semaphore(%arg11 : memref<!tpu.dma_semaphore, #tpu.memory_space<semaphore_mem>>) {add = true}
    %dma_wait3A_402 = arith.constant 1 : i32
    %dma_wait3A_403 = arith.constant 1 : i32
    %dma_wait3A_404 = arith.constant 1 : i32
    %dma_wait3A_405 = arith.constant 0 : i32
    %dma_wait3A_406 = arith.constant 0 : i32
    %dma_wait3A_407 = tpu.memref_slice %arg7[%dma_wait3A_402, %dma_wait3A_405, %dma_wait3A_406] : memref<2x128x128xf32, #tpu.memory_space<vmem>> -> memref<1x128x128xf32, #tpu.memory_space<vmem>>
    %dma_wait3A_408 = tpu.memref_squeeze %dma_wait3A_407 : memref<1x128x128xf32, #tpu.memory_space<vmem>> -> memref<128x128xf32, #tpu.memory_space<vmem>>
    %dma_wait3A_409 = arith.constant 0 : i32
    %dma_wait3A_410 = arith.constant 0 : i32
    %dma_wait3A_411 = tpu.memref_slice %arg6[%dma_wait3A_403, %dma_wait3A_409, %dma_wait3A_410] : memref<4x2x128xi32, #tpu.memory_space<vmem>> -> memref<1x2x128xi32, #tpu.memory_space<vmem>>
    %dma_wait3A_412 = tpu.memref_squeeze %dma_wait3A_411 : memref<1x2x128xi32, #tpu.memory_space<vmem>> -> memref<2x128xi32, #tpu.memory_space<vmem>>
    %dma_wait3A_413 = arith.constant 0 : i32
    %dma_wait3A_414 = tpu.memref_slice %dma_wait3A_412[%dma_wait3A_404, %dma_wait3A_413] : memref<2x128xi32, #tpu.memory_space<vmem>> -> memref<1x128xi32, #tpu.memory_space<vmem>>
    %dma_wait3A_415 = tpu.memref_squeeze %dma_wait3A_414 : memref<1x128xi32, #tpu.memory_space<vmem>> -> memref<128xi32, #tpu.memory_space<vmem>>
    %dma_wait3A_416 = arith.constant 0 : i32
    %dma_wait3A_417 = arith.constant 0 : i32
    %dma_wait3A_418 = tpu.memref_slice %arg8[%dma_wait3A_416, %dma_wait3A_417] : memref<10240x128xf32, #tpu.memory_space<vmem_shared>> -> memref<10240x128xf32, #tpu.memory_space<vmem_shared>>
    tpu.wait_indirect_dma semaphore(%arg11 : memref<!tpu.dma_semaphore, #tpu.memory_space<semaphore_mem>>) src(%dma_wait3A_408 : memref<128x128xf32, #tpu.memory_space<vmem>>) dst(%dma_wait3A_418 : memref<10240x128xf32, #tpu.memory_space<vmem_shared>>)
    %dma_wait3A_419 = arith.constant 0 : i32
    %dma_wait3A_420 = arith.constant 3 : i32
    %dma_wait3A_421 = arith.constant 3 : i32
    %dma_wait3A_422 = arith.constant 0 : i32
    %dma_wait3A_423 = arith.constant 0 : i32
    %dma_wait3A_424 = tpu.memref_slice %arg6[%dma_wait3A_420, %dma_wait3A_422, %dma_wait3A_423] : memref<4x2x128xi32, #tpu.memory_space<vmem>> -> memref<1x2x128xi32, #tpu.memory_space<vmem>>
    %dma_wait3A_425 = tpu.memref_squeeze %dma_wait3A_424 : memref<1x2x128xi32, #tpu.memory_space<vmem>> -> memref<2x128xi32, #tpu.memory_space<vmem>>
    %dma_wait3A_426 = arith.constant 0 : i32
    %dma_wait3A_427 = arith.constant 0 : i32
    %dma_wait3A_428 = arith.constant 0 : i32
    %dma_wait3A_429 = tpu.memref_slice %arg3[%add3A, %dma_wait3A_426, %dma_wait3A_427, %dma_wait3A_428] : memref<32x80x2x128xi32, #tpu.memory_space<hbm>> -> memref<1x80x2x128xi32, #tpu.memory_space<hbm>>
    %dma_wait3A_430 = tpu.memref_squeeze %dma_wait3A_429 : memref<1x80x2x128xi32, #tpu.memory_space<hbm>> -> memref<80x2x128xi32, #tpu.memory_space<hbm>>
    %dma_wait3A_431 = arith.constant 0 : i32
    %dma_wait3A_432 = arith.constant 0 : i32
    %dma_wait3A_433 = tpu.memref_slice %dma_wait3A_430[%dma_wait3A_419, %dma_wait3A_431, %dma_wait3A_432] : memref<80x2x128xi32, #tpu.memory_space<hbm>> -> memref<1x2x128xi32, #tpu.memory_space<hbm>>
    %dma_wait3A_434 = tpu.memref_squeeze %dma_wait3A_433 : memref<1x2x128xi32, #tpu.memory_space<hbm>> -> memref<2x128xi32, #tpu.memory_space<hbm>>
    %dma_wait3A_435 = tpu.memref_slice %arg9[%dma_wait3A_421] : memref<4x!tpu.dma_semaphore, #tpu.memory_space<semaphore_mem>> -> memref<1x!tpu.dma_semaphore, #tpu.memory_space<semaphore_mem>>
    %dma_wait3A_436 = tpu.memref_squeeze %dma_wait3A_435 : memref<1x!tpu.dma_semaphore, #tpu.memory_space<semaphore_mem>> -> memref<!tpu.dma_semaphore, #tpu.memory_space<semaphore_mem>>
    %dma_wait3A_437 = arith.constant 0 : i32
    %dma_wait3A_438 = arith.constant 0 : i32
    %dma_wait3A_439 = tpu.memref_slice %arg6[%dma_wait3A_420, %dma_wait3A_437, %dma_wait3A_438] : memref<4x2x128xi32, #tpu.memory_space<vmem>> -> memref<1x2x128xi32, #tpu.memory_space<vmem>>
    %dma_wait3A_440 = tpu.memref_squeeze %dma_wait3A_439 : memref<1x2x128xi32, #tpu.memory_space<vmem>> -> memref<2x128xi32, #tpu.memory_space<vmem>>
    %dma_wait3A_441 = arith.constant 0 : i32
    %dma_wait3A_442 = arith.constant 0 : i32
    %dma_wait3A_443 = arith.constant 0 : i32
    %dma_wait3A_444 = tpu.memref_slice %arg3[%add3A, %dma_wait3A_441, %dma_wait3A_442, %dma_wait3A_443] : memref<32x80x2x128xi32, #tpu.memory_space<hbm>> -> memref<1x80x2x128xi32, #tpu.memory_space<hbm>>
    %dma_wait3A_445 = tpu.memref_squeeze %dma_wait3A_444 : memref<1x80x2x128xi32, #tpu.memory_space<hbm>> -> memref<80x2x128xi32, #tpu.memory_space<hbm>>
    %dma_wait3A_446 = arith.constant 0 : i32
    %dma_wait3A_447 = arith.constant 0 : i32
    %dma_wait3A_448 = tpu.memref_slice %dma_wait3A_445[%dma_wait3A_419, %dma_wait3A_446, %dma_wait3A_447] : memref<80x2x128xi32, #tpu.memory_space<hbm>> -> memref<1x2x128xi32, #tpu.memory_space<hbm>>
    %dma_wait3A_449 = tpu.memref_squeeze %dma_wait3A_448 : memref<1x2x128xi32, #tpu.memory_space<hbm>> -> memref<2x128xi32, #tpu.memory_space<hbm>>
    tpu.wait_dma2 semaphore(%dma_wait3A_436 : memref<!tpu.dma_semaphore, #tpu.memory_space<semaphore_mem>>) src(%dma_wait3A_449 : memref<2x128xi32, #tpu.memory_space<hbm>>) dst(%dma_wait3A_440 : memref<2x128xi32, #tpu.memory_space<vmem>>)
    %dma_start3A_450 = arith.constant 3 : i32
    %dma_start3A_451 = arith.constant 0 : i32
    %dma_start3A_452 = arith.constant 1 : i32
    %dma_start3A_453 = arith.constant 1 : i32
    %dma_start3A_454 = arith.constant 0 : i32
    %dma_start3A_455 = arith.constant 0 : i32
    %dma_start3A_456 = tpu.memref_slice %arg7[%dma_start3A_452, %dma_start3A_454, %dma_start3A_455] : memref<2x128x128xf32, #tpu.memory_space<vmem>> -> memref<1x128x128xf32, #tpu.memory_space<vmem>>
    %dma_start3A_457 = tpu.memref_squeeze %dma_start3A_456 : memref<1x128x128xf32, #tpu.memory_space<vmem>> -> memref<128x128xf32, #tpu.memory_space<vmem>>
    %dma_start3A_458 = arith.constant 0 : i32
    %dma_start3A_459 = arith.constant 0 : i32
    %dma_start3A_460 = tpu.memref_slice %arg6[%dma_start3A_450, %dma_start3A_458, %dma_start3A_459] : memref<4x2x128xi32, #tpu.memory_space<vmem>> -> memref<1x2x128xi32, #tpu.memory_space<vmem>>
    %dma_start3A_461 = tpu.memref_squeeze %dma_start3A_460 : memref<1x2x128xi32, #tpu.memory_space<vmem>> -> memref<2x128xi32, #tpu.memory_space<vmem>>
    %dma_start3A_462 = arith.constant 0 : i32
    %dma_start3A_463 = tpu.memref_slice %dma_start3A_461[%dma_start3A_451, %dma_start3A_462] : memref<2x128xi32, #tpu.memory_space<vmem>> -> memref<1x128xi32, #tpu.memory_space<vmem>>
    %dma_start3A_464 = tpu.memref_squeeze %dma_start3A_463 : memref<1x128xi32, #tpu.memory_space<vmem>> -> memref<128xi32, #tpu.memory_space<vmem>>
    %dma_start3A_465 = arith.constant 0 : i32
    %dma_start3A_466 = arith.constant 0 : i32
    %dma_start3A_467 = tpu.memref_slice %arg2[%dma_start3A_465, %dma_start3A_466] : memref<10000x128xf32, #tpu.memory_space<hbm>> -> memref<10000x128xf32, #tpu.memory_space<hbm>>
    %dma_start3A_468 = tpu.memref_slice %arg10[%dma_start3A_453] : memref<2x!tpu.dma_semaphore, #tpu.memory_space<semaphore_mem>> -> memref<1x!tpu.dma_semaphore, #tpu.memory_space<semaphore_mem>>
    %dma_start3A_469 = tpu.memref_squeeze %dma_start3A_468 : memref<1x!tpu.dma_semaphore, #tpu.memory_space<semaphore_mem>> -> memref<!tpu.dma_semaphore, #tpu.memory_space<semaphore_mem>>
    tpu.enqueue_indirect_dma source(%dma_start3A_467 : memref<10000x128xf32, #tpu.memory_space<hbm>>) target(%dma_start3A_457 : memref<128x128xf32, #tpu.memory_space<vmem>>) offsets(%dma_start3A_464 : memref<128xi32, #tpu.memory_space<vmem>>) semaphore(%dma_start3A_469 : memref<!tpu.dma_semaphore, #tpu.memory_space<semaphore_mem>>)
    %dma_start3A_470 = arith.constant 5 : i32
    %dma_start3A_471 = arith.constant 1 : i32
    %dma_start3A_472 = arith.constant 1 : i32
    %dma_start3A_473 = arith.constant 0 : i32
    %dma_start3A_474 = arith.constant 0 : i32
    %dma_start3A_475 = tpu.memref_slice %arg6[%dma_start3A_471, %dma_start3A_473, %dma_start3A_474] : memref<4x2x128xi32, #tpu.memory_space<vmem>> -> memref<1x2x128xi32, #tpu.memory_space<vmem>>
    %dma_start3A_476 = tpu.memref_squeeze %dma_start3A_475 : memref<1x2x128xi32, #tpu.memory_space<vmem>> -> memref<2x128xi32, #tpu.memory_space<vmem>>
    %dma_start3A_477 = arith.constant 0 : i32
    %dma_start3A_478 = arith.constant 0 : i32
    %dma_start3A_479 = arith.constant 0 : i32
    %dma_start3A_480 = tpu.memref_slice %arg3[%add3A, %dma_start3A_477, %dma_start3A_478, %dma_start3A_479] : memref<32x80x2x128xi32, #tpu.memory_space<hbm>> -> memref<1x80x2x128xi32, #tpu.memory_space<hbm>>
    %dma_start3A_481 = tpu.memref_squeeze %dma_start3A_480 : memref<1x80x2x128xi32, #tpu.memory_space<hbm>> -> memref<80x2x128xi32, #tpu.memory_space<hbm>>
    %dma_start3A_482 = arith.constant 0 : i32
    %dma_start3A_483 = arith.constant 0 : i32
    %dma_start3A_484 = tpu.memref_slice %dma_start3A_481[%dma_start3A_470, %dma_start3A_482, %dma_start3A_483] : memref<80x2x128xi32, #tpu.memory_space<hbm>> -> memref<1x2x128xi32, #tpu.memory_space<hbm>>
    %dma_start3A_485 = tpu.memref_squeeze %dma_start3A_484 : memref<1x2x128xi32, #tpu.memory_space<hbm>> -> memref<2x128xi32, #tpu.memory_space<hbm>>
    %dma_start3A_486 = tpu.memref_slice %arg9[%dma_start3A_472] : memref<4x!tpu.dma_semaphore, #tpu.memory_space<semaphore_mem>> -> memref<1x!tpu.dma_semaphore, #tpu.memory_space<semaphore_mem>>
    %dma_start3A_487 = tpu.memref_squeeze %dma_start3A_486 : memref<1x!tpu.dma_semaphore, #tpu.memory_space<semaphore_mem>> -> memref<!tpu.dma_semaphore, #tpu.memory_space<semaphore_mem>>
    %dma_start3A_488 = arith.constant 0 : i32
    %dma_start3A_489 = arith.constant 0 : i32
    %dma_start3A_490 = tpu.memref_slice %arg6[%dma_start3A_471, %dma_start3A_488, %dma_start3A_489] : memref<4x2x128xi32, #tpu.memory_space<vmem>> -> memref<1x2x128xi32, #tpu.memory_space<vmem>>
    %dma_start3A_491 = tpu.memref_squeeze %dma_start3A_490 : memref<1x2x128xi32, #tpu.memory_space<vmem>> -> memref<2x128xi32, #tpu.memory_space<vmem>>
    %dma_start3A_492 = arith.constant 0 : i32
    %dma_start3A_493 = arith.constant 0 : i32
    %dma_start3A_494 = arith.constant 0 : i32
    %dma_start3A_495 = tpu.memref_slice %arg3[%add3A, %dma_start3A_492, %dma_start3A_493, %dma_start3A_494] : memref<32x80x2x128xi32, #tpu.memory_space<hbm>> -> memref<1x80x2x128xi32, #tpu.memory_space<hbm>>
    %dma_start3A_496 = tpu.memref_squeeze %dma_start3A_495 : memref<1x80x2x128xi32, #tpu.memory_space<hbm>> -> memref<80x2x128xi32, #tpu.memory_space<hbm>>
    %dma_start3A_497 = arith.constant 0 : i32
    %dma_start3A_498 = arith.constant 0 : i32
    %dma_start3A_499 = tpu.memref_slice %dma_start3A_496[%dma_start3A_470, %dma_start3A_497, %dma_start3A_498] : memref<80x2x128xi32, #tpu.memory_space<hbm>> -> memref<1x2x128xi32, #tpu.memory_space<hbm>>
    %dma_start3A_500 = tpu.memref_squeeze %dma_start3A_499 : memref<1x2x128xi32, #tpu.memory_space<hbm>> -> memref<2x128xi32, #tpu.memory_space<hbm>>
    tpu.enqueue_dma source(%dma_start3A_500 : memref<2x128xi32, #tpu.memory_space<hbm>>) target(%dma_start3A_491 : memref<2x128xi32, #tpu.memory_space<vmem>>) target_semaphore(%dma_start3A_487 : memref<!tpu.dma_semaphore, #tpu.memory_space<semaphore_mem>>)
    %dma_wait3A_501 = arith.constant 0 : i32
    %dma_wait3A_502 = arith.constant 0 : i32
    %dma_wait3A_503 = arith.constant 0 : i32
    %dma_wait3A_504 = arith.constant 0 : i32
    %dma_wait3A_505 = arith.constant 0 : i32
    %dma_wait3A_506 = arith.constant 0 : i32
    %dma_wait3A_507 = tpu.memref_slice %arg7[%dma_wait3A_503, %dma_wait3A_505, %dma_wait3A_506] : memref<2x128x128xf32, #tpu.memory_space<vmem>> -> memref<1x128x128xf32, #tpu.memory_space<vmem>>
    %dma_wait3A_508 = tpu.memref_squeeze %dma_wait3A_507 : memref<1x128x128xf32, #tpu.memory_space<vmem>> -> memref<128x128xf32, #tpu.memory_space<vmem>>
    %dma_wait3A_509 = arith.constant 0 : i32
    %dma_wait3A_510 = arith.constant 0 : i32
    %dma_wait3A_511 = tpu.memref_slice %arg6[%dma_wait3A_501, %dma_wait3A_509, %dma_wait3A_510] : memref<4x2x128xi32, #tpu.memory_space<vmem>> -> memref<1x2x128xi32, #tpu.memory_space<vmem>>
    %dma_wait3A_512 = tpu.memref_squeeze %dma_wait3A_511 : memref<1x2x128xi32, #tpu.memory_space<vmem>> -> memref<2x128xi32, #tpu.memory_space<vmem>>
    %dma_wait3A_513 = arith.constant 0 : i32
    %dma_wait3A_514 = tpu.memref_slice %dma_wait3A_512[%dma_wait3A_502, %dma_wait3A_513] : memref<2x128xi32, #tpu.memory_space<vmem>> -> memref<1x128xi32, #tpu.memory_space<vmem>>
    %dma_wait3A_515 = tpu.memref_squeeze %dma_wait3A_514 : memref<1x128xi32, #tpu.memory_space<vmem>> -> memref<128xi32, #tpu.memory_space<vmem>>
    %dma_wait3A_516 = arith.constant 0 : i32
    %dma_wait3A_517 = arith.constant 0 : i32
    %dma_wait3A_518 = tpu.memref_slice %arg2[%dma_wait3A_516, %dma_wait3A_517] : memref<10000x128xf32, #tpu.memory_space<hbm>> -> memref<10000x128xf32, #tpu.memory_space<hbm>>
    %dma_wait3A_519 = tpu.memref_slice %arg10[%dma_wait3A_504] : memref<2x!tpu.dma_semaphore, #tpu.memory_space<semaphore_mem>> -> memref<1x!tpu.dma_semaphore, #tpu.memory_space<semaphore_mem>>
    %dma_wait3A_520 = tpu.memref_squeeze %dma_wait3A_519 : memref<1x!tpu.dma_semaphore, #tpu.memory_space<semaphore_mem>> -> memref<!tpu.dma_semaphore, #tpu.memory_space<semaphore_mem>>
    tpu.wait_indirect_dma semaphore(%dma_wait3A_520 : memref<!tpu.dma_semaphore, #tpu.memory_space<semaphore_mem>>) src(%dma_wait3A_518 : memref<10000x128xf32, #tpu.memory_space<hbm>>) dst(%dma_wait3A_508 : memref<128x128xf32, #tpu.memory_space<vmem>>)
    %dma_start3A_521 = arith.constant 0 : i32
    %dma_start3A_522 = arith.constant 2 : i32
    %dma_start3A_523 = arith.constant 1 : i32
    %dma_start3A_524 = arith.constant 0 : i32
    %dma_start3A_525 = arith.constant 0 : i32
    %dma_start3A_526 = tpu.memref_slice %arg7[%dma_start3A_521, %dma_start3A_524, %dma_start3A_525] : memref<2x128x128xf32, #tpu.memory_space<vmem>> -> memref<1x128x128xf32, #tpu.memory_space<vmem>>
    %dma_start3A_527 = tpu.memref_squeeze %dma_start3A_526 : memref<1x128x128xf32, #tpu.memory_space<vmem>> -> memref<128x128xf32, #tpu.memory_space<vmem>>
    %dma_start3A_528 = arith.constant 0 : i32
    %dma_start3A_529 = arith.constant 0 : i32
    %dma_start3A_530 = tpu.memref_slice %arg6[%dma_start3A_522, %dma_start3A_528, %dma_start3A_529] : memref<4x2x128xi32, #tpu.memory_space<vmem>> -> memref<1x2x128xi32, #tpu.memory_space<vmem>>
    %dma_start3A_531 = tpu.memref_squeeze %dma_start3A_530 : memref<1x2x128xi32, #tpu.memory_space<vmem>> -> memref<2x128xi32, #tpu.memory_space<vmem>>
    %dma_start3A_532 = arith.constant 0 : i32
    %dma_start3A_533 = tpu.memref_slice %dma_start3A_531[%dma_start3A_523, %dma_start3A_532] : memref<2x128xi32, #tpu.memory_space<vmem>> -> memref<1x128xi32, #tpu.memory_space<vmem>>
    %dma_start3A_534 = tpu.memref_squeeze %dma_start3A_533 : memref<1x128xi32, #tpu.memory_space<vmem>> -> memref<128xi32, #tpu.memory_space<vmem>>
    %dma_start3A_535 = arith.constant 0 : i32
    %dma_start3A_536 = arith.constant 0 : i32
    %dma_start3A_537 = tpu.memref_slice %arg8[%dma_start3A_535, %dma_start3A_536] : memref<10240x128xf32, #tpu.memory_space<vmem_shared>> -> memref<10240x128xf32, #tpu.memory_space<vmem_shared>>
    tpu.enqueue_indirect_dma source(%dma_start3A_527 : memref<128x128xf32, #tpu.memory_space<vmem>>) target(%dma_start3A_537 : memref<10240x128xf32, #tpu.memory_space<vmem_shared>>) offsets(%dma_start3A_534 : memref<128xi32, #tpu.memory_space<vmem>>) semaphore(%arg11 : memref<!tpu.dma_semaphore, #tpu.memory_space<semaphore_mem>>) {add = true}
    %dma_wait3A_538 = arith.constant 0 : i32
    %dma_wait3A_539 = arith.constant 2 : i32
    %dma_wait3A_540 = arith.constant 1 : i32
    %dma_wait3A_541 = arith.constant 0 : i32
    %dma_wait3A_542 = arith.constant 0 : i32
    %dma_wait3A_543 = tpu.memref_slice %arg7[%dma_wait3A_538, %dma_wait3A_541, %dma_wait3A_542] : memref<2x128x128xf32, #tpu.memory_space<vmem>> -> memref<1x128x128xf32, #tpu.memory_space<vmem>>
    %dma_wait3A_544 = tpu.memref_squeeze %dma_wait3A_543 : memref<1x128x128xf32, #tpu.memory_space<vmem>> -> memref<128x128xf32, #tpu.memory_space<vmem>>
    %dma_wait3A_545 = arith.constant 0 : i32
    %dma_wait3A_546 = arith.constant 0 : i32
    %dma_wait3A_547 = tpu.memref_slice %arg6[%dma_wait3A_539, %dma_wait3A_545, %dma_wait3A_546] : memref<4x2x128xi32, #tpu.memory_space<vmem>> -> memref<1x2x128xi32, #tpu.memory_space<vmem>>
    %dma_wait3A_548 = tpu.memref_squeeze %dma_wait3A_547 : memref<1x2x128xi32, #tpu.memory_space<vmem>> -> memref<2x128xi32, #tpu.memory_space<vmem>>
    %dma_wait3A_549 = arith.constant 0 : i32
    %dma_wait3A_550 = tpu.memref_slice %dma_wait3A_548[%dma_wait3A_540, %dma_wait3A_549] : memref<2x128xi32, #tpu.memory_space<vmem>> -> memref<1x128xi32, #tpu.memory_space<vmem>>
    %dma_wait3A_551 = tpu.memref_squeeze %dma_wait3A_550 : memref<1x128xi32, #tpu.memory_space<vmem>> -> memref<128xi32, #tpu.memory_space<vmem>>
    %dma_wait3A_552 = arith.constant 0 : i32
    %dma_wait3A_553 = arith.constant 0 : i32
    %dma_wait3A_554 = tpu.memref_slice %arg8[%dma_wait3A_552, %dma_wait3A_553] : memref<10240x128xf32, #tpu.memory_space<vmem_shared>> -> memref<10240x128xf32, #tpu.memory_space<vmem_shared>>
    tpu.wait_indirect_dma semaphore(%arg11 : memref<!tpu.dma_semaphore, #tpu.memory_space<semaphore_mem>>) src(%dma_wait3A_544 : memref<128x128xf32, #tpu.memory_space<vmem>>) dst(%dma_wait3A_554 : memref<10240x128xf32, #tpu.memory_space<vmem_shared>>)
    %dma_wait3A_555 = arith.constant 0 : i32
    %dma_wait3A_556 = arith.constant 0 : i32
    %dma_wait3A_557 = arith.constant 0 : i32
    %dma_wait3A_558 = arith.constant 0 : i32
    %dma_wait3A_559 = arith.constant 0 : i32
    %dma_wait3A_560 = tpu.memref_slice %arg6[%dma_wait3A_556, %dma_wait3A_558, %dma_wait3A_559] : memref<4x2x128xi32, #tpu.memory_space<vmem>> -> memref<1x2x128xi32, #tpu.memory_space<vmem>>
    %dma_wait3A_561 = tpu.memref_squeeze %dma_wait3A_560 : memref<1x2x128xi32, #tpu.memory_space<vmem>> -> memref<2x128xi32, #tpu.memory_space<vmem>>
    %dma_wait3A_562 = arith.constant 0 : i32
    %dma_wait3A_563 = arith.constant 0 : i32
    %dma_wait3A_564 = arith.constant 0 : i32
    %dma_wait3A_565 = tpu.memref_slice %arg3[%add3A, %dma_wait3A_562, %dma_wait3A_563, %dma_wait3A_564] : memref<32x80x2x128xi32, #tpu.memory_space<hbm>> -> memref<1x80x2x128xi32, #tpu.memory_space<hbm>>
    %dma_wait3A_566 = tpu.memref_squeeze %dma_wait3A_565 : memref<1x80x2x128xi32, #tpu.memory_space<hbm>> -> memref<80x2x128xi32, #tpu.memory_space<hbm>>
    %dma_wait3A_567 = arith.constant 0 : i32
    %dma_wait3A_568 = arith.constant 0 : i32
    %dma_wait3A_569 = tpu.memref_slice %dma_wait3A_566[%dma_wait3A_555, %dma_wait3A_567, %dma_wait3A_568] : memref<80x2x128xi32, #tpu.memory_space<hbm>> -> memref<1x2x128xi32, #tpu.memory_space<hbm>>
    %dma_wait3A_570 = tpu.memref_squeeze %dma_wait3A_569 : memref<1x2x128xi32, #tpu.memory_space<hbm>> -> memref<2x128xi32, #tpu.memory_space<hbm>>
    %dma_wait3A_571 = tpu.memref_slice %arg9[%dma_wait3A_557] : memref<4x!tpu.dma_semaphore, #tpu.memory_space<semaphore_mem>> -> memref<1x!tpu.dma_semaphore, #tpu.memory_space<semaphore_mem>>
    %dma_wait3A_572 = tpu.memref_squeeze %dma_wait3A_571 : memref<1x!tpu.dma_semaphore, #tpu.memory_space<semaphore_mem>> -> memref<!tpu.dma_semaphore, #tpu.memory_space<semaphore_mem>>
    %dma_wait3A_573 = arith.constant 0 : i32
    %dma_wait3A_574 = arith.constant 0 : i32
    %dma_wait3A_575 = tpu.memref_slice %arg6[%dma_wait3A_556, %dma_wait3A_573, %dma_wait3A_574] : memref<4x2x128xi32, #tpu.memory_space<vmem>> -> memref<1x2x128xi32, #tpu.memory_space<vmem>>
    %dma_wait3A_576 = tpu.memref_squeeze %dma_wait3A_575 : memref<1x2x128xi32, #tpu.memory_space<vmem>> -> memref<2x128xi32, #tpu.memory_space<vmem>>
    %dma_wait3A_577 = arith.constant 0 : i32
    %dma_wait3A_578 = arith.constant 0 : i32
    %dma_wait3A_579 = arith.constant 0 : i32
    %dma_wait3A_580 = tpu.memref_slice %arg3[%add3A, %dma_wait3A_577, %dma_wait3A_578, %dma_wait3A_579] : memref<32x80x2x128xi32, #tpu.memory_space<hbm>> -> memref<1x80x2x128xi32, #tpu.memory_space<hbm>>
    %dma_wait3A_581 = tpu.memref_squeeze %dma_wait3A_580 : memref<1x80x2x128xi32, #tpu.memory_space<hbm>> -> memref<80x2x128xi32, #tpu.memory_space<hbm>>
    %dma_wait3A_582 = arith.constant 0 : i32
    %dma_wait3A_583 = arith.constant 0 : i32
    %dma_wait3A_584 = tpu.memref_slice %dma_wait3A_581[%dma_wait3A_555, %dma_wait3A_582, %dma_wait3A_583] : memref<80x2x128xi32, #tpu.memory_space<hbm>> -> memref<1x2x128xi32, #tpu.memory_space<hbm>>
    %dma_wait3A_585 = tpu.memref_squeeze %dma_wait3A_584 : memref<1x2x128xi32, #tpu.memory_space<hbm>> -> memref<2x128xi32, #tpu.memory_space<hbm>>
    tpu.wait_dma2 semaphore(%dma_wait3A_572 : memref<!tpu.dma_semaphore, #tpu.memory_space<semaphore_mem>>) src(%dma_wait3A_585 : memref<2x128xi32, #tpu.memory_space<hbm>>) dst(%dma_wait3A_576 : memref<2x128xi32, #tpu.memory_space<vmem>>)
    %dma_start3A_586 = arith.constant 0 : i32
    %dma_start3A_587 = arith.constant 0 : i32
    %dma_start3A_588 = arith.constant 0 : i32
    %dma_start3A_589 = arith.constant 0 : i32
    %dma_start3A_590 = arith.constant 0 : i32
    %dma_start3A_591 = arith.constant 0 : i32
    %dma_start3A_592 = tpu.memref_slice %arg7[%dma_start3A_588, %dma_start3A_590, %dma_start3A_591] : memref<2x128x128xf32, #tpu.memory_space<vmem>> -> memref<1x128x128xf32, #tpu.memory_space<vmem>>
    %dma_start3A_593 = tpu.memref_squeeze %dma_start3A_592 : memref<1x128x128xf32, #tpu.memory_space<vmem>> -> memref<128x128xf32, #tpu.memory_space<vmem>>
    %dma_start3A_594 = arith.constant 0 : i32
    %dma_start3A_595 = arith.constant 0 : i32
    %dma_start3A_596 = tpu.memref_slice %arg6[%dma_start3A_586, %dma_start3A_594, %dma_start3A_595] : memref<4x2x128xi32, #tpu.memory_space<vmem>> -> memref<1x2x128xi32, #tpu.memory_space<vmem>>
    %dma_start3A_597 = tpu.memref_squeeze %dma_start3A_596 : memref<1x2x128xi32, #tpu.memory_space<vmem>> -> memref<2x128xi32, #tpu.memory_space<vmem>>
    %dma_start3A_598 = arith.constant 0 : i32
    %dma_start3A_599 = tpu.memref_slice %dma_start3A_597[%dma_start3A_587, %dma_start3A_598] : memref<2x128xi32, #tpu.memory_space<vmem>> -> memref<1x128xi32, #tpu.memory_space<vmem>>
    %dma_start3A_600 = tpu.memref_squeeze %dma_start3A_599 : memref<1x128xi32, #tpu.memory_space<vmem>> -> memref<128xi32, #tpu.memory_space<vmem>>
    %dma_start3A_601 = arith.constant 0 : i32
    %dma_start3A_602 = arith.constant 0 : i32
    %dma_start3A_603 = tpu.memref_slice %arg2[%dma_start3A_601, %dma_start3A_602] : memref<10000x128xf32, #tpu.memory_space<hbm>> -> memref<10000x128xf32, #tpu.memory_space<hbm>>
    %dma_start3A_604 = tpu.memref_slice %arg10[%dma_start3A_589] : memref<2x!tpu.dma_semaphore, #tpu.memory_space<semaphore_mem>> -> memref<1x!tpu.dma_semaphore, #tpu.memory_space<semaphore_mem>>
    %dma_start3A_605 = tpu.memref_squeeze %dma_start3A_604 : memref<1x!tpu.dma_semaphore, #tpu.memory_space<semaphore_mem>> -> memref<!tpu.dma_semaphore, #tpu.memory_space<semaphore_mem>>
    tpu.enqueue_indirect_dma source(%dma_start3A_603 : memref<10000x128xf32, #tpu.memory_space<hbm>>) target(%dma_start3A_593 : memref<128x128xf32, #tpu.memory_space<vmem>>) offsets(%dma_start3A_600 : memref<128xi32, #tpu.memory_space<vmem>>) semaphore(%dma_start3A_605 : memref<!tpu.dma_semaphore, #tpu.memory_space<semaphore_mem>>)
    %dma_start3A_606 = arith.constant 6 : i32
    %dma_start3A_607 = arith.constant 2 : i32
    %dma_start3A_608 = arith.constant 2 : i32
    %dma_start3A_609 = arith.constant 0 : i32
    %dma_start3A_610 = arith.constant 0 : i32
    %dma_start3A_611 = tpu.memref_slice %arg6[%dma_start3A_607, %dma_start3A_609, %dma_start3A_610] : memref<4x2x128xi32, #tpu.memory_space<vmem>> -> memref<1x2x128xi32, #tpu.memory_space<vmem>>
    %dma_start3A_612 = tpu.memref_squeeze %dma_start3A_611 : memref<1x2x128xi32, #tpu.memory_space<vmem>> -> memref<2x128xi32, #tpu.memory_space<vmem>>
    %dma_start3A_613 = arith.constant 0 : i32
    %dma_start3A_614 = arith.constant 0 : i32
    %dma_start3A_615 = arith.constant 0 : i32
    %dma_start3A_616 = tpu.memref_slice %arg3[%add3A, %dma_start3A_613, %dma_start3A_614, %dma_start3A_615] : memref<32x80x2x128xi32, #tpu.memory_space<hbm>> -> memref<1x80x2x128xi32, #tpu.memory_space<hbm>>
    %dma_start3A_617 = tpu.memref_squeeze %dma_start3A_616 : memref<1x80x2x128xi32, #tpu.memory_space<hbm>> -> memref<80x2x128xi32, #tpu.memory_space<hbm>>
    %dma_start3A_618 = arith.constant 0 : i32
    %dma_start3A_619 = arith.constant 0 : i32
    %dma_start3A_620 = tpu.memref_slice %dma_start3A_617[%dma_start3A_606, %dma_start3A_618, %dma_start3A_619] : memref<80x2x128xi32, #tpu.memory_space<hbm>> -> memref<1x2x128xi32, #tpu.memory_space<hbm>>
    %dma_start3A_621 = tpu.memref_squeeze %dma_start3A_620 : memref<1x2x128xi32, #tpu.memory_space<hbm>> -> memref<2x128xi32, #tpu.memory_space<hbm>>
    %dma_start3A_622 = tpu.memref_slice %arg9[%dma_start3A_608] : memref<4x!tpu.dma_semaphore, #tpu.memory_space<semaphore_mem>> -> memref<1x!tpu.dma_semaphore, #tpu.memory_space<semaphore_mem>>
    %dma_start3A_623 = tpu.memref_squeeze %dma_start3A_622 : memref<1x!tpu.dma_semaphore, #tpu.memory_space<semaphore_mem>> -> memref<!tpu.dma_semaphore, #tpu.memory_space<semaphore_mem>>
    %dma_start3A_624 = arith.constant 0 : i32
    %dma_start3A_625 = arith.constant 0 : i32
    %dma_start3A_626 = tpu.memref_slice %arg6[%dma_start3A_607, %dma_start3A_624, %dma_start3A_625] : memref<4x2x128xi32, #tpu.memory_space<vmem>> -> memref<1x2x128xi32, #tpu.memory_space<vmem>>
    %dma_start3A_627 = tpu.memref_squeeze %dma_start3A_626 : memref<1x2x128xi32, #tpu.memory_space<vmem>> -> memref<2x128xi32, #tpu.memory_space<vmem>>
    %dma_start3A_628 = arith.constant 0 : i32
    %dma_start3A_629 = arith.constant 0 : i32
    %dma_start3A_630 = arith.constant 0 : i32
    %dma_start3A_631 = tpu.memref_slice %arg3[%add3A, %dma_start3A_628, %dma_start3A_629, %dma_start3A_630] : memref<32x80x2x128xi32, #tpu.memory_space<hbm>> -> memref<1x80x2x128xi32, #tpu.memory_space<hbm>>
    %dma_start3A_632 = tpu.memref_squeeze %dma_start3A_631 : memref<1x80x2x128xi32, #tpu.memory_space<hbm>> -> memref<80x2x128xi32, #tpu.memory_space<hbm>>
    %dma_start3A_633 = arith.constant 0 : i32
    %dma_start3A_634 = arith.constant 0 : i32
    %dma_start3A_635 = tpu.memref_slice %dma_start3A_632[%dma_start3A_606, %dma_start3A_633, %dma_start3A_634] : memref<80x2x128xi32, #tpu.memory_space<hbm>> -> memref<1x2x128xi32, #tpu.memory_space<hbm>>
    %dma_start3A_636 = tpu.memref_squeeze %dma_start3A_635 : memref<1x2x128xi32, #tpu.memory_space<hbm>> -> memref<2x128xi32, #tpu.memory_space<hbm>>
    tpu.enqueue_dma source(%dma_start3A_636 : memref<2x128xi32, #tpu.memory_space<hbm>>) target(%dma_start3A_627 : memref<2x128xi32, #tpu.memory_space<vmem>>) target_semaphore(%dma_start3A_623 : memref<!tpu.dma_semaphore, #tpu.memory_space<semaphore_mem>>)
    %dma_wait3A_637 = arith.constant 0 : i32
    %dma_wait3A_638 = arith.constant 0 : i32
    %dma_wait3A_639 = arith.constant 1 : i32
    %dma_wait3A_640 = arith.constant 1 : i32
    %dma_wait3A_641 = arith.constant 0 : i32
    %dma_wait3A_642 = arith.constant 0 : i32
    %dma_wait3A_643 = tpu.memref_slice %arg7[%dma_wait3A_639, %dma_wait3A_641, %dma_wait3A_642] : memref<2x128x128xf32, #tpu.memory_space<vmem>> -> memref<1x128x128xf32, #tpu.memory_space<vmem>>
    %dma_wait3A_644 = tpu.memref_squeeze %dma_wait3A_643 : memref<1x128x128xf32, #tpu.memory_space<vmem>> -> memref<128x128xf32, #tpu.memory_space<vmem>>
    %dma_wait3A_645 = arith.constant 0 : i32
    %dma_wait3A_646 = arith.constant 0 : i32
    %dma_wait3A_647 = tpu.memref_slice %arg6[%dma_wait3A_637, %dma_wait3A_645, %dma_wait3A_646] : memref<4x2x128xi32, #tpu.memory_space<vmem>> -> memref<1x2x128xi32, #tpu.memory_space<vmem>>
    %dma_wait3A_648 = tpu.memref_squeeze %dma_wait3A_647 : memref<1x2x128xi32, #tpu.memory_space<vmem>> -> memref<2x128xi32, #tpu.memory_space<vmem>>
    %dma_wait3A_649 = arith.constant 0 : i32
    %dma_wait3A_650 = tpu.memref_slice %dma_wait3A_648[%dma_wait3A_638, %dma_wait3A_649] : memref<2x128xi32, #tpu.memory_space<vmem>> -> memref<1x128xi32, #tpu.memory_space<vmem>>
    %dma_wait3A_651 = tpu.memref_squeeze %dma_wait3A_650 : memref<1x128xi32, #tpu.memory_space<vmem>> -> memref<128xi32, #tpu.memory_space<vmem>>
    %dma_wait3A_652 = arith.constant 0 : i32
    %dma_wait3A_653 = arith.constant 0 : i32
    %dma_wait3A_654 = tpu.memref_slice %arg2[%dma_wait3A_652, %dma_wait3A_653] : memref<10000x128xf32, #tpu.memory_space<hbm>> -> memref<10000x128xf32, #tpu.memory_space<hbm>>
    %dma_wait3A_655 = tpu.memref_slice %arg10[%dma_wait3A_640] : memref<2x!tpu.dma_semaphore, #tpu.memory_space<semaphore_mem>> -> memref<1x!tpu.dma_semaphore, #tpu.memory_space<semaphore_mem>>
    %dma_wait3A_656 = tpu.memref_squeeze %dma_wait3A_655 : memref<1x!tpu.dma_semaphore, #tpu.memory_space<semaphore_mem>> -> memref<!tpu.dma_semaphore, #tpu.memory_space<semaphore_mem>>
    tpu.wait_indirect_dma semaphore(%dma_wait3A_656 : memref<!tpu.dma_semaphore, #tpu.memory_space<semaphore_mem>>) src(%dma_wait3A_654 : memref<10000x128xf32, #tpu.memory_space<hbm>>) dst(%dma_wait3A_644 : memref<128x128xf32, #tpu.memory_space<vmem>>)
    %dma_start3A_657 = arith.constant 1 : i32
    %dma_start3A_658 = arith.constant 3 : i32
    %dma_start3A_659 = arith.constant 1 : i32
    %dma_start3A_660 = arith.constant 0 : i32
    %dma_start3A_661 = arith.constant 0 : i32
    %dma_start3A_662 = tpu.memref_slice %arg7[%dma_start3A_657, %dma_start3A_660, %dma_start3A_661] : memref<2x128x128xf32, #tpu.memory_space<vmem>> -> memref<1x128x128xf32, #tpu.memory_space<vmem>>
    %dma_start3A_663 = tpu.memref_squeeze %dma_start3A_662 : memref<1x128x128xf32, #tpu.memory_space<vmem>> -> memref<128x128xf32, #tpu.memory_space<vmem>>
    %dma_start3A_664 = arith.constant 0 : i32
    %dma_start3A_665 = arith.constant 0 : i32
    %dma_start3A_666 = tpu.memref_slice %arg6[%dma_start3A_658, %dma_start3A_664, %dma_start3A_665] : memref<4x2x128xi32, #tpu.memory_space<vmem>> -> memref<1x2x128xi32, #tpu.memory_space<vmem>>
    %dma_start3A_667 = tpu.memref_squeeze %dma_start3A_666 : memref<1x2x128xi32, #tpu.memory_space<vmem>> -> memref<2x128xi32, #tpu.memory_space<vmem>>
    %dma_start3A_668 = arith.constant 0 : i32
    %dma_start3A_669 = tpu.memref_slice %dma_start3A_667[%dma_start3A_659, %dma_start3A_668] : memref<2x128xi32, #tpu.memory_space<vmem>> -> memref<1x128xi32, #tpu.memory_space<vmem>>
    %dma_start3A_670 = tpu.memref_squeeze %dma_start3A_669 : memref<1x128xi32, #tpu.memory_space<vmem>> -> memref<128xi32, #tpu.memory_space<vmem>>
    %dma_start3A_671 = arith.constant 0 : i32
    %dma_start3A_672 = arith.constant 0 : i32
    %dma_start3A_673 = tpu.memref_slice %arg8[%dma_start3A_671, %dma_start3A_672] : memref<10240x128xf32, #tpu.memory_space<vmem_shared>> -> memref<10240x128xf32, #tpu.memory_space<vmem_shared>>
    tpu.enqueue_indirect_dma source(%dma_start3A_663 : memref<128x128xf32, #tpu.memory_space<vmem>>) target(%dma_start3A_673 : memref<10240x128xf32, #tpu.memory_space<vmem_shared>>) offsets(%dma_start3A_670 : memref<128xi32, #tpu.memory_space<vmem>>) semaphore(%arg11 : memref<!tpu.dma_semaphore, #tpu.memory_space<semaphore_mem>>) {add = true}
    %dma_wait3A_674 = arith.constant 1 : i32
    %dma_wait3A_675 = arith.constant 3 : i32
    %dma_wait3A_676 = arith.constant 1 : i32
    %dma_wait3A_677 = arith.constant 0 : i32
    %dma_wait3A_678 = arith.constant 0 : i32
    %dma_wait3A_679 = tpu.memref_slice %arg7[%dma_wait3A_674, %dma_wait3A_677, %dma_wait3A_678] : memref<2x128x128xf32, #tpu.memory_space<vmem>> -> memref<1x128x128xf32, #tpu.memory_space<vmem>>
    %dma_wait3A_680 = tpu.memref_squeeze %dma_wait3A_679 : memref<1x128x128xf32, #tpu.memory_space<vmem>> -> memref<128x128xf32, #tpu.memory_space<vmem>>
    %dma_wait3A_681 = arith.constant 0 : i32
    %dma_wait3A_682 = arith.constant 0 : i32
    %dma_wait3A_683 = tpu.memref_slice %arg6[%dma_wait3A_675, %dma_wait3A_681, %dma_wait3A_682] : memref<4x2x128xi32, #tpu.memory_space<vmem>> -> memref<1x2x128xi32, #tpu.memory_space<vmem>>
    %dma_wait3A_684 = tpu.memref_squeeze %dma_wait3A_683 : memref<1x2x128xi32, #tpu.memory_space<vmem>> -> memref<2x128xi32, #tpu.memory_space<vmem>>
    %dma_wait3A_685 = arith.constant 0 : i32
    %dma_wait3A_686 = tpu.memref_slice %dma_wait3A_684[%dma_wait3A_676, %dma_wait3A_685] : memref<2x128xi32, #tpu.memory_space<vmem>> -> memref<1x128xi32, #tpu.memory_space<vmem>>
    %dma_wait3A_687 = tpu.memref_squeeze %dma_wait3A_686 : memref<1x128xi32, #tpu.memory_space<vmem>> -> memref<128xi32, #tpu.memory_space<vmem>>
    %dma_wait3A_688 = arith.constant 0 : i32
    %dma_wait3A_689 = arith.constant 0 : i32
    %dma_wait3A_690 = tpu.memref_slice %arg8[%dma_wait3A_688, %dma_wait3A_689] : memref<10240x128xf32, #tpu.memory_space<vmem_shared>> -> memref<10240x128xf32, #tpu.memory_space<vmem_shared>>
    tpu.wait_indirect_dma semaphore(%arg11 : memref<!tpu.dma_semaphore, #tpu.memory_space<semaphore_mem>>) src(%dma_wait3A_680 : memref<128x128xf32, #tpu.memory_space<vmem>>) dst(%dma_wait3A_690 : memref<10240x128xf32, #tpu.memory_space<vmem_shared>>)
    %scan3A = arith.constant 0 : i32
    %scan3A_691 = arith.constant 18 : i32
    %scan3A_692 = arith.addi %scan3A, %scan3A_691 : i32
    %scan3A_693 = arith.constant 1 : i32
    scf.for %scan3A_1100 = %scan3A to %scan3A_692 step %scan3A_693  : i32 {
      %mul3A_1101 = arith.constant 1 : i32
      %mul3A_1102 = arith.muli %scan3A_1100, %mul3A_1101 : i32
      %add3A_1103 = arith.constant 1 : i32
      %add3A_1104 = arith.addi %add3A_1103, %mul3A_1102 : i32
      %mul3A_1105 = arith.constant 4 : i32
      %mul3A_1106 = arith.muli %add3A_1104, %mul3A_1105 : i32
      %add3A_1107 = arith.constant 0 : i32
      %add3A_1108 = arith.addi %mul3A_1106, %add3A_1107 : i32
      %dma_wait3A_1109 = arith.constant 0 : i32
      %dma_wait3A_1110 = arith.constant 1 : i32
      %dma_wait3A_1111 = arith.constant 1 : i32
      %dma_wait3A_1112 = arith.constant 0 : i32
      %dma_wait3A_1113 = arith.constant 0 : i32
      %dma_wait3A_1114 = tpu.memref_slice %arg6[%dma_wait3A_1110, %dma_wait3A_1112, %dma_wait3A_1113] : memref<4x2x128xi32, #tpu.memory_space<vmem>> -> memref<1x2x128xi32, #tpu.memory_space<vmem>>
      %dma_wait3A_1115 = tpu.memref_squeeze %dma_wait3A_1114 : memref<1x2x128xi32, #tpu.memory_space<vmem>> -> memref<2x128xi32, #tpu.memory_space<vmem>>
      %dma_wait3A_1116 = arith.constant 0 : i32
      %dma_wait3A_1117 = arith.constant 0 : i32
      %dma_wait3A_1118 = arith.constant 0 : i32
      %dma_wait3A_1119 = tpu.memref_slice %arg3[%add3A, %dma_wait3A_1116, %dma_wait3A_1117, %dma_wait3A_1118] : memref<32x80x2x128xi32, #tpu.memory_space<hbm>> -> memref<1x80x2x128xi32, #tpu.memory_space<hbm>>
      %dma_wait3A_1120 = tpu.memref_squeeze %dma_wait3A_1119 : memref<1x80x2x128xi32, #tpu.memory_space<hbm>> -> memref<80x2x128xi32, #tpu.memory_space<hbm>>
      %dma_wait3A_1121 = arith.constant 0 : i32
      %dma_wait3A_1122 = arith.constant 0 : i32
      %dma_wait3A_1123 = tpu.memref_slice %dma_wait3A_1120[%dma_wait3A_1109, %dma_wait3A_1121, %dma_wait3A_1122] : memref<80x2x128xi32, #tpu.memory_space<hbm>> -> memref<1x2x128xi32, #tpu.memory_space<hbm>>
      %dma_wait3A_1124 = tpu.memref_squeeze %dma_wait3A_1123 : memref<1x2x128xi32, #tpu.memory_space<hbm>> -> memref<2x128xi32, #tpu.memory_space<hbm>>
      %dma_wait3A_1125 = tpu.memref_slice %arg9[%dma_wait3A_1111] : memref<4x!tpu.dma_semaphore, #tpu.memory_space<semaphore_mem>> -> memref<1x!tpu.dma_semaphore, #tpu.memory_space<semaphore_mem>>
      %dma_wait3A_1126 = tpu.memref_squeeze %dma_wait3A_1125 : memref<1x!tpu.dma_semaphore, #tpu.memory_space<semaphore_mem>> -> memref<!tpu.dma_semaphore, #tpu.memory_space<semaphore_mem>>
      %dma_wait3A_1127 = arith.constant 0 : i32
      %dma_wait3A_1128 = arith.constant 0 : i32
      %dma_wait3A_1129 = tpu.memref_slice %arg6[%dma_wait3A_1110, %dma_wait3A_1127, %dma_wait3A_1128] : memref<4x2x128xi32, #tpu.memory_space<vmem>> -> memref<1x2x128xi32, #tpu.memory_space<vmem>>
      %dma_wait3A_1130 = tpu.memref_squeeze %dma_wait3A_1129 : memref<1x2x128xi32, #tpu.memory_space<vmem>> -> memref<2x128xi32, #tpu.memory_space<vmem>>
      %dma_wait3A_1131 = arith.constant 0 : i32
      %dma_wait3A_1132 = arith.constant 0 : i32
      %dma_wait3A_1133 = arith.constant 0 : i32
      %dma_wait3A_1134 = tpu.memref_slice %arg3[%add3A, %dma_wait3A_1131, %dma_wait3A_1132, %dma_wait3A_1133] : memref<32x80x2x128xi32, #tpu.memory_space<hbm>> -> memref<1x80x2x128xi32, #tpu.memory_space<hbm>>
      %dma_wait3A_1135 = tpu.memref_squeeze %dma_wait3A_1134 : memref<1x80x2x128xi32, #tpu.memory_space<hbm>> -> memref<80x2x128xi32, #tpu.memory_space<hbm>>
      %dma_wait3A_1136 = arith.constant 0 : i32
      %dma_wait3A_1137 = arith.constant 0 : i32
      %dma_wait3A_1138 = tpu.memref_slice %dma_wait3A_1135[%dma_wait3A_1109, %dma_wait3A_1136, %dma_wait3A_1137] : memref<80x2x128xi32, #tpu.memory_space<hbm>> -> memref<1x2x128xi32, #tpu.memory_space<hbm>>
      %dma_wait3A_1139 = tpu.memref_squeeze %dma_wait3A_1138 : memref<1x2x128xi32, #tpu.memory_space<hbm>> -> memref<2x128xi32, #tpu.memory_space<hbm>>
      tpu.wait_dma2 semaphore(%dma_wait3A_1126 : memref<!tpu.dma_semaphore, #tpu.memory_space<semaphore_mem>>) src(%dma_wait3A_1139 : memref<2x128xi32, #tpu.memory_space<hbm>>) dst(%dma_wait3A_1130 : memref<2x128xi32, #tpu.memory_space<vmem>>)
      %dma_start3A_1140 = arith.constant 1 : i32
      %dma_start3A_1141 = arith.constant 0 : i32
      %dma_start3A_1142 = arith.constant 1 : i32
      %dma_start3A_1143 = arith.constant 1 : i32
      %dma_start3A_1144 = arith.constant 0 : i32
      %dma_start3A_1145 = arith.constant 0 : i32
      %dma_start3A_1146 = tpu.memref_slice %arg7[%dma_start3A_1142, %dma_start3A_1144, %dma_start3A_1145] : memref<2x128x128xf32, #tpu.memory_space<vmem>> -> memref<1x128x128xf32, #tpu.memory_space<vmem>>
      %dma_start3A_1147 = tpu.memref_squeeze %dma_start3A_1146 : memref<1x128x128xf32, #tpu.memory_space<vmem>> -> memref<128x128xf32, #tpu.memory_space<vmem>>
      %dma_start3A_1148 = arith.constant 0 : i32
      %dma_start3A_1149 = arith.constant 0 : i32
      %dma_start3A_1150 = tpu.memref_slice %arg6[%dma_start3A_1140, %dma_start3A_1148, %dma_start3A_1149] : memref<4x2x128xi32, #tpu.memory_space<vmem>> -> memref<1x2x128xi32, #tpu.memory_space<vmem>>
      %dma_start3A_1151 = tpu.memref_squeeze %dma_start3A_1150 : memref<1x2x128xi32, #tpu.memory_space<vmem>> -> memref<2x128xi32, #tpu.memory_space<vmem>>
      %dma_start3A_1152 = arith.constant 0 : i32
      %dma_start3A_1153 = tpu.memref_slice %dma_start3A_1151[%dma_start3A_1141, %dma_start3A_1152] : memref<2x128xi32, #tpu.memory_space<vmem>> -> memref<1x128xi32, #tpu.memory_space<vmem>>
      %dma_start3A_1154 = tpu.memref_squeeze %dma_start3A_1153 : memref<1x128xi32, #tpu.memory_space<vmem>> -> memref<128xi32, #tpu.memory_space<vmem>>
      %dma_start3A_1155 = arith.constant 0 : i32
      %dma_start3A_1156 = arith.constant 0 : i32
      %dma_start3A_1157 = tpu.memref_slice %arg2[%dma_start3A_1155, %dma_start3A_1156] : memref<10000x128xf32, #tpu.memory_space<hbm>> -> memref<10000x128xf32, #tpu.memory_space<hbm>>
      %dma_start3A_1158 = tpu.memref_slice %arg10[%dma_start3A_1143] : memref<2x!tpu.dma_semaphore, #tpu.memory_space<semaphore_mem>> -> memref<1x!tpu.dma_semaphore, #tpu.memory_space<semaphore_mem>>
      %dma_start3A_1159 = tpu.memref_squeeze %dma_start3A_1158 : memref<1x!tpu.dma_semaphore, #tpu.memory_space<semaphore_mem>> -> memref<!tpu.dma_semaphore, #tpu.memory_space<semaphore_mem>>
      tpu.enqueue_indirect_dma source(%dma_start3A_1157 : memref<10000x128xf32, #tpu.memory_space<hbm>>) target(%dma_start3A_1147 : memref<128x128xf32, #tpu.memory_space<vmem>>) offsets(%dma_start3A_1154 : memref<128xi32, #tpu.memory_space<vmem>>) semaphore(%dma_start3A_1159 : memref<!tpu.dma_semaphore, #tpu.memory_space<semaphore_mem>>)
      %add3A_1160 = arith.constant 3 : i32
      %add3A_1161 = arith.addi %add3A_1108, %add3A_1160 : i32
      %dma_start3A_1162 = arith.constant 3 : i32
      %dma_start3A_1163 = arith.constant 3 : i32
      %dma_start3A_1164 = arith.constant 0 : i32
      %dma_start3A_1165 = arith.constant 0 : i32
      %dma_start3A_1166 = tpu.memref_slice %arg6[%dma_start3A_1162, %dma_start3A_1164, %dma_start3A_1165] : memref<4x2x128xi32, #tpu.memory_space<vmem>> -> memref<1x2x128xi32, #tpu.memory_space<vmem>>
      %dma_start3A_1167 = tpu.memref_squeeze %dma_start3A_1166 : memref<1x2x128xi32, #tpu.memory_space<vmem>> -> memref<2x128xi32, #tpu.memory_space<vmem>>
      %dma_start3A_1168 = arith.constant 0 : i32
      %dma_start3A_1169 = arith.constant 0 : i32
      %dma_start3A_1170 = arith.constant 0 : i32
      %dma_start3A_1171 = tpu.memref_slice %arg3[%add3A, %dma_start3A_1168, %dma_start3A_1169, %dma_start3A_1170] : memref<32x80x2x128xi32, #tpu.memory_space<hbm>> -> memref<1x80x2x128xi32, #tpu.memory_space<hbm>>
      %dma_start3A_1172 = tpu.memref_squeeze %dma_start3A_1171 : memref<1x80x2x128xi32, #tpu.memory_space<hbm>> -> memref<80x2x128xi32, #tpu.memory_space<hbm>>
      %dma_start3A_1173 = arith.constant 0 : i32
      %dma_start3A_1174 = arith.constant 0 : i32
      %dma_start3A_1175 = tpu.memref_slice %dma_start3A_1172[%add3A_1161, %dma_start3A_1173, %dma_start3A_1174] : memref<80x2x128xi32, #tpu.memory_space<hbm>> -> memref<1x2x128xi32, #tpu.memory_space<hbm>>
      %dma_start3A_1176 = tpu.memref_squeeze %dma_start3A_1175 : memref<1x2x128xi32, #tpu.memory_space<hbm>> -> memref<2x128xi32, #tpu.memory_space<hbm>>
      %dma_start3A_1177 = tpu.memref_slice %arg9[%dma_start3A_1163] : memref<4x!tpu.dma_semaphore, #tpu.memory_space<semaphore_mem>> -> memref<1x!tpu.dma_semaphore, #tpu.memory_space<semaphore_mem>>
      %dma_start3A_1178 = tpu.memref_squeeze %dma_start3A_1177 : memref<1x!tpu.dma_semaphore, #tpu.memory_space<semaphore_mem>> -> memref<!tpu.dma_semaphore, #tpu.memory_space<semaphore_mem>>
      %dma_start3A_1179 = arith.constant 0 : i32
      %dma_start3A_1180 = arith.constant 0 : i32
      %dma_start3A_1181 = tpu.memref_slice %arg6[%dma_start3A_1162, %dma_start3A_1179, %dma_start3A_1180] : memref<4x2x128xi32, #tpu.memory_space<vmem>> -> memref<1x2x128xi32, #tpu.memory_space<vmem>>
      %dma_start3A_1182 = tpu.memref_squeeze %dma_start3A_1181 : memref<1x2x128xi32, #tpu.memory_space<vmem>> -> memref<2x128xi32, #tpu.memory_space<vmem>>
      %dma_start3A_1183 = arith.constant 0 : i32
      %dma_start3A_1184 = arith.constant 0 : i32
      %dma_start3A_1185 = arith.constant 0 : i32
      %dma_start3A_1186 = tpu.memref_slice %arg3[%add3A, %dma_start3A_1183, %dma_start3A_1184, %dma_start3A_1185] : memref<32x80x2x128xi32, #tpu.memory_space<hbm>> -> memref<1x80x2x128xi32, #tpu.memory_space<hbm>>
      %dma_start3A_1187 = tpu.memref_squeeze %dma_start3A_1186 : memref<1x80x2x128xi32, #tpu.memory_space<hbm>> -> memref<80x2x128xi32, #tpu.memory_space<hbm>>
      %dma_start3A_1188 = arith.constant 0 : i32
      %dma_start3A_1189 = arith.constant 0 : i32
      %dma_start3A_1190 = tpu.memref_slice %dma_start3A_1187[%add3A_1161, %dma_start3A_1188, %dma_start3A_1189] : memref<80x2x128xi32, #tpu.memory_space<hbm>> -> memref<1x2x128xi32, #tpu.memory_space<hbm>>
      %dma_start3A_1191 = tpu.memref_squeeze %dma_start3A_1190 : memref<1x2x128xi32, #tpu.memory_space<hbm>> -> memref<2x128xi32, #tpu.memory_space<hbm>>
      tpu.enqueue_dma source(%dma_start3A_1191 : memref<2x128xi32, #tpu.memory_space<hbm>>) target(%dma_start3A_1182 : memref<2x128xi32, #tpu.memory_space<vmem>>) target_semaphore(%dma_start3A_1178 : memref<!tpu.dma_semaphore, #tpu.memory_space<semaphore_mem>>)
      %dma_wait3A_1192 = arith.constant 0 : i32
      %dma_wait3A_1193 = arith.constant 0 : i32
      %dma_wait3A_1194 = arith.constant 0 : i32
      %dma_wait3A_1195 = arith.constant 0 : i32
      %dma_wait3A_1196 = arith.constant 0 : i32
      %dma_wait3A_1197 = arith.constant 0 : i32
      %dma_wait3A_1198 = tpu.memref_slice %arg7[%dma_wait3A_1194, %dma_wait3A_1196, %dma_wait3A_1197] : memref<2x128x128xf32, #tpu.memory_space<vmem>> -> memref<1x128x128xf32, #tpu.memory_space<vmem>>
      %dma_wait3A_1199 = tpu.memref_squeeze %dma_wait3A_1198 : memref<1x128x128xf32, #tpu.memory_space<vmem>> -> memref<128x128xf32, #tpu.memory_space<vmem>>
      %dma_wait3A_1200 = arith.constant 0 : i32
      %dma_wait3A_1201 = arith.constant 0 : i32
      %dma_wait3A_1202 = tpu.memref_slice %arg6[%dma_wait3A_1192, %dma_wait3A_1200, %dma_wait3A_1201] : memref<4x2x128xi32, #tpu.memory_space<vmem>> -> memref<1x2x128xi32, #tpu.memory_space<vmem>>
      %dma_wait3A_1203 = tpu.memref_squeeze %dma_wait3A_1202 : memref<1x2x128xi32, #tpu.memory_space<vmem>> -> memref<2x128xi32, #tpu.memory_space<vmem>>
      %dma_wait3A_1204 = arith.constant 0 : i32
      %dma_wait3A_1205 = tpu.memref_slice %dma_wait3A_1203[%dma_wait3A_1193, %dma_wait3A_1204] : memref<2x128xi32, #tpu.memory_space<vmem>> -> memref<1x128xi32, #tpu.memory_space<vmem>>
      %dma_wait3A_1206 = tpu.memref_squeeze %dma_wait3A_1205 : memref<1x128xi32, #tpu.memory_space<vmem>> -> memref<128xi32, #tpu.memory_space<vmem>>
      %dma_wait3A_1207 = arith.constant 0 : i32
      %dma_wait3A_1208 = arith.constant 0 : i32
      %dma_wait3A_1209 = tpu.memref_slice %arg2[%dma_wait3A_1207, %dma_wait3A_1208] : memref<10000x128xf32, #tpu.memory_space<hbm>> -> memref<10000x128xf32, #tpu.memory_space<hbm>>
      %dma_wait3A_1210 = tpu.memref_slice %arg10[%dma_wait3A_1195] : memref<2x!tpu.dma_semaphore, #tpu.memory_space<semaphore_mem>> -> memref<1x!tpu.dma_semaphore, #tpu.memory_space<semaphore_mem>>
      %dma_wait3A_1211 = tpu.memref_squeeze %dma_wait3A_1210 : memref<1x!tpu.dma_semaphore, #tpu.memory_space<semaphore_mem>> -> memref<!tpu.dma_semaphore, #tpu.memory_space<semaphore_mem>>
      tpu.wait_indirect_dma semaphore(%dma_wait3A_1211 : memref<!tpu.dma_semaphore, #tpu.memory_space<semaphore_mem>>) src(%dma_wait3A_1209 : memref<10000x128xf32, #tpu.memory_space<hbm>>) dst(%dma_wait3A_1199 : memref<128x128xf32, #tpu.memory_space<vmem>>)
      %dma_start3A_1212 = arith.constant 0 : i32
      %dma_start3A_1213 = arith.constant 0 : i32
      %dma_start3A_1214 = arith.constant 1 : i32
      %dma_start3A_1215 = arith.constant 0 : i32
      %dma_start3A_1216 = arith.constant 0 : i32
      %dma_start3A_1217 = tpu.memref_slice %arg7[%dma_start3A_1212, %dma_start3A_1215, %dma_start3A_1216] : memref<2x128x128xf32, #tpu.memory_space<vmem>> -> memref<1x128x128xf32, #tpu.memory_space<vmem>>
      %dma_start3A_1218 = tpu.memref_squeeze %dma_start3A_1217 : memref<1x128x128xf32, #tpu.memory_space<vmem>> -> memref<128x128xf32, #tpu.memory_space<vmem>>
      %dma_start3A_1219 = arith.constant 0 : i32
      %dma_start3A_1220 = arith.constant 0 : i32
      %dma_start3A_1221 = tpu.memref_slice %arg6[%dma_start3A_1213, %dma_start3A_1219, %dma_start3A_1220] : memref<4x2x128xi32, #tpu.memory_space<vmem>> -> memref<1x2x128xi32, #tpu.memory_space<vmem>>
      %dma_start3A_1222 = tpu.memref_squeeze %dma_start3A_1221 : memref<1x2x128xi32, #tpu.memory_space<vmem>> -> memref<2x128xi32, #tpu.memory_space<vmem>>
      %dma_start3A_1223 = arith.constant 0 : i32
      %dma_start3A_1224 = tpu.memref_slice %dma_start3A_1222[%dma_start3A_1214, %dma_start3A_1223] : memref<2x128xi32, #tpu.memory_space<vmem>> -> memref<1x128xi32, #tpu.memory_space<vmem>>
      %dma_start3A_1225 = tpu.memref_squeeze %dma_start3A_1224 : memref<1x128xi32, #tpu.memory_space<vmem>> -> memref<128xi32, #tpu.memory_space<vmem>>
      %dma_start3A_1226 = arith.constant 0 : i32
      %dma_start3A_1227 = arith.constant 0 : i32
      %dma_start3A_1228 = tpu.memref_slice %arg8[%dma_start3A_1226, %dma_start3A_1227] : memref<10240x128xf32, #tpu.memory_space<vmem_shared>> -> memref<10240x128xf32, #tpu.memory_space<vmem_shared>>
      tpu.enqueue_indirect_dma source(%dma_start3A_1218 : memref<128x128xf32, #tpu.memory_space<vmem>>) target(%dma_start3A_1228 : memref<10240x128xf32, #tpu.memory_space<vmem_shared>>) offsets(%dma_start3A_1225 : memref<128xi32, #tpu.memory_space<vmem>>) semaphore(%arg11 : memref<!tpu.dma_semaphore, #tpu.memory_space<semaphore_mem>>) {add = true}
      %dma_wait3A_1229 = arith.constant 0 : i32
      %dma_wait3A_1230 = arith.constant 0 : i32
      %dma_wait3A_1231 = arith.constant 1 : i32
      %dma_wait3A_1232 = arith.constant 0 : i32
      %dma_wait3A_1233 = arith.constant 0 : i32
      %dma_wait3A_1234 = tpu.memref_slice %arg7[%dma_wait3A_1229, %dma_wait3A_1232, %dma_wait3A_1233] : memref<2x128x128xf32, #tpu.memory_space<vmem>> -> memref<1x128x128xf32, #tpu.memory_space<vmem>>
      %dma_wait3A_1235 = tpu.memref_squeeze %dma_wait3A_1234 : memref<1x128x128xf32, #tpu.memory_space<vmem>> -> memref<128x128xf32, #tpu.memory_space<vmem>>
      %dma_wait3A_1236 = arith.constant 0 : i32
      %dma_wait3A_1237 = arith.constant 0 : i32
      %dma_wait3A_1238 = tpu.memref_slice %arg6[%dma_wait3A_1230, %dma_wait3A_1236, %dma_wait3A_1237] : memref<4x2x128xi32, #tpu.memory_space<vmem>> -> memref<1x2x128xi32, #tpu.memory_space<vmem>>
      %dma_wait3A_1239 = tpu.memref_squeeze %dma_wait3A_1238 : memref<1x2x128xi32, #tpu.memory_space<vmem>> -> memref<2x128xi32, #tpu.memory_space<vmem>>
      %dma_wait3A_1240 = arith.constant 0 : i32
      %dma_wait3A_1241 = tpu.memref_slice %dma_wait3A_1239[%dma_wait3A_1231, %dma_wait3A_1240] : memref<2x128xi32, #tpu.memory_space<vmem>> -> memref<1x128xi32, #tpu.memory_space<vmem>>
      %dma_wait3A_1242 = tpu.memref_squeeze %dma_wait3A_1241 : memref<1x128xi32, #tpu.memory_space<vmem>> -> memref<128xi32, #tpu.memory_space<vmem>>
      %dma_wait3A_1243 = arith.constant 0 : i32
      %dma_wait3A_1244 = arith.constant 0 : i32
      %dma_wait3A_1245 = tpu.memref_slice %arg8[%dma_wait3A_1243, %dma_wait3A_1244] : memref<10240x128xf32, #tpu.memory_space<vmem_shared>> -> memref<10240x128xf32, #tpu.memory_space<vmem_shared>>
      tpu.wait_indirect_dma semaphore(%arg11 : memref<!tpu.dma_semaphore, #tpu.memory_space<semaphore_mem>>) src(%dma_wait3A_1235 : memref<128x128xf32, #tpu.memory_space<vmem>>) dst(%dma_wait3A_1245 : memref<10240x128xf32, #tpu.memory_space<vmem_shared>>)
      %add3A_1246 = arith.constant 1 : i32
      %add3A_1247 = arith.addi %mul3A_1106, %add3A_1246 : i32
      %dma_wait3A_1248 = arith.constant 0 : i32
      %dma_wait3A_1249 = arith.constant 2 : i32
      %dma_wait3A_1250 = arith.constant 2 : i32
      %dma_wait3A_1251 = arith.constant 0 : i32
      %dma_wait3A_1252 = arith.constant 0 : i32
      %dma_wait3A_1253 = tpu.memref_slice %arg6[%dma_wait3A_1249, %dma_wait3A_1251, %dma_wait3A_1252] : memref<4x2x128xi32, #tpu.memory_space<vmem>> -> memref<1x2x128xi32, #tpu.memory_space<vmem>>
      %dma_wait3A_1254 = tpu.memref_squeeze %dma_wait3A_1253 : memref<1x2x128xi32, #tpu.memory_space<vmem>> -> memref<2x128xi32, #tpu.memory_space<vmem>>
      %dma_wait3A_1255 = arith.constant 0 : i32
      %dma_wait3A_1256 = arith.constant 0 : i32
      %dma_wait3A_1257 = arith.constant 0 : i32
      %dma_wait3A_1258 = tpu.memref_slice %arg3[%add3A, %dma_wait3A_1255, %dma_wait3A_1256, %dma_wait3A_1257] : memref<32x80x2x128xi32, #tpu.memory_space<hbm>> -> memref<1x80x2x128xi32, #tpu.memory_space<hbm>>
      %dma_wait3A_1259 = tpu.memref_squeeze %dma_wait3A_1258 : memref<1x80x2x128xi32, #tpu.memory_space<hbm>> -> memref<80x2x128xi32, #tpu.memory_space<hbm>>
      %dma_wait3A_1260 = arith.constant 0 : i32
      %dma_wait3A_1261 = arith.constant 0 : i32
      %dma_wait3A_1262 = tpu.memref_slice %dma_wait3A_1259[%dma_wait3A_1248, %dma_wait3A_1260, %dma_wait3A_1261] : memref<80x2x128xi32, #tpu.memory_space<hbm>> -> memref<1x2x128xi32, #tpu.memory_space<hbm>>
      %dma_wait3A_1263 = tpu.memref_squeeze %dma_wait3A_1262 : memref<1x2x128xi32, #tpu.memory_space<hbm>> -> memref<2x128xi32, #tpu.memory_space<hbm>>
      %dma_wait3A_1264 = tpu.memref_slice %arg9[%dma_wait3A_1250] : memref<4x!tpu.dma_semaphore, #tpu.memory_space<semaphore_mem>> -> memref<1x!tpu.dma_semaphore, #tpu.memory_space<semaphore_mem>>
      %dma_wait3A_1265 = tpu.memref_squeeze %dma_wait3A_1264 : memref<1x!tpu.dma_semaphore, #tpu.memory_space<semaphore_mem>> -> memref<!tpu.dma_semaphore, #tpu.memory_space<semaphore_mem>>
      %dma_wait3A_1266 = arith.constant 0 : i32
      %dma_wait3A_1267 = arith.constant 0 : i32
      %dma_wait3A_1268 = tpu.memref_slice %arg6[%dma_wait3A_1249, %dma_wait3A_1266, %dma_wait3A_1267] : memref<4x2x128xi32, #tpu.memory_space<vmem>> -> memref<1x2x128xi32, #tpu.memory_space<vmem>>
      %dma_wait3A_1269 = tpu.memref_squeeze %dma_wait3A_1268 : memref<1x2x128xi32, #tpu.memory_space<vmem>> -> memref<2x128xi32, #tpu.memory_space<vmem>>
      %dma_wait3A_1270 = arith.constant 0 : i32
      %dma_wait3A_1271 = arith.constant 0 : i32
      %dma_wait3A_1272 = arith.constant 0 : i32
      %dma_wait3A_1273 = tpu.memref_slice %arg3[%add3A, %dma_wait3A_1270, %dma_wait3A_1271, %dma_wait3A_1272] : memref<32x80x2x128xi32, #tpu.memory_space<hbm>> -> memref<1x80x2x128xi32, #tpu.memory_space<hbm>>
      %dma_wait3A_1274 = tpu.memref_squeeze %dma_wait3A_1273 : memref<1x80x2x128xi32, #tpu.memory_space<hbm>> -> memref<80x2x128xi32, #tpu.memory_space<hbm>>
      %dma_wait3A_1275 = arith.constant 0 : i32
      %dma_wait3A_1276 = arith.constant 0 : i32
      %dma_wait3A_1277 = tpu.memref_slice %dma_wait3A_1274[%dma_wait3A_1248, %dma_wait3A_1275, %dma_wait3A_1276] : memref<80x2x128xi32, #tpu.memory_space<hbm>> -> memref<1x2x128xi32, #tpu.memory_space<hbm>>
      %dma_wait3A_1278 = tpu.memref_squeeze %dma_wait3A_1277 : memref<1x2x128xi32, #tpu.memory_space<hbm>> -> memref<2x128xi32, #tpu.memory_space<hbm>>
      tpu.wait_dma2 semaphore(%dma_wait3A_1265 : memref<!tpu.dma_semaphore, #tpu.memory_space<semaphore_mem>>) src(%dma_wait3A_1278 : memref<2x128xi32, #tpu.memory_space<hbm>>) dst(%dma_wait3A_1269 : memref<2x128xi32, #tpu.memory_space<vmem>>)
      %dma_start3A_1279 = arith.constant 2 : i32
      %dma_start3A_1280 = arith.constant 0 : i32
      %dma_start3A_1281 = arith.constant 0 : i32
      %dma_start3A_1282 = arith.constant 0 : i32
      %dma_start3A_1283 = arith.constant 0 : i32
      %dma_start3A_1284 = arith.constant 0 : i32
      %dma_start3A_1285 = tpu.memref_slice %arg7[%dma_start3A_1281, %dma_start3A_1283, %dma_start3A_1284] : memref<2x128x128xf32, #tpu.memory_space<vmem>> -> memref<1x128x128xf32, #tpu.memory_space<vmem>>
      %dma_start3A_1286 = tpu.memref_squeeze %dma_start3A_1285 : memref<1x128x128xf32, #tpu.memory_space<vmem>> -> memref<128x128xf32, #tpu.memory_space<vmem>>
      %dma_start3A_1287 = arith.constant 0 : i32
      %dma_start3A_1288 = arith.constant 0 : i32
      %dma_start3A_1289 = tpu.memref_slice %arg6[%dma_start3A_1279, %dma_start3A_1287, %dma_start3A_1288] : memref<4x2x128xi32, #tpu.memory_space<vmem>> -> memref<1x2x128xi32, #tpu.memory_space<vmem>>
      %dma_start3A_1290 = tpu.memref_squeeze %dma_start3A_1289 : memref<1x2x128xi32, #tpu.memory_space<vmem>> -> memref<2x128xi32, #tpu.memory_space<vmem>>
      %dma_start3A_1291 = arith.constant 0 : i32
      %dma_start3A_1292 = tpu.memref_slice %dma_start3A_1290[%dma_start3A_1280, %dma_start3A_1291] : memref<2x128xi32, #tpu.memory_space<vmem>> -> memref<1x128xi32, #tpu.memory_space<vmem>>
      %dma_start3A_1293 = tpu.memref_squeeze %dma_start3A_1292 : memref<1x128xi32, #tpu.memory_space<vmem>> -> memref<128xi32, #tpu.memory_space<vmem>>
      %dma_start3A_1294 = arith.constant 0 : i32
      %dma_start3A_1295 = arith.constant 0 : i32
      %dma_start3A_1296 = tpu.memref_slice %arg2[%dma_start3A_1294, %dma_start3A_1295] : memref<10000x128xf32, #tpu.memory_space<hbm>> -> memref<10000x128xf32, #tpu.memory_space<hbm>>
      %dma_start3A_1297 = tpu.memref_slice %arg10[%dma_start3A_1282] : memref<2x!tpu.dma_semaphore, #tpu.memory_space<semaphore_mem>> -> memref<1x!tpu.dma_semaphore, #tpu.memory_space<semaphore_mem>>
      %dma_start3A_1298 = tpu.memref_squeeze %dma_start3A_1297 : memref<1x!tpu.dma_semaphore, #tpu.memory_space<semaphore_mem>> -> memref<!tpu.dma_semaphore, #tpu.memory_space<semaphore_mem>>
      tpu.enqueue_indirect_dma source(%dma_start3A_1296 : memref<10000x128xf32, #tpu.memory_space<hbm>>) target(%dma_start3A_1286 : memref<128x128xf32, #tpu.memory_space<vmem>>) offsets(%dma_start3A_1293 : memref<128xi32, #tpu.memory_space<vmem>>) semaphore(%dma_start3A_1298 : memref<!tpu.dma_semaphore, #tpu.memory_space<semaphore_mem>>)
      %add3A_1299 = arith.constant 3 : i32
      %add3A_1300 = arith.addi %add3A_1247, %add3A_1299 : i32
      %dma_start3A_1301 = arith.constant 0 : i32
      %dma_start3A_1302 = arith.constant 0 : i32
      %dma_start3A_1303 = arith.constant 0 : i32
      %dma_start3A_1304 = arith.constant 0 : i32
      %dma_start3A_1305 = tpu.memref_slice %arg6[%dma_start3A_1301, %dma_start3A_1303, %dma_start3A_1304] : memref<4x2x128xi32, #tpu.memory_space<vmem>> -> memref<1x2x128xi32, #tpu.memory_space<vmem>>
      %dma_start3A_1306 = tpu.memref_squeeze %dma_start3A_1305 : memref<1x2x128xi32, #tpu.memory_space<vmem>> -> memref<2x128xi32, #tpu.memory_space<vmem>>
      %dma_start3A_1307 = arith.constant 0 : i32
      %dma_start3A_1308 = arith.constant 0 : i32
      %dma_start3A_1309 = arith.constant 0 : i32
      %dma_start3A_1310 = tpu.memref_slice %arg3[%add3A, %dma_start3A_1307, %dma_start3A_1308, %dma_start3A_1309] : memref<32x80x2x128xi32, #tpu.memory_space<hbm>> -> memref<1x80x2x128xi32, #tpu.memory_space<hbm>>
      %dma_start3A_1311 = tpu.memref_squeeze %dma_start3A_1310 : memref<1x80x2x128xi32, #tpu.memory_space<hbm>> -> memref<80x2x128xi32, #tpu.memory_space<hbm>>
      %dma_start3A_1312 = arith.constant 0 : i32
      %dma_start3A_1313 = arith.constant 0 : i32
      %dma_start3A_1314 = tpu.memref_slice %dma_start3A_1311[%add3A_1300, %dma_start3A_1312, %dma_start3A_1313] : memref<80x2x128xi32, #tpu.memory_space<hbm>> -> memref<1x2x128xi32, #tpu.memory_space<hbm>>
      %dma_start3A_1315 = tpu.memref_squeeze %dma_start3A_1314 : memref<1x2x128xi32, #tpu.memory_space<hbm>> -> memref<2x128xi32, #tpu.memory_space<hbm>>
      %dma_start3A_1316 = tpu.memref_slice %arg9[%dma_start3A_1302] : memref<4x!tpu.dma_semaphore, #tpu.memory_space<semaphore_mem>> -> memref<1x!tpu.dma_semaphore, #tpu.memory_space<semaphore_mem>>
      %dma_start3A_1317 = tpu.memref_squeeze %dma_start3A_1316 : memref<1x!tpu.dma_semaphore, #tpu.memory_space<semaphore_mem>> -> memref<!tpu.dma_semaphore, #tpu.memory_space<semaphore_mem>>
      %dma_start3A_1318 = arith.constant 0 : i32
      %dma_start3A_1319 = arith.constant 0 : i32
      %dma_start3A_1320 = tpu.memref_slice %arg6[%dma_start3A_1301, %dma_start3A_1318, %dma_start3A_1319] : memref<4x2x128xi32, #tpu.memory_space<vmem>> -> memref<1x2x128xi32, #tpu.memory_space<vmem>>
      %dma_start3A_1321 = tpu.memref_squeeze %dma_start3A_1320 : memref<1x2x128xi32, #tpu.memory_space<vmem>> -> memref<2x128xi32, #tpu.memory_space<vmem>>
      %dma_start3A_1322 = arith.constant 0 : i32
      %dma_start3A_1323 = arith.constant 0 : i32
      %dma_start3A_1324 = arith.constant 0 : i32
      %dma_start3A_1325 = tpu.memref_slice %arg3[%add3A, %dma_start3A_1322, %dma_start3A_1323, %dma_start3A_1324] : memref<32x80x2x128xi32, #tpu.memory_space<hbm>> -> memref<1x80x2x128xi32, #tpu.memory_space<hbm>>
      %dma_start3A_1326 = tpu.memref_squeeze %dma_start3A_1325 : memref<1x80x2x128xi32, #tpu.memory_space<hbm>> -> memref<80x2x128xi32, #tpu.memory_space<hbm>>
      %dma_start3A_1327 = arith.constant 0 : i32
      %dma_start3A_1328 = arith.constant 0 : i32
      %dma_start3A_1329 = tpu.memref_slice %dma_start3A_1326[%add3A_1300, %dma_start3A_1327, %dma_start3A_1328] : memref<80x2x128xi32, #tpu.memory_space<hbm>> -> memref<1x2x128xi32, #tpu.memory_space<hbm>>
      %dma_start3A_1330 = tpu.memref_squeeze %dma_start3A_1329 : memref<1x2x128xi32, #tpu.memory_space<hbm>> -> memref<2x128xi32, #tpu.memory_space<hbm>>
      tpu.enqueue_dma source(%dma_start3A_1330 : memref<2x128xi32, #tpu.memory_space<hbm>>) target(%dma_start3A_1321 : memref<2x128xi32, #tpu.memory_space<vmem>>) target_semaphore(%dma_start3A_1317 : memref<!tpu.dma_semaphore, #tpu.memory_space<semaphore_mem>>)
      %dma_wait3A_1331 = arith.constant 0 : i32
      %dma_wait3A_1332 = arith.constant 0 : i32
      %dma_wait3A_1333 = arith.constant 1 : i32
      %dma_wait3A_1334 = arith.constant 1 : i32
      %dma_wait3A_1335 = arith.constant 0 : i32
      %dma_wait3A_1336 = arith.constant 0 : i32
      %dma_wait3A_1337 = tpu.memref_slice %arg7[%dma_wait3A_1333, %dma_wait3A_1335, %dma_wait3A_1336] : memref<2x128x128xf32, #tpu.memory_space<vmem>> -> memref<1x128x128xf32, #tpu.memory_space<vmem>>
      %dma_wait3A_1338 = tpu.memref_squeeze %dma_wait3A_1337 : memref<1x128x128xf32, #tpu.memory_space<vmem>> -> memref<128x128xf32, #tpu.memory_space<vmem>>
      %dma_wait3A_1339 = arith.constant 0 : i32
      %dma_wait3A_1340 = arith.constant 0 : i32
      %dma_wait3A_1341 = tpu.memref_slice %arg6[%dma_wait3A_1331, %dma_wait3A_1339, %dma_wait3A_1340] : memref<4x2x128xi32, #tpu.memory_space<vmem>> -> memref<1x2x128xi32, #tpu.memory_space<vmem>>
      %dma_wait3A_1342 = tpu.memref_squeeze %dma_wait3A_1341 : memref<1x2x128xi32, #tpu.memory_space<vmem>> -> memref<2x128xi32, #tpu.memory_space<vmem>>
      %dma_wait3A_1343 = arith.constant 0 : i32
      %dma_wait3A_1344 = tpu.memref_slice %dma_wait3A_1342[%dma_wait3A_1332, %dma_wait3A_1343] : memref<2x128xi32, #tpu.memory_space<vmem>> -> memref<1x128xi32, #tpu.memory_space<vmem>>
      %dma_wait3A_1345 = tpu.memref_squeeze %dma_wait3A_1344 : memref<1x128xi32, #tpu.memory_space<vmem>> -> memref<128xi32, #tpu.memory_space<vmem>>
      %dma_wait3A_1346 = arith.constant 0 : i32
      %dma_wait3A_1347 = arith.constant 0 : i32
      %dma_wait3A_1348 = tpu.memref_slice %arg2[%dma_wait3A_1346, %dma_wait3A_1347] : memref<10000x128xf32, #tpu.memory_space<hbm>> -> memref<10000x128xf32, #tpu.memory_space<hbm>>
      %dma_wait3A_1349 = tpu.memref_slice %arg10[%dma_wait3A_1334] : memref<2x!tpu.dma_semaphore, #tpu.memory_space<semaphore_mem>> -> memref<1x!tpu.dma_semaphore, #tpu.memory_space<semaphore_mem>>
      %dma_wait3A_1350 = tpu.memref_squeeze %dma_wait3A_1349 : memref<1x!tpu.dma_semaphore, #tpu.memory_space<semaphore_mem>> -> memref<!tpu.dma_semaphore, #tpu.memory_space<semaphore_mem>>
      tpu.wait_indirect_dma semaphore(%dma_wait3A_1350 : memref<!tpu.dma_semaphore, #tpu.memory_space<semaphore_mem>>) src(%dma_wait3A_1348 : memref<10000x128xf32, #tpu.memory_space<hbm>>) dst(%dma_wait3A_1338 : memref<128x128xf32, #tpu.memory_space<vmem>>)
      %dma_start3A_1351 = arith.constant 1 : i32
      %dma_start3A_1352 = arith.constant 1 : i32
      %dma_start3A_1353 = arith.constant 1 : i32
      %dma_start3A_1354 = arith.constant 0 : i32
      %dma_start3A_1355 = arith.constant 0 : i32
      %dma_start3A_1356 = tpu.memref_slice %arg7[%dma_start3A_1351, %dma_start3A_1354, %dma_start3A_1355] : memref<2x128x128xf32, #tpu.memory_space<vmem>> -> memref<1x128x128xf32, #tpu.memory_space<vmem>>
      %dma_start3A_1357 = tpu.memref_squeeze %dma_start3A_1356 : memref<1x128x128xf32, #tpu.memory_space<vmem>> -> memref<128x128xf32, #tpu.memory_space<vmem>>
      %dma_start3A_1358 = arith.constant 0 : i32
      %dma_start3A_1359 = arith.constant 0 : i32
      %dma_start3A_1360 = tpu.memref_slice %arg6[%dma_start3A_1352, %dma_start3A_1358, %dma_start3A_1359] : memref<4x2x128xi32, #tpu.memory_space<vmem>> -> memref<1x2x128xi32, #tpu.memory_space<vmem>>
      %dma_start3A_1361 = tpu.memref_squeeze %dma_start3A_1360 : memref<1x2x128xi32, #tpu.memory_space<vmem>> -> memref<2x128xi32, #tpu.memory_space<vmem>>
      %dma_start3A_1362 = arith.constant 0 : i32
      %dma_start3A_1363 = tpu.memref_slice %dma_start3A_1361[%dma_start3A_1353, %dma_start3A_1362] : memref<2x128xi32, #tpu.memory_space<vmem>> -> memref<1x128xi32, #tpu.memory_space<vmem>>
      %dma_start3A_1364 = tpu.memref_squeeze %dma_start3A_1363 : memref<1x128xi32, #tpu.memory_space<vmem>> -> memref<128xi32, #tpu.memory_space<vmem>>
      %dma_start3A_1365 = arith.constant 0 : i32
      %dma_start3A_1366 = arith.constant 0 : i32
      %dma_start3A_1367 = tpu.memref_slice %arg8[%dma_start3A_1365, %dma_start3A_1366] : memref<10240x128xf32, #tpu.memory_space<vmem_shared>> -> memref<10240x128xf32, #tpu.memory_space<vmem_shared>>
      tpu.enqueue_indirect_dma source(%dma_start3A_1357 : memref<128x128xf32, #tpu.memory_space<vmem>>) target(%dma_start3A_1367 : memref<10240x128xf32, #tpu.memory_space<vmem_shared>>) offsets(%dma_start3A_1364 : memref<128xi32, #tpu.memory_space<vmem>>) semaphore(%arg11 : memref<!tpu.dma_semaphore, #tpu.memory_space<semaphore_mem>>) {add = true}
      %dma_wait3A_1368 = arith.constant 1 : i32
      %dma_wait3A_1369 = arith.constant 1 : i32
      %dma_wait3A_1370 = arith.constant 1 : i32
      %dma_wait3A_1371 = arith.constant 0 : i32
      %dma_wait3A_1372 = arith.constant 0 : i32
      %dma_wait3A_1373 = tpu.memref_slice %arg7[%dma_wait3A_1368, %dma_wait3A_1371, %dma_wait3A_1372] : memref<2x128x128xf32, #tpu.memory_space<vmem>> -> memref<1x128x128xf32, #tpu.memory_space<vmem>>
      %dma_wait3A_1374 = tpu.memref_squeeze %dma_wait3A_1373 : memref<1x128x128xf32, #tpu.memory_space<vmem>> -> memref<128x128xf32, #tpu.memory_space<vmem>>
      %dma_wait3A_1375 = arith.constant 0 : i32
      %dma_wait3A_1376 = arith.constant 0 : i32
      %dma_wait3A_1377 = tpu.memref_slice %arg6[%dma_wait3A_1369, %dma_wait3A_1375, %dma_wait3A_1376] : memref<4x2x128xi32, #tpu.memory_space<vmem>> -> memref<1x2x128xi32, #tpu.memory_space<vmem>>
      %dma_wait3A_1378 = tpu.memref_squeeze %dma_wait3A_1377 : memref<1x2x128xi32, #tpu.memory_space<vmem>> -> memref<2x128xi32, #tpu.memory_space<vmem>>
      %dma_wait3A_1379 = arith.constant 0 : i32
      %dma_wait3A_1380 = tpu.memref_slice %dma_wait3A_1378[%dma_wait3A_1370, %dma_wait3A_1379] : memref<2x128xi32, #tpu.memory_space<vmem>> -> memref<1x128xi32, #tpu.memory_space<vmem>>
      %dma_wait3A_1381 = tpu.memref_squeeze %dma_wait3A_1380 : memref<1x128xi32, #tpu.memory_space<vmem>> -> memref<128xi32, #tpu.memory_space<vmem>>
      %dma_wait3A_1382 = arith.constant 0 : i32
      %dma_wait3A_1383 = arith.constant 0 : i32
      %dma_wait3A_1384 = tpu.memref_slice %arg8[%dma_wait3A_1382, %dma_wait3A_1383] : memref<10240x128xf32, #tpu.memory_space<vmem_shared>> -> memref<10240x128xf32, #tpu.memory_space<vmem_shared>>
      tpu.wait_indirect_dma semaphore(%arg11 : memref<!tpu.dma_semaphore, #tpu.memory_space<semaphore_mem>>) src(%dma_wait3A_1374 : memref<128x128xf32, #tpu.memory_space<vmem>>) dst(%dma_wait3A_1384 : memref<10240x128xf32, #tpu.memory_space<vmem_shared>>)
      %add3A_1385 = arith.constant 2 : i32
      %add3A_1386 = arith.addi %mul3A_1106, %add3A_1385 : i32
      %dma_wait3A_1387 = arith.constant 0 : i32
      %dma_wait3A_1388 = arith.constant 3 : i32
      %dma_wait3A_1389 = arith.constant 3 : i32
      %dma_wait3A_1390 = arith.constant 0 : i32
      %dma_wait3A_1391 = arith.constant 0 : i32
      %dma_wait3A_1392 = tpu.memref_slice %arg6[%dma_wait3A_1388, %dma_wait3A_1390, %dma_wait3A_1391] : memref<4x2x128xi32, #tpu.memory_space<vmem>> -> memref<1x2x128xi32, #tpu.memory_space<vmem>>
      %dma_wait3A_1393 = tpu.memref_squeeze %dma_wait3A_1392 : memref<1x2x128xi32, #tpu.memory_space<vmem>> -> memref<2x128xi32, #tpu.memory_space<vmem>>
      %dma_wait3A_1394 = arith.constant 0 : i32
      %dma_wait3A_1395 = arith.constant 0 : i32
      %dma_wait3A_1396 = arith.constant 0 : i32
      %dma_wait3A_1397 = tpu.memref_slice %arg3[%add3A, %dma_wait3A_1394, %dma_wait3A_1395, %dma_wait3A_1396] : memref<32x80x2x128xi32, #tpu.memory_space<hbm>> -> memref<1x80x2x128xi32, #tpu.memory_space<hbm>>
      %dma_wait3A_1398 = tpu.memref_squeeze %dma_wait3A_1397 : memref<1x80x2x128xi32, #tpu.memory_space<hbm>> -> memref<80x2x128xi32, #tpu.memory_space<hbm>>
      %dma_wait3A_1399 = arith.constant 0 : i32
      %dma_wait3A_1400 = arith.constant 0 : i32
      %dma_wait3A_1401 = tpu.memref_slice %dma_wait3A_1398[%dma_wait3A_1387, %dma_wait3A_1399, %dma_wait3A_1400] : memref<80x2x128xi32, #tpu.memory_space<hbm>> -> memref<1x2x128xi32, #tpu.memory_space<hbm>>
      %dma_wait3A_1402 = tpu.memref_squeeze %dma_wait3A_1401 : memref<1x2x128xi32, #tpu.memory_space<hbm>> -> memref<2x128xi32, #tpu.memory_space<hbm>>
      %dma_wait3A_1403 = tpu.memref_slice %arg9[%dma_wait3A_1389] : memref<4x!tpu.dma_semaphore, #tpu.memory_space<semaphore_mem>> -> memref<1x!tpu.dma_semaphore, #tpu.memory_space<semaphore_mem>>
      %dma_wait3A_1404 = tpu.memref_squeeze %dma_wait3A_1403 : memref<1x!tpu.dma_semaphore, #tpu.memory_space<semaphore_mem>> -> memref<!tpu.dma_semaphore, #tpu.memory_space<semaphore_mem>>
      %dma_wait3A_1405 = arith.constant 0 : i32
      %dma_wait3A_1406 = arith.constant 0 : i32
      %dma_wait3A_1407 = tpu.memref_slice %arg6[%dma_wait3A_1388, %dma_wait3A_1405, %dma_wait3A_1406] : memref<4x2x128xi32, #tpu.memory_space<vmem>> -> memref<1x2x128xi32, #tpu.memory_space<vmem>>
      %dma_wait3A_1408 = tpu.memref_squeeze %dma_wait3A_1407 : memref<1x2x128xi32, #tpu.memory_space<vmem>> -> memref<2x128xi32, #tpu.memory_space<vmem>>
      %dma_wait3A_1409 = arith.constant 0 : i32
      %dma_wait3A_1410 = arith.constant 0 : i32
      %dma_wait3A_1411 = arith.constant 0 : i32
      %dma_wait3A_1412 = tpu.memref_slice %arg3[%add3A, %dma_wait3A_1409, %dma_wait3A_1410, %dma_wait3A_1411] : memref<32x80x2x128xi32, #tpu.memory_space<hbm>> -> memref<1x80x2x128xi32, #tpu.memory_space<hbm>>
      %dma_wait3A_1413 = tpu.memref_squeeze %dma_wait3A_1412 : memref<1x80x2x128xi32, #tpu.memory_space<hbm>> -> memref<80x2x128xi32, #tpu.memory_space<hbm>>
      %dma_wait3A_1414 = arith.constant 0 : i32
      %dma_wait3A_1415 = arith.constant 0 : i32
      %dma_wait3A_1416 = tpu.memref_slice %dma_wait3A_1413[%dma_wait3A_1387, %dma_wait3A_1414, %dma_wait3A_1415] : memref<80x2x128xi32, #tpu.memory_space<hbm>> -> memref<1x2x128xi32, #tpu.memory_space<hbm>>
      %dma_wait3A_1417 = tpu.memref_squeeze %dma_wait3A_1416 : memref<1x2x128xi32, #tpu.memory_space<hbm>> -> memref<2x128xi32, #tpu.memory_space<hbm>>
      tpu.wait_dma2 semaphore(%dma_wait3A_1404 : memref<!tpu.dma_semaphore, #tpu.memory_space<semaphore_mem>>) src(%dma_wait3A_1417 : memref<2x128xi32, #tpu.memory_space<hbm>>) dst(%dma_wait3A_1408 : memref<2x128xi32, #tpu.memory_space<vmem>>)
      %dma_start3A_1418 = arith.constant 3 : i32
      %dma_start3A_1419 = arith.constant 0 : i32
      %dma_start3A_1420 = arith.constant 1 : i32
      %dma_start3A_1421 = arith.constant 1 : i32
      %dma_start3A_1422 = arith.constant 0 : i32
      %dma_start3A_1423 = arith.constant 0 : i32
      %dma_start3A_1424 = tpu.memref_slice %arg7[%dma_start3A_1420, %dma_start3A_1422, %dma_start3A_1423] : memref<2x128x128xf32, #tpu.memory_space<vmem>> -> memref<1x128x128xf32, #tpu.memory_space<vmem>>
      %dma_start3A_1425 = tpu.memref_squeeze %dma_start3A_1424 : memref<1x128x128xf32, #tpu.memory_space<vmem>> -> memref<128x128xf32, #tpu.memory_space<vmem>>
      %dma_start3A_1426 = arith.constant 0 : i32
      %dma_start3A_1427 = arith.constant 0 : i32
      %dma_start3A_1428 = tpu.memref_slice %arg6[%dma_start3A_1418, %dma_start3A_1426, %dma_start3A_1427] : memref<4x2x128xi32, #tpu.memory_space<vmem>> -> memref<1x2x128xi32, #tpu.memory_space<vmem>>
      %dma_start3A_1429 = tpu.memref_squeeze %dma_start3A_1428 : memref<1x2x128xi32, #tpu.memory_space<vmem>> -> memref<2x128xi32, #tpu.memory_space<vmem>>
      %dma_start3A_1430 = arith.constant 0 : i32
      %dma_start3A_1431 = tpu.memref_slice %dma_start3A_1429[%dma_start3A_1419, %dma_start3A_1430] : memref<2x128xi32, #tpu.memory_space<vmem>> -> memref<1x128xi32, #tpu.memory_space<vmem>>
      %dma_start3A_1432 = tpu.memref_squeeze %dma_start3A_1431 : memref<1x128xi32, #tpu.memory_space<vmem>> -> memref<128xi32, #tpu.memory_space<vmem>>
      %dma_start3A_1433 = arith.constant 0 : i32
      %dma_start3A_1434 = arith.constant 0 : i32
      %dma_start3A_1435 = tpu.memref_slice %arg2[%dma_start3A_1433, %dma_start3A_1434] : memref<10000x128xf32, #tpu.memory_space<hbm>> -> memref<10000x128xf32, #tpu.memory_space<hbm>>
      %dma_start3A_1436 = tpu.memref_slice %arg10[%dma_start3A_1421] : memref<2x!tpu.dma_semaphore, #tpu.memory_space<semaphore_mem>> -> memref<1x!tpu.dma_semaphore, #tpu.memory_space<semaphore_mem>>
      %dma_start3A_1437 = tpu.memref_squeeze %dma_start3A_1436 : memref<1x!tpu.dma_semaphore, #tpu.memory_space<semaphore_mem>> -> memref<!tpu.dma_semaphore, #tpu.memory_space<semaphore_mem>>
      tpu.enqueue_indirect_dma source(%dma_start3A_1435 : memref<10000x128xf32, #tpu.memory_space<hbm>>) target(%dma_start3A_1425 : memref<128x128xf32, #tpu.memory_space<vmem>>) offsets(%dma_start3A_1432 : memref<128xi32, #tpu.memory_space<vmem>>) semaphore(%dma_start3A_1437 : memref<!tpu.dma_semaphore, #tpu.memory_space<semaphore_mem>>)
      %add3A_1438 = arith.constant 3 : i32
      %add3A_1439 = arith.addi %add3A_1386, %add3A_1438 : i32
      %dma_start3A_1440 = arith.constant 1 : i32
      %dma_start3A_1441 = arith.constant 1 : i32
      %dma_start3A_1442 = arith.constant 0 : i32
      %dma_start3A_1443 = arith.constant 0 : i32
      %dma_start3A_1444 = tpu.memref_slice %arg6[%dma_start3A_1440, %dma_start3A_1442, %dma_start3A_1443] : memref<4x2x128xi32, #tpu.memory_space<vmem>> -> memref<1x2x128xi32, #tpu.memory_space<vmem>>
      %dma_start3A_1445 = tpu.memref_squeeze %dma_start3A_1444 : memref<1x2x128xi32, #tpu.memory_space<vmem>> -> memref<2x128xi32, #tpu.memory_space<vmem>>
      %dma_start3A_1446 = arith.constant 0 : i32
      %dma_start3A_1447 = arith.constant 0 : i32
      %dma_start3A_1448 = arith.constant 0 : i32
      %dma_start3A_1449 = tpu.memref_slice %arg3[%add3A, %dma_start3A_1446, %dma_start3A_1447, %dma_start3A_1448] : memref<32x80x2x128xi32, #tpu.memory_space<hbm>> -> memref<1x80x2x128xi32, #tpu.memory_space<hbm>>
      %dma_start3A_1450 = tpu.memref_squeeze %dma_start3A_1449 : memref<1x80x2x128xi32, #tpu.memory_space<hbm>> -> memref<80x2x128xi32, #tpu.memory_space<hbm>>
      %dma_start3A_1451 = arith.constant 0 : i32
      %dma_start3A_1452 = arith.constant 0 : i32
      %dma_start3A_1453 = tpu.memref_slice %dma_start3A_1450[%add3A_1439, %dma_start3A_1451, %dma_start3A_1452] : memref<80x2x128xi32, #tpu.memory_space<hbm>> -> memref<1x2x128xi32, #tpu.memory_space<hbm>>
      %dma_start3A_1454 = tpu.memref_squeeze %dma_start3A_1453 : memref<1x2x128xi32, #tpu.memory_space<hbm>> -> memref<2x128xi32, #tpu.memory_space<hbm>>
      %dma_start3A_1455 = tpu.memref_slice %arg9[%dma_start3A_1441] : memref<4x!tpu.dma_semaphore, #tpu.memory_space<semaphore_mem>> -> memref<1x!tpu.dma_semaphore, #tpu.memory_space<semaphore_mem>>
      %dma_start3A_1456 = tpu.memref_squeeze %dma_start3A_1455 : memref<1x!tpu.dma_semaphore, #tpu.memory_space<semaphore_mem>> -> memref<!tpu.dma_semaphore, #tpu.memory_space<semaphore_mem>>
      %dma_start3A_1457 = arith.constant 0 : i32
      %dma_start3A_1458 = arith.constant 0 : i32
      %dma_start3A_1459 = tpu.memref_slice %arg6[%dma_start3A_1440, %dma_start3A_1457, %dma_start3A_1458] : memref<4x2x128xi32, #tpu.memory_space<vmem>> -> memref<1x2x128xi32, #tpu.memory_space<vmem>>
      %dma_start3A_1460 = tpu.memref_squeeze %dma_start3A_1459 : memref<1x2x128xi32, #tpu.memory_space<vmem>> -> memref<2x128xi32, #tpu.memory_space<vmem>>
      %dma_start3A_1461 = arith.constant 0 : i32
      %dma_start3A_1462 = arith.constant 0 : i32
      %dma_start3A_1463 = arith.constant 0 : i32
      %dma_start3A_1464 = tpu.memref_slice %arg3[%add3A, %dma_start3A_1461, %dma_start3A_1462, %dma_start3A_1463] : memref<32x80x2x128xi32, #tpu.memory_space<hbm>> -> memref<1x80x2x128xi32, #tpu.memory_space<hbm>>
      %dma_start3A_1465 = tpu.memref_squeeze %dma_start3A_1464 : memref<1x80x2x128xi32, #tpu.memory_space<hbm>> -> memref<80x2x128xi32, #tpu.memory_space<hbm>>
      %dma_start3A_1466 = arith.constant 0 : i32
      %dma_start3A_1467 = arith.constant 0 : i32
      %dma_start3A_1468 = tpu.memref_slice %dma_start3A_1465[%add3A_1439, %dma_start3A_1466, %dma_start3A_1467] : memref<80x2x128xi32, #tpu.memory_space<hbm>> -> memref<1x2x128xi32, #tpu.memory_space<hbm>>
      %dma_start3A_1469 = tpu.memref_squeeze %dma_start3A_1468 : memref<1x2x128xi32, #tpu.memory_space<hbm>> -> memref<2x128xi32, #tpu.memory_space<hbm>>
      tpu.enqueue_dma source(%dma_start3A_1469 : memref<2x128xi32, #tpu.memory_space<hbm>>) target(%dma_start3A_1460 : memref<2x128xi32, #tpu.memory_space<vmem>>) target_semaphore(%dma_start3A_1456 : memref<!tpu.dma_semaphore, #tpu.memory_space<semaphore_mem>>)
      %dma_wait3A_1470 = arith.constant 0 : i32
      %dma_wait3A_1471 = arith.constant 0 : i32
      %dma_wait3A_1472 = arith.constant 0 : i32
      %dma_wait3A_1473 = arith.constant 0 : i32
      %dma_wait3A_1474 = arith.constant 0 : i32
      %dma_wait3A_1475 = arith.constant 0 : i32
      %dma_wait3A_1476 = tpu.memref_slice %arg7[%dma_wait3A_1472, %dma_wait3A_1474, %dma_wait3A_1475] : memref<2x128x128xf32, #tpu.memory_space<vmem>> -> memref<1x128x128xf32, #tpu.memory_space<vmem>>
      %dma_wait3A_1477 = tpu.memref_squeeze %dma_wait3A_1476 : memref<1x128x128xf32, #tpu.memory_space<vmem>> -> memref<128x128xf32, #tpu.memory_space<vmem>>
      %dma_wait3A_1478 = arith.constant 0 : i32
      %dma_wait3A_1479 = arith.constant 0 : i32
      %dma_wait3A_1480 = tpu.memref_slice %arg6[%dma_wait3A_1470, %dma_wait3A_1478, %dma_wait3A_1479] : memref<4x2x128xi32, #tpu.memory_space<vmem>> -> memref<1x2x128xi32, #tpu.memory_space<vmem>>
      %dma_wait3A_1481 = tpu.memref_squeeze %dma_wait3A_1480 : memref<1x2x128xi32, #tpu.memory_space<vmem>> -> memref<2x128xi32, #tpu.memory_space<vmem>>
      %dma_wait3A_1482 = arith.constant 0 : i32
      %dma_wait3A_1483 = tpu.memref_slice %dma_wait3A_1481[%dma_wait3A_1471, %dma_wait3A_1482] : memref<2x128xi32, #tpu.memory_space<vmem>> -> memref<1x128xi32, #tpu.memory_space<vmem>>
      %dma_wait3A_1484 = tpu.memref_squeeze %dma_wait3A_1483 : memref<1x128xi32, #tpu.memory_space<vmem>> -> memref<128xi32, #tpu.memory_space<vmem>>
      %dma_wait3A_1485 = arith.constant 0 : i32
      %dma_wait3A_1486 = arith.constant 0 : i32
      %dma_wait3A_1487 = tpu.memref_slice %arg2[%dma_wait3A_1485, %dma_wait3A_1486] : memref<10000x128xf32, #tpu.memory_space<hbm>> -> memref<10000x128xf32, #tpu.memory_space<hbm>>
      %dma_wait3A_1488 = tpu.memref_slice %arg10[%dma_wait3A_1473] : memref<2x!tpu.dma_semaphore, #tpu.memory_space<semaphore_mem>> -> memref<1x!tpu.dma_semaphore, #tpu.memory_space<semaphore_mem>>
      %dma_wait3A_1489 = tpu.memref_squeeze %dma_wait3A_1488 : memref<1x!tpu.dma_semaphore, #tpu.memory_space<semaphore_mem>> -> memref<!tpu.dma_semaphore, #tpu.memory_space<semaphore_mem>>
      tpu.wait_indirect_dma semaphore(%dma_wait3A_1489 : memref<!tpu.dma_semaphore, #tpu.memory_space<semaphore_mem>>) src(%dma_wait3A_1487 : memref<10000x128xf32, #tpu.memory_space<hbm>>) dst(%dma_wait3A_1477 : memref<128x128xf32, #tpu.memory_space<vmem>>)
      %dma_start3A_1490 = arith.constant 0 : i32
      %dma_start3A_1491 = arith.constant 2 : i32
      %dma_start3A_1492 = arith.constant 1 : i32
      %dma_start3A_1493 = arith.constant 0 : i32
      %dma_start3A_1494 = arith.constant 0 : i32
      %dma_start3A_1495 = tpu.memref_slice %arg7[%dma_start3A_1490, %dma_start3A_1493, %dma_start3A_1494] : memref<2x128x128xf32, #tpu.memory_space<vmem>> -> memref<1x128x128xf32, #tpu.memory_space<vmem>>
      %dma_start3A_1496 = tpu.memref_squeeze %dma_start3A_1495 : memref<1x128x128xf32, #tpu.memory_space<vmem>> -> memref<128x128xf32, #tpu.memory_space<vmem>>
      %dma_start3A_1497 = arith.constant 0 : i32
      %dma_start3A_1498 = arith.constant 0 : i32
      %dma_start3A_1499 = tpu.memref_slice %arg6[%dma_start3A_1491, %dma_start3A_1497, %dma_start3A_1498] : memref<4x2x128xi32, #tpu.memory_space<vmem>> -> memref<1x2x128xi32, #tpu.memory_space<vmem>>
      %dma_start3A_1500 = tpu.memref_squeeze %dma_start3A_1499 : memref<1x2x128xi32, #tpu.memory_space<vmem>> -> memref<2x128xi32, #tpu.memory_space<vmem>>
      %dma_start3A_1501 = arith.constant 0 : i32
      %dma_start3A_1502 = tpu.memref_slice %dma_start3A_1500[%dma_start3A_1492, %dma_start3A_1501] : memref<2x128xi32, #tpu.memory_space<vmem>> -> memref<1x128xi32, #tpu.memory_space<vmem>>
      %dma_start3A_1503 = tpu.memref_squeeze %dma_start3A_1502 : memref<1x128xi32, #tpu.memory_space<vmem>> -> memref<128xi32, #tpu.memory_space<vmem>>
      %dma_start3A_1504 = arith.constant 0 : i32
      %dma_start3A_1505 = arith.constant 0 : i32
      %dma_start3A_1506 = tpu.memref_slice %arg8[%dma_start3A_1504, %dma_start3A_1505] : memref<10240x128xf32, #tpu.memory_space<vmem_shared>> -> memref<10240x128xf32, #tpu.memory_space<vmem_shared>>
      tpu.enqueue_indirect_dma source(%dma_start3A_1496 : memref<128x128xf32, #tpu.memory_space<vmem>>) target(%dma_start3A_1506 : memref<10240x128xf32, #tpu.memory_space<vmem_shared>>) offsets(%dma_start3A_1503 : memref<128xi32, #tpu.memory_space<vmem>>) semaphore(%arg11 : memref<!tpu.dma_semaphore, #tpu.memory_space<semaphore_mem>>) {add = true}
      %dma_wait3A_1507 = arith.constant 0 : i32
      %dma_wait3A_1508 = arith.constant 2 : i32
      %dma_wait3A_1509 = arith.constant 1 : i32
      %dma_wait3A_1510 = arith.constant 0 : i32
      %dma_wait3A_1511 = arith.constant 0 : i32
      %dma_wait3A_1512 = tpu.memref_slice %arg7[%dma_wait3A_1507, %dma_wait3A_1510, %dma_wait3A_1511] : memref<2x128x128xf32, #tpu.memory_space<vmem>> -> memref<1x128x128xf32, #tpu.memory_space<vmem>>
      %dma_wait3A_1513 = tpu.memref_squeeze %dma_wait3A_1512 : memref<1x128x128xf32, #tpu.memory_space<vmem>> -> memref<128x128xf32, #tpu.memory_space<vmem>>
      %dma_wait3A_1514 = arith.constant 0 : i32
      %dma_wait3A_1515 = arith.constant 0 : i32
      %dma_wait3A_1516 = tpu.memref_slice %arg6[%dma_wait3A_1508, %dma_wait3A_1514, %dma_wait3A_1515] : memref<4x2x128xi32, #tpu.memory_space<vmem>> -> memref<1x2x128xi32, #tpu.memory_space<vmem>>
      %dma_wait3A_1517 = tpu.memref_squeeze %dma_wait3A_1516 : memref<1x2x128xi32, #tpu.memory_space<vmem>> -> memref<2x128xi32, #tpu.memory_space<vmem>>
      %dma_wait3A_1518 = arith.constant 0 : i32
      %dma_wait3A_1519 = tpu.memref_slice %dma_wait3A_1517[%dma_wait3A_1509, %dma_wait3A_1518] : memref<2x128xi32, #tpu.memory_space<vmem>> -> memref<1x128xi32, #tpu.memory_space<vmem>>
      %dma_wait3A_1520 = tpu.memref_squeeze %dma_wait3A_1519 : memref<1x128xi32, #tpu.memory_space<vmem>> -> memref<128xi32, #tpu.memory_space<vmem>>
      %dma_wait3A_1521 = arith.constant 0 : i32
      %dma_wait3A_1522 = arith.constant 0 : i32
      %dma_wait3A_1523 = tpu.memref_slice %arg8[%dma_wait3A_1521, %dma_wait3A_1522] : memref<10240x128xf32, #tpu.memory_space<vmem_shared>> -> memref<10240x128xf32, #tpu.memory_space<vmem_shared>>
      tpu.wait_indirect_dma semaphore(%arg11 : memref<!tpu.dma_semaphore, #tpu.memory_space<semaphore_mem>>) src(%dma_wait3A_1513 : memref<128x128xf32, #tpu.memory_space<vmem>>) dst(%dma_wait3A_1523 : memref<10240x128xf32, #tpu.memory_space<vmem_shared>>)
      %add3A_1524 = arith.constant 3 : i32
      %add3A_1525 = arith.addi %mul3A_1106, %add3A_1524 : i32
      %dma_wait3A_1526 = arith.constant 0 : i32
      %dma_wait3A_1527 = arith.constant 0 : i32
      %dma_wait3A_1528 = arith.constant 0 : i32
      %dma_wait3A_1529 = arith.constant 0 : i32
      %dma_wait3A_1530 = arith.constant 0 : i32
      %dma_wait3A_1531 = tpu.memref_slice %arg6[%dma_wait3A_1527, %dma_wait3A_1529, %dma_wait3A_1530] : memref<4x2x128xi32, #tpu.memory_space<vmem>> -> memref<1x2x128xi32, #tpu.memory_space<vmem>>
      %dma_wait3A_1532 = tpu.memref_squeeze %dma_wait3A_1531 : memref<1x2x128xi32, #tpu.memory_space<vmem>> -> memref<2x128xi32, #tpu.memory_space<vmem>>
      %dma_wait3A_1533 = arith.constant 0 : i32
      %dma_wait3A_1534 = arith.constant 0 : i32
      %dma_wait3A_1535 = arith.constant 0 : i32
      %dma_wait3A_1536 = tpu.memref_slice %arg3[%add3A, %dma_wait3A_1533, %dma_wait3A_1534, %dma_wait3A_1535] : memref<32x80x2x128xi32, #tpu.memory_space<hbm>> -> memref<1x80x2x128xi32, #tpu.memory_space<hbm>>
      %dma_wait3A_1537 = tpu.memref_squeeze %dma_wait3A_1536 : memref<1x80x2x128xi32, #tpu.memory_space<hbm>> -> memref<80x2x128xi32, #tpu.memory_space<hbm>>
      %dma_wait3A_1538 = arith.constant 0 : i32
      %dma_wait3A_1539 = arith.constant 0 : i32
      %dma_wait3A_1540 = tpu.memref_slice %dma_wait3A_1537[%dma_wait3A_1526, %dma_wait3A_1538, %dma_wait3A_1539] : memref<80x2x128xi32, #tpu.memory_space<hbm>> -> memref<1x2x128xi32, #tpu.memory_space<hbm>>
      %dma_wait3A_1541 = tpu.memref_squeeze %dma_wait3A_1540 : memref<1x2x128xi32, #tpu.memory_space<hbm>> -> memref<2x128xi32, #tpu.memory_space<hbm>>
      %dma_wait3A_1542 = tpu.memref_slice %arg9[%dma_wait3A_1528] : memref<4x!tpu.dma_semaphore, #tpu.memory_space<semaphore_mem>> -> memref<1x!tpu.dma_semaphore, #tpu.memory_space<semaphore_mem>>
      %dma_wait3A_1543 = tpu.memref_squeeze %dma_wait3A_1542 : memref<1x!tpu.dma_semaphore, #tpu.memory_space<semaphore_mem>> -> memref<!tpu.dma_semaphore, #tpu.memory_space<semaphore_mem>>
      %dma_wait3A_1544 = arith.constant 0 : i32
      %dma_wait3A_1545 = arith.constant 0 : i32
      %dma_wait3A_1546 = tpu.memref_slice %arg6[%dma_wait3A_1527, %dma_wait3A_1544, %dma_wait3A_1545] : memref<4x2x128xi32, #tpu.memory_space<vmem>> -> memref<1x2x128xi32, #tpu.memory_space<vmem>>
      %dma_wait3A_1547 = tpu.memref_squeeze %dma_wait3A_1546 : memref<1x2x128xi32, #tpu.memory_space<vmem>> -> memref<2x128xi32, #tpu.memory_space<vmem>>
      %dma_wait3A_1548 = arith.constant 0 : i32
      %dma_wait3A_1549 = arith.constant 0 : i32
      %dma_wait3A_1550 = arith.constant 0 : i32
      %dma_wait3A_1551 = tpu.memref_slice %arg3[%add3A, %dma_wait3A_1548, %dma_wait3A_1549, %dma_wait3A_1550] : memref<32x80x2x128xi32, #tpu.memory_space<hbm>> -> memref<1x80x2x128xi32, #tpu.memory_space<hbm>>
      %dma_wait3A_1552 = tpu.memref_squeeze %dma_wait3A_1551 : memref<1x80x2x128xi32, #tpu.memory_space<hbm>> -> memref<80x2x128xi32, #tpu.memory_space<hbm>>
      %dma_wait3A_1553 = arith.constant 0 : i32
      %dma_wait3A_1554 = arith.constant 0 : i32
      %dma_wait3A_1555 = tpu.memref_slice %dma_wait3A_1552[%dma_wait3A_1526, %dma_wait3A_1553, %dma_wait3A_1554] : memref<80x2x128xi32, #tpu.memory_space<hbm>> -> memref<1x2x128xi32, #tpu.memory_space<hbm>>
      %dma_wait3A_1556 = tpu.memref_squeeze %dma_wait3A_1555 : memref<1x2x128xi32, #tpu.memory_space<hbm>> -> memref<2x128xi32, #tpu.memory_space<hbm>>
      tpu.wait_dma2 semaphore(%dma_wait3A_1543 : memref<!tpu.dma_semaphore, #tpu.memory_space<semaphore_mem>>) src(%dma_wait3A_1556 : memref<2x128xi32, #tpu.memory_space<hbm>>) dst(%dma_wait3A_1547 : memref<2x128xi32, #tpu.memory_space<vmem>>)
      %dma_start3A_1557 = arith.constant 0 : i32
      %dma_start3A_1558 = arith.constant 0 : i32
      %dma_start3A_1559 = arith.constant 0 : i32
      %dma_start3A_1560 = arith.constant 0 : i32
      %dma_start3A_1561 = arith.constant 0 : i32
      %dma_start3A_1562 = arith.constant 0 : i32
      %dma_start3A_1563 = tpu.memref_slice %arg7[%dma_start3A_1559, %dma_start3A_1561, %dma_start3A_1562] : memref<2x128x128xf32, #tpu.memory_space<vmem>> -> memref<1x128x128xf32, #tpu.memory_space<vmem>>
      %dma_start3A_1564 = tpu.memref_squeeze %dma_start3A_1563 : memref<1x128x128xf32, #tpu.memory_space<vmem>> -> memref<128x128xf32, #tpu.memory_space<vmem>>
      %dma_start3A_1565 = arith.constant 0 : i32
      %dma_start3A_1566 = arith.constant 0 : i32
      %dma_start3A_1567 = tpu.memref_slice %arg6[%dma_start3A_1557, %dma_start3A_1565, %dma_start3A_1566] : memref<4x2x128xi32, #tpu.memory_space<vmem>> -> memref<1x2x128xi32, #tpu.memory_space<vmem>>
      %dma_start3A_1568 = tpu.memref_squeeze %dma_start3A_1567 : memref<1x2x128xi32, #tpu.memory_space<vmem>> -> memref<2x128xi32, #tpu.memory_space<vmem>>
      %dma_start3A_1569 = arith.constant 0 : i32
      %dma_start3A_1570 = tpu.memref_slice %dma_start3A_1568[%dma_start3A_1558, %dma_start3A_1569] : memref<2x128xi32, #tpu.memory_space<vmem>> -> memref<1x128xi32, #tpu.memory_space<vmem>>
      %dma_start3A_1571 = tpu.memref_squeeze %dma_start3A_1570 : memref<1x128xi32, #tpu.memory_space<vmem>> -> memref<128xi32, #tpu.memory_space<vmem>>
      %dma_start3A_1572 = arith.constant 0 : i32
      %dma_start3A_1573 = arith.constant 0 : i32
      %dma_start3A_1574 = tpu.memref_slice %arg2[%dma_start3A_1572, %dma_start3A_1573] : memref<10000x128xf32, #tpu.memory_space<hbm>> -> memref<10000x128xf32, #tpu.memory_space<hbm>>
      %dma_start3A_1575 = tpu.memref_slice %arg10[%dma_start3A_1560] : memref<2x!tpu.dma_semaphore, #tpu.memory_space<semaphore_mem>> -> memref<1x!tpu.dma_semaphore, #tpu.memory_space<semaphore_mem>>
      %dma_start3A_1576 = tpu.memref_squeeze %dma_start3A_1575 : memref<1x!tpu.dma_semaphore, #tpu.memory_space<semaphore_mem>> -> memref<!tpu.dma_semaphore, #tpu.memory_space<semaphore_mem>>
      tpu.enqueue_indirect_dma source(%dma_start3A_1574 : memref<10000x128xf32, #tpu.memory_space<hbm>>) target(%dma_start3A_1564 : memref<128x128xf32, #tpu.memory_space<vmem>>) offsets(%dma_start3A_1571 : memref<128xi32, #tpu.memory_space<vmem>>) semaphore(%dma_start3A_1576 : memref<!tpu.dma_semaphore, #tpu.memory_space<semaphore_mem>>)
      %add3A_1577 = arith.constant 3 : i32
      %add3A_1578 = arith.addi %add3A_1525, %add3A_1577 : i32
      %dma_start3A_1579 = arith.constant 2 : i32
      %dma_start3A_1580 = arith.constant 2 : i32
      %dma_start3A_1581 = arith.constant 0 : i32
      %dma_start3A_1582 = arith.constant 0 : i32
      %dma_start3A_1583 = tpu.memref_slice %arg6[%dma_start3A_1579, %dma_start3A_1581, %dma_start3A_1582] : memref<4x2x128xi32, #tpu.memory_space<vmem>> -> memref<1x2x128xi32, #tpu.memory_space<vmem>>
      %dma_start3A_1584 = tpu.memref_squeeze %dma_start3A_1583 : memref<1x2x128xi32, #tpu.memory_space<vmem>> -> memref<2x128xi32, #tpu.memory_space<vmem>>
      %dma_start3A_1585 = arith.constant 0 : i32
      %dma_start3A_1586 = arith.constant 0 : i32
      %dma_start3A_1587 = arith.constant 0 : i32
      %dma_start3A_1588 = tpu.memref_slice %arg3[%add3A, %dma_start3A_1585, %dma_start3A_1586, %dma_start3A_1587] : memref<32x80x2x128xi32, #tpu.memory_space<hbm>> -> memref<1x80x2x128xi32, #tpu.memory_space<hbm>>
      %dma_start3A_1589 = tpu.memref_squeeze %dma_start3A_1588 : memref<1x80x2x128xi32, #tpu.memory_space<hbm>> -> memref<80x2x128xi32, #tpu.memory_space<hbm>>
      %dma_start3A_1590 = arith.constant 0 : i32
      %dma_start3A_1591 = arith.constant 0 : i32
      %dma_start3A_1592 = tpu.memref_slice %dma_start3A_1589[%add3A_1578, %dma_start3A_1590, %dma_start3A_1591] : memref<80x2x128xi32, #tpu.memory_space<hbm>> -> memref<1x2x128xi32, #tpu.memory_space<hbm>>
      %dma_start3A_1593 = tpu.memref_squeeze %dma_start3A_1592 : memref<1x2x128xi32, #tpu.memory_space<hbm>> -> memref<2x128xi32, #tpu.memory_space<hbm>>
      %dma_start3A_1594 = tpu.memref_slice %arg9[%dma_start3A_1580] : memref<4x!tpu.dma_semaphore, #tpu.memory_space<semaphore_mem>> -> memref<1x!tpu.dma_semaphore, #tpu.memory_space<semaphore_mem>>
      %dma_start3A_1595 = tpu.memref_squeeze %dma_start3A_1594 : memref<1x!tpu.dma_semaphore, #tpu.memory_space<semaphore_mem>> -> memref<!tpu.dma_semaphore, #tpu.memory_space<semaphore_mem>>
      %dma_start3A_1596 = arith.constant 0 : i32
      %dma_start3A_1597 = arith.constant 0 : i32
      %dma_start3A_1598 = tpu.memref_slice %arg6[%dma_start3A_1579, %dma_start3A_1596, %dma_start3A_1597] : memref<4x2x128xi32, #tpu.memory_space<vmem>> -> memref<1x2x128xi32, #tpu.memory_space<vmem>>
      %dma_start3A_1599 = tpu.memref_squeeze %dma_start3A_1598 : memref<1x2x128xi32, #tpu.memory_space<vmem>> -> memref<2x128xi32, #tpu.memory_space<vmem>>
      %dma_start3A_1600 = arith.constant 0 : i32
      %dma_start3A_1601 = arith.constant 0 : i32
      %dma_start3A_1602 = arith.constant 0 : i32
      %dma_start3A_1603 = tpu.memref_slice %arg3[%add3A, %dma_start3A_1600, %dma_start3A_1601, %dma_start3A_1602] : memref<32x80x2x128xi32, #tpu.memory_space<hbm>> -> memref<1x80x2x128xi32, #tpu.memory_space<hbm>>
      %dma_start3A_1604 = tpu.memref_squeeze %dma_start3A_1603 : memref<1x80x2x128xi32, #tpu.memory_space<hbm>> -> memref<80x2x128xi32, #tpu.memory_space<hbm>>
      %dma_start3A_1605 = arith.constant 0 : i32
      %dma_start3A_1606 = arith.constant 0 : i32
      %dma_start3A_1607 = tpu.memref_slice %dma_start3A_1604[%add3A_1578, %dma_start3A_1605, %dma_start3A_1606] : memref<80x2x128xi32, #tpu.memory_space<hbm>> -> memref<1x2x128xi32, #tpu.memory_space<hbm>>
      %dma_start3A_1608 = tpu.memref_squeeze %dma_start3A_1607 : memref<1x2x128xi32, #tpu.memory_space<hbm>> -> memref<2x128xi32, #tpu.memory_space<hbm>>
      tpu.enqueue_dma source(%dma_start3A_1608 : memref<2x128xi32, #tpu.memory_space<hbm>>) target(%dma_start3A_1599 : memref<2x128xi32, #tpu.memory_space<vmem>>) target_semaphore(%dma_start3A_1595 : memref<!tpu.dma_semaphore, #tpu.memory_space<semaphore_mem>>)
      %dma_wait3A_1609 = arith.constant 0 : i32
      %dma_wait3A_1610 = arith.constant 0 : i32
      %dma_wait3A_1611 = arith.constant 1 : i32
      %dma_wait3A_1612 = arith.constant 1 : i32
      %dma_wait3A_1613 = arith.constant 0 : i32
      %dma_wait3A_1614 = arith.constant 0 : i32
      %dma_wait3A_1615 = tpu.memref_slice %arg7[%dma_wait3A_1611, %dma_wait3A_1613, %dma_wait3A_1614] : memref<2x128x128xf32, #tpu.memory_space<vmem>> -> memref<1x128x128xf32, #tpu.memory_space<vmem>>
      %dma_wait3A_1616 = tpu.memref_squeeze %dma_wait3A_1615 : memref<1x128x128xf32, #tpu.memory_space<vmem>> -> memref<128x128xf32, #tpu.memory_space<vmem>>
      %dma_wait3A_1617 = arith.constant 0 : i32
      %dma_wait3A_1618 = arith.constant 0 : i32
      %dma_wait3A_1619 = tpu.memref_slice %arg6[%dma_wait3A_1609, %dma_wait3A_1617, %dma_wait3A_1618] : memref<4x2x128xi32, #tpu.memory_space<vmem>> -> memref<1x2x128xi32, #tpu.memory_space<vmem>>
      %dma_wait3A_1620 = tpu.memref_squeeze %dma_wait3A_1619 : memref<1x2x128xi32, #tpu.memory_space<vmem>> -> memref<2x128xi32, #tpu.memory_space<vmem>>
      %dma_wait3A_1621 = arith.constant 0 : i32
      %dma_wait3A_1622 = tpu.memref_slice %dma_wait3A_1620[%dma_wait3A_1610, %dma_wait3A_1621] : memref<2x128xi32, #tpu.memory_space<vmem>> -> memref<1x128xi32, #tpu.memory_space<vmem>>
      %dma_wait3A_1623 = tpu.memref_squeeze %dma_wait3A_1622 : memref<1x128xi32, #tpu.memory_space<vmem>> -> memref<128xi32, #tpu.memory_space<vmem>>
      %dma_wait3A_1624 = arith.constant 0 : i32
      %dma_wait3A_1625 = arith.constant 0 : i32
      %dma_wait3A_1626 = tpu.memref_slice %arg2[%dma_wait3A_1624, %dma_wait3A_1625] : memref<10000x128xf32, #tpu.memory_space<hbm>> -> memref<10000x128xf32, #tpu.memory_space<hbm>>
      %dma_wait3A_1627 = tpu.memref_slice %arg10[%dma_wait3A_1612] : memref<2x!tpu.dma_semaphore, #tpu.memory_space<semaphore_mem>> -> memref<1x!tpu.dma_semaphore, #tpu.memory_space<semaphore_mem>>
      %dma_wait3A_1628 = tpu.memref_squeeze %dma_wait3A_1627 : memref<1x!tpu.dma_semaphore, #tpu.memory_space<semaphore_mem>> -> memref<!tpu.dma_semaphore, #tpu.memory_space<semaphore_mem>>
      tpu.wait_indirect_dma semaphore(%dma_wait3A_1628 : memref<!tpu.dma_semaphore, #tpu.memory_space<semaphore_mem>>) src(%dma_wait3A_1626 : memref<10000x128xf32, #tpu.memory_space<hbm>>) dst(%dma_wait3A_1616 : memref<128x128xf32, #tpu.memory_space<vmem>>)
      %dma_start3A_1629 = arith.constant 1 : i32
      %dma_start3A_1630 = arith.constant 3 : i32
      %dma_start3A_1631 = arith.constant 1 : i32
      %dma_start3A_1632 = arith.constant 0 : i32
      %dma_start3A_1633 = arith.constant 0 : i32
      %dma_start3A_1634 = tpu.memref_slice %arg7[%dma_start3A_1629, %dma_start3A_1632, %dma_start3A_1633] : memref<2x128x128xf32, #tpu.memory_space<vmem>> -> memref<1x128x128xf32, #tpu.memory_space<vmem>>
      %dma_start3A_1635 = tpu.memref_squeeze %dma_start3A_1634 : memref<1x128x128xf32, #tpu.memory_space<vmem>> -> memref<128x128xf32, #tpu.memory_space<vmem>>
      %dma_start3A_1636 = arith.constant 0 : i32
      %dma_start3A_1637 = arith.constant 0 : i32
      %dma_start3A_1638 = tpu.memref_slice %arg6[%dma_start3A_1630, %dma_start3A_1636, %dma_start3A_1637] : memref<4x2x128xi32, #tpu.memory_space<vmem>> -> memref<1x2x128xi32, #tpu.memory_space<vmem>>
      %dma_start3A_1639 = tpu.memref_squeeze %dma_start3A_1638 : memref<1x2x128xi32, #tpu.memory_space<vmem>> -> memref<2x128xi32, #tpu.memory_space<vmem>>
      %dma_start3A_1640 = arith.constant 0 : i32
      %dma_start3A_1641 = tpu.memref_slice %dma_start3A_1639[%dma_start3A_1631, %dma_start3A_1640] : memref<2x128xi32, #tpu.memory_space<vmem>> -> memref<1x128xi32, #tpu.memory_space<vmem>>
      %dma_start3A_1642 = tpu.memref_squeeze %dma_start3A_1641 : memref<1x128xi32, #tpu.memory_space<vmem>> -> memref<128xi32, #tpu.memory_space<vmem>>
      %dma_start3A_1643 = arith.constant 0 : i32
      %dma_start3A_1644 = arith.constant 0 : i32
      %dma_start3A_1645 = tpu.memref_slice %arg8[%dma_start3A_1643, %dma_start3A_1644] : memref<10240x128xf32, #tpu.memory_space<vmem_shared>> -> memref<10240x128xf32, #tpu.memory_space<vmem_shared>>
      tpu.enqueue_indirect_dma source(%dma_start3A_1635 : memref<128x128xf32, #tpu.memory_space<vmem>>) target(%dma_start3A_1645 : memref<10240x128xf32, #tpu.memory_space<vmem_shared>>) offsets(%dma_start3A_1642 : memref<128xi32, #tpu.memory_space<vmem>>) semaphore(%arg11 : memref<!tpu.dma_semaphore, #tpu.memory_space<semaphore_mem>>) {add = true}
      %dma_wait3A_1646 = arith.constant 1 : i32
      %dma_wait3A_1647 = arith.constant 3 : i32
      %dma_wait3A_1648 = arith.constant 1 : i32
      %dma_wait3A_1649 = arith.constant 0 : i32
      %dma_wait3A_1650 = arith.constant 0 : i32
      %dma_wait3A_1651 = tpu.memref_slice %arg7[%dma_wait3A_1646, %dma_wait3A_1649, %dma_wait3A_1650] : memref<2x128x128xf32, #tpu.memory_space<vmem>> -> memref<1x128x128xf32, #tpu.memory_space<vmem>>
      %dma_wait3A_1652 = tpu.memref_squeeze %dma_wait3A_1651 : memref<1x128x128xf32, #tpu.memory_space<vmem>> -> memref<128x128xf32, #tpu.memory_space<vmem>>
      %dma_wait3A_1653 = arith.constant 0 : i32
      %dma_wait3A_1654 = arith.constant 0 : i32
      %dma_wait3A_1655 = tpu.memref_slice %arg6[%dma_wait3A_1647, %dma_wait3A_1653, %dma_wait3A_1654] : memref<4x2x128xi32, #tpu.memory_space<vmem>> -> memref<1x2x128xi32, #tpu.memory_space<vmem>>
      %dma_wait3A_1656 = tpu.memref_squeeze %dma_wait3A_1655 : memref<1x2x128xi32, #tpu.memory_space<vmem>> -> memref<2x128xi32, #tpu.memory_space<vmem>>
      %dma_wait3A_1657 = arith.constant 0 : i32
      %dma_wait3A_1658 = tpu.memref_slice %dma_wait3A_1656[%dma_wait3A_1648, %dma_wait3A_1657] : memref<2x128xi32, #tpu.memory_space<vmem>> -> memref<1x128xi32, #tpu.memory_space<vmem>>
      %dma_wait3A_1659 = tpu.memref_squeeze %dma_wait3A_1658 : memref<1x128xi32, #tpu.memory_space<vmem>> -> memref<128xi32, #tpu.memory_space<vmem>>
      %dma_wait3A_1660 = arith.constant 0 : i32
      %dma_wait3A_1661 = arith.constant 0 : i32
      %dma_wait3A_1662 = tpu.memref_slice %arg8[%dma_wait3A_1660, %dma_wait3A_1661] : memref<10240x128xf32, #tpu.memory_space<vmem_shared>> -> memref<10240x128xf32, #tpu.memory_space<vmem_shared>>
      tpu.wait_indirect_dma semaphore(%arg11 : memref<!tpu.dma_semaphore, #tpu.memory_space<semaphore_mem>>) src(%dma_wait3A_1652 : memref<128x128xf32, #tpu.memory_space<vmem>>) dst(%dma_wait3A_1662 : memref<10240x128xf32, #tpu.memory_space<vmem_shared>>)
    }
    %scan3A_694 = arith.constant 18 : i32
    %dma_wait3A_695 = arith.constant 0 : i32
    %dma_wait3A_696 = arith.constant 1 : i32
    %dma_wait3A_697 = arith.constant 1 : i32
    %dma_wait3A_698 = arith.constant 0 : i32
    %dma_wait3A_699 = arith.constant 0 : i32
    %dma_wait3A_700 = tpu.memref_slice %arg6[%dma_wait3A_696, %dma_wait3A_698, %dma_wait3A_699] : memref<4x2x128xi32, #tpu.memory_space<vmem>> -> memref<1x2x128xi32, #tpu.memory_space<vmem>>
    %dma_wait3A_701 = tpu.memref_squeeze %dma_wait3A_700 : memref<1x2x128xi32, #tpu.memory_space<vmem>> -> memref<2x128xi32, #tpu.memory_space<vmem>>
    %dma_wait3A_702 = arith.constant 0 : i32
    %dma_wait3A_703 = arith.constant 0 : i32
    %dma_wait3A_704 = arith.constant 0 : i32
    %dma_wait3A_705 = tpu.memref_slice %arg3[%add3A, %dma_wait3A_702, %dma_wait3A_703, %dma_wait3A_704] : memref<32x80x2x128xi32, #tpu.memory_space<hbm>> -> memref<1x80x2x128xi32, #tpu.memory_space<hbm>>
    %dma_wait3A_706 = tpu.memref_squeeze %dma_wait3A_705 : memref<1x80x2x128xi32, #tpu.memory_space<hbm>> -> memref<80x2x128xi32, #tpu.memory_space<hbm>>
    %dma_wait3A_707 = arith.constant 0 : i32
    %dma_wait3A_708 = arith.constant 0 : i32
    %dma_wait3A_709 = tpu.memref_slice %dma_wait3A_706[%dma_wait3A_695, %dma_wait3A_707, %dma_wait3A_708] : memref<80x2x128xi32, #tpu.memory_space<hbm>> -> memref<1x2x128xi32, #tpu.memory_space<hbm>>
    %dma_wait3A_710 = tpu.memref_squeeze %dma_wait3A_709 : memref<1x2x128xi32, #tpu.memory_space<hbm>> -> memref<2x128xi32, #tpu.memory_space<hbm>>
    %dma_wait3A_711 = tpu.memref_slice %arg9[%dma_wait3A_697] : memref<4x!tpu.dma_semaphore, #tpu.memory_space<semaphore_mem>> -> memref<1x!tpu.dma_semaphore, #tpu.memory_space<semaphore_mem>>
    %dma_wait3A_712 = tpu.memref_squeeze %dma_wait3A_711 : memref<1x!tpu.dma_semaphore, #tpu.memory_space<semaphore_mem>> -> memref<!tpu.dma_semaphore, #tpu.memory_space<semaphore_mem>>
    %dma_wait3A_713 = arith.constant 0 : i32
    %dma_wait3A_714 = arith.constant 0 : i32
    %dma_wait3A_715 = tpu.memref_slice %arg6[%dma_wait3A_696, %dma_wait3A_713, %dma_wait3A_714] : memref<4x2x128xi32, #tpu.memory_space<vmem>> -> memref<1x2x128xi32, #tpu.memory_space<vmem>>
    %dma_wait3A_716 = tpu.memref_squeeze %dma_wait3A_715 : memref<1x2x128xi32, #tpu.memory_space<vmem>> -> memref<2x128xi32, #tpu.memory_space<vmem>>
    %dma_wait3A_717 = arith.constant 0 : i32
    %dma_wait3A_718 = arith.constant 0 : i32
    %dma_wait3A_719 = arith.constant 0 : i32
    %dma_wait3A_720 = tpu.memref_slice %arg3[%add3A, %dma_wait3A_717, %dma_wait3A_718, %dma_wait3A_719] : memref<32x80x2x128xi32, #tpu.memory_space<hbm>> -> memref<1x80x2x128xi32, #tpu.memory_space<hbm>>
    %dma_wait3A_721 = tpu.memref_squeeze %dma_wait3A_720 : memref<1x80x2x128xi32, #tpu.memory_space<hbm>> -> memref<80x2x128xi32, #tpu.memory_space<hbm>>
    %dma_wait3A_722 = arith.constant 0 : i32
    %dma_wait3A_723 = arith.constant 0 : i32
    %dma_wait3A_724 = tpu.memref_slice %dma_wait3A_721[%dma_wait3A_695, %dma_wait3A_722, %dma_wait3A_723] : memref<80x2x128xi32, #tpu.memory_space<hbm>> -> memref<1x2x128xi32, #tpu.memory_space<hbm>>
    %dma_wait3A_725 = tpu.memref_squeeze %dma_wait3A_724 : memref<1x2x128xi32, #tpu.memory_space<hbm>> -> memref<2x128xi32, #tpu.memory_space<hbm>>
    tpu.wait_dma2 semaphore(%dma_wait3A_712 : memref<!tpu.dma_semaphore, #tpu.memory_space<semaphore_mem>>) src(%dma_wait3A_725 : memref<2x128xi32, #tpu.memory_space<hbm>>) dst(%dma_wait3A_716 : memref<2x128xi32, #tpu.memory_space<vmem>>)
    %dma_start3A_726 = arith.constant 1 : i32
    %dma_start3A_727 = arith.constant 0 : i32
    %dma_start3A_728 = arith.constant 1 : i32
    %dma_start3A_729 = arith.constant 1 : i32
    %dma_start3A_730 = arith.constant 0 : i32
    %dma_start3A_731 = arith.constant 0 : i32
    %dma_start3A_732 = tpu.memref_slice %arg7[%dma_start3A_728, %dma_start3A_730, %dma_start3A_731] : memref<2x128x128xf32, #tpu.memory_space<vmem>> -> memref<1x128x128xf32, #tpu.memory_space<vmem>>
    %dma_start3A_733 = tpu.memref_squeeze %dma_start3A_732 : memref<1x128x128xf32, #tpu.memory_space<vmem>> -> memref<128x128xf32, #tpu.memory_space<vmem>>
    %dma_start3A_734 = arith.constant 0 : i32
    %dma_start3A_735 = arith.constant 0 : i32
    %dma_start3A_736 = tpu.memref_slice %arg6[%dma_start3A_726, %dma_start3A_734, %dma_start3A_735] : memref<4x2x128xi32, #tpu.memory_space<vmem>> -> memref<1x2x128xi32, #tpu.memory_space<vmem>>
    %dma_start3A_737 = tpu.memref_squeeze %dma_start3A_736 : memref<1x2x128xi32, #tpu.memory_space<vmem>> -> memref<2x128xi32, #tpu.memory_space<vmem>>
    %dma_start3A_738 = arith.constant 0 : i32
    %dma_start3A_739 = tpu.memref_slice %dma_start3A_737[%dma_start3A_727, %dma_start3A_738] : memref<2x128xi32, #tpu.memory_space<vmem>> -> memref<1x128xi32, #tpu.memory_space<vmem>>
    %dma_start3A_740 = tpu.memref_squeeze %dma_start3A_739 : memref<1x128xi32, #tpu.memory_space<vmem>> -> memref<128xi32, #tpu.memory_space<vmem>>
    %dma_start3A_741 = arith.constant 0 : i32
    %dma_start3A_742 = arith.constant 0 : i32
    %dma_start3A_743 = tpu.memref_slice %arg2[%dma_start3A_741, %dma_start3A_742] : memref<10000x128xf32, #tpu.memory_space<hbm>> -> memref<10000x128xf32, #tpu.memory_space<hbm>>
    %dma_start3A_744 = tpu.memref_slice %arg10[%dma_start3A_729] : memref<2x!tpu.dma_semaphore, #tpu.memory_space<semaphore_mem>> -> memref<1x!tpu.dma_semaphore, #tpu.memory_space<semaphore_mem>>
    %dma_start3A_745 = tpu.memref_squeeze %dma_start3A_744 : memref<1x!tpu.dma_semaphore, #tpu.memory_space<semaphore_mem>> -> memref<!tpu.dma_semaphore, #tpu.memory_space<semaphore_mem>>
    tpu.enqueue_indirect_dma source(%dma_start3A_743 : memref<10000x128xf32, #tpu.memory_space<hbm>>) target(%dma_start3A_733 : memref<128x128xf32, #tpu.memory_space<vmem>>) offsets(%dma_start3A_740 : memref<128xi32, #tpu.memory_space<vmem>>) semaphore(%dma_start3A_745 : memref<!tpu.dma_semaphore, #tpu.memory_space<semaphore_mem>>)
    %dma_start3A_746 = arith.constant 79 : i32
    %dma_start3A_747 = arith.constant 3 : i32
    %dma_start3A_748 = arith.constant 3 : i32
    %dma_start3A_749 = arith.constant 0 : i32
    %dma_start3A_750 = arith.constant 0 : i32
    %dma_start3A_751 = tpu.memref_slice %arg6[%dma_start3A_747, %dma_start3A_749, %dma_start3A_750] : memref<4x2x128xi32, #tpu.memory_space<vmem>> -> memref<1x2x128xi32, #tpu.memory_space<vmem>>
    %dma_start3A_752 = tpu.memref_squeeze %dma_start3A_751 : memref<1x2x128xi32, #tpu.memory_space<vmem>> -> memref<2x128xi32, #tpu.memory_space<vmem>>
    %dma_start3A_753 = arith.constant 0 : i32
    %dma_start3A_754 = arith.constant 0 : i32
    %dma_start3A_755 = arith.constant 0 : i32
    %dma_start3A_756 = tpu.memref_slice %arg3[%add3A, %dma_start3A_753, %dma_start3A_754, %dma_start3A_755] : memref<32x80x2x128xi32, #tpu.memory_space<hbm>> -> memref<1x80x2x128xi32, #tpu.memory_space<hbm>>
    %dma_start3A_757 = tpu.memref_squeeze %dma_start3A_756 : memref<1x80x2x128xi32, #tpu.memory_space<hbm>> -> memref<80x2x128xi32, #tpu.memory_space<hbm>>
    %dma_start3A_758 = arith.constant 0 : i32
    %dma_start3A_759 = arith.constant 0 : i32
    %dma_start3A_760 = tpu.memref_slice %dma_start3A_757[%dma_start3A_746, %dma_start3A_758, %dma_start3A_759] : memref<80x2x128xi32, #tpu.memory_space<hbm>> -> memref<1x2x128xi32, #tpu.memory_space<hbm>>
    %dma_start3A_761 = tpu.memref_squeeze %dma_start3A_760 : memref<1x2x128xi32, #tpu.memory_space<hbm>> -> memref<2x128xi32, #tpu.memory_space<hbm>>
    %dma_start3A_762 = tpu.memref_slice %arg9[%dma_start3A_748] : memref<4x!tpu.dma_semaphore, #tpu.memory_space<semaphore_mem>> -> memref<1x!tpu.dma_semaphore, #tpu.memory_space<semaphore_mem>>
    %dma_start3A_763 = tpu.memref_squeeze %dma_start3A_762 : memref<1x!tpu.dma_semaphore, #tpu.memory_space<semaphore_mem>> -> memref<!tpu.dma_semaphore, #tpu.memory_space<semaphore_mem>>
    %dma_start3A_764 = arith.constant 0 : i32
    %dma_start3A_765 = arith.constant 0 : i32
    %dma_start3A_766 = tpu.memref_slice %arg6[%dma_start3A_747, %dma_start3A_764, %dma_start3A_765] : memref<4x2x128xi32, #tpu.memory_space<vmem>> -> memref<1x2x128xi32, #tpu.memory_space<vmem>>
    %dma_start3A_767 = tpu.memref_squeeze %dma_start3A_766 : memref<1x2x128xi32, #tpu.memory_space<vmem>> -> memref<2x128xi32, #tpu.memory_space<vmem>>
    %dma_start3A_768 = arith.constant 0 : i32
    %dma_start3A_769 = arith.constant 0 : i32
    %dma_start3A_770 = arith.constant 0 : i32
    %dma_start3A_771 = tpu.memref_slice %arg3[%add3A, %dma_start3A_768, %dma_start3A_769, %dma_start3A_770] : memref<32x80x2x128xi32, #tpu.memory_space<hbm>> -> memref<1x80x2x128xi32, #tpu.memory_space<hbm>>
    %dma_start3A_772 = tpu.memref_squeeze %dma_start3A_771 : memref<1x80x2x128xi32, #tpu.memory_space<hbm>> -> memref<80x2x128xi32, #tpu.memory_space<hbm>>
    %dma_start3A_773 = arith.constant 0 : i32
    %dma_start3A_774 = arith.constant 0 : i32
    %dma_start3A_775 = tpu.memref_slice %dma_start3A_772[%dma_start3A_746, %dma_start3A_773, %dma_start3A_774] : memref<80x2x128xi32, #tpu.memory_space<hbm>> -> memref<1x2x128xi32, #tpu.memory_space<hbm>>
    %dma_start3A_776 = tpu.memref_squeeze %dma_start3A_775 : memref<1x2x128xi32, #tpu.memory_space<hbm>> -> memref<2x128xi32, #tpu.memory_space<hbm>>
    tpu.enqueue_dma source(%dma_start3A_776 : memref<2x128xi32, #tpu.memory_space<hbm>>) target(%dma_start3A_767 : memref<2x128xi32, #tpu.memory_space<vmem>>) target_semaphore(%dma_start3A_763 : memref<!tpu.dma_semaphore, #tpu.memory_space<semaphore_mem>>)
    %dma_wait3A_777 = arith.constant 0 : i32
    %dma_wait3A_778 = arith.constant 0 : i32
    %dma_wait3A_779 = arith.constant 0 : i32
    %dma_wait3A_780 = arith.constant 0 : i32
    %dma_wait3A_781 = arith.constant 0 : i32
    %dma_wait3A_782 = arith.constant 0 : i32
    %dma_wait3A_783 = tpu.memref_slice %arg7[%dma_wait3A_779, %dma_wait3A_781, %dma_wait3A_782] : memref<2x128x128xf32, #tpu.memory_space<vmem>> -> memref<1x128x128xf32, #tpu.memory_space<vmem>>
    %dma_wait3A_784 = tpu.memref_squeeze %dma_wait3A_783 : memref<1x128x128xf32, #tpu.memory_space<vmem>> -> memref<128x128xf32, #tpu.memory_space<vmem>>
    %dma_wait3A_785 = arith.constant 0 : i32
    %dma_wait3A_786 = arith.constant 0 : i32
    %dma_wait3A_787 = tpu.memref_slice %arg6[%dma_wait3A_777, %dma_wait3A_785, %dma_wait3A_786] : memref<4x2x128xi32, #tpu.memory_space<vmem>> -> memref<1x2x128xi32, #tpu.memory_space<vmem>>
    %dma_wait3A_788 = tpu.memref_squeeze %dma_wait3A_787 : memref<1x2x128xi32, #tpu.memory_space<vmem>> -> memref<2x128xi32, #tpu.memory_space<vmem>>
    %dma_wait3A_789 = arith.constant 0 : i32
    %dma_wait3A_790 = tpu.memref_slice %dma_wait3A_788[%dma_wait3A_778, %dma_wait3A_789] : memref<2x128xi32, #tpu.memory_space<vmem>> -> memref<1x128xi32, #tpu.memory_space<vmem>>
    %dma_wait3A_791 = tpu.memref_squeeze %dma_wait3A_790 : memref<1x128xi32, #tpu.memory_space<vmem>> -> memref<128xi32, #tpu.memory_space<vmem>>
    %dma_wait3A_792 = arith.constant 0 : i32
    %dma_wait3A_793 = arith.constant 0 : i32
    %dma_wait3A_794 = tpu.memref_slice %arg2[%dma_wait3A_792, %dma_wait3A_793] : memref<10000x128xf32, #tpu.memory_space<hbm>> -> memref<10000x128xf32, #tpu.memory_space<hbm>>
    %dma_wait3A_795 = tpu.memref_slice %arg10[%dma_wait3A_780] : memref<2x!tpu.dma_semaphore, #tpu.memory_space<semaphore_mem>> -> memref<1x!tpu.dma_semaphore, #tpu.memory_space<semaphore_mem>>
    %dma_wait3A_796 = tpu.memref_squeeze %dma_wait3A_795 : memref<1x!tpu.dma_semaphore, #tpu.memory_space<semaphore_mem>> -> memref<!tpu.dma_semaphore, #tpu.memory_space<semaphore_mem>>
    tpu.wait_indirect_dma semaphore(%dma_wait3A_796 : memref<!tpu.dma_semaphore, #tpu.memory_space<semaphore_mem>>) src(%dma_wait3A_794 : memref<10000x128xf32, #tpu.memory_space<hbm>>) dst(%dma_wait3A_784 : memref<128x128xf32, #tpu.memory_space<vmem>>)
    %dma_start3A_797 = arith.constant 0 : i32
    %dma_start3A_798 = arith.constant 0 : i32
    %dma_start3A_799 = arith.constant 1 : i32
    %dma_start3A_800 = arith.constant 0 : i32
    %dma_start3A_801 = arith.constant 0 : i32
    %dma_start3A_802 = tpu.memref_slice %arg7[%dma_start3A_797, %dma_start3A_800, %dma_start3A_801] : memref<2x128x128xf32, #tpu.memory_space<vmem>> -> memref<1x128x128xf32, #tpu.memory_space<vmem>>
    %dma_start3A_803 = tpu.memref_squeeze %dma_start3A_802 : memref<1x128x128xf32, #tpu.memory_space<vmem>> -> memref<128x128xf32, #tpu.memory_space<vmem>>
    %dma_start3A_804 = arith.constant 0 : i32
    %dma_start3A_805 = arith.constant 0 : i32
    %dma_start3A_806 = tpu.memref_slice %arg6[%dma_start3A_798, %dma_start3A_804, %dma_start3A_805] : memref<4x2x128xi32, #tpu.memory_space<vmem>> -> memref<1x2x128xi32, #tpu.memory_space<vmem>>
    %dma_start3A_807 = tpu.memref_squeeze %dma_start3A_806 : memref<1x2x128xi32, #tpu.memory_space<vmem>> -> memref<2x128xi32, #tpu.memory_space<vmem>>
    %dma_start3A_808 = arith.constant 0 : i32
    %dma_start3A_809 = tpu.memref_slice %dma_start3A_807[%dma_start3A_799, %dma_start3A_808] : memref<2x128xi32, #tpu.memory_space<vmem>> -> memref<1x128xi32, #tpu.memory_space<vmem>>
    %dma_start3A_810 = tpu.memref_squeeze %dma_start3A_809 : memref<1x128xi32, #tpu.memory_space<vmem>> -> memref<128xi32, #tpu.memory_space<vmem>>
    %dma_start3A_811 = arith.constant 0 : i32
    %dma_start3A_812 = arith.constant 0 : i32
    %dma_start3A_813 = tpu.memref_slice %arg8[%dma_start3A_811, %dma_start3A_812] : memref<10240x128xf32, #tpu.memory_space<vmem_shared>> -> memref<10240x128xf32, #tpu.memory_space<vmem_shared>>
    tpu.enqueue_indirect_dma source(%dma_start3A_803 : memref<128x128xf32, #tpu.memory_space<vmem>>) target(%dma_start3A_813 : memref<10240x128xf32, #tpu.memory_space<vmem_shared>>) offsets(%dma_start3A_810 : memref<128xi32, #tpu.memory_space<vmem>>) semaphore(%arg11 : memref<!tpu.dma_semaphore, #tpu.memory_space<semaphore_mem>>) {add = true}
    %dma_wait3A_814 = arith.constant 0 : i32
    %dma_wait3A_815 = arith.constant 0 : i32
    %dma_wait3A_816 = arith.constant 1 : i32
    %dma_wait3A_817 = arith.constant 0 : i32
    %dma_wait3A_818 = arith.constant 0 : i32
    %dma_wait3A_819 = tpu.memref_slice %arg7[%dma_wait3A_814, %dma_wait3A_817, %dma_wait3A_818] : memref<2x128x128xf32, #tpu.memory_space<vmem>> -> memref<1x128x128xf32, #tpu.memory_space<vmem>>
    %dma_wait3A_820 = tpu.memref_squeeze %dma_wait3A_819 : memref<1x128x128xf32, #tpu.memory_space<vmem>> -> memref<128x128xf32, #tpu.memory_space<vmem>>
    %dma_wait3A_821 = arith.constant 0 : i32
    %dma_wait3A_822 = arith.constant 0 : i32
    %dma_wait3A_823 = tpu.memref_slice %arg6[%dma_wait3A_815, %dma_wait3A_821, %dma_wait3A_822] : memref<4x2x128xi32, #tpu.memory_space<vmem>> -> memref<1x2x128xi32, #tpu.memory_space<vmem>>
    %dma_wait3A_824 = tpu.memref_squeeze %dma_wait3A_823 : memref<1x2x128xi32, #tpu.memory_space<vmem>> -> memref<2x128xi32, #tpu.memory_space<vmem>>
    %dma_wait3A_825 = arith.constant 0 : i32
    %dma_wait3A_826 = tpu.memref_slice %dma_wait3A_824[%dma_wait3A_816, %dma_wait3A_825] : memref<2x128xi32, #tpu.memory_space<vmem>> -> memref<1x128xi32, #tpu.memory_space<vmem>>
    %dma_wait3A_827 = tpu.memref_squeeze %dma_wait3A_826 : memref<1x128xi32, #tpu.memory_space<vmem>> -> memref<128xi32, #tpu.memory_space<vmem>>
    %dma_wait3A_828 = arith.constant 0 : i32
    %dma_wait3A_829 = arith.constant 0 : i32
    %dma_wait3A_830 = tpu.memref_slice %arg8[%dma_wait3A_828, %dma_wait3A_829] : memref<10240x128xf32, #tpu.memory_space<vmem_shared>> -> memref<10240x128xf32, #tpu.memory_space<vmem_shared>>
    tpu.wait_indirect_dma semaphore(%arg11 : memref<!tpu.dma_semaphore, #tpu.memory_space<semaphore_mem>>) src(%dma_wait3A_820 : memref<128x128xf32, #tpu.memory_space<vmem>>) dst(%dma_wait3A_830 : memref<10240x128xf32, #tpu.memory_space<vmem_shared>>)
    %dma_wait3A_831 = arith.constant 0 : i32
    %dma_wait3A_832 = arith.constant 2 : i32
    %dma_wait3A_833 = arith.constant 2 : i32
    %dma_wait3A_834 = arith.constant 0 : i32
    %dma_wait3A_835 = arith.constant 0 : i32
    %dma_wait3A_836 = tpu.memref_slice %arg6[%dma_wait3A_832, %dma_wait3A_834, %dma_wait3A_835] : memref<4x2x128xi32, #tpu.memory_space<vmem>> -> memref<1x2x128xi32, #tpu.memory_space<vmem>>
    %dma_wait3A_837 = tpu.memref_squeeze %dma_wait3A_836 : memref<1x2x128xi32, #tpu.memory_space<vmem>> -> memref<2x128xi32, #tpu.memory_space<vmem>>
    %dma_wait3A_838 = arith.constant 0 : i32
    %dma_wait3A_839 = arith.constant 0 : i32
    %dma_wait3A_840 = arith.constant 0 : i32
    %dma_wait3A_841 = tpu.memref_slice %arg3[%add3A, %dma_wait3A_838, %dma_wait3A_839, %dma_wait3A_840] : memref<32x80x2x128xi32, #tpu.memory_space<hbm>> -> memref<1x80x2x128xi32, #tpu.memory_space<hbm>>
    %dma_wait3A_842 = tpu.memref_squeeze %dma_wait3A_841 : memref<1x80x2x128xi32, #tpu.memory_space<hbm>> -> memref<80x2x128xi32, #tpu.memory_space<hbm>>
    %dma_wait3A_843 = arith.constant 0 : i32
    %dma_wait3A_844 = arith.constant 0 : i32
    %dma_wait3A_845 = tpu.memref_slice %dma_wait3A_842[%dma_wait3A_831, %dma_wait3A_843, %dma_wait3A_844] : memref<80x2x128xi32, #tpu.memory_space<hbm>> -> memref<1x2x128xi32, #tpu.memory_space<hbm>>
    %dma_wait3A_846 = tpu.memref_squeeze %dma_wait3A_845 : memref<1x2x128xi32, #tpu.memory_space<hbm>> -> memref<2x128xi32, #tpu.memory_space<hbm>>
    %dma_wait3A_847 = tpu.memref_slice %arg9[%dma_wait3A_833] : memref<4x!tpu.dma_semaphore, #tpu.memory_space<semaphore_mem>> -> memref<1x!tpu.dma_semaphore, #tpu.memory_space<semaphore_mem>>
    %dma_wait3A_848 = tpu.memref_squeeze %dma_wait3A_847 : memref<1x!tpu.dma_semaphore, #tpu.memory_space<semaphore_mem>> -> memref<!tpu.dma_semaphore, #tpu.memory_space<semaphore_mem>>
    %dma_wait3A_849 = arith.constant 0 : i32
    %dma_wait3A_850 = arith.constant 0 : i32
    %dma_wait3A_851 = tpu.memref_slice %arg6[%dma_wait3A_832, %dma_wait3A_849, %dma_wait3A_850] : memref<4x2x128xi32, #tpu.memory_space<vmem>> -> memref<1x2x128xi32, #tpu.memory_space<vmem>>
    %dma_wait3A_852 = tpu.memref_squeeze %dma_wait3A_851 : memref<1x2x128xi32, #tpu.memory_space<vmem>> -> memref<2x128xi32, #tpu.memory_space<vmem>>
    %dma_wait3A_853 = arith.constant 0 : i32
    %dma_wait3A_854 = arith.constant 0 : i32
    %dma_wait3A_855 = arith.constant 0 : i32
    %dma_wait3A_856 = tpu.memref_slice %arg3[%add3A, %dma_wait3A_853, %dma_wait3A_854, %dma_wait3A_855] : memref<32x80x2x128xi32, #tpu.memory_space<hbm>> -> memref<1x80x2x128xi32, #tpu.memory_space<hbm>>
    %dma_wait3A_857 = tpu.memref_squeeze %dma_wait3A_856 : memref<1x80x2x128xi32, #tpu.memory_space<hbm>> -> memref<80x2x128xi32, #tpu.memory_space<hbm>>
    %dma_wait3A_858 = arith.constant 0 : i32
    %dma_wait3A_859 = arith.constant 0 : i32
    %dma_wait3A_860 = tpu.memref_slice %dma_wait3A_857[%dma_wait3A_831, %dma_wait3A_858, %dma_wait3A_859] : memref<80x2x128xi32, #tpu.memory_space<hbm>> -> memref<1x2x128xi32, #tpu.memory_space<hbm>>
    %dma_wait3A_861 = tpu.memref_squeeze %dma_wait3A_860 : memref<1x2x128xi32, #tpu.memory_space<hbm>> -> memref<2x128xi32, #tpu.memory_space<hbm>>
    tpu.wait_dma2 semaphore(%dma_wait3A_848 : memref<!tpu.dma_semaphore, #tpu.memory_space<semaphore_mem>>) src(%dma_wait3A_861 : memref<2x128xi32, #tpu.memory_space<hbm>>) dst(%dma_wait3A_852 : memref<2x128xi32, #tpu.memory_space<vmem>>)
    %dma_start3A_862 = arith.constant 2 : i32
    %dma_start3A_863 = arith.constant 0 : i32
    %dma_start3A_864 = arith.constant 0 : i32
    %dma_start3A_865 = arith.constant 0 : i32
    %dma_start3A_866 = arith.constant 0 : i32
    %dma_start3A_867 = arith.constant 0 : i32
    %dma_start3A_868 = tpu.memref_slice %arg7[%dma_start3A_864, %dma_start3A_866, %dma_start3A_867] : memref<2x128x128xf32, #tpu.memory_space<vmem>> -> memref<1x128x128xf32, #tpu.memory_space<vmem>>
    %dma_start3A_869 = tpu.memref_squeeze %dma_start3A_868 : memref<1x128x128xf32, #tpu.memory_space<vmem>> -> memref<128x128xf32, #tpu.memory_space<vmem>>
    %dma_start3A_870 = arith.constant 0 : i32
    %dma_start3A_871 = arith.constant 0 : i32
    %dma_start3A_872 = tpu.memref_slice %arg6[%dma_start3A_862, %dma_start3A_870, %dma_start3A_871] : memref<4x2x128xi32, #tpu.memory_space<vmem>> -> memref<1x2x128xi32, #tpu.memory_space<vmem>>
    %dma_start3A_873 = tpu.memref_squeeze %dma_start3A_872 : memref<1x2x128xi32, #tpu.memory_space<vmem>> -> memref<2x128xi32, #tpu.memory_space<vmem>>
    %dma_start3A_874 = arith.constant 0 : i32
    %dma_start3A_875 = tpu.memref_slice %dma_start3A_873[%dma_start3A_863, %dma_start3A_874] : memref<2x128xi32, #tpu.memory_space<vmem>> -> memref<1x128xi32, #tpu.memory_space<vmem>>
    %dma_start3A_876 = tpu.memref_squeeze %dma_start3A_875 : memref<1x128xi32, #tpu.memory_space<vmem>> -> memref<128xi32, #tpu.memory_space<vmem>>
    %dma_start3A_877 = arith.constant 0 : i32
    %dma_start3A_878 = arith.constant 0 : i32
    %dma_start3A_879 = tpu.memref_slice %arg2[%dma_start3A_877, %dma_start3A_878] : memref<10000x128xf32, #tpu.memory_space<hbm>> -> memref<10000x128xf32, #tpu.memory_space<hbm>>
    %dma_start3A_880 = tpu.memref_slice %arg10[%dma_start3A_865] : memref<2x!tpu.dma_semaphore, #tpu.memory_space<semaphore_mem>> -> memref<1x!tpu.dma_semaphore, #tpu.memory_space<semaphore_mem>>
    %dma_start3A_881 = tpu.memref_squeeze %dma_start3A_880 : memref<1x!tpu.dma_semaphore, #tpu.memory_space<semaphore_mem>> -> memref<!tpu.dma_semaphore, #tpu.memory_space<semaphore_mem>>
    tpu.enqueue_indirect_dma source(%dma_start3A_879 : memref<10000x128xf32, #tpu.memory_space<hbm>>) target(%dma_start3A_869 : memref<128x128xf32, #tpu.memory_space<vmem>>) offsets(%dma_start3A_876 : memref<128xi32, #tpu.memory_space<vmem>>) semaphore(%dma_start3A_881 : memref<!tpu.dma_semaphore, #tpu.memory_space<semaphore_mem>>)
    %dma_wait3A_882 = arith.constant 0 : i32
    %dma_wait3A_883 = arith.constant 0 : i32
    %dma_wait3A_884 = arith.constant 1 : i32
    %dma_wait3A_885 = arith.constant 1 : i32
    %dma_wait3A_886 = arith.constant 0 : i32
    %dma_wait3A_887 = arith.constant 0 : i32
    %dma_wait3A_888 = tpu.memref_slice %arg7[%dma_wait3A_884, %dma_wait3A_886, %dma_wait3A_887] : memref<2x128x128xf32, #tpu.memory_space<vmem>> -> memref<1x128x128xf32, #tpu.memory_space<vmem>>
    %dma_wait3A_889 = tpu.memref_squeeze %dma_wait3A_888 : memref<1x128x128xf32, #tpu.memory_space<vmem>> -> memref<128x128xf32, #tpu.memory_space<vmem>>
    %dma_wait3A_890 = arith.constant 0 : i32
    %dma_wait3A_891 = arith.constant 0 : i32
    %dma_wait3A_892 = tpu.memref_slice %arg6[%dma_wait3A_882, %dma_wait3A_890, %dma_wait3A_891] : memref<4x2x128xi32, #tpu.memory_space<vmem>> -> memref<1x2x128xi32, #tpu.memory_space<vmem>>
    %dma_wait3A_893 = tpu.memref_squeeze %dma_wait3A_892 : memref<1x2x128xi32, #tpu.memory_space<vmem>> -> memref<2x128xi32, #tpu.memory_space<vmem>>
    %dma_wait3A_894 = arith.constant 0 : i32
    %dma_wait3A_895 = tpu.memref_slice %dma_wait3A_893[%dma_wait3A_883, %dma_wait3A_894] : memref<2x128xi32, #tpu.memory_space<vmem>> -> memref<1x128xi32, #tpu.memory_space<vmem>>
    %dma_wait3A_896 = tpu.memref_squeeze %dma_wait3A_895 : memref<1x128xi32, #tpu.memory_space<vmem>> -> memref<128xi32, #tpu.memory_space<vmem>>
    %dma_wait3A_897 = arith.constant 0 : i32
    %dma_wait3A_898 = arith.constant 0 : i32
    %dma_wait3A_899 = tpu.memref_slice %arg2[%dma_wait3A_897, %dma_wait3A_898] : memref<10000x128xf32, #tpu.memory_space<hbm>> -> memref<10000x128xf32, #tpu.memory_space<hbm>>
    %dma_wait3A_900 = tpu.memref_slice %arg10[%dma_wait3A_885] : memref<2x!tpu.dma_semaphore, #tpu.memory_space<semaphore_mem>> -> memref<1x!tpu.dma_semaphore, #tpu.memory_space<semaphore_mem>>
    %dma_wait3A_901 = tpu.memref_squeeze %dma_wait3A_900 : memref<1x!tpu.dma_semaphore, #tpu.memory_space<semaphore_mem>> -> memref<!tpu.dma_semaphore, #tpu.memory_space<semaphore_mem>>
    tpu.wait_indirect_dma semaphore(%dma_wait3A_901 : memref<!tpu.dma_semaphore, #tpu.memory_space<semaphore_mem>>) src(%dma_wait3A_899 : memref<10000x128xf32, #tpu.memory_space<hbm>>) dst(%dma_wait3A_889 : memref<128x128xf32, #tpu.memory_space<vmem>>)
    %dma_start3A_902 = arith.constant 1 : i32
    %dma_start3A_903 = arith.constant 1 : i32
    %dma_start3A_904 = arith.constant 1 : i32
    %dma_start3A_905 = arith.constant 0 : i32
    %dma_start3A_906 = arith.constant 0 : i32
    %dma_start3A_907 = tpu.memref_slice %arg7[%dma_start3A_902, %dma_start3A_905, %dma_start3A_906] : memref<2x128x128xf32, #tpu.memory_space<vmem>> -> memref<1x128x128xf32, #tpu.memory_space<vmem>>
    %dma_start3A_908 = tpu.memref_squeeze %dma_start3A_907 : memref<1x128x128xf32, #tpu.memory_space<vmem>> -> memref<128x128xf32, #tpu.memory_space<vmem>>
    %dma_start3A_909 = arith.constant 0 : i32
    %dma_start3A_910 = arith.constant 0 : i32
    %dma_start3A_911 = tpu.memref_slice %arg6[%dma_start3A_903, %dma_start3A_909, %dma_start3A_910] : memref<4x2x128xi32, #tpu.memory_space<vmem>> -> memref<1x2x128xi32, #tpu.memory_space<vmem>>
    %dma_start3A_912 = tpu.memref_squeeze %dma_start3A_911 : memref<1x2x128xi32, #tpu.memory_space<vmem>> -> memref<2x128xi32, #tpu.memory_space<vmem>>
    %dma_start3A_913 = arith.constant 0 : i32
    %dma_start3A_914 = tpu.memref_slice %dma_start3A_912[%dma_start3A_904, %dma_start3A_913] : memref<2x128xi32, #tpu.memory_space<vmem>> -> memref<1x128xi32, #tpu.memory_space<vmem>>
    %dma_start3A_915 = tpu.memref_squeeze %dma_start3A_914 : memref<1x128xi32, #tpu.memory_space<vmem>> -> memref<128xi32, #tpu.memory_space<vmem>>
    %dma_start3A_916 = arith.constant 0 : i32
    %dma_start3A_917 = arith.constant 0 : i32
    %dma_start3A_918 = tpu.memref_slice %arg8[%dma_start3A_916, %dma_start3A_917] : memref<10240x128xf32, #tpu.memory_space<vmem_shared>> -> memref<10240x128xf32, #tpu.memory_space<vmem_shared>>
    tpu.enqueue_indirect_dma source(%dma_start3A_908 : memref<128x128xf32, #tpu.memory_space<vmem>>) target(%dma_start3A_918 : memref<10240x128xf32, #tpu.memory_space<vmem_shared>>) offsets(%dma_start3A_915 : memref<128xi32, #tpu.memory_space<vmem>>) semaphore(%arg11 : memref<!tpu.dma_semaphore, #tpu.memory_space<semaphore_mem>>) {add = true}
    %dma_wait3A_919 = arith.constant 1 : i32
    %dma_wait3A_920 = arith.constant 1 : i32
    %dma_wait3A_921 = arith.constant 1 : i32
    %dma_wait3A_922 = arith.constant 0 : i32
    %dma_wait3A_923 = arith.constant 0 : i32
    %dma_wait3A_924 = tpu.memref_slice %arg7[%dma_wait3A_919, %dma_wait3A_922, %dma_wait3A_923] : memref<2x128x128xf32, #tpu.memory_space<vmem>> -> memref<1x128x128xf32, #tpu.memory_space<vmem>>
    %dma_wait3A_925 = tpu.memref_squeeze %dma_wait3A_924 : memref<1x128x128xf32, #tpu.memory_space<vmem>> -> memref<128x128xf32, #tpu.memory_space<vmem>>
    %dma_wait3A_926 = arith.constant 0 : i32
    %dma_wait3A_927 = arith.constant 0 : i32
    %dma_wait3A_928 = tpu.memref_slice %arg6[%dma_wait3A_920, %dma_wait3A_926, %dma_wait3A_927] : memref<4x2x128xi32, #tpu.memory_space<vmem>> -> memref<1x2x128xi32, #tpu.memory_space<vmem>>
    %dma_wait3A_929 = tpu.memref_squeeze %dma_wait3A_928 : memref<1x2x128xi32, #tpu.memory_space<vmem>> -> memref<2x128xi32, #tpu.memory_space<vmem>>
    %dma_wait3A_930 = arith.constant 0 : i32
    %dma_wait3A_931 = tpu.memref_slice %dma_wait3A_929[%dma_wait3A_921, %dma_wait3A_930] : memref<2x128xi32, #tpu.memory_space<vmem>> -> memref<1x128xi32, #tpu.memory_space<vmem>>
    %dma_wait3A_932 = tpu.memref_squeeze %dma_wait3A_931 : memref<1x128xi32, #tpu.memory_space<vmem>> -> memref<128xi32, #tpu.memory_space<vmem>>
    %dma_wait3A_933 = arith.constant 0 : i32
    %dma_wait3A_934 = arith.constant 0 : i32
    %dma_wait3A_935 = tpu.memref_slice %arg8[%dma_wait3A_933, %dma_wait3A_934] : memref<10240x128xf32, #tpu.memory_space<vmem_shared>> -> memref<10240x128xf32, #tpu.memory_space<vmem_shared>>
    tpu.wait_indirect_dma semaphore(%arg11 : memref<!tpu.dma_semaphore, #tpu.memory_space<semaphore_mem>>) src(%dma_wait3A_925 : memref<128x128xf32, #tpu.memory_space<vmem>>) dst(%dma_wait3A_935 : memref<10240x128xf32, #tpu.memory_space<vmem_shared>>)
    %dma_wait3A_936 = arith.constant 0 : i32
    %dma_wait3A_937 = arith.constant 3 : i32
    %dma_wait3A_938 = arith.constant 3 : i32
    %dma_wait3A_939 = arith.constant 0 : i32
    %dma_wait3A_940 = arith.constant 0 : i32
    %dma_wait3A_941 = tpu.memref_slice %arg6[%dma_wait3A_937, %dma_wait3A_939, %dma_wait3A_940] : memref<4x2x128xi32, #tpu.memory_space<vmem>> -> memref<1x2x128xi32, #tpu.memory_space<vmem>>
    %dma_wait3A_942 = tpu.memref_squeeze %dma_wait3A_941 : memref<1x2x128xi32, #tpu.memory_space<vmem>> -> memref<2x128xi32, #tpu.memory_space<vmem>>
    %dma_wait3A_943 = arith.constant 0 : i32
    %dma_wait3A_944 = arith.constant 0 : i32
    %dma_wait3A_945 = arith.constant 0 : i32
    %dma_wait3A_946 = tpu.memref_slice %arg3[%add3A, %dma_wait3A_943, %dma_wait3A_944, %dma_wait3A_945] : memref<32x80x2x128xi32, #tpu.memory_space<hbm>> -> memref<1x80x2x128xi32, #tpu.memory_space<hbm>>
    %dma_wait3A_947 = tpu.memref_squeeze %dma_wait3A_946 : memref<1x80x2x128xi32, #tpu.memory_space<hbm>> -> memref<80x2x128xi32, #tpu.memory_space<hbm>>
    %dma_wait3A_948 = arith.constant 0 : i32
    %dma_wait3A_949 = arith.constant 0 : i32
    %dma_wait3A_950 = tpu.memref_slice %dma_wait3A_947[%dma_wait3A_936, %dma_wait3A_948, %dma_wait3A_949] : memref<80x2x128xi32, #tpu.memory_space<hbm>> -> memref<1x2x128xi32, #tpu.memory_space<hbm>>
    %dma_wait3A_951 = tpu.memref_squeeze %dma_wait3A_950 : memref<1x2x128xi32, #tpu.memory_space<hbm>> -> memref<2x128xi32, #tpu.memory_space<hbm>>
    %dma_wait3A_952 = tpu.memref_slice %arg9[%dma_wait3A_938] : memref<4x!tpu.dma_semaphore, #tpu.memory_space<semaphore_mem>> -> memref<1x!tpu.dma_semaphore, #tpu.memory_space<semaphore_mem>>
    %dma_wait3A_953 = tpu.memref_squeeze %dma_wait3A_952 : memref<1x!tpu.dma_semaphore, #tpu.memory_space<semaphore_mem>> -> memref<!tpu.dma_semaphore, #tpu.memory_space<semaphore_mem>>
    %dma_wait3A_954 = arith.constant 0 : i32
    %dma_wait3A_955 = arith.constant 0 : i32
    %dma_wait3A_956 = tpu.memref_slice %arg6[%dma_wait3A_937, %dma_wait3A_954, %dma_wait3A_955] : memref<4x2x128xi32, #tpu.memory_space<vmem>> -> memref<1x2x128xi32, #tpu.memory_space<vmem>>
    %dma_wait3A_957 = tpu.memref_squeeze %dma_wait3A_956 : memref<1x2x128xi32, #tpu.memory_space<vmem>> -> memref<2x128xi32, #tpu.memory_space<vmem>>
    %dma_wait3A_958 = arith.constant 0 : i32
    %dma_wait3A_959 = arith.constant 0 : i32
    %dma_wait3A_960 = arith.constant 0 : i32
    %dma_wait3A_961 = tpu.memref_slice %arg3[%add3A, %dma_wait3A_958, %dma_wait3A_959, %dma_wait3A_960] : memref<32x80x2x128xi32, #tpu.memory_space<hbm>> -> memref<1x80x2x128xi32, #tpu.memory_space<hbm>>
    %dma_wait3A_962 = tpu.memref_squeeze %dma_wait3A_961 : memref<1x80x2x128xi32, #tpu.memory_space<hbm>> -> memref<80x2x128xi32, #tpu.memory_space<hbm>>
    %dma_wait3A_963 = arith.constant 0 : i32
    %dma_wait3A_964 = arith.constant 0 : i32
    %dma_wait3A_965 = tpu.memref_slice %dma_wait3A_962[%dma_wait3A_936, %dma_wait3A_963, %dma_wait3A_964] : memref<80x2x128xi32, #tpu.memory_space<hbm>> -> memref<1x2x128xi32, #tpu.memory_space<hbm>>
    %dma_wait3A_966 = tpu.memref_squeeze %dma_wait3A_965 : memref<1x2x128xi32, #tpu.memory_space<hbm>> -> memref<2x128xi32, #tpu.memory_space<hbm>>
    tpu.wait_dma2 semaphore(%dma_wait3A_953 : memref<!tpu.dma_semaphore, #tpu.memory_space<semaphore_mem>>) src(%dma_wait3A_966 : memref<2x128xi32, #tpu.memory_space<hbm>>) dst(%dma_wait3A_957 : memref<2x128xi32, #tpu.memory_space<vmem>>)
    %dma_start3A_967 = arith.constant 3 : i32
    %dma_start3A_968 = arith.constant 0 : i32
    %dma_start3A_969 = arith.constant 1 : i32
    %dma_start3A_970 = arith.constant 1 : i32
    %dma_start3A_971 = arith.constant 0 : i32
    %dma_start3A_972 = arith.constant 0 : i32
    %dma_start3A_973 = tpu.memref_slice %arg7[%dma_start3A_969, %dma_start3A_971, %dma_start3A_972] : memref<2x128x128xf32, #tpu.memory_space<vmem>> -> memref<1x128x128xf32, #tpu.memory_space<vmem>>
    %dma_start3A_974 = tpu.memref_squeeze %dma_start3A_973 : memref<1x128x128xf32, #tpu.memory_space<vmem>> -> memref<128x128xf32, #tpu.memory_space<vmem>>
    %dma_start3A_975 = arith.constant 0 : i32
    %dma_start3A_976 = arith.constant 0 : i32
    %dma_start3A_977 = tpu.memref_slice %arg6[%dma_start3A_967, %dma_start3A_975, %dma_start3A_976] : memref<4x2x128xi32, #tpu.memory_space<vmem>> -> memref<1x2x128xi32, #tpu.memory_space<vmem>>
    %dma_start3A_978 = tpu.memref_squeeze %dma_start3A_977 : memref<1x2x128xi32, #tpu.memory_space<vmem>> -> memref<2x128xi32, #tpu.memory_space<vmem>>
    %dma_start3A_979 = arith.constant 0 : i32
    %dma_start3A_980 = tpu.memref_slice %dma_start3A_978[%dma_start3A_968, %dma_start3A_979] : memref<2x128xi32, #tpu.memory_space<vmem>> -> memref<1x128xi32, #tpu.memory_space<vmem>>
    %dma_start3A_981 = tpu.memref_squeeze %dma_start3A_980 : memref<1x128xi32, #tpu.memory_space<vmem>> -> memref<128xi32, #tpu.memory_space<vmem>>
    %dma_start3A_982 = arith.constant 0 : i32
    %dma_start3A_983 = arith.constant 0 : i32
    %dma_start3A_984 = tpu.memref_slice %arg2[%dma_start3A_982, %dma_start3A_983] : memref<10000x128xf32, #tpu.memory_space<hbm>> -> memref<10000x128xf32, #tpu.memory_space<hbm>>
    %dma_start3A_985 = tpu.memref_slice %arg10[%dma_start3A_970] : memref<2x!tpu.dma_semaphore, #tpu.memory_space<semaphore_mem>> -> memref<1x!tpu.dma_semaphore, #tpu.memory_space<semaphore_mem>>
    %dma_start3A_986 = tpu.memref_squeeze %dma_start3A_985 : memref<1x!tpu.dma_semaphore, #tpu.memory_space<semaphore_mem>> -> memref<!tpu.dma_semaphore, #tpu.memory_space<semaphore_mem>>
    tpu.enqueue_indirect_dma source(%dma_start3A_984 : memref<10000x128xf32, #tpu.memory_space<hbm>>) target(%dma_start3A_974 : memref<128x128xf32, #tpu.memory_space<vmem>>) offsets(%dma_start3A_981 : memref<128xi32, #tpu.memory_space<vmem>>) semaphore(%dma_start3A_986 : memref<!tpu.dma_semaphore, #tpu.memory_space<semaphore_mem>>)
    %dma_wait3A_987 = arith.constant 0 : i32
    %dma_wait3A_988 = arith.constant 0 : i32
    %dma_wait3A_989 = arith.constant 0 : i32
    %dma_wait3A_990 = arith.constant 0 : i32
    %dma_wait3A_991 = arith.constant 0 : i32
    %dma_wait3A_992 = arith.constant 0 : i32
    %dma_wait3A_993 = tpu.memref_slice %arg7[%dma_wait3A_989, %dma_wait3A_991, %dma_wait3A_992] : memref<2x128x128xf32, #tpu.memory_space<vmem>> -> memref<1x128x128xf32, #tpu.memory_space<vmem>>
    %dma_wait3A_994 = tpu.memref_squeeze %dma_wait3A_993 : memref<1x128x128xf32, #tpu.memory_space<vmem>> -> memref<128x128xf32, #tpu.memory_space<vmem>>
    %dma_wait3A_995 = arith.constant 0 : i32
    %dma_wait3A_996 = arith.constant 0 : i32
    %dma_wait3A_997 = tpu.memref_slice %arg6[%dma_wait3A_987, %dma_wait3A_995, %dma_wait3A_996] : memref<4x2x128xi32, #tpu.memory_space<vmem>> -> memref<1x2x128xi32, #tpu.memory_space<vmem>>
    %dma_wait3A_998 = tpu.memref_squeeze %dma_wait3A_997 : memref<1x2x128xi32, #tpu.memory_space<vmem>> -> memref<2x128xi32, #tpu.memory_space<vmem>>
    %dma_wait3A_999 = arith.constant 0 : i32
    %dma_wait3A_1000 = tpu.memref_slice %dma_wait3A_998[%dma_wait3A_988, %dma_wait3A_999] : memref<2x128xi32, #tpu.memory_space<vmem>> -> memref<1x128xi32, #tpu.memory_space<vmem>>
    %dma_wait3A_1001 = tpu.memref_squeeze %dma_wait3A_1000 : memref<1x128xi32, #tpu.memory_space<vmem>> -> memref<128xi32, #tpu.memory_space<vmem>>
    %dma_wait3A_1002 = arith.constant 0 : i32
    %dma_wait3A_1003 = arith.constant 0 : i32
    %dma_wait3A_1004 = tpu.memref_slice %arg2[%dma_wait3A_1002, %dma_wait3A_1003] : memref<10000x128xf32, #tpu.memory_space<hbm>> -> memref<10000x128xf32, #tpu.memory_space<hbm>>
    %dma_wait3A_1005 = tpu.memref_slice %arg10[%dma_wait3A_990] : memref<2x!tpu.dma_semaphore, #tpu.memory_space<semaphore_mem>> -> memref<1x!tpu.dma_semaphore, #tpu.memory_space<semaphore_mem>>
    %dma_wait3A_1006 = tpu.memref_squeeze %dma_wait3A_1005 : memref<1x!tpu.dma_semaphore, #tpu.memory_space<semaphore_mem>> -> memref<!tpu.dma_semaphore, #tpu.memory_space<semaphore_mem>>
    tpu.wait_indirect_dma semaphore(%dma_wait3A_1006 : memref<!tpu.dma_semaphore, #tpu.memory_space<semaphore_mem>>) src(%dma_wait3A_1004 : memref<10000x128xf32, #tpu.memory_space<hbm>>) dst(%dma_wait3A_994 : memref<128x128xf32, #tpu.memory_space<vmem>>)
    %dma_start3A_1007 = arith.constant 0 : i32
    %dma_start3A_1008 = arith.constant 2 : i32
    %dma_start3A_1009 = arith.constant 1 : i32
    %dma_start3A_1010 = arith.constant 0 : i32
    %dma_start3A_1011 = arith.constant 0 : i32
    %dma_start3A_1012 = tpu.memref_slice %arg7[%dma_start3A_1007, %dma_start3A_1010, %dma_start3A_1011] : memref<2x128x128xf32, #tpu.memory_space<vmem>> -> memref<1x128x128xf32, #tpu.memory_space<vmem>>
    %dma_start3A_1013 = tpu.memref_squeeze %dma_start3A_1012 : memref<1x128x128xf32, #tpu.memory_space<vmem>> -> memref<128x128xf32, #tpu.memory_space<vmem>>
    %dma_start3A_1014 = arith.constant 0 : i32
    %dma_start3A_1015 = arith.constant 0 : i32
    %dma_start3A_1016 = tpu.memref_slice %arg6[%dma_start3A_1008, %dma_start3A_1014, %dma_start3A_1015] : memref<4x2x128xi32, #tpu.memory_space<vmem>> -> memref<1x2x128xi32, #tpu.memory_space<vmem>>
    %dma_start3A_1017 = tpu.memref_squeeze %dma_start3A_1016 : memref<1x2x128xi32, #tpu.memory_space<vmem>> -> memref<2x128xi32, #tpu.memory_space<vmem>>
    %dma_start3A_1018 = arith.constant 0 : i32
    %dma_start3A_1019 = tpu.memref_slice %dma_start3A_1017[%dma_start3A_1009, %dma_start3A_1018] : memref<2x128xi32, #tpu.memory_space<vmem>> -> memref<1x128xi32, #tpu.memory_space<vmem>>
    %dma_start3A_1020 = tpu.memref_squeeze %dma_start3A_1019 : memref<1x128xi32, #tpu.memory_space<vmem>> -> memref<128xi32, #tpu.memory_space<vmem>>
    %dma_start3A_1021 = arith.constant 0 : i32
    %dma_start3A_1022 = arith.constant 0 : i32
    %dma_start3A_1023 = tpu.memref_slice %arg8[%dma_start3A_1021, %dma_start3A_1022] : memref<10240x128xf32, #tpu.memory_space<vmem_shared>> -> memref<10240x128xf32, #tpu.memory_space<vmem_shared>>
    tpu.enqueue_indirect_dma source(%dma_start3A_1013 : memref<128x128xf32, #tpu.memory_space<vmem>>) target(%dma_start3A_1023 : memref<10240x128xf32, #tpu.memory_space<vmem_shared>>) offsets(%dma_start3A_1020 : memref<128xi32, #tpu.memory_space<vmem>>) semaphore(%arg11 : memref<!tpu.dma_semaphore, #tpu.memory_space<semaphore_mem>>) {add = true}
    %dma_wait3A_1024 = arith.constant 0 : i32
    %dma_wait3A_1025 = arith.constant 2 : i32
    %dma_wait3A_1026 = arith.constant 1 : i32
    %dma_wait3A_1027 = arith.constant 0 : i32
    %dma_wait3A_1028 = arith.constant 0 : i32
    %dma_wait3A_1029 = tpu.memref_slice %arg7[%dma_wait3A_1024, %dma_wait3A_1027, %dma_wait3A_1028] : memref<2x128x128xf32, #tpu.memory_space<vmem>> -> memref<1x128x128xf32, #tpu.memory_space<vmem>>
    %dma_wait3A_1030 = tpu.memref_squeeze %dma_wait3A_1029 : memref<1x128x128xf32, #tpu.memory_space<vmem>> -> memref<128x128xf32, #tpu.memory_space<vmem>>
    %dma_wait3A_1031 = arith.constant 0 : i32
    %dma_wait3A_1032 = arith.constant 0 : i32
    %dma_wait3A_1033 = tpu.memref_slice %arg6[%dma_wait3A_1025, %dma_wait3A_1031, %dma_wait3A_1032] : memref<4x2x128xi32, #tpu.memory_space<vmem>> -> memref<1x2x128xi32, #tpu.memory_space<vmem>>
    %dma_wait3A_1034 = tpu.memref_squeeze %dma_wait3A_1033 : memref<1x2x128xi32, #tpu.memory_space<vmem>> -> memref<2x128xi32, #tpu.memory_space<vmem>>
    %dma_wait3A_1035 = arith.constant 0 : i32
    %dma_wait3A_1036 = tpu.memref_slice %dma_wait3A_1034[%dma_wait3A_1026, %dma_wait3A_1035] : memref<2x128xi32, #tpu.memory_space<vmem>> -> memref<1x128xi32, #tpu.memory_space<vmem>>
    %dma_wait3A_1037 = tpu.memref_squeeze %dma_wait3A_1036 : memref<1x128xi32, #tpu.memory_space<vmem>> -> memref<128xi32, #tpu.memory_space<vmem>>
    %dma_wait3A_1038 = arith.constant 0 : i32
    %dma_wait3A_1039 = arith.constant 0 : i32
    %dma_wait3A_1040 = tpu.memref_slice %arg8[%dma_wait3A_1038, %dma_wait3A_1039] : memref<10240x128xf32, #tpu.memory_space<vmem_shared>> -> memref<10240x128xf32, #tpu.memory_space<vmem_shared>>
    tpu.wait_indirect_dma semaphore(%arg11 : memref<!tpu.dma_semaphore, #tpu.memory_space<semaphore_mem>>) src(%dma_wait3A_1030 : memref<128x128xf32, #tpu.memory_space<vmem>>) dst(%dma_wait3A_1040 : memref<10240x128xf32, #tpu.memory_space<vmem_shared>>)
    %dma_wait3A_1041 = arith.constant 0 : i32
    %dma_wait3A_1042 = arith.constant 0 : i32
    %dma_wait3A_1043 = arith.constant 1 : i32
    %dma_wait3A_1044 = arith.constant 1 : i32
    %dma_wait3A_1045 = arith.constant 0 : i32
    %dma_wait3A_1046 = arith.constant 0 : i32
    %dma_wait3A_1047 = tpu.memref_slice %arg7[%dma_wait3A_1043, %dma_wait3A_1045, %dma_wait3A_1046] : memref<2x128x128xf32, #tpu.memory_space<vmem>> -> memref<1x128x128xf32, #tpu.memory_space<vmem>>
    %dma_wait3A_1048 = tpu.memref_squeeze %dma_wait3A_1047 : memref<1x128x128xf32, #tpu.memory_space<vmem>> -> memref<128x128xf32, #tpu.memory_space<vmem>>
    %dma_wait3A_1049 = arith.constant 0 : i32
    %dma_wait3A_1050 = arith.constant 0 : i32
    %dma_wait3A_1051 = tpu.memref_slice %arg6[%dma_wait3A_1041, %dma_wait3A_1049, %dma_wait3A_1050] : memref<4x2x128xi32, #tpu.memory_space<vmem>> -> memref<1x2x128xi32, #tpu.memory_space<vmem>>
    %dma_wait3A_1052 = tpu.memref_squeeze %dma_wait3A_1051 : memref<1x2x128xi32, #tpu.memory_space<vmem>> -> memref<2x128xi32, #tpu.memory_space<vmem>>
    %dma_wait3A_1053 = arith.constant 0 : i32
    %dma_wait3A_1054 = tpu.memref_slice %dma_wait3A_1052[%dma_wait3A_1042, %dma_wait3A_1053] : memref<2x128xi32, #tpu.memory_space<vmem>> -> memref<1x128xi32, #tpu.memory_space<vmem>>
    %dma_wait3A_1055 = tpu.memref_squeeze %dma_wait3A_1054 : memref<1x128xi32, #tpu.memory_space<vmem>> -> memref<128xi32, #tpu.memory_space<vmem>>
    %dma_wait3A_1056 = arith.constant 0 : i32
    %dma_wait3A_1057 = arith.constant 0 : i32
    %dma_wait3A_1058 = tpu.memref_slice %arg2[%dma_wait3A_1056, %dma_wait3A_1057] : memref<10000x128xf32, #tpu.memory_space<hbm>> -> memref<10000x128xf32, #tpu.memory_space<hbm>>
    %dma_wait3A_1059 = tpu.memref_slice %arg10[%dma_wait3A_1044] : memref<2x!tpu.dma_semaphore, #tpu.memory_space<semaphore_mem>> -> memref<1x!tpu.dma_semaphore, #tpu.memory_space<semaphore_mem>>
    %dma_wait3A_1060 = tpu.memref_squeeze %dma_wait3A_1059 : memref<1x!tpu.dma_semaphore, #tpu.memory_space<semaphore_mem>> -> memref<!tpu.dma_semaphore, #tpu.memory_space<semaphore_mem>>
    tpu.wait_indirect_dma semaphore(%dma_wait3A_1060 : memref<!tpu.dma_semaphore, #tpu.memory_space<semaphore_mem>>) src(%dma_wait3A_1058 : memref<10000x128xf32, #tpu.memory_space<hbm>>) dst(%dma_wait3A_1048 : memref<128x128xf32, #tpu.memory_space<vmem>>)
    %dma_start3A_1061 = arith.constant 1 : i32
    %dma_start3A_1062 = arith.constant 3 : i32
    %dma_start3A_1063 = arith.constant 1 : i32
    %dma_start3A_1064 = arith.constant 0 : i32
    %dma_start3A_1065 = arith.constant 0 : i32
    %dma_start3A_1066 = tpu.memref_slice %arg7[%dma_start3A_1061, %dma_start3A_1064, %dma_start3A_1065] : memref<2x128x128xf32, #tpu.memory_space<vmem>> -> memref<1x128x128xf32, #tpu.memory_space<vmem>>
    %dma_start3A_1067 = tpu.memref_squeeze %dma_start3A_1066 : memref<1x128x128xf32, #tpu.memory_space<vmem>> -> memref<128x128xf32, #tpu.memory_space<vmem>>
    %dma_start3A_1068 = arith.constant 0 : i32
    %dma_start3A_1069 = arith.constant 0 : i32
    %dma_start3A_1070 = tpu.memref_slice %arg6[%dma_start3A_1062, %dma_start3A_1068, %dma_start3A_1069] : memref<4x2x128xi32, #tpu.memory_space<vmem>> -> memref<1x2x128xi32, #tpu.memory_space<vmem>>
    %dma_start3A_1071 = tpu.memref_squeeze %dma_start3A_1070 : memref<1x2x128xi32, #tpu.memory_space<vmem>> -> memref<2x128xi32, #tpu.memory_space<vmem>>
    %dma_start3A_1072 = arith.constant 0 : i32
    %dma_start3A_1073 = tpu.memref_slice %dma_start3A_1071[%dma_start3A_1063, %dma_start3A_1072] : memref<2x128xi32, #tpu.memory_space<vmem>> -> memref<1x128xi32, #tpu.memory_space<vmem>>
    %dma_start3A_1074 = tpu.memref_squeeze %dma_start3A_1073 : memref<1x128xi32, #tpu.memory_space<vmem>> -> memref<128xi32, #tpu.memory_space<vmem>>
    %dma_start3A_1075 = arith.constant 0 : i32
    %dma_start3A_1076 = arith.constant 0 : i32
    %dma_start3A_1077 = tpu.memref_slice %arg8[%dma_start3A_1075, %dma_start3A_1076] : memref<10240x128xf32, #tpu.memory_space<vmem_shared>> -> memref<10240x128xf32, #tpu.memory_space<vmem_shared>>
    tpu.enqueue_indirect_dma source(%dma_start3A_1067 : memref<128x128xf32, #tpu.memory_space<vmem>>) target(%dma_start3A_1077 : memref<10240x128xf32, #tpu.memory_space<vmem_shared>>) offsets(%dma_start3A_1074 : memref<128xi32, #tpu.memory_space<vmem>>) semaphore(%arg11 : memref<!tpu.dma_semaphore, #tpu.memory_space<semaphore_mem>>) {add = true}
    %dma_wait3A_1078 = arith.constant 1 : i32
    %dma_wait3A_1079 = arith.constant 3 : i32
    %dma_wait3A_1080 = arith.constant 1 : i32
    %dma_wait3A_1081 = arith.constant 0 : i32
    %dma_wait3A_1082 = arith.constant 0 : i32
    %dma_wait3A_1083 = tpu.memref_slice %arg7[%dma_wait3A_1078, %dma_wait3A_1081, %dma_wait3A_1082] : memref<2x128x128xf32, #tpu.memory_space<vmem>> -> memref<1x128x128xf32, #tpu.memory_space<vmem>>
    %dma_wait3A_1084 = tpu.memref_squeeze %dma_wait3A_1083 : memref<1x128x128xf32, #tpu.memory_space<vmem>> -> memref<128x128xf32, #tpu.memory_space<vmem>>
    %dma_wait3A_1085 = arith.constant 0 : i32
    %dma_wait3A_1086 = arith.constant 0 : i32
    %dma_wait3A_1087 = tpu.memref_slice %arg6[%dma_wait3A_1079, %dma_wait3A_1085, %dma_wait3A_1086] : memref<4x2x128xi32, #tpu.memory_space<vmem>> -> memref<1x2x128xi32, #tpu.memory_space<vmem>>
    %dma_wait3A_1088 = tpu.memref_squeeze %dma_wait3A_1087 : memref<1x2x128xi32, #tpu.memory_space<vmem>> -> memref<2x128xi32, #tpu.memory_space<vmem>>
    %dma_wait3A_1089 = arith.constant 0 : i32
    %dma_wait3A_1090 = tpu.memref_slice %dma_wait3A_1088[%dma_wait3A_1080, %dma_wait3A_1089] : memref<2x128xi32, #tpu.memory_space<vmem>> -> memref<1x128xi32, #tpu.memory_space<vmem>>
    %dma_wait3A_1091 = tpu.memref_squeeze %dma_wait3A_1090 : memref<1x128xi32, #tpu.memory_space<vmem>> -> memref<128xi32, #tpu.memory_space<vmem>>
    %dma_wait3A_1092 = arith.constant 0 : i32
    %dma_wait3A_1093 = arith.constant 0 : i32
    %dma_wait3A_1094 = tpu.memref_slice %arg8[%dma_wait3A_1092, %dma_wait3A_1093] : memref<10240x128xf32, #tpu.memory_space<vmem_shared>> -> memref<10240x128xf32, #tpu.memory_space<vmem_shared>>
    tpu.wait_indirect_dma semaphore(%arg11 : memref<!tpu.dma_semaphore, #tpu.memory_space<semaphore_mem>>) src(%dma_wait3A_1084 : memref<128x128xf32, #tpu.memory_space<vmem>>) dst(%dma_wait3A_1094 : memref<10240x128xf32, #tpu.memory_space<vmem_shared>>)
    %barrier3A_1095 = arith.constant 0 : index
    tpu.barrier barrier_id(%barrier3A_1095)
    %mul3A_1096 = arith.constant 640 : i32
    %mul3A_1097 = arith.muli %arg1, %mul3A_1096 : i32
    %mul3A_1098 = arith.constant 640 : i32
    %mul3A_1099 = arith.muli %arg1, %mul3A_1098 : i32
    "tpu.region"() ({
      %run_scoped3A = tpu.sem_alloc : memref<!tpu.dma_semaphore, #tpu.memory_space<semaphore_mem>>
      %dma_start3A_1100 = arith.constant 0 : i32
      %dma_start3A_1101 = arith.constant 0 : i32
      %dma_start3A_1102 = tpu.memref_slice %arg5[%arg0, %dma_start3A_1100, %dma_start3A_1101] : memref<2x10240x128xf32, #tpu.memory_space<hbm>> -> memref<1x10240x128xf32, #tpu.memory_space<hbm>>
      %dma_start3A_1103 = tpu.memref_squeeze %dma_start3A_1102 : memref<1x10240x128xf32, #tpu.memory_space<hbm>> -> memref<10240x128xf32, #tpu.memory_space<hbm>>
      %dma_start3A_1104 = arith.constant 0 : i32
      %dma_start3A_1105 = tpu.memref_slice %dma_start3A_1103[%mul3A_1099, %dma_start3A_1104] : memref<10240x128xf32, #tpu.memory_space<hbm>> -> memref<640x128xf32, #tpu.memory_space<hbm>>
      %dma_start3A_1106 = arith.constant 0 : i32
      %dma_start3A_1107 = tpu.memref_slice %arg8[%mul3A_1097, %dma_start3A_1106] : memref<10240x128xf32, #tpu.memory_space<vmem_shared>> -> memref<640x128xf32, #tpu.memory_space<vmem_shared>>
      tpu.enqueue_dma source(%dma_start3A_1107 : memref<640x128xf32, #tpu.memory_space<vmem_shared>>) target(%dma_start3A_1105 : memref<640x128xf32, #tpu.memory_space<hbm>>) target_semaphore(%run_scoped3A : memref<!tpu.dma_semaphore, #tpu.memory_space<semaphore_mem>>)
      %dma_wait3A_1108 = arith.constant 0 : i32
      %dma_wait3A_1109 = arith.constant 0 : i32
      %dma_wait3A_1110 = tpu.memref_slice %arg5[%arg0, %dma_wait3A_1108, %dma_wait3A_1109] : memref<2x10240x128xf32, #tpu.memory_space<hbm>> -> memref<1x10240x128xf32, #tpu.memory_space<hbm>>
      %dma_wait3A_1111 = tpu.memref_squeeze %dma_wait3A_1110 : memref<1x10240x128xf32, #tpu.memory_space<hbm>> -> memref<10240x128xf32, #tpu.memory_space<hbm>>
      %dma_wait3A_1112 = arith.constant 0 : i32
      %dma_wait3A_1113 = tpu.memref_slice %dma_wait3A_1111[%mul3A_1099, %dma_wait3A_1112] : memref<10240x128xf32, #tpu.memory_space<hbm>> -> memref<640x128xf32, #tpu.memory_space<hbm>>
      %dma_wait3A_1114 = arith.constant 0 : i32
      %dma_wait3A_1115 = tpu.memref_slice %arg8[%mul3A_1097, %dma_wait3A_1114] : memref<10240x128xf32, #tpu.memory_space<vmem_shared>> -> memref<640x128xf32, #tpu.memory_space<vmem_shared>>
      tpu.wait_dma2 semaphore(%run_scoped3A : memref<!tpu.dma_semaphore, #tpu.memory_space<semaphore_mem>>) src(%dma_wait3A_1115 : memref<640x128xf32, #tpu.memory_space<vmem_shared>>) dst(%dma_wait3A_1113 : memref<640x128xf32, #tpu.memory_space<hbm>>)
      tpu.yield
    }) : () -> ()
    return
  }
}

#map = affine_map<(d0, d1) -> (0, 0)>
#map1 = affine_map<(d0, d1) -> (0, 0, 0, 0)>
#map2 = affine_map<(d0, d1) -> (0, 0, 0)>
module attributes {stable_mosaic.version = 14 : i64} {
  func.func @k(%arg0: i32, %arg1: i32, %arg2: memref<10000x128xf32, #tpu.memory_space<hbm>>, %arg3: memref<32x80x2x128xi32, #tpu.memory_space<hbm>>, %arg4: memref<10240x128xf32, #tpu.memory_space<hbm>>, %arg5: memref<2x10240x128xf32, #tpu.memory_space<hbm>>, %arg6: memref<4x2x128xi32, #tpu.memory_space<vmem>>, %arg7: memref<2x128x128xf32, #tpu.memory_space<vmem>>, %arg8: memref<10240x128xf32, #tpu.memory_space<vmem_shared>>, %arg9: memref<4x!tpu.dma_semaphore, #tpu.memory_space<semaphore_mem>>, %arg10: memref<2x!tpu.dma_semaphore, #tpu.memory_space<semaphore_mem>>, %arg11: memref<!tpu.dma_semaphore, #tpu.memory_space<semaphore_mem>>) attributes {dimension_semantics = [#tpu.dimension_semantics<core_parallel>, #tpu.dimension_semantics<subcore_parallel>], iteration_bounds = array<i64: 2, 16>, scalar_prefetch = 0 : i64, scratch_operands = 6 : i64, tpu.core_type = #tpu.core_type<sc_vector_subcore>, window_params = [{transform_indices = #map}, {transform_indices = #map1}, {transform_indices = #map}, {transform_indices = #map2}]} {
    %mul3A = arith.constant 16 : i32
    %mul3A_0 = arith.muli %arg0, %mul3A : i32
    %add3A = arith.addi %mul3A_0, %arg1 : i32
    %mul3A_1 = arith.constant 640 : i32
    %mul3A_2 = arith.muli %arg1, %mul3A_1 : i32
    %mul3A_3 = arith.constant 640 : i32
    %mul3A_4 = arith.muli %arg1, %mul3A_3 : i32
    "tpu.region"() ({
      %run_scoped3A = tpu.sem_alloc : memref<!tpu.dma_semaphore, #tpu.memory_space<semaphore_mem>>
      %dma_start3A_1100 = arith.constant 0 : i32
      %dma_start3A_1101 = tpu.memref_slice %arg8[%mul3A_4, %dma_start3A_1100] : memref<10240x128xf32, #tpu.memory_space<vmem_shared>> -> memref<640x128xf32, #tpu.memory_space<vmem_shared>>
      %dma_start3A_1102 = arith.constant 0 : i32
      %dma_start3A_1103 = tpu.memref_slice %arg4[%mul3A_2, %dma_start3A_1102] : memref<10240x128xf32, #tpu.memory_space<hbm>> -> memref<640x128xf32, #tpu.memory_space<hbm>>
      tpu.enqueue_dma source(%dma_start3A_1103 : memref<640x128xf32, #tpu.memory_space<hbm>>) target(%dma_start3A_1101 : memref<640x128xf32, #tpu.memory_space<vmem_shared>>) target_semaphore(%run_scoped3A : memref<!tpu.dma_semaphore, #tpu.memory_space<semaphore_mem>>)
      %dma_wait3A_1104 = arith.constant 0 : i32
      %dma_wait3A_1105 = tpu.memref_slice %arg8[%mul3A_4, %dma_wait3A_1104] : memref<10240x128xf32, #tpu.memory_space<vmem_shared>> -> memref<640x128xf32, #tpu.memory_space<vmem_shared>>
      %dma_wait3A_1106 = arith.constant 0 : i32
      %dma_wait3A_1107 = tpu.memref_slice %arg4[%mul3A_2, %dma_wait3A_1106] : memref<10240x128xf32, #tpu.memory_space<hbm>> -> memref<640x128xf32, #tpu.memory_space<hbm>>
      tpu.wait_dma2 semaphore(%run_scoped3A : memref<!tpu.dma_semaphore, #tpu.memory_space<semaphore_mem>>) src(%dma_wait3A_1107 : memref<640x128xf32, #tpu.memory_space<hbm>>) dst(%dma_wait3A_1105 : memref<640x128xf32, #tpu.memory_space<vmem_shared>>)
      tpu.yield
    }) : () -> ()
    %dma_start3A = arith.constant 0 : i32
    %dma_start3A_5 = arith.constant 0 : i32
    %dma_start3A_6 = arith.constant 0 : i32
    %dma_start3A_7 = arith.constant 0 : i32
    %dma_start3A_8 = arith.constant 0 : i32
    %dma_start3A_9 = tpu.memref_slice %arg6[%dma_start3A_5, %dma_start3A_7, %dma_start3A_8] : memref<4x2x128xi32, #tpu.memory_space<vmem>> -> memref<1x2x128xi32, #tpu.memory_space<vmem>>
    %dma_start3A_10 = tpu.memref_squeeze %dma_start3A_9 : memref<1x2x128xi32, #tpu.memory_space<vmem>> -> memref<2x128xi32, #tpu.memory_space<vmem>>
    %dma_start3A_11 = arith.constant 0 : i32
    %dma_start3A_12 = arith.constant 0 : i32
    %dma_start3A_13 = arith.constant 0 : i32
    %dma_start3A_14 = tpu.memref_slice %arg3[%add3A, %dma_start3A_11, %dma_start3A_12, %dma_start3A_13] : memref<32x80x2x128xi32, #tpu.memory_space<hbm>> -> memref<1x80x2x128xi32, #tpu.memory_space<hbm>>
    %dma_start3A_15 = tpu.memref_squeeze %dma_start3A_14 : memref<1x80x2x128xi32, #tpu.memory_space<hbm>> -> memref<80x2x128xi32, #tpu.memory_space<hbm>>
    %dma_start3A_16 = arith.constant 0 : i32
    %dma_start3A_17 = arith.constant 0 : i32
    %dma_start3A_18 = tpu.memref_slice %dma_start3A_15[%dma_start3A, %dma_start3A_16, %dma_start3A_17] : memref<80x2x128xi32, #tpu.memory_space<hbm>> -> memref<1x2x128xi32, #tpu.memory_space<hbm>>
    %dma_start3A_19 = tpu.memref_squeeze %dma_start3A_18 : memref<1x2x128xi32, #tpu.memory_space<hbm>> -> memref<2x128xi32, #tpu.memory_space<hbm>>
    %dma_start3A_20 = tpu.memref_slice %arg9[%dma_start3A_6] : memref<4x!tpu.dma_semaphore, #tpu.memory_space<semaphore_mem>> -> memref<1x!tpu.dma_semaphore, #tpu.memory_space<semaphore_mem>>
    %dma_start3A_21 = tpu.memref_squeeze %dma_start3A_20 : memref<1x!tpu.dma_semaphore, #tpu.memory_space<semaphore_mem>> -> memref<!tpu.dma_semaphore, #tpu.memory_space<semaphore_mem>>
    %dma_start3A_22 = arith.constant 0 : i32
    %dma_start3A_23 = arith.constant 0 : i32
    %dma_start3A_24 = tpu.memref_slice %arg6[%dma_start3A_5, %dma_start3A_22, %dma_start3A_23] : memref<4x2x128xi32, #tpu.memory_space<vmem>> -> memref<1x2x128xi32, #tpu.memory_space<vmem>>
    %dma_start3A_25 = tpu.memref_squeeze %dma_start3A_24 : memref<1x2x128xi32, #tpu.memory_space<vmem>> -> memref<2x128xi32, #tpu.memory_space<vmem>>
    %dma_start3A_26 = arith.constant 0 : i32
    %dma_start3A_27 = arith.constant 0 : i32
    %dma_start3A_28 = arith.constant 0 : i32
    %dma_start3A_29 = tpu.memref_slice %arg3[%add3A, %dma_start3A_26, %dma_start3A_27, %dma_start3A_28] : memref<32x80x2x128xi32, #tpu.memory_space<hbm>> -> memref<1x80x2x128xi32, #tpu.memory_space<hbm>>
    %dma_start3A_30 = tpu.memref_squeeze %dma_start3A_29 : memref<1x80x2x128xi32, #tpu.memory_space<hbm>> -> memref<80x2x128xi32, #tpu.memory_space<hbm>>
    %dma_start3A_31 = arith.constant 0 : i32
    %dma_start3A_32 = arith.constant 0 : i32
    %dma_start3A_33 = tpu.memref_slice %dma_start3A_30[%dma_start3A, %dma_start3A_31, %dma_start3A_32] : memref<80x2x128xi32, #tpu.memory_space<hbm>> -> memref<1x2x128xi32, #tpu.memory_space<hbm>>
    %dma_start3A_34 = tpu.memref_squeeze %dma_start3A_33 : memref<1x2x128xi32, #tpu.memory_space<hbm>> -> memref<2x128xi32, #tpu.memory_space<hbm>>
    tpu.enqueue_dma source(%dma_start3A_34 : memref<2x128xi32, #tpu.memory_space<hbm>>) target(%dma_start3A_25 : memref<2x128xi32, #tpu.memory_space<vmem>>) target_semaphore(%dma_start3A_21 : memref<!tpu.dma_semaphore, #tpu.memory_space<semaphore_mem>>)
    %dma_start3A_35 = arith.constant 1 : i32
    %dma_start3A_36 = arith.constant 1 : i32
    %dma_start3A_37 = arith.constant 1 : i32
    %dma_start3A_38 = arith.constant 0 : i32
    %dma_start3A_39 = arith.constant 0 : i32
    %dma_start3A_40 = tpu.memref_slice %arg6[%dma_start3A_36, %dma_start3A_38, %dma_start3A_39] : memref<4x2x128xi32, #tpu.memory_space<vmem>> -> memref<1x2x128xi32, #tpu.memory_space<vmem>>
    %dma_start3A_41 = tpu.memref_squeeze %dma_start3A_40 : memref<1x2x128xi32, #tpu.memory_space<vmem>> -> memref<2x128xi32, #tpu.memory_space<vmem>>
    %dma_start3A_42 = arith.constant 0 : i32
    %dma_start3A_43 = arith.constant 0 : i32
    %dma_start3A_44 = arith.constant 0 : i32
    %dma_start3A_45 = tpu.memref_slice %arg3[%add3A, %dma_start3A_42, %dma_start3A_43, %dma_start3A_44] : memref<32x80x2x128xi32, #tpu.memory_space<hbm>> -> memref<1x80x2x128xi32, #tpu.memory_space<hbm>>
    %dma_start3A_46 = tpu.memref_squeeze %dma_start3A_45 : memref<1x80x2x128xi32, #tpu.memory_space<hbm>> -> memref<80x2x128xi32, #tpu.memory_space<hbm>>
    %dma_start3A_47 = arith.constant 0 : i32
    %dma_start3A_48 = arith.constant 0 : i32
    %dma_start3A_49 = tpu.memref_slice %dma_start3A_46[%dma_start3A_35, %dma_start3A_47, %dma_start3A_48] : memref<80x2x128xi32, #tpu.memory_space<hbm>> -> memref<1x2x128xi32, #tpu.memory_space<hbm>>
    %dma_start3A_50 = tpu.memref_squeeze %dma_start3A_49 : memref<1x2x128xi32, #tpu.memory_space<hbm>> -> memref<2x128xi32, #tpu.memory_space<hbm>>
    %dma_start3A_51 = tpu.memref_slice %arg9[%dma_start3A_37] : memref<4x!tpu.dma_semaphore, #tpu.memory_space<semaphore_mem>> -> memref<1x!tpu.dma_semaphore, #tpu.memory_space<semaphore_mem>>
    %dma_start3A_52 = tpu.memref_squeeze %dma_start3A_51 : memref<1x!tpu.dma_semaphore, #tpu.memory_space<semaphore_mem>> -> memref<!tpu.dma_semaphore, #tpu.memory_space<semaphore_mem>>
    %dma_start3A_53 = arith.constant 0 : i32
    %dma_start3A_54 = arith.constant 0 : i32
    %dma_start3A_55 = tpu.memref_slice %arg6[%dma_start3A_36, %dma_start3A_53, %dma_start3A_54] : memref<4x2x128xi32, #tpu.memory_space<vmem>> -> memref<1x2x128xi32, #tpu.memory_space<vmem>>
    %dma_start3A_56 = tpu.memref_squeeze %dma_start3A_55 : memref<1x2x128xi32, #tpu.memory_space<vmem>> -> memref<2x128xi32, #tpu.memory_space<vmem>>
    %dma_start3A_57 = arith.constant 0 : i32
    %dma_start3A_58 = arith.constant 0 : i32
    %dma_start3A_59 = arith.constant 0 : i32
    %dma_start3A_60 = tpu.memref_slice %arg3[%add3A, %dma_start3A_57, %dma_start3A_58, %dma_start3A_59] : memref<32x80x2x128xi32, #tpu.memory_space<hbm>> -> memref<1x80x2x128xi32, #tpu.memory_space<hbm>>
    %dma_start3A_61 = tpu.memref_squeeze %dma_start3A_60 : memref<1x80x2x128xi32, #tpu.memory_space<hbm>> -> memref<80x2x128xi32, #tpu.memory_space<hbm>>
    %dma_start3A_62 = arith.constant 0 : i32
    %dma_start3A_63 = arith.constant 0 : i32
    %dma_start3A_64 = tpu.memref_slice %dma_start3A_61[%dma_start3A_35, %dma_start3A_62, %dma_start3A_63] : memref<80x2x128xi32, #tpu.memory_space<hbm>> -> memref<1x2x128xi32, #tpu.memory_space<hbm>>
    %dma_start3A_65 = tpu.memref_squeeze %dma_start3A_64 : memref<1x2x128xi32, #tpu.memory_space<hbm>> -> memref<2x128xi32, #tpu.memory_space<hbm>>
    tpu.enqueue_dma source(%dma_start3A_65 : memref<2x128xi32, #tpu.memory_space<hbm>>) target(%dma_start3A_56 : memref<2x128xi32, #tpu.memory_space<vmem>>) target_semaphore(%dma_start3A_52 : memref<!tpu.dma_semaphore, #tpu.memory_space<semaphore_mem>>)
    %dma_start3A_66 = arith.constant 2 : i32
    %dma_start3A_67 = arith.constant 2 : i32
    %dma_start3A_68 = arith.constant 2 : i32
    %dma_start3A_69 = arith.constant 0 : i32
    %dma_start3A_70 = arith.constant 0 : i32
    %dma_start3A_71 = tpu.memref_slice %arg6[%dma_start3A_67, %dma_start3A_69, %dma_start3A_70] : memref<4x2x128xi32, #tpu.memory_space<vmem>> -> memref<1x2x128xi32, #tpu.memory_space<vmem>>
    %dma_start3A_72 = tpu.memref_squeeze %dma_start3A_71 : memref<1x2x128xi32, #tpu.memory_space<vmem>> -> memref<2x128xi32, #tpu.memory_space<vmem>>
    %dma_start3A_73 = arith.constant 0 : i32
    %dma_start3A_74 = arith.constant 0 : i32
    %dma_start3A_75 = arith.constant 0 : i32
    %dma_start3A_76 = tpu.memref_slice %arg3[%add3A, %dma_start3A_73, %dma_start3A_74, %dma_start3A_75] : memref<32x80x2x128xi32, #tpu.memory_space<hbm>> -> memref<1x80x2x128xi32, #tpu.memory_space<hbm>>
    %dma_start3A_77 = tpu.memref_squeeze %dma_start3A_76 : memref<1x80x2x128xi32, #tpu.memory_space<hbm>> -> memref<80x2x128xi32, #tpu.memory_space<hbm>>
    %dma_start3A_78 = arith.constant 0 : i32
    %dma_start3A_79 = arith.constant 0 : i32
    %dma_start3A_80 = tpu.memref_slice %dma_start3A_77[%dma_start3A_66, %dma_start3A_78, %dma_start3A_79] : memref<80x2x128xi32, #tpu.memory_space<hbm>> -> memref<1x2x128xi32, #tpu.memory_space<hbm>>
    %dma_start3A_81 = tpu.memref_squeeze %dma_start3A_80 : memref<1x2x128xi32, #tpu.memory_space<hbm>> -> memref<2x128xi32, #tpu.memory_space<hbm>>
    %dma_start3A_82 = tpu.memref_slice %arg9[%dma_start3A_68] : memref<4x!tpu.dma_semaphore, #tpu.memory_space<semaphore_mem>> -> memref<1x!tpu.dma_semaphore, #tpu.memory_space<semaphore_mem>>
    %dma_start3A_83 = tpu.memref_squeeze %dma_start3A_82 : memref<1x!tpu.dma_semaphore, #tpu.memory_space<semaphore_mem>> -> memref<!tpu.dma_semaphore, #tpu.memory_space<semaphore_mem>>
    %dma_start3A_84 = arith.constant 0 : i32
    %dma_start3A_85 = arith.constant 0 : i32
    %dma_start3A_86 = tpu.memref_slice %arg6[%dma_start3A_67, %dma_start3A_84, %dma_start3A_85] : memref<4x2x128xi32, #tpu.memory_space<vmem>> -> memref<1x2x128xi32, #tpu.memory_space<vmem>>
    %dma_start3A_87 = tpu.memref_squeeze %dma_start3A_86 : memref<1x2x128xi32, #tpu.memory_space<vmem>> -> memref<2x128xi32, #tpu.memory_space<vmem>>
    %dma_start3A_88 = arith.constant 0 : i32
    %dma_start3A_89 = arith.constant 0 : i32
    %dma_start3A_90 = arith.constant 0 : i32
    %dma_start3A_91 = tpu.memref_slice %arg3[%add3A, %dma_start3A_88, %dma_start3A_89, %dma_start3A_90] : memref<32x80x2x128xi32, #tpu.memory_space<hbm>> -> memref<1x80x2x128xi32, #tpu.memory_space<hbm>>
    %dma_start3A_92 = tpu.memref_squeeze %dma_start3A_91 : memref<1x80x2x128xi32, #tpu.memory_space<hbm>> -> memref<80x2x128xi32, #tpu.memory_space<hbm>>
    %dma_start3A_93 = arith.constant 0 : i32
    %dma_start3A_94 = arith.constant 0 : i32
    %dma_start3A_95 = tpu.memref_slice %dma_start3A_92[%dma_start3A_66, %dma_start3A_93, %dma_start3A_94] : memref<80x2x128xi32, #tpu.memory_space<hbm>> -> memref<1x2x128xi32, #tpu.memory_space<hbm>>
    %dma_start3A_96 = tpu.memref_squeeze %dma_start3A_95 : memref<1x2x128xi32, #tpu.memory_space<hbm>> -> memref<2x128xi32, #tpu.memory_space<hbm>>
    tpu.enqueue_dma source(%dma_start3A_96 : memref<2x128xi32, #tpu.memory_space<hbm>>) target(%dma_start3A_87 : memref<2x128xi32, #tpu.memory_space<vmem>>) target_semaphore(%dma_start3A_83 : memref<!tpu.dma_semaphore, #tpu.memory_space<semaphore_mem>>)
    %dma_wait3A = arith.constant 0 : i32
    %dma_wait3A_97 = arith.constant 0 : i32
    %dma_wait3A_98 = arith.constant 0 : i32
    %dma_wait3A_99 = arith.constant 0 : i32
    %dma_wait3A_100 = arith.constant 0 : i32
    %dma_wait3A_101 = tpu.memref_slice %arg6[%dma_wait3A_97, %dma_wait3A_99, %dma_wait3A_100] : memref<4x2x128xi32, #tpu.memory_space<vmem>> -> memref<1x2x128xi32, #tpu.memory_space<vmem>>
    %dma_wait3A_102 = tpu.memref_squeeze %dma_wait3A_101 : memref<1x2x128xi32, #tpu.memory_space<vmem>> -> memref<2x128xi32, #tpu.memory_space<vmem>>
    %dma_wait3A_103 = arith.constant 0 : i32
    %dma_wait3A_104 = arith.constant 0 : i32
    %dma_wait3A_105 = arith.constant 0 : i32
    %dma_wait3A_106 = tpu.memref_slice %arg3[%add3A, %dma_wait3A_103, %dma_wait3A_104, %dma_wait3A_105] : memref<32x80x2x128xi32, #tpu.memory_space<hbm>> -> memref<1x80x2x128xi32, #tpu.memory_space<hbm>>
    %dma_wait3A_107 = tpu.memref_squeeze %dma_wait3A_106 : memref<1x80x2x128xi32, #tpu.memory_space<hbm>> -> memref<80x2x128xi32, #tpu.memory_space<hbm>>
    %dma_wait3A_108 = arith.constant 0 : i32
    %dma_wait3A_109 = arith.constant 0 : i32
    %dma_wait3A_110 = tpu.memref_slice %dma_wait3A_107[%dma_wait3A, %dma_wait3A_108, %dma_wait3A_109] : memref<80x2x128xi32, #tpu.memory_space<hbm>> -> memref<1x2x128xi32, #tpu.memory_space<hbm>>
    %dma_wait3A_111 = tpu.memref_squeeze %dma_wait3A_110 : memref<1x2x128xi32, #tpu.memory_space<hbm>> -> memref<2x128xi32, #tpu.memory_space<hbm>>
    %dma_wait3A_112 = tpu.memref_slice %arg9[%dma_wait3A_98] : memref<4x!tpu.dma_semaphore, #tpu.memory_space<semaphore_mem>> -> memref<1x!tpu.dma_semaphore, #tpu.memory_space<semaphore_mem>>
    %dma_wait3A_113 = tpu.memref_squeeze %dma_wait3A_112 : memref<1x!tpu.dma_semaphore, #tpu.memory_space<semaphore_mem>> -> memref<!tpu.dma_semaphore, #tpu.memory_space<semaphore_mem>>
    %dma_wait3A_114 = arith.constant 0 : i32
    %dma_wait3A_115 = arith.constant 0 : i32
    %dma_wait3A_116 = tpu.memref_slice %arg6[%dma_wait3A_97, %dma_wait3A_114, %dma_wait3A_115] : memref<4x2x128xi32, #tpu.memory_space<vmem>> -> memref<1x2x128xi32, #tpu.memory_space<vmem>>
    %dma_wait3A_117 = tpu.memref_squeeze %dma_wait3A_116 : memref<1x2x128xi32, #tpu.memory_space<vmem>> -> memref<2x128xi32, #tpu.memory_space<vmem>>
    %dma_wait3A_118 = arith.constant 0 : i32
    %dma_wait3A_119 = arith.constant 0 : i32
    %dma_wait3A_120 = arith.constant 0 : i32
    %dma_wait3A_121 = tpu.memref_slice %arg3[%add3A, %dma_wait3A_118, %dma_wait3A_119, %dma_wait3A_120] : memref<32x80x2x128xi32, #tpu.memory_space<hbm>> -> memref<1x80x2x128xi32, #tpu.memory_space<hbm>>
    %dma_wait3A_122 = tpu.memref_squeeze %dma_wait3A_121 : memref<1x80x2x128xi32, #tpu.memory_space<hbm>> -> memref<80x2x128xi32, #tpu.memory_space<hbm>>
    %dma_wait3A_123 = arith.constant 0 : i32
    %dma_wait3A_124 = arith.constant 0 : i32
    %dma_wait3A_125 = tpu.memref_slice %dma_wait3A_122[%dma_wait3A, %dma_wait3A_123, %dma_wait3A_124] : memref<80x2x128xi32, #tpu.memory_space<hbm>> -> memref<1x2x128xi32, #tpu.memory_space<hbm>>
    %dma_wait3A_126 = tpu.memref_squeeze %dma_wait3A_125 : memref<1x2x128xi32, #tpu.memory_space<hbm>> -> memref<2x128xi32, #tpu.memory_space<hbm>>
    tpu.wait_dma2 semaphore(%dma_wait3A_113 : memref<!tpu.dma_semaphore, #tpu.memory_space<semaphore_mem>>) src(%dma_wait3A_126 : memref<2x128xi32, #tpu.memory_space<hbm>>) dst(%dma_wait3A_117 : memref<2x128xi32, #tpu.memory_space<vmem>>)
    %dma_start3A_127 = arith.constant 0 : i32
    %dma_start3A_128 = arith.constant 0 : i32
    %dma_start3A_129 = arith.constant 0 : i32
    %dma_start3A_130 = arith.constant 0 : i32
    %dma_start3A_131 = arith.constant 0 : i32
    %dma_start3A_132 = arith.constant 0 : i32
    %dma_start3A_133 = tpu.memref_slice %arg7[%dma_start3A_129, %dma_start3A_131, %dma_start3A_132] : memref<2x128x128xf32, #tpu.memory_space<vmem>> -> memref<1x128x128xf32, #tpu.memory_space<vmem>>
    %dma_start3A_134 = tpu.memref_squeeze %dma_start3A_133 : memref<1x128x128xf32, #tpu.memory_space<vmem>> -> memref<128x128xf32, #tpu.memory_space<vmem>>
    %dma_start3A_135 = arith.constant 0 : i32
    %dma_start3A_136 = arith.constant 0 : i32
    %dma_start3A_137 = tpu.memref_slice %arg6[%dma_start3A_127, %dma_start3A_135, %dma_start3A_136] : memref<4x2x128xi32, #tpu.memory_space<vmem>> -> memref<1x2x128xi32, #tpu.memory_space<vmem>>
    %dma_start3A_138 = tpu.memref_squeeze %dma_start3A_137 : memref<1x2x128xi32, #tpu.memory_space<vmem>> -> memref<2x128xi32, #tpu.memory_space<vmem>>
    %dma_start3A_139 = arith.constant 0 : i32
    %dma_start3A_140 = tpu.memref_slice %dma_start3A_138[%dma_start3A_128, %dma_start3A_139] : memref<2x128xi32, #tpu.memory_space<vmem>> -> memref<1x128xi32, #tpu.memory_space<vmem>>
    %dma_start3A_141 = tpu.memref_squeeze %dma_start3A_140 : memref<1x128xi32, #tpu.memory_space<vmem>> -> memref<128xi32, #tpu.memory_space<vmem>>
    %dma_start3A_142 = arith.constant 0 : i32
    %dma_start3A_143 = arith.constant 0 : i32
    %dma_start3A_144 = tpu.memref_slice %arg2[%dma_start3A_142, %dma_start3A_143] : memref<10000x128xf32, #tpu.memory_space<hbm>> -> memref<10000x128xf32, #tpu.memory_space<hbm>>
    %dma_start3A_145 = tpu.memref_slice %arg10[%dma_start3A_130] : memref<2x!tpu.dma_semaphore, #tpu.memory_space<semaphore_mem>> -> memref<1x!tpu.dma_semaphore, #tpu.memory_space<semaphore_mem>>
    %dma_start3A_146 = tpu.memref_squeeze %dma_start3A_145 : memref<1x!tpu.dma_semaphore, #tpu.memory_space<semaphore_mem>> -> memref<!tpu.dma_semaphore, #tpu.memory_space<semaphore_mem>>
    tpu.enqueue_indirect_dma source(%dma_start3A_144 : memref<10000x128xf32, #tpu.memory_space<hbm>>) target(%dma_start3A_134 : memref<128x128xf32, #tpu.memory_space<vmem>>) offsets(%dma_start3A_141 : memref<128xi32, #tpu.memory_space<vmem>>) semaphore(%dma_start3A_146 : memref<!tpu.dma_semaphore, #tpu.memory_space<semaphore_mem>>)
    %barrier3A = arith.constant 0 : index
    tpu.barrier barrier_id(%barrier3A)
    %dma_wait3A_147 = arith.constant 0 : i32
    %dma_wait3A_148 = arith.constant 1 : i32
    %dma_wait3A_149 = arith.constant 1 : i32
    %dma_wait3A_150 = arith.constant 0 : i32
    %dma_wait3A_151 = arith.constant 0 : i32
    %dma_wait3A_152 = tpu.memref_slice %arg6[%dma_wait3A_148, %dma_wait3A_150, %dma_wait3A_151] : memref<4x2x128xi32, #tpu.memory_space<vmem>> -> memref<1x2x128xi32, #tpu.memory_space<vmem>>
    %dma_wait3A_153 = tpu.memref_squeeze %dma_wait3A_152 : memref<1x2x128xi32, #tpu.memory_space<vmem>> -> memref<2x128xi32, #tpu.memory_space<vmem>>
    %dma_wait3A_154 = arith.constant 0 : i32
    %dma_wait3A_155 = arith.constant 0 : i32
    %dma_wait3A_156 = arith.constant 0 : i32
    %dma_wait3A_157 = tpu.memref_slice %arg3[%add3A, %dma_wait3A_154, %dma_wait3A_155, %dma_wait3A_156] : memref<32x80x2x128xi32, #tpu.memory_space<hbm>> -> memref<1x80x2x128xi32, #tpu.memory_space<hbm>>
    %dma_wait3A_158 = tpu.memref_squeeze %dma_wait3A_157 : memref<1x80x2x128xi32, #tpu.memory_space<hbm>> -> memref<80x2x128xi32, #tpu.memory_space<hbm>>
    %dma_wait3A_159 = arith.constant 0 : i32
    %dma_wait3A_160 = arith.constant 0 : i32
    %dma_wait3A_161 = tpu.memref_slice %dma_wait3A_158[%dma_wait3A_147, %dma_wait3A_159, %dma_wait3A_160] : memref<80x2x128xi32, #tpu.memory_space<hbm>> -> memref<1x2x128xi32, #tpu.memory_space<hbm>>
    %dma_wait3A_162 = tpu.memref_squeeze %dma_wait3A_161 : memref<1x2x128xi32, #tpu.memory_space<hbm>> -> memref<2x128xi32, #tpu.memory_space<hbm>>
    %dma_wait3A_163 = tpu.memref_slice %arg9[%dma_wait3A_149] : memref<4x!tpu.dma_semaphore, #tpu.memory_space<semaphore_mem>> -> memref<1x!tpu.dma_semaphore, #tpu.memory_space<semaphore_mem>>
    %dma_wait3A_164 = tpu.memref_squeeze %dma_wait3A_163 : memref<1x!tpu.dma_semaphore, #tpu.memory_space<semaphore_mem>> -> memref<!tpu.dma_semaphore, #tpu.memory_space<semaphore_mem>>
    %dma_wait3A_165 = arith.constant 0 : i32
    %dma_wait3A_166 = arith.constant 0 : i32
    %dma_wait3A_167 = tpu.memref_slice %arg6[%dma_wait3A_148, %dma_wait3A_165, %dma_wait3A_166] : memref<4x2x128xi32, #tpu.memory_space<vmem>> -> memref<1x2x128xi32, #tpu.memory_space<vmem>>
    %dma_wait3A_168 = tpu.memref_squeeze %dma_wait3A_167 : memref<1x2x128xi32, #tpu.memory_space<vmem>> -> memref<2x128xi32, #tpu.memory_space<vmem>>
    %dma_wait3A_169 = arith.constant 0 : i32
    %dma_wait3A_170 = arith.constant 0 : i32
    %dma_wait3A_171 = arith.constant 0 : i32
    %dma_wait3A_172 = tpu.memref_slice %arg3[%add3A, %dma_wait3A_169, %dma_wait3A_170, %dma_wait3A_171] : memref<32x80x2x128xi32, #tpu.memory_space<hbm>> -> memref<1x80x2x128xi32, #tpu.memory_space<hbm>>
    %dma_wait3A_173 = tpu.memref_squeeze %dma_wait3A_172 : memref<1x80x2x128xi32, #tpu.memory_space<hbm>> -> memref<80x2x128xi32, #tpu.memory_space<hbm>>
    %dma_wait3A_174 = arith.constant 0 : i32
    %dma_wait3A_175 = arith.constant 0 : i32
    %dma_wait3A_176 = tpu.memref_slice %dma_wait3A_173[%dma_wait3A_147, %dma_wait3A_174, %dma_wait3A_175] : memref<80x2x128xi32, #tpu.memory_space<hbm>> -> memref<1x2x128xi32, #tpu.memory_space<hbm>>
    %dma_wait3A_177 = tpu.memref_squeeze %dma_wait3A_176 : memref<1x2x128xi32, #tpu.memory_space<hbm>> -> memref<2x128xi32, #tpu.memory_space<hbm>>
    tpu.wait_dma2 semaphore(%dma_wait3A_164 : memref<!tpu.dma_semaphore, #tpu.memory_space<semaphore_mem>>) src(%dma_wait3A_177 : memref<2x128xi32, #tpu.memory_space<hbm>>) dst(%dma_wait3A_168 : memref<2x128xi32, #tpu.memory_space<vmem>>)
    %dma_start3A_178 = arith.constant 1 : i32
    %dma_start3A_179 = arith.constant 0 : i32
    %dma_start3A_180 = arith.constant 1 : i32
    %dma_start3A_181 = arith.constant 1 : i32
    %dma_start3A_182 = arith.constant 0 : i32
    %dma_start3A_183 = arith.constant 0 : i32
    %dma_start3A_184 = tpu.memref_slice %arg7[%dma_start3A_180, %dma_start3A_182, %dma_start3A_183] : memref<2x128x128xf32, #tpu.memory_space<vmem>> -> memref<1x128x128xf32, #tpu.memory_space<vmem>>
    %dma_start3A_185 = tpu.memref_squeeze %dma_start3A_184 : memref<1x128x128xf32, #tpu.memory_space<vmem>> -> memref<128x128xf32, #tpu.memory_space<vmem>>
    %dma_start3A_186 = arith.constant 0 : i32
    %dma_start3A_187 = arith.constant 0 : i32
    %dma_start3A_188 = tpu.memref_slice %arg6[%dma_start3A_178, %dma_start3A_186, %dma_start3A_187] : memref<4x2x128xi32, #tpu.memory_space<vmem>> -> memref<1x2x128xi32, #tpu.memory_space<vmem>>
    %dma_start3A_189 = tpu.memref_squeeze %dma_start3A_188 : memref<1x2x128xi32, #tpu.memory_space<vmem>> -> memref<2x128xi32, #tpu.memory_space<vmem>>
    %dma_start3A_190 = arith.constant 0 : i32
    %dma_start3A_191 = tpu.memref_slice %dma_start3A_189[%dma_start3A_179, %dma_start3A_190] : memref<2x128xi32, #tpu.memory_space<vmem>> -> memref<1x128xi32, #tpu.memory_space<vmem>>
    %dma_start3A_192 = tpu.memref_squeeze %dma_start3A_191 : memref<1x128xi32, #tpu.memory_space<vmem>> -> memref<128xi32, #tpu.memory_space<vmem>>
    %dma_start3A_193 = arith.constant 0 : i32
    %dma_start3A_194 = arith.constant 0 : i32
    %dma_start3A_195 = tpu.memref_slice %arg2[%dma_start3A_193, %dma_start3A_194] : memref<10000x128xf32, #tpu.memory_space<hbm>> -> memref<10000x128xf32, #tpu.memory_space<hbm>>
    %dma_start3A_196 = tpu.memref_slice %arg10[%dma_start3A_181] : memref<2x!tpu.dma_semaphore, #tpu.memory_space<semaphore_mem>> -> memref<1x!tpu.dma_semaphore, #tpu.memory_space<semaphore_mem>>
    %dma_start3A_197 = tpu.memref_squeeze %dma_start3A_196 : memref<1x!tpu.dma_semaphore, #tpu.memory_space<semaphore_mem>> -> memref<!tpu.dma_semaphore, #tpu.memory_space<semaphore_mem>>
    tpu.enqueue_indirect_dma source(%dma_start3A_195 : memref<10000x128xf32, #tpu.memory_space<hbm>>) target(%dma_start3A_185 : memref<128x128xf32, #tpu.memory_space<vmem>>) offsets(%dma_start3A_192 : memref<128xi32, #tpu.memory_space<vmem>>) semaphore(%dma_start3A_197 : memref<!tpu.dma_semaphore, #tpu.memory_space<semaphore_mem>>)
    %dma_start3A_198 = arith.constant 3 : i32
    %dma_start3A_199 = arith.constant 3 : i32
    %dma_start3A_200 = arith.constant 3 : i32
    %dma_start3A_201 = arith.constant 0 : i32
    %dma_start3A_202 = arith.constant 0 : i32
    %dma_start3A_203 = tpu.memref_slice %arg6[%dma_start3A_199, %dma_start3A_201, %dma_start3A_202] : memref<4x2x128xi32, #tpu.memory_space<vmem>> -> memref<1x2x128xi32, #tpu.memory_space<vmem>>
    %dma_start3A_204 = tpu.memref_squeeze %dma_start3A_203 : memref<1x2x128xi32, #tpu.memory_space<vmem>> -> memref<2x128xi32, #tpu.memory_space<vmem>>
    %dma_start3A_205 = arith.constant 0 : i32
    %dma_start3A_206 = arith.constant 0 : i32
    %dma_start3A_207 = arith.constant 0 : i32
    %dma_start3A_208 = tpu.memref_slice %arg3[%add3A, %dma_start3A_205, %dma_start3A_206, %dma_start3A_207] : memref<32x80x2x128xi32, #tpu.memory_space<hbm>> -> memref<1x80x2x128xi32, #tpu.memory_space<hbm>>
    %dma_start3A_209 = tpu.memref_squeeze %dma_start3A_208 : memref<1x80x2x128xi32, #tpu.memory_space<hbm>> -> memref<80x2x128xi32, #tpu.memory_space<hbm>>
    %dma_start3A_210 = arith.constant 0 : i32
    %dma_start3A_211 = arith.constant 0 : i32
    %dma_start3A_212 = tpu.memref_slice %dma_start3A_209[%dma_start3A_198, %dma_start3A_210, %dma_start3A_211] : memref<80x2x128xi32, #tpu.memory_space<hbm>> -> memref<1x2x128xi32, #tpu.memory_space<hbm>>
    %dma_start3A_213 = tpu.memref_squeeze %dma_start3A_212 : memref<1x2x128xi32, #tpu.memory_space<hbm>> -> memref<2x128xi32, #tpu.memory_space<hbm>>
    %dma_start3A_214 = tpu.memref_slice %arg9[%dma_start3A_200] : memref<4x!tpu.dma_semaphore, #tpu.memory_space<semaphore_mem>> -> memref<1x!tpu.dma_semaphore, #tpu.memory_space<semaphore_mem>>
    %dma_start3A_215 = tpu.memref_squeeze %dma_start3A_214 : memref<1x!tpu.dma_semaphore, #tpu.memory_space<semaphore_mem>> -> memref<!tpu.dma_semaphore, #tpu.memory_space<semaphore_mem>>
    %dma_start3A_216 = arith.constant 0 : i32
    %dma_start3A_217 = arith.constant 0 : i32
    %dma_start3A_218 = tpu.memref_slice %arg6[%dma_start3A_199, %dma_start3A_216, %dma_start3A_217] : memref<4x2x128xi32, #tpu.memory_space<vmem>> -> memref<1x2x128xi32, #tpu.memory_space<vmem>>
    %dma_start3A_219 = tpu.memref_squeeze %dma_start3A_218 : memref<1x2x128xi32, #tpu.memory_space<vmem>> -> memref<2x128xi32, #tpu.memory_space<vmem>>
    %dma_start3A_220 = arith.constant 0 : i32
    %dma_start3A_221 = arith.constant 0 : i32
    %dma_start3A_222 = arith.constant 0 : i32
    %dma_start3A_223 = tpu.memref_slice %arg3[%add3A, %dma_start3A_220, %dma_start3A_221, %dma_start3A_222] : memref<32x80x2x128xi32, #tpu.memory_space<hbm>> -> memref<1x80x2x128xi32, #tpu.memory_space<hbm>>
    %dma_start3A_224 = tpu.memref_squeeze %dma_start3A_223 : memref<1x80x2x128xi32, #tpu.memory_space<hbm>> -> memref<80x2x128xi32, #tpu.memory_space<hbm>>
    %dma_start3A_225 = arith.constant 0 : i32
    %dma_start3A_226 = arith.constant 0 : i32
    %dma_start3A_227 = tpu.memref_slice %dma_start3A_224[%dma_start3A_198, %dma_start3A_225, %dma_start3A_226] : memref<80x2x128xi32, #tpu.memory_space<hbm>> -> memref<1x2x128xi32, #tpu.memory_space<hbm>>
    %dma_start3A_228 = tpu.memref_squeeze %dma_start3A_227 : memref<1x2x128xi32, #tpu.memory_space<hbm>> -> memref<2x128xi32, #tpu.memory_space<hbm>>
    tpu.enqueue_dma source(%dma_start3A_228 : memref<2x128xi32, #tpu.memory_space<hbm>>) target(%dma_start3A_219 : memref<2x128xi32, #tpu.memory_space<vmem>>) target_semaphore(%dma_start3A_215 : memref<!tpu.dma_semaphore, #tpu.memory_space<semaphore_mem>>)
    %dma_wait3A_229 = arith.constant 0 : i32
    %dma_wait3A_230 = arith.constant 0 : i32
    %dma_wait3A_231 = arith.constant 0 : i32
    %dma_wait3A_232 = arith.constant 0 : i32
    %dma_wait3A_233 = arith.constant 0 : i32
    %dma_wait3A_234 = arith.constant 0 : i32
    %dma_wait3A_235 = tpu.memref_slice %arg7[%dma_wait3A_231, %dma_wait3A_233, %dma_wait3A_234] : memref<2x128x128xf32, #tpu.memory_space<vmem>> -> memref<1x128x128xf32, #tpu.memory_space<vmem>>
    %dma_wait3A_236 = tpu.memref_squeeze %dma_wait3A_235 : memref<1x128x128xf32, #tpu.memory_space<vmem>> -> memref<128x128xf32, #tpu.memory_space<vmem>>
    %dma_wait3A_237 = arith.constant 0 : i32
    %dma_wait3A_238 = arith.constant 0 : i32
    %dma_wait3A_239 = tpu.memref_slice %arg6[%dma_wait3A_229, %dma_wait3A_237, %dma_wait3A_238] : memref<4x2x128xi32, #tpu.memory_space<vmem>> -> memref<1x2x128xi32, #tpu.memory_space<vmem>>
    %dma_wait3A_240 = tpu.memref_squeeze %dma_wait3A_239 : memref<1x2x128xi32, #tpu.memory_space<vmem>> -> memref<2x128xi32, #tpu.memory_space<vmem>>
    %dma_wait3A_241 = arith.constant 0 : i32
    %dma_wait3A_242 = tpu.memref_slice %dma_wait3A_240[%dma_wait3A_230, %dma_wait3A_241] : memref<2x128xi32, #tpu.memory_space<vmem>> -> memref<1x128xi32, #tpu.memory_space<vmem>>
    %dma_wait3A_243 = tpu.memref_squeeze %dma_wait3A_242 : memref<1x128xi32, #tpu.memory_space<vmem>> -> memref<128xi32, #tpu.memory_space<vmem>>
    %dma_wait3A_244 = arith.constant 0 : i32
    %dma_wait3A_245 = arith.constant 0 : i32
    %dma_wait3A_246 = tpu.memref_slice %arg2[%dma_wait3A_244, %dma_wait3A_245] : memref<10000x128xf32, #tpu.memory_space<hbm>> -> memref<10000x128xf32, #tpu.memory_space<hbm>>
    %dma_wait3A_247 = tpu.memref_slice %arg10[%dma_wait3A_232] : memref<2x!tpu.dma_semaphore, #tpu.memory_space<semaphore_mem>> -> memref<1x!tpu.dma_semaphore, #tpu.memory_space<semaphore_mem>>
    %dma_wait3A_248 = tpu.memref_squeeze %dma_wait3A_247 : memref<1x!tpu.dma_semaphore, #tpu.memory_space<semaphore_mem>> -> memref<!tpu.dma_semaphore, #tpu.memory_space<semaphore_mem>>
    tpu.wait_indirect_dma semaphore(%dma_wait3A_248 : memref<!tpu.dma_semaphore, #tpu.memory_space<semaphore_mem>>) src(%dma_wait3A_246 : memref<10000x128xf32, #tpu.memory_space<hbm>>) dst(%dma_wait3A_236 : memref<128x128xf32, #tpu.memory_space<vmem>>)
    %dma_start3A_249 = arith.constant 0 : i32
    %dma_start3A_250 = arith.constant 0 : i32
    %dma_start3A_251 = arith.constant 1 : i32
    %dma_start3A_252 = arith.constant 0 : i32
    %dma_start3A_253 = arith.constant 0 : i32
    %dma_start3A_254 = tpu.memref_slice %arg7[%dma_start3A_249, %dma_start3A_252, %dma_start3A_253] : memref<2x128x128xf32, #tpu.memory_space<vmem>> -> memref<1x128x128xf32, #tpu.memory_space<vmem>>
    %dma_start3A_255 = tpu.memref_squeeze %dma_start3A_254 : memref<1x128x128xf32, #tpu.memory_space<vmem>> -> memref<128x128xf32, #tpu.memory_space<vmem>>
    %dma_start3A_256 = arith.constant 0 : i32
    %dma_start3A_257 = arith.constant 0 : i32
    %dma_start3A_258 = tpu.memref_slice %arg6[%dma_start3A_250, %dma_start3A_256, %dma_start3A_257] : memref<4x2x128xi32, #tpu.memory_space<vmem>> -> memref<1x2x128xi32, #tpu.memory_space<vmem>>
    %dma_start3A_259 = tpu.memref_squeeze %dma_start3A_258 : memref<1x2x128xi32, #tpu.memory_space<vmem>> -> memref<2x128xi32, #tpu.memory_space<vmem>>
    %dma_start3A_260 = arith.constant 0 : i32
    %dma_start3A_261 = tpu.memref_slice %dma_start3A_259[%dma_start3A_251, %dma_start3A_260] : memref<2x128xi32, #tpu.memory_space<vmem>> -> memref<1x128xi32, #tpu.memory_space<vmem>>
    %dma_start3A_262 = tpu.memref_squeeze %dma_start3A_261 : memref<1x128xi32, #tpu.memory_space<vmem>> -> memref<128xi32, #tpu.memory_space<vmem>>
    %dma_start3A_263 = arith.constant 0 : i32
    %dma_start3A_264 = arith.constant 0 : i32
    %dma_start3A_265 = tpu.memref_slice %arg8[%dma_start3A_263, %dma_start3A_264] : memref<10240x128xf32, #tpu.memory_space<vmem_shared>> -> memref<10240x128xf32, #tpu.memory_space<vmem_shared>>
    tpu.enqueue_indirect_dma source(%dma_start3A_255 : memref<128x128xf32, #tpu.memory_space<vmem>>) target(%dma_start3A_265 : memref<10240x128xf32, #tpu.memory_space<vmem_shared>>) offsets(%dma_start3A_262 : memref<128xi32, #tpu.memory_space<vmem>>) semaphore(%arg11 : memref<!tpu.dma_semaphore, #tpu.memory_space<semaphore_mem>>) {add = true}
    %dma_wait3A_266 = arith.constant 0 : i32
    %dma_wait3A_267 = arith.constant 0 : i32
    %dma_wait3A_268 = arith.constant 1 : i32
    %dma_wait3A_269 = arith.constant 0 : i32
    %dma_wait3A_270 = arith.constant 0 : i32
    %dma_wait3A_271 = tpu.memref_slice %arg7[%dma_wait3A_266, %dma_wait3A_269, %dma_wait3A_270] : memref<2x128x128xf32, #tpu.memory_space<vmem>> -> memref<1x128x128xf32, #tpu.memory_space<vmem>>
    %dma_wait3A_272 = tpu.memref_squeeze %dma_wait3A_271 : memref<1x128x128xf32, #tpu.memory_space<vmem>> -> memref<128x128xf32, #tpu.memory_space<vmem>>
    %dma_wait3A_273 = arith.constant 0 : i32
    %dma_wait3A_274 = arith.constant 0 : i32
    %dma_wait3A_275 = tpu.memref_slice %arg6[%dma_wait3A_267, %dma_wait3A_273, %dma_wait3A_274] : memref<4x2x128xi32, #tpu.memory_space<vmem>> -> memref<1x2x128xi32, #tpu.memory_space<vmem>>
    %dma_wait3A_276 = tpu.memref_squeeze %dma_wait3A_275 : memref<1x2x128xi32, #tpu.memory_space<vmem>> -> memref<2x128xi32, #tpu.memory_space<vmem>>
    %dma_wait3A_277 = arith.constant 0 : i32
    %dma_wait3A_278 = tpu.memref_slice %dma_wait3A_276[%dma_wait3A_268, %dma_wait3A_277] : memref<2x128xi32, #tpu.memory_space<vmem>> -> memref<1x128xi32, #tpu.memory_space<vmem>>
    %dma_wait3A_279 = tpu.memref_squeeze %dma_wait3A_278 : memref<1x128xi32, #tpu.memory_space<vmem>> -> memref<128xi32, #tpu.memory_space<vmem>>
    %dma_wait3A_280 = arith.constant 0 : i32
    %dma_wait3A_281 = arith.constant 0 : i32
    %dma_wait3A_282 = tpu.memref_slice %arg8[%dma_wait3A_280, %dma_wait3A_281] : memref<10240x128xf32, #tpu.memory_space<vmem_shared>> -> memref<10240x128xf32, #tpu.memory_space<vmem_shared>>
    tpu.wait_indirect_dma semaphore(%arg11 : memref<!tpu.dma_semaphore, #tpu.memory_space<semaphore_mem>>) src(%dma_wait3A_272 : memref<128x128xf32, #tpu.memory_space<vmem>>) dst(%dma_wait3A_282 : memref<10240x128xf32, #tpu.memory_space<vmem_shared>>)
    %dma_wait3A_283 = arith.constant 0 : i32
    %dma_wait3A_284 = arith.constant 2 : i32
    %dma_wait3A_285 = arith.constant 2 : i32
    %dma_wait3A_286 = arith.constant 0 : i32
    %dma_wait3A_287 = arith.constant 0 : i32
    %dma_wait3A_288 = tpu.memref_slice %arg6[%dma_wait3A_284, %dma_wait3A_286, %dma_wait3A_287] : memref<4x2x128xi32, #tpu.memory_space<vmem>> -> memref<1x2x128xi32, #tpu.memory_space<vmem>>
    %dma_wait3A_289 = tpu.memref_squeeze %dma_wait3A_288 : memref<1x2x128xi32, #tpu.memory_space<vmem>> -> memref<2x128xi32, #tpu.memory_space<vmem>>
    %dma_wait3A_290 = arith.constant 0 : i32
    %dma_wait3A_291 = arith.constant 0 : i32
    %dma_wait3A_292 = arith.constant 0 : i32
    %dma_wait3A_293 = tpu.memref_slice %arg3[%add3A, %dma_wait3A_290, %dma_wait3A_291, %dma_wait3A_292] : memref<32x80x2x128xi32, #tpu.memory_space<hbm>> -> memref<1x80x2x128xi32, #tpu.memory_space<hbm>>
    %dma_wait3A_294 = tpu.memref_squeeze %dma_wait3A_293 : memref<1x80x2x128xi32, #tpu.memory_space<hbm>> -> memref<80x2x128xi32, #tpu.memory_space<hbm>>
    %dma_wait3A_295 = arith.constant 0 : i32
    %dma_wait3A_296 = arith.constant 0 : i32
    %dma_wait3A_297 = tpu.memref_slice %dma_wait3A_294[%dma_wait3A_283, %dma_wait3A_295, %dma_wait3A_296] : memref<80x2x128xi32, #tpu.memory_space<hbm>> -> memref<1x2x128xi32, #tpu.memory_space<hbm>>
    %dma_wait3A_298 = tpu.memref_squeeze %dma_wait3A_297 : memref<1x2x128xi32, #tpu.memory_space<hbm>> -> memref<2x128xi32, #tpu.memory_space<hbm>>
    %dma_wait3A_299 = tpu.memref_slice %arg9[%dma_wait3A_285] : memref<4x!tpu.dma_semaphore, #tpu.memory_space<semaphore_mem>> -> memref<1x!tpu.dma_semaphore, #tpu.memory_space<semaphore_mem>>
    %dma_wait3A_300 = tpu.memref_squeeze %dma_wait3A_299 : memref<1x!tpu.dma_semaphore, #tpu.memory_space<semaphore_mem>> -> memref<!tpu.dma_semaphore, #tpu.memory_space<semaphore_mem>>
    %dma_wait3A_301 = arith.constant 0 : i32
    %dma_wait3A_302 = arith.constant 0 : i32
    %dma_wait3A_303 = tpu.memref_slice %arg6[%dma_wait3A_284, %dma_wait3A_301, %dma_wait3A_302] : memref<4x2x128xi32, #tpu.memory_space<vmem>> -> memref<1x2x128xi32, #tpu.memory_space<vmem>>
    %dma_wait3A_304 = tpu.memref_squeeze %dma_wait3A_303 : memref<1x2x128xi32, #tpu.memory_space<vmem>> -> memref<2x128xi32, #tpu.memory_space<vmem>>
    %dma_wait3A_305 = arith.constant 0 : i32
    %dma_wait3A_306 = arith.constant 0 : i32
    %dma_wait3A_307 = arith.constant 0 : i32
    %dma_wait3A_308 = tpu.memref_slice %arg3[%add3A, %dma_wait3A_305, %dma_wait3A_306, %dma_wait3A_307] : memref<32x80x2x128xi32, #tpu.memory_space<hbm>> -> memref<1x80x2x128xi32, #tpu.memory_space<hbm>>
    %dma_wait3A_309 = tpu.memref_squeeze %dma_wait3A_308 : memref<1x80x2x128xi32, #tpu.memory_space<hbm>> -> memref<80x2x128xi32, #tpu.memory_space<hbm>>
    %dma_wait3A_310 = arith.constant 0 : i32
    %dma_wait3A_311 = arith.constant 0 : i32
    %dma_wait3A_312 = tpu.memref_slice %dma_wait3A_309[%dma_wait3A_283, %dma_wait3A_310, %dma_wait3A_311] : memref<80x2x128xi32, #tpu.memory_space<hbm>> -> memref<1x2x128xi32, #tpu.memory_space<hbm>>
    %dma_wait3A_313 = tpu.memref_squeeze %dma_wait3A_312 : memref<1x2x128xi32, #tpu.memory_space<hbm>> -> memref<2x128xi32, #tpu.memory_space<hbm>>
    tpu.wait_dma2 semaphore(%dma_wait3A_300 : memref<!tpu.dma_semaphore, #tpu.memory_space<semaphore_mem>>) src(%dma_wait3A_313 : memref<2x128xi32, #tpu.memory_space<hbm>>) dst(%dma_wait3A_304 : memref<2x128xi32, #tpu.memory_space<vmem>>)
    %dma_start3A_314 = arith.constant 2 : i32
    %dma_start3A_315 = arith.constant 0 : i32
    %dma_start3A_316 = arith.constant 0 : i32
    %dma_start3A_317 = arith.constant 0 : i32
    %dma_start3A_318 = arith.constant 0 : i32
    %dma_start3A_319 = arith.constant 0 : i32
    %dma_start3A_320 = tpu.memref_slice %arg7[%dma_start3A_316, %dma_start3A_318, %dma_start3A_319] : memref<2x128x128xf32, #tpu.memory_space<vmem>> -> memref<1x128x128xf32, #tpu.memory_space<vmem>>
    %dma_start3A_321 = tpu.memref_squeeze %dma_start3A_320 : memref<1x128x128xf32, #tpu.memory_space<vmem>> -> memref<128x128xf32, #tpu.memory_space<vmem>>
    %dma_start3A_322 = arith.constant 0 : i32
    %dma_start3A_323 = arith.constant 0 : i32
    %dma_start3A_324 = tpu.memref_slice %arg6[%dma_start3A_314, %dma_start3A_322, %dma_start3A_323] : memref<4x2x128xi32, #tpu.memory_space<vmem>> -> memref<1x2x128xi32, #tpu.memory_space<vmem>>
    %dma_start3A_325 = tpu.memref_squeeze %dma_start3A_324 : memref<1x2x128xi32, #tpu.memory_space<vmem>> -> memref<2x128xi32, #tpu.memory_space<vmem>>
    %dma_start3A_326 = arith.constant 0 : i32
    %dma_start3A_327 = tpu.memref_slice %dma_start3A_325[%dma_start3A_315, %dma_start3A_326] : memref<2x128xi32, #tpu.memory_space<vmem>> -> memref<1x128xi32, #tpu.memory_space<vmem>>
    %dma_start3A_328 = tpu.memref_squeeze %dma_start3A_327 : memref<1x128xi32, #tpu.memory_space<vmem>> -> memref<128xi32, #tpu.memory_space<vmem>>
    %dma_start3A_329 = arith.constant 0 : i32
    %dma_start3A_330 = arith.constant 0 : i32
    %dma_start3A_331 = tpu.memref_slice %arg2[%dma_start3A_329, %dma_start3A_330] : memref<10000x128xf32, #tpu.memory_space<hbm>> -> memref<10000x128xf32, #tpu.memory_space<hbm>>
    %dma_start3A_332 = tpu.memref_slice %arg10[%dma_start3A_317] : memref<2x!tpu.dma_semaphore, #tpu.memory_space<semaphore_mem>> -> memref<1x!tpu.dma_semaphore, #tpu.memory_space<semaphore_mem>>
    %dma_start3A_333 = tpu.memref_squeeze %dma_start3A_332 : memref<1x!tpu.dma_semaphore, #tpu.memory_space<semaphore_mem>> -> memref<!tpu.dma_semaphore, #tpu.memory_space<semaphore_mem>>
    tpu.enqueue_indirect_dma source(%dma_start3A_331 : memref<10000x128xf32, #tpu.memory_space<hbm>>) target(%dma_start3A_321 : memref<128x128xf32, #tpu.memory_space<vmem>>) offsets(%dma_start3A_328 : memref<128xi32, #tpu.memory_space<vmem>>) semaphore(%dma_start3A_333 : memref<!tpu.dma_semaphore, #tpu.memory_space<semaphore_mem>>)
    %dma_start3A_334 = arith.constant 4 : i32
    %dma_start3A_335 = arith.constant 0 : i32
    %dma_start3A_336 = arith.constant 0 : i32
    %dma_start3A_337 = arith.constant 0 : i32
    %dma_start3A_338 = arith.constant 0 : i32
    %dma_start3A_339 = tpu.memref_slice %arg6[%dma_start3A_335, %dma_start3A_337, %dma_start3A_338] : memref<4x2x128xi32, #tpu.memory_space<vmem>> -> memref<1x2x128xi32, #tpu.memory_space<vmem>>
    %dma_start3A_340 = tpu.memref_squeeze %dma_start3A_339 : memref<1x2x128xi32, #tpu.memory_space<vmem>> -> memref<2x128xi32, #tpu.memory_space<vmem>>
    %dma_start3A_341 = arith.constant 0 : i32
    %dma_start3A_342 = arith.constant 0 : i32
    %dma_start3A_343 = arith.constant 0 : i32
    %dma_start3A_344 = tpu.memref_slice %arg3[%add3A, %dma_start3A_341, %dma_start3A_342, %dma_start3A_343] : memref<32x80x2x128xi32, #tpu.memory_space<hbm>> -> memref<1x80x2x128xi32, #tpu.memory_space<hbm>>
    %dma_start3A_345 = tpu.memref_squeeze %dma_start3A_344 : memref<1x80x2x128xi32, #tpu.memory_space<hbm>> -> memref<80x2x128xi32, #tpu.memory_space<hbm>>
    %dma_start3A_346 = arith.constant 0 : i32
    %dma_start3A_347 = arith.constant 0 : i32
    %dma_start3A_348 = tpu.memref_slice %dma_start3A_345[%dma_start3A_334, %dma_start3A_346, %dma_start3A_347] : memref<80x2x128xi32, #tpu.memory_space<hbm>> -> memref<1x2x128xi32, #tpu.memory_space<hbm>>
    %dma_start3A_349 = tpu.memref_squeeze %dma_start3A_348 : memref<1x2x128xi32, #tpu.memory_space<hbm>> -> memref<2x128xi32, #tpu.memory_space<hbm>>
    %dma_start3A_350 = tpu.memref_slice %arg9[%dma_start3A_336] : memref<4x!tpu.dma_semaphore, #tpu.memory_space<semaphore_mem>> -> memref<1x!tpu.dma_semaphore, #tpu.memory_space<semaphore_mem>>
    %dma_start3A_351 = tpu.memref_squeeze %dma_start3A_350 : memref<1x!tpu.dma_semaphore, #tpu.memory_space<semaphore_mem>> -> memref<!tpu.dma_semaphore, #tpu.memory_space<semaphore_mem>>
    %dma_start3A_352 = arith.constant 0 : i32
    %dma_start3A_353 = arith.constant 0 : i32
    %dma_start3A_354 = tpu.memref_slice %arg6[%dma_start3A_335, %dma_start3A_352, %dma_start3A_353] : memref<4x2x128xi32, #tpu.memory_space<vmem>> -> memref<1x2x128xi32, #tpu.memory_space<vmem>>
    %dma_start3A_355 = tpu.memref_squeeze %dma_start3A_354 : memref<1x2x128xi32, #tpu.memory_space<vmem>> -> memref<2x128xi32, #tpu.memory_space<vmem>>
    %dma_start3A_356 = arith.constant 0 : i32
    %dma_start3A_357 = arith.constant 0 : i32
    %dma_start3A_358 = arith.constant 0 : i32
    %dma_start3A_359 = tpu.memref_slice %arg3[%add3A, %dma_start3A_356, %dma_start3A_357, %dma_start3A_358] : memref<32x80x2x128xi32, #tpu.memory_space<hbm>> -> memref<1x80x2x128xi32, #tpu.memory_space<hbm>>
    %dma_start3A_360 = tpu.memref_squeeze %dma_start3A_359 : memref<1x80x2x128xi32, #tpu.memory_space<hbm>> -> memref<80x2x128xi32, #tpu.memory_space<hbm>>
    %dma_start3A_361 = arith.constant 0 : i32
    %dma_start3A_362 = arith.constant 0 : i32
    %dma_start3A_363 = tpu.memref_slice %dma_start3A_360[%dma_start3A_334, %dma_start3A_361, %dma_start3A_362] : memref<80x2x128xi32, #tpu.memory_space<hbm>> -> memref<1x2x128xi32, #tpu.memory_space<hbm>>
    %dma_start3A_364 = tpu.memref_squeeze %dma_start3A_363 : memref<1x2x128xi32, #tpu.memory_space<hbm>> -> memref<2x128xi32, #tpu.memory_space<hbm>>
    tpu.enqueue_dma source(%dma_start3A_364 : memref<2x128xi32, #tpu.memory_space<hbm>>) target(%dma_start3A_355 : memref<2x128xi32, #tpu.memory_space<vmem>>) target_semaphore(%dma_start3A_351 : memref<!tpu.dma_semaphore, #tpu.memory_space<semaphore_mem>>)
    %dma_wait3A_365 = arith.constant 0 : i32
    %dma_wait3A_366 = arith.constant 0 : i32
    %dma_wait3A_367 = arith.constant 1 : i32
    %dma_wait3A_368 = arith.constant 1 : i32
    %dma_wait3A_369 = arith.constant 0 : i32
    %dma_wait3A_370 = arith.constant 0 : i32
    %dma_wait3A_371 = tpu.memref_slice %arg7[%dma_wait3A_367, %dma_wait3A_369, %dma_wait3A_370] : memref<2x128x128xf32, #tpu.memory_space<vmem>> -> memref<1x128x128xf32, #tpu.memory_space<vmem>>
    %dma_wait3A_372 = tpu.memref_squeeze %dma_wait3A_371 : memref<1x128x128xf32, #tpu.memory_space<vmem>> -> memref<128x128xf32, #tpu.memory_space<vmem>>
    %dma_wait3A_373 = arith.constant 0 : i32
    %dma_wait3A_374 = arith.constant 0 : i32
    %dma_wait3A_375 = tpu.memref_slice %arg6[%dma_wait3A_365, %dma_wait3A_373, %dma_wait3A_374] : memref<4x2x128xi32, #tpu.memory_space<vmem>> -> memref<1x2x128xi32, #tpu.memory_space<vmem>>
    %dma_wait3A_376 = tpu.memref_squeeze %dma_wait3A_375 : memref<1x2x128xi32, #tpu.memory_space<vmem>> -> memref<2x128xi32, #tpu.memory_space<vmem>>
    %dma_wait3A_377 = arith.constant 0 : i32
    %dma_wait3A_378 = tpu.memref_slice %dma_wait3A_376[%dma_wait3A_366, %dma_wait3A_377] : memref<2x128xi32, #tpu.memory_space<vmem>> -> memref<1x128xi32, #tpu.memory_space<vmem>>
    %dma_wait3A_379 = tpu.memref_squeeze %dma_wait3A_378 : memref<1x128xi32, #tpu.memory_space<vmem>> -> memref<128xi32, #tpu.memory_space<vmem>>
    %dma_wait3A_380 = arith.constant 0 : i32
    %dma_wait3A_381 = arith.constant 0 : i32
    %dma_wait3A_382 = tpu.memref_slice %arg2[%dma_wait3A_380, %dma_wait3A_381] : memref<10000x128xf32, #tpu.memory_space<hbm>> -> memref<10000x128xf32, #tpu.memory_space<hbm>>
    %dma_wait3A_383 = tpu.memref_slice %arg10[%dma_wait3A_368] : memref<2x!tpu.dma_semaphore, #tpu.memory_space<semaphore_mem>> -> memref<1x!tpu.dma_semaphore, #tpu.memory_space<semaphore_mem>>
    %dma_wait3A_384 = tpu.memref_squeeze %dma_wait3A_383 : memref<1x!tpu.dma_semaphore, #tpu.memory_space<semaphore_mem>> -> memref<!tpu.dma_semaphore, #tpu.memory_space<semaphore_mem>>
    tpu.wait_indirect_dma semaphore(%dma_wait3A_384 : memref<!tpu.dma_semaphore, #tpu.memory_space<semaphore_mem>>) src(%dma_wait3A_382 : memref<10000x128xf32, #tpu.memory_space<hbm>>) dst(%dma_wait3A_372 : memref<128x128xf32, #tpu.memory_space<vmem>>)
    %dma_start3A_385 = arith.constant 1 : i32
    %dma_start3A_386 = arith.constant 1 : i32
    %dma_start3A_387 = arith.constant 1 : i32
    %dma_start3A_388 = arith.constant 0 : i32
    %dma_start3A_389 = arith.constant 0 : i32
    %dma_start3A_390 = tpu.memref_slice %arg7[%dma_start3A_385, %dma_start3A_388, %dma_start3A_389] : memref<2x128x128xf32, #tpu.memory_space<vmem>> -> memref<1x128x128xf32, #tpu.memory_space<vmem>>
    %dma_start3A_391 = tpu.memref_squeeze %dma_start3A_390 : memref<1x128x128xf32, #tpu.memory_space<vmem>> -> memref<128x128xf32, #tpu.memory_space<vmem>>
    %dma_start3A_392 = arith.constant 0 : i32
    %dma_start3A_393 = arith.constant 0 : i32
    %dma_start3A_394 = tpu.memref_slice %arg6[%dma_start3A_386, %dma_start3A_392, %dma_start3A_393] : memref<4x2x128xi32, #tpu.memory_space<vmem>> -> memref<1x2x128xi32, #tpu.memory_space<vmem>>
    %dma_start3A_395 = tpu.memref_squeeze %dma_start3A_394 : memref<1x2x128xi32, #tpu.memory_space<vmem>> -> memref<2x128xi32, #tpu.memory_space<vmem>>
    %dma_start3A_396 = arith.constant 0 : i32
    %dma_start3A_397 = tpu.memref_slice %dma_start3A_395[%dma_start3A_387, %dma_start3A_396] : memref<2x128xi32, #tpu.memory_space<vmem>> -> memref<1x128xi32, #tpu.memory_space<vmem>>
    %dma_start3A_398 = tpu.memref_squeeze %dma_start3A_397 : memref<1x128xi32, #tpu.memory_space<vmem>> -> memref<128xi32, #tpu.memory_space<vmem>>
    %dma_start3A_399 = arith.constant 0 : i32
    %dma_start3A_400 = arith.constant 0 : i32
    %dma_start3A_401 = tpu.memref_slice %arg8[%dma_start3A_399, %dma_start3A_400] : memref<10240x128xf32, #tpu.memory_space<vmem_shared>> -> memref<10240x128xf32, #tpu.memory_space<vmem_shared>>
    tpu.enqueue_indirect_dma source(%dma_start3A_391 : memref<128x128xf32, #tpu.memory_space<vmem>>) target(%dma_start3A_401 : memref<10240x128xf32, #tpu.memory_space<vmem_shared>>) offsets(%dma_start3A_398 : memref<128xi32, #tpu.memory_space<vmem>>) semaphore(%arg11 : memref<!tpu.dma_semaphore, #tpu.memory_space<semaphore_mem>>) {add = true}
    %dma_wait3A_402 = arith.constant 1 : i32
    %dma_wait3A_403 = arith.constant 1 : i32
    %dma_wait3A_404 = arith.constant 1 : i32
    %dma_wait3A_405 = arith.constant 0 : i32
    %dma_wait3A_406 = arith.constant 0 : i32
    %dma_wait3A_407 = tpu.memref_slice %arg7[%dma_wait3A_402, %dma_wait3A_405, %dma_wait3A_406] : memref<2x128x128xf32, #tpu.memory_space<vmem>> -> memref<1x128x128xf32, #tpu.memory_space<vmem>>
    %dma_wait3A_408 = tpu.memref_squeeze %dma_wait3A_407 : memref<1x128x128xf32, #tpu.memory_space<vmem>> -> memref<128x128xf32, #tpu.memory_space<vmem>>
    %dma_wait3A_409 = arith.constant 0 : i32
    %dma_wait3A_410 = arith.constant 0 : i32
    %dma_wait3A_411 = tpu.memref_slice %arg6[%dma_wait3A_403, %dma_wait3A_409, %dma_wait3A_410] : memref<4x2x128xi32, #tpu.memory_space<vmem>> -> memref<1x2x128xi32, #tpu.memory_space<vmem>>
    %dma_wait3A_412 = tpu.memref_squeeze %dma_wait3A_411 : memref<1x2x128xi32, #tpu.memory_space<vmem>> -> memref<2x128xi32, #tpu.memory_space<vmem>>
    %dma_wait3A_413 = arith.constant 0 : i32
    %dma_wait3A_414 = tpu.memref_slice %dma_wait3A_412[%dma_wait3A_404, %dma_wait3A_413] : memref<2x128xi32, #tpu.memory_space<vmem>> -> memref<1x128xi32, #tpu.memory_space<vmem>>
    %dma_wait3A_415 = tpu.memref_squeeze %dma_wait3A_414 : memref<1x128xi32, #tpu.memory_space<vmem>> -> memref<128xi32, #tpu.memory_space<vmem>>
    %dma_wait3A_416 = arith.constant 0 : i32
    %dma_wait3A_417 = arith.constant 0 : i32
    %dma_wait3A_418 = tpu.memref_slice %arg8[%dma_wait3A_416, %dma_wait3A_417] : memref<10240x128xf32, #tpu.memory_space<vmem_shared>> -> memref<10240x128xf32, #tpu.memory_space<vmem_shared>>
    tpu.wait_indirect_dma semaphore(%arg11 : memref<!tpu.dma_semaphore, #tpu.memory_space<semaphore_mem>>) src(%dma_wait3A_408 : memref<128x128xf32, #tpu.memory_space<vmem>>) dst(%dma_wait3A_418 : memref<10240x128xf32, #tpu.memory_space<vmem_shared>>)
    %dma_wait3A_419 = arith.constant 0 : i32
    %dma_wait3A_420 = arith.constant 3 : i32
    %dma_wait3A_421 = arith.constant 3 : i32
    %dma_wait3A_422 = arith.constant 0 : i32
    %dma_wait3A_423 = arith.constant 0 : i32
    %dma_wait3A_424 = tpu.memref_slice %arg6[%dma_wait3A_420, %dma_wait3A_422, %dma_wait3A_423] : memref<4x2x128xi32, #tpu.memory_space<vmem>> -> memref<1x2x128xi32, #tpu.memory_space<vmem>>
    %dma_wait3A_425 = tpu.memref_squeeze %dma_wait3A_424 : memref<1x2x128xi32, #tpu.memory_space<vmem>> -> memref<2x128xi32, #tpu.memory_space<vmem>>
    %dma_wait3A_426 = arith.constant 0 : i32
    %dma_wait3A_427 = arith.constant 0 : i32
    %dma_wait3A_428 = arith.constant 0 : i32
    %dma_wait3A_429 = tpu.memref_slice %arg3[%add3A, %dma_wait3A_426, %dma_wait3A_427, %dma_wait3A_428] : memref<32x80x2x128xi32, #tpu.memory_space<hbm>> -> memref<1x80x2x128xi32, #tpu.memory_space<hbm>>
    %dma_wait3A_430 = tpu.memref_squeeze %dma_wait3A_429 : memref<1x80x2x128xi32, #tpu.memory_space<hbm>> -> memref<80x2x128xi32, #tpu.memory_space<hbm>>
    %dma_wait3A_431 = arith.constant 0 : i32
    %dma_wait3A_432 = arith.constant 0 : i32
    %dma_wait3A_433 = tpu.memref_slice %dma_wait3A_430[%dma_wait3A_419, %dma_wait3A_431, %dma_wait3A_432] : memref<80x2x128xi32, #tpu.memory_space<hbm>> -> memref<1x2x128xi32, #tpu.memory_space<hbm>>
    %dma_wait3A_434 = tpu.memref_squeeze %dma_wait3A_433 : memref<1x2x128xi32, #tpu.memory_space<hbm>> -> memref<2x128xi32, #tpu.memory_space<hbm>>
    %dma_wait3A_435 = tpu.memref_slice %arg9[%dma_wait3A_421] : memref<4x!tpu.dma_semaphore, #tpu.memory_space<semaphore_mem>> -> memref<1x!tpu.dma_semaphore, #tpu.memory_space<semaphore_mem>>
    %dma_wait3A_436 = tpu.memref_squeeze %dma_wait3A_435 : memref<1x!tpu.dma_semaphore, #tpu.memory_space<semaphore_mem>> -> memref<!tpu.dma_semaphore, #tpu.memory_space<semaphore_mem>>
    %dma_wait3A_437 = arith.constant 0 : i32
    %dma_wait3A_438 = arith.constant 0 : i32
    %dma_wait3A_439 = tpu.memref_slice %arg6[%dma_wait3A_420, %dma_wait3A_437, %dma_wait3A_438] : memref<4x2x128xi32, #tpu.memory_space<vmem>> -> memref<1x2x128xi32, #tpu.memory_space<vmem>>
    %dma_wait3A_440 = tpu.memref_squeeze %dma_wait3A_439 : memref<1x2x128xi32, #tpu.memory_space<vmem>> -> memref<2x128xi32, #tpu.memory_space<vmem>>
    %dma_wait3A_441 = arith.constant 0 : i32
    %dma_wait3A_442 = arith.constant 0 : i32
    %dma_wait3A_443 = arith.constant 0 : i32
    %dma_wait3A_444 = tpu.memref_slice %arg3[%add3A, %dma_wait3A_441, %dma_wait3A_442, %dma_wait3A_443] : memref<32x80x2x128xi32, #tpu.memory_space<hbm>> -> memref<1x80x2x128xi32, #tpu.memory_space<hbm>>
    %dma_wait3A_445 = tpu.memref_squeeze %dma_wait3A_444 : memref<1x80x2x128xi32, #tpu.memory_space<hbm>> -> memref<80x2x128xi32, #tpu.memory_space<hbm>>
    %dma_wait3A_446 = arith.constant 0 : i32
    %dma_wait3A_447 = arith.constant 0 : i32
    %dma_wait3A_448 = tpu.memref_slice %dma_wait3A_445[%dma_wait3A_419, %dma_wait3A_446, %dma_wait3A_447] : memref<80x2x128xi32, #tpu.memory_space<hbm>> -> memref<1x2x128xi32, #tpu.memory_space<hbm>>
    %dma_wait3A_449 = tpu.memref_squeeze %dma_wait3A_448 : memref<1x2x128xi32, #tpu.memory_space<hbm>> -> memref<2x128xi32, #tpu.memory_space<hbm>>
    tpu.wait_dma2 semaphore(%dma_wait3A_436 : memref<!tpu.dma_semaphore, #tpu.memory_space<semaphore_mem>>) src(%dma_wait3A_449 : memref<2x128xi32, #tpu.memory_space<hbm>>) dst(%dma_wait3A_440 : memref<2x128xi32, #tpu.memory_space<vmem>>)
    %dma_start3A_450 = arith.constant 3 : i32
    %dma_start3A_451 = arith.constant 0 : i32
    %dma_start3A_452 = arith.constant 1 : i32
    %dma_start3A_453 = arith.constant 1 : i32
    %dma_start3A_454 = arith.constant 0 : i32
    %dma_start3A_455 = arith.constant 0 : i32
    %dma_start3A_456 = tpu.memref_slice %arg7[%dma_start3A_452, %dma_start3A_454, %dma_start3A_455] : memref<2x128x128xf32, #tpu.memory_space<vmem>> -> memref<1x128x128xf32, #tpu.memory_space<vmem>>
    %dma_start3A_457 = tpu.memref_squeeze %dma_start3A_456 : memref<1x128x128xf32, #tpu.memory_space<vmem>> -> memref<128x128xf32, #tpu.memory_space<vmem>>
    %dma_start3A_458 = arith.constant 0 : i32
    %dma_start3A_459 = arith.constant 0 : i32
    %dma_start3A_460 = tpu.memref_slice %arg6[%dma_start3A_450, %dma_start3A_458, %dma_start3A_459] : memref<4x2x128xi32, #tpu.memory_space<vmem>> -> memref<1x2x128xi32, #tpu.memory_space<vmem>>
    %dma_start3A_461 = tpu.memref_squeeze %dma_start3A_460 : memref<1x2x128xi32, #tpu.memory_space<vmem>> -> memref<2x128xi32, #tpu.memory_space<vmem>>
    %dma_start3A_462 = arith.constant 0 : i32
    %dma_start3A_463 = tpu.memref_slice %dma_start3A_461[%dma_start3A_451, %dma_start3A_462] : memref<2x128xi32, #tpu.memory_space<vmem>> -> memref<1x128xi32, #tpu.memory_space<vmem>>
    %dma_start3A_464 = tpu.memref_squeeze %dma_start3A_463 : memref<1x128xi32, #tpu.memory_space<vmem>> -> memref<128xi32, #tpu.memory_space<vmem>>
    %dma_start3A_465 = arith.constant 0 : i32
    %dma_start3A_466 = arith.constant 0 : i32
    %dma_start3A_467 = tpu.memref_slice %arg2[%dma_start3A_465, %dma_start3A_466] : memref<10000x128xf32, #tpu.memory_space<hbm>> -> memref<10000x128xf32, #tpu.memory_space<hbm>>
    %dma_start3A_468 = tpu.memref_slice %arg10[%dma_start3A_453] : memref<2x!tpu.dma_semaphore, #tpu.memory_space<semaphore_mem>> -> memref<1x!tpu.dma_semaphore, #tpu.memory_space<semaphore_mem>>
    %dma_start3A_469 = tpu.memref_squeeze %dma_start3A_468 : memref<1x!tpu.dma_semaphore, #tpu.memory_space<semaphore_mem>> -> memref<!tpu.dma_semaphore, #tpu.memory_space<semaphore_mem>>
    tpu.enqueue_indirect_dma source(%dma_start3A_467 : memref<10000x128xf32, #tpu.memory_space<hbm>>) target(%dma_start3A_457 : memref<128x128xf32, #tpu.memory_space<vmem>>) offsets(%dma_start3A_464 : memref<128xi32, #tpu.memory_space<vmem>>) semaphore(%dma_start3A_469 : memref<!tpu.dma_semaphore, #tpu.memory_space<semaphore_mem>>)
    %dma_start3A_470 = arith.constant 5 : i32
    %dma_start3A_471 = arith.constant 1 : i32
    %dma_start3A_472 = arith.constant 1 : i32
    %dma_start3A_473 = arith.constant 0 : i32
    %dma_start3A_474 = arith.constant 0 : i32
    %dma_start3A_475 = tpu.memref_slice %arg6[%dma_start3A_471, %dma_start3A_473, %dma_start3A_474] : memref<4x2x128xi32, #tpu.memory_space<vmem>> -> memref<1x2x128xi32, #tpu.memory_space<vmem>>
    %dma_start3A_476 = tpu.memref_squeeze %dma_start3A_475 : memref<1x2x128xi32, #tpu.memory_space<vmem>> -> memref<2x128xi32, #tpu.memory_space<vmem>>
    %dma_start3A_477 = arith.constant 0 : i32
    %dma_start3A_478 = arith.constant 0 : i32
    %dma_start3A_479 = arith.constant 0 : i32
    %dma_start3A_480 = tpu.memref_slice %arg3[%add3A, %dma_start3A_477, %dma_start3A_478, %dma_start3A_479] : memref<32x80x2x128xi32, #tpu.memory_space<hbm>> -> memref<1x80x2x128xi32, #tpu.memory_space<hbm>>
    %dma_start3A_481 = tpu.memref_squeeze %dma_start3A_480 : memref<1x80x2x128xi32, #tpu.memory_space<hbm>> -> memref<80x2x128xi32, #tpu.memory_space<hbm>>
    %dma_start3A_482 = arith.constant 0 : i32
    %dma_start3A_483 = arith.constant 0 : i32
    %dma_start3A_484 = tpu.memref_slice %dma_start3A_481[%dma_start3A_470, %dma_start3A_482, %dma_start3A_483] : memref<80x2x128xi32, #tpu.memory_space<hbm>> -> memref<1x2x128xi32, #tpu.memory_space<hbm>>
    %dma_start3A_485 = tpu.memref_squeeze %dma_start3A_484 : memref<1x2x128xi32, #tpu.memory_space<hbm>> -> memref<2x128xi32, #tpu.memory_space<hbm>>
    %dma_start3A_486 = tpu.memref_slice %arg9[%dma_start3A_472] : memref<4x!tpu.dma_semaphore, #tpu.memory_space<semaphore_mem>> -> memref<1x!tpu.dma_semaphore, #tpu.memory_space<semaphore_mem>>
    %dma_start3A_487 = tpu.memref_squeeze %dma_start3A_486 : memref<1x!tpu.dma_semaphore, #tpu.memory_space<semaphore_mem>> -> memref<!tpu.dma_semaphore, #tpu.memory_space<semaphore_mem>>
    %dma_start3A_488 = arith.constant 0 : i32
    %dma_start3A_489 = arith.constant 0 : i32
    %dma_start3A_490 = tpu.memref_slice %arg6[%dma_start3A_471, %dma_start3A_488, %dma_start3A_489] : memref<4x2x128xi32, #tpu.memory_space<vmem>> -> memref<1x2x128xi32, #tpu.memory_space<vmem>>
    %dma_start3A_491 = tpu.memref_squeeze %dma_start3A_490 : memref<1x2x128xi32, #tpu.memory_space<vmem>> -> memref<2x128xi32, #tpu.memory_space<vmem>>
    %dma_start3A_492 = arith.constant 0 : i32
    %dma_start3A_493 = arith.constant 0 : i32
    %dma_start3A_494 = arith.constant 0 : i32
    %dma_start3A_495 = tpu.memref_slice %arg3[%add3A, %dma_start3A_492, %dma_start3A_493, %dma_start3A_494] : memref<32x80x2x128xi32, #tpu.memory_space<hbm>> -> memref<1x80x2x128xi32, #tpu.memory_space<hbm>>
    %dma_start3A_496 = tpu.memref_squeeze %dma_start3A_495 : memref<1x80x2x128xi32, #tpu.memory_space<hbm>> -> memref<80x2x128xi32, #tpu.memory_space<hbm>>
    %dma_start3A_497 = arith.constant 0 : i32
    %dma_start3A_498 = arith.constant 0 : i32
    %dma_start3A_499 = tpu.memref_slice %dma_start3A_496[%dma_start3A_470, %dma_start3A_497, %dma_start3A_498] : memref<80x2x128xi32, #tpu.memory_space<hbm>> -> memref<1x2x128xi32, #tpu.memory_space<hbm>>
    %dma_start3A_500 = tpu.memref_squeeze %dma_start3A_499 : memref<1x2x128xi32, #tpu.memory_space<hbm>> -> memref<2x128xi32, #tpu.memory_space<hbm>>
    tpu.enqueue_dma source(%dma_start3A_500 : memref<2x128xi32, #tpu.memory_space<hbm>>) target(%dma_start3A_491 : memref<2x128xi32, #tpu.memory_space<vmem>>) target_semaphore(%dma_start3A_487 : memref<!tpu.dma_semaphore, #tpu.memory_space<semaphore_mem>>)
    %dma_wait3A_501 = arith.constant 0 : i32
    %dma_wait3A_502 = arith.constant 0 : i32
    %dma_wait3A_503 = arith.constant 0 : i32
    %dma_wait3A_504 = arith.constant 0 : i32
    %dma_wait3A_505 = arith.constant 0 : i32
    %dma_wait3A_506 = arith.constant 0 : i32
    %dma_wait3A_507 = tpu.memref_slice %arg7[%dma_wait3A_503, %dma_wait3A_505, %dma_wait3A_506] : memref<2x128x128xf32, #tpu.memory_space<vmem>> -> memref<1x128x128xf32, #tpu.memory_space<vmem>>
    %dma_wait3A_508 = tpu.memref_squeeze %dma_wait3A_507 : memref<1x128x128xf32, #tpu.memory_space<vmem>> -> memref<128x128xf32, #tpu.memory_space<vmem>>
    %dma_wait3A_509 = arith.constant 0 : i32
    %dma_wait3A_510 = arith.constant 0 : i32
    %dma_wait3A_511 = tpu.memref_slice %arg6[%dma_wait3A_501, %dma_wait3A_509, %dma_wait3A_510] : memref<4x2x128xi32, #tpu.memory_space<vmem>> -> memref<1x2x128xi32, #tpu.memory_space<vmem>>
    %dma_wait3A_512 = tpu.memref_squeeze %dma_wait3A_511 : memref<1x2x128xi32, #tpu.memory_space<vmem>> -> memref<2x128xi32, #tpu.memory_space<vmem>>
    %dma_wait3A_513 = arith.constant 0 : i32
    %dma_wait3A_514 = tpu.memref_slice %dma_wait3A_512[%dma_wait3A_502, %dma_wait3A_513] : memref<2x128xi32, #tpu.memory_space<vmem>> -> memref<1x128xi32, #tpu.memory_space<vmem>>
    %dma_wait3A_515 = tpu.memref_squeeze %dma_wait3A_514 : memref<1x128xi32, #tpu.memory_space<vmem>> -> memref<128xi32, #tpu.memory_space<vmem>>
    %dma_wait3A_516 = arith.constant 0 : i32
    %dma_wait3A_517 = arith.constant 0 : i32
    %dma_wait3A_518 = tpu.memref_slice %arg2[%dma_wait3A_516, %dma_wait3A_517] : memref<10000x128xf32, #tpu.memory_space<hbm>> -> memref<10000x128xf32, #tpu.memory_space<hbm>>
    %dma_wait3A_519 = tpu.memref_slice %arg10[%dma_wait3A_504] : memref<2x!tpu.dma_semaphore, #tpu.memory_space<semaphore_mem>> -> memref<1x!tpu.dma_semaphore, #tpu.memory_space<semaphore_mem>>
    %dma_wait3A_520 = tpu.memref_squeeze %dma_wait3A_519 : memref<1x!tpu.dma_semaphore, #tpu.memory_space<semaphore_mem>> -> memref<!tpu.dma_semaphore, #tpu.memory_space<semaphore_mem>>
    tpu.wait_indirect_dma semaphore(%dma_wait3A_520 : memref<!tpu.dma_semaphore, #tpu.memory_space<semaphore_mem>>) src(%dma_wait3A_518 : memref<10000x128xf32, #tpu.memory_space<hbm>>) dst(%dma_wait3A_508 : memref<128x128xf32, #tpu.memory_space<vmem>>)
    %dma_start3A_521 = arith.constant 0 : i32
    %dma_start3A_522 = arith.constant 2 : i32
    %dma_start3A_523 = arith.constant 1 : i32
    %dma_start3A_524 = arith.constant 0 : i32
    %dma_start3A_525 = arith.constant 0 : i32
    %dma_start3A_526 = tpu.memref_slice %arg7[%dma_start3A_521, %dma_start3A_524, %dma_start3A_525] : memref<2x128x128xf32, #tpu.memory_space<vmem>> -> memref<1x128x128xf32, #tpu.memory_space<vmem>>
    %dma_start3A_527 = tpu.memref_squeeze %dma_start3A_526 : memref<1x128x128xf32, #tpu.memory_space<vmem>> -> memref<128x128xf32, #tpu.memory_space<vmem>>
    %dma_start3A_528 = arith.constant 0 : i32
    %dma_start3A_529 = arith.constant 0 : i32
    %dma_start3A_530 = tpu.memref_slice %arg6[%dma_start3A_522, %dma_start3A_528, %dma_start3A_529] : memref<4x2x128xi32, #tpu.memory_space<vmem>> -> memref<1x2x128xi32, #tpu.memory_space<vmem>>
    %dma_start3A_531 = tpu.memref_squeeze %dma_start3A_530 : memref<1x2x128xi32, #tpu.memory_space<vmem>> -> memref<2x128xi32, #tpu.memory_space<vmem>>
    %dma_start3A_532 = arith.constant 0 : i32
    %dma_start3A_533 = tpu.memref_slice %dma_start3A_531[%dma_start3A_523, %dma_start3A_532] : memref<2x128xi32, #tpu.memory_space<vmem>> -> memref<1x128xi32, #tpu.memory_space<vmem>>
    %dma_start3A_534 = tpu.memref_squeeze %dma_start3A_533 : memref<1x128xi32, #tpu.memory_space<vmem>> -> memref<128xi32, #tpu.memory_space<vmem>>
    %dma_start3A_535 = arith.constant 0 : i32
    %dma_start3A_536 = arith.constant 0 : i32
    %dma_start3A_537 = tpu.memref_slice %arg8[%dma_start3A_535, %dma_start3A_536] : memref<10240x128xf32, #tpu.memory_space<vmem_shared>> -> memref<10240x128xf32, #tpu.memory_space<vmem_shared>>
    tpu.enqueue_indirect_dma source(%dma_start3A_527 : memref<128x128xf32, #tpu.memory_space<vmem>>) target(%dma_start3A_537 : memref<10240x128xf32, #tpu.memory_space<vmem_shared>>) offsets(%dma_start3A_534 : memref<128xi32, #tpu.memory_space<vmem>>) semaphore(%arg11 : memref<!tpu.dma_semaphore, #tpu.memory_space<semaphore_mem>>) {add = true}
    %dma_wait3A_538 = arith.constant 0 : i32
    %dma_wait3A_539 = arith.constant 2 : i32
    %dma_wait3A_540 = arith.constant 1 : i32
    %dma_wait3A_541 = arith.constant 0 : i32
    %dma_wait3A_542 = arith.constant 0 : i32
    %dma_wait3A_543 = tpu.memref_slice %arg7[%dma_wait3A_538, %dma_wait3A_541, %dma_wait3A_542] : memref<2x128x128xf32, #tpu.memory_space<vmem>> -> memref<1x128x128xf32, #tpu.memory_space<vmem>>
    %dma_wait3A_544 = tpu.memref_squeeze %dma_wait3A_543 : memref<1x128x128xf32, #tpu.memory_space<vmem>> -> memref<128x128xf32, #tpu.memory_space<vmem>>
    %dma_wait3A_545 = arith.constant 0 : i32
    %dma_wait3A_546 = arith.constant 0 : i32
    %dma_wait3A_547 = tpu.memref_slice %arg6[%dma_wait3A_539, %dma_wait3A_545, %dma_wait3A_546] : memref<4x2x128xi32, #tpu.memory_space<vmem>> -> memref<1x2x128xi32, #tpu.memory_space<vmem>>
    %dma_wait3A_548 = tpu.memref_squeeze %dma_wait3A_547 : memref<1x2x128xi32, #tpu.memory_space<vmem>> -> memref<2x128xi32, #tpu.memory_space<vmem>>
    %dma_wait3A_549 = arith.constant 0 : i32
    %dma_wait3A_550 = tpu.memref_slice %dma_wait3A_548[%dma_wait3A_540, %dma_wait3A_549] : memref<2x128xi32, #tpu.memory_space<vmem>> -> memref<1x128xi32, #tpu.memory_space<vmem>>
    %dma_wait3A_551 = tpu.memref_squeeze %dma_wait3A_550 : memref<1x128xi32, #tpu.memory_space<vmem>> -> memref<128xi32, #tpu.memory_space<vmem>>
    %dma_wait3A_552 = arith.constant 0 : i32
    %dma_wait3A_553 = arith.constant 0 : i32
    %dma_wait3A_554 = tpu.memref_slice %arg8[%dma_wait3A_552, %dma_wait3A_553] : memref<10240x128xf32, #tpu.memory_space<vmem_shared>> -> memref<10240x128xf32, #tpu.memory_space<vmem_shared>>
    tpu.wait_indirect_dma semaphore(%arg11 : memref<!tpu.dma_semaphore, #tpu.memory_space<semaphore_mem>>) src(%dma_wait3A_544 : memref<128x128xf32, #tpu.memory_space<vmem>>) dst(%dma_wait3A_554 : memref<10240x128xf32, #tpu.memory_space<vmem_shared>>)
    %dma_wait3A_555 = arith.constant 0 : i32
    %dma_wait3A_556 = arith.constant 0 : i32
    %dma_wait3A_557 = arith.constant 0 : i32
    %dma_wait3A_558 = arith.constant 0 : i32
    %dma_wait3A_559 = arith.constant 0 : i32
    %dma_wait3A_560 = tpu.memref_slice %arg6[%dma_wait3A_556, %dma_wait3A_558, %dma_wait3A_559] : memref<4x2x128xi32, #tpu.memory_space<vmem>> -> memref<1x2x128xi32, #tpu.memory_space<vmem>>
    %dma_wait3A_561 = tpu.memref_squeeze %dma_wait3A_560 : memref<1x2x128xi32, #tpu.memory_space<vmem>> -> memref<2x128xi32, #tpu.memory_space<vmem>>
    %dma_wait3A_562 = arith.constant 0 : i32
    %dma_wait3A_563 = arith.constant 0 : i32
    %dma_wait3A_564 = arith.constant 0 : i32
    %dma_wait3A_565 = tpu.memref_slice %arg3[%add3A, %dma_wait3A_562, %dma_wait3A_563, %dma_wait3A_564] : memref<32x80x2x128xi32, #tpu.memory_space<hbm>> -> memref<1x80x2x128xi32, #tpu.memory_space<hbm>>
    %dma_wait3A_566 = tpu.memref_squeeze %dma_wait3A_565 : memref<1x80x2x128xi32, #tpu.memory_space<hbm>> -> memref<80x2x128xi32, #tpu.memory_space<hbm>>
    %dma_wait3A_567 = arith.constant 0 : i32
    %dma_wait3A_568 = arith.constant 0 : i32
    %dma_wait3A_569 = tpu.memref_slice %dma_wait3A_566[%dma_wait3A_555, %dma_wait3A_567, %dma_wait3A_568] : memref<80x2x128xi32, #tpu.memory_space<hbm>> -> memref<1x2x128xi32, #tpu.memory_space<hbm>>
    %dma_wait3A_570 = tpu.memref_squeeze %dma_wait3A_569 : memref<1x2x128xi32, #tpu.memory_space<hbm>> -> memref<2x128xi32, #tpu.memory_space<hbm>>
    %dma_wait3A_571 = tpu.memref_slice %arg9[%dma_wait3A_557] : memref<4x!tpu.dma_semaphore, #tpu.memory_space<semaphore_mem>> -> memref<1x!tpu.dma_semaphore, #tpu.memory_space<semaphore_mem>>
    %dma_wait3A_572 = tpu.memref_squeeze %dma_wait3A_571 : memref<1x!tpu.dma_semaphore, #tpu.memory_space<semaphore_mem>> -> memref<!tpu.dma_semaphore, #tpu.memory_space<semaphore_mem>>
    %dma_wait3A_573 = arith.constant 0 : i32
    %dma_wait3A_574 = arith.constant 0 : i32
    %dma_wait3A_575 = tpu.memref_slice %arg6[%dma_wait3A_556, %dma_wait3A_573, %dma_wait3A_574] : memref<4x2x128xi32, #tpu.memory_space<vmem>> -> memref<1x2x128xi32, #tpu.memory_space<vmem>>
    %dma_wait3A_576 = tpu.memref_squeeze %dma_wait3A_575 : memref<1x2x128xi32, #tpu.memory_space<vmem>> -> memref<2x128xi32, #tpu.memory_space<vmem>>
    %dma_wait3A_577 = arith.constant 0 : i32
    %dma_wait3A_578 = arith.constant 0 : i32
    %dma_wait3A_579 = arith.constant 0 : i32
    %dma_wait3A_580 = tpu.memref_slice %arg3[%add3A, %dma_wait3A_577, %dma_wait3A_578, %dma_wait3A_579] : memref<32x80x2x128xi32, #tpu.memory_space<hbm>> -> memref<1x80x2x128xi32, #tpu.memory_space<hbm>>
    %dma_wait3A_581 = tpu.memref_squeeze %dma_wait3A_580 : memref<1x80x2x128xi32, #tpu.memory_space<hbm>> -> memref<80x2x128xi32, #tpu.memory_space<hbm>>
    %dma_wait3A_582 = arith.constant 0 : i32
    %dma_wait3A_583 = arith.constant 0 : i32
    %dma_wait3A_584 = tpu.memref_slice %dma_wait3A_581[%dma_wait3A_555, %dma_wait3A_582, %dma_wait3A_583] : memref<80x2x128xi32, #tpu.memory_space<hbm>> -> memref<1x2x128xi32, #tpu.memory_space<hbm>>
    %dma_wait3A_585 = tpu.memref_squeeze %dma_wait3A_584 : memref<1x2x128xi32, #tpu.memory_space<hbm>> -> memref<2x128xi32, #tpu.memory_space<hbm>>
    tpu.wait_dma2 semaphore(%dma_wait3A_572 : memref<!tpu.dma_semaphore, #tpu.memory_space<semaphore_mem>>) src(%dma_wait3A_585 : memref<2x128xi32, #tpu.memory_space<hbm>>) dst(%dma_wait3A_576 : memref<2x128xi32, #tpu.memory_space<vmem>>)
    %dma_start3A_586 = arith.constant 0 : i32
    %dma_start3A_587 = arith.constant 0 : i32
    %dma_start3A_588 = arith.constant 0 : i32
    %dma_start3A_589 = arith.constant 0 : i32
    %dma_start3A_590 = arith.constant 0 : i32
    %dma_start3A_591 = arith.constant 0 : i32
    %dma_start3A_592 = tpu.memref_slice %arg7[%dma_start3A_588, %dma_start3A_590, %dma_start3A_591] : memref<2x128x128xf32, #tpu.memory_space<vmem>> -> memref<1x128x128xf32, #tpu.memory_space<vmem>>
    %dma_start3A_593 = tpu.memref_squeeze %dma_start3A_592 : memref<1x128x128xf32, #tpu.memory_space<vmem>> -> memref<128x128xf32, #tpu.memory_space<vmem>>
    %dma_start3A_594 = arith.constant 0 : i32
    %dma_start3A_595 = arith.constant 0 : i32
    %dma_start3A_596 = tpu.memref_slice %arg6[%dma_start3A_586, %dma_start3A_594, %dma_start3A_595] : memref<4x2x128xi32, #tpu.memory_space<vmem>> -> memref<1x2x128xi32, #tpu.memory_space<vmem>>
    %dma_start3A_597 = tpu.memref_squeeze %dma_start3A_596 : memref<1x2x128xi32, #tpu.memory_space<vmem>> -> memref<2x128xi32, #tpu.memory_space<vmem>>
    %dma_start3A_598 = arith.constant 0 : i32
    %dma_start3A_599 = tpu.memref_slice %dma_start3A_597[%dma_start3A_587, %dma_start3A_598] : memref<2x128xi32, #tpu.memory_space<vmem>> -> memref<1x128xi32, #tpu.memory_space<vmem>>
    %dma_start3A_600 = tpu.memref_squeeze %dma_start3A_599 : memref<1x128xi32, #tpu.memory_space<vmem>> -> memref<128xi32, #tpu.memory_space<vmem>>
    %dma_start3A_601 = arith.constant 0 : i32
    %dma_start3A_602 = arith.constant 0 : i32
    %dma_start3A_603 = tpu.memref_slice %arg2[%dma_start3A_601, %dma_start3A_602] : memref<10000x128xf32, #tpu.memory_space<hbm>> -> memref<10000x128xf32, #tpu.memory_space<hbm>>
    %dma_start3A_604 = tpu.memref_slice %arg10[%dma_start3A_589] : memref<2x!tpu.dma_semaphore, #tpu.memory_space<semaphore_mem>> -> memref<1x!tpu.dma_semaphore, #tpu.memory_space<semaphore_mem>>
    %dma_start3A_605 = tpu.memref_squeeze %dma_start3A_604 : memref<1x!tpu.dma_semaphore, #tpu.memory_space<semaphore_mem>> -> memref<!tpu.dma_semaphore, #tpu.memory_space<semaphore_mem>>
    tpu.enqueue_indirect_dma source(%dma_start3A_603 : memref<10000x128xf32, #tpu.memory_space<hbm>>) target(%dma_start3A_593 : memref<128x128xf32, #tpu.memory_space<vmem>>) offsets(%dma_start3A_600 : memref<128xi32, #tpu.memory_space<vmem>>) semaphore(%dma_start3A_605 : memref<!tpu.dma_semaphore, #tpu.memory_space<semaphore_mem>>)
    %dma_start3A_606 = arith.constant 6 : i32
    %dma_start3A_607 = arith.constant 2 : i32
    %dma_start3A_608 = arith.constant 2 : i32
    %dma_start3A_609 = arith.constant 0 : i32
    %dma_start3A_610 = arith.constant 0 : i32
    %dma_start3A_611 = tpu.memref_slice %arg6[%dma_start3A_607, %dma_start3A_609, %dma_start3A_610] : memref<4x2x128xi32, #tpu.memory_space<vmem>> -> memref<1x2x128xi32, #tpu.memory_space<vmem>>
    %dma_start3A_612 = tpu.memref_squeeze %dma_start3A_611 : memref<1x2x128xi32, #tpu.memory_space<vmem>> -> memref<2x128xi32, #tpu.memory_space<vmem>>
    %dma_start3A_613 = arith.constant 0 : i32
    %dma_start3A_614 = arith.constant 0 : i32
    %dma_start3A_615 = arith.constant 0 : i32
    %dma_start3A_616 = tpu.memref_slice %arg3[%add3A, %dma_start3A_613, %dma_start3A_614, %dma_start3A_615] : memref<32x80x2x128xi32, #tpu.memory_space<hbm>> -> memref<1x80x2x128xi32, #tpu.memory_space<hbm>>
    %dma_start3A_617 = tpu.memref_squeeze %dma_start3A_616 : memref<1x80x2x128xi32, #tpu.memory_space<hbm>> -> memref<80x2x128xi32, #tpu.memory_space<hbm>>
    %dma_start3A_618 = arith.constant 0 : i32
    %dma_start3A_619 = arith.constant 0 : i32
    %dma_start3A_620 = tpu.memref_slice %dma_start3A_617[%dma_start3A_606, %dma_start3A_618, %dma_start3A_619] : memref<80x2x128xi32, #tpu.memory_space<hbm>> -> memref<1x2x128xi32, #tpu.memory_space<hbm>>
    %dma_start3A_621 = tpu.memref_squeeze %dma_start3A_620 : memref<1x2x128xi32, #tpu.memory_space<hbm>> -> memref<2x128xi32, #tpu.memory_space<hbm>>
    %dma_start3A_622 = tpu.memref_slice %arg9[%dma_start3A_608] : memref<4x!tpu.dma_semaphore, #tpu.memory_space<semaphore_mem>> -> memref<1x!tpu.dma_semaphore, #tpu.memory_space<semaphore_mem>>
    %dma_start3A_623 = tpu.memref_squeeze %dma_start3A_622 : memref<1x!tpu.dma_semaphore, #tpu.memory_space<semaphore_mem>> -> memref<!tpu.dma_semaphore, #tpu.memory_space<semaphore_mem>>
    %dma_start3A_624 = arith.constant 0 : i32
    %dma_start3A_625 = arith.constant 0 : i32
    %dma_start3A_626 = tpu.memref_slice %arg6[%dma_start3A_607, %dma_start3A_624, %dma_start3A_625] : memref<4x2x128xi32, #tpu.memory_space<vmem>> -> memref<1x2x128xi32, #tpu.memory_space<vmem>>
    %dma_start3A_627 = tpu.memref_squeeze %dma_start3A_626 : memref<1x2x128xi32, #tpu.memory_space<vmem>> -> memref<2x128xi32, #tpu.memory_space<vmem>>
    %dma_start3A_628 = arith.constant 0 : i32
    %dma_start3A_629 = arith.constant 0 : i32
    %dma_start3A_630 = arith.constant 0 : i32
    %dma_start3A_631 = tpu.memref_slice %arg3[%add3A, %dma_start3A_628, %dma_start3A_629, %dma_start3A_630] : memref<32x80x2x128xi32, #tpu.memory_space<hbm>> -> memref<1x80x2x128xi32, #tpu.memory_space<hbm>>
    %dma_start3A_632 = tpu.memref_squeeze %dma_start3A_631 : memref<1x80x2x128xi32, #tpu.memory_space<hbm>> -> memref<80x2x128xi32, #tpu.memory_space<hbm>>
    %dma_start3A_633 = arith.constant 0 : i32
    %dma_start3A_634 = arith.constant 0 : i32
    %dma_start3A_635 = tpu.memref_slice %dma_start3A_632[%dma_start3A_606, %dma_start3A_633, %dma_start3A_634] : memref<80x2x128xi32, #tpu.memory_space<hbm>> -> memref<1x2x128xi32, #tpu.memory_space<hbm>>
    %dma_start3A_636 = tpu.memref_squeeze %dma_start3A_635 : memref<1x2x128xi32, #tpu.memory_space<hbm>> -> memref<2x128xi32, #tpu.memory_space<hbm>>
    tpu.enqueue_dma source(%dma_start3A_636 : memref<2x128xi32, #tpu.memory_space<hbm>>) target(%dma_start3A_627 : memref<2x128xi32, #tpu.memory_space<vmem>>) target_semaphore(%dma_start3A_623 : memref<!tpu.dma_semaphore, #tpu.memory_space<semaphore_mem>>)
    %dma_wait3A_637 = arith.constant 0 : i32
    %dma_wait3A_638 = arith.constant 0 : i32
    %dma_wait3A_639 = arith.constant 1 : i32
    %dma_wait3A_640 = arith.constant 1 : i32
    %dma_wait3A_641 = arith.constant 0 : i32
    %dma_wait3A_642 = arith.constant 0 : i32
    %dma_wait3A_643 = tpu.memref_slice %arg7[%dma_wait3A_639, %dma_wait3A_641, %dma_wait3A_642] : memref<2x128x128xf32, #tpu.memory_space<vmem>> -> memref<1x128x128xf32, #tpu.memory_space<vmem>>
    %dma_wait3A_644 = tpu.memref_squeeze %dma_wait3A_643 : memref<1x128x128xf32, #tpu.memory_space<vmem>> -> memref<128x128xf32, #tpu.memory_space<vmem>>
    %dma_wait3A_645 = arith.constant 0 : i32
    %dma_wait3A_646 = arith.constant 0 : i32
    %dma_wait3A_647 = tpu.memref_slice %arg6[%dma_wait3A_637, %dma_wait3A_645, %dma_wait3A_646] : memref<4x2x128xi32, #tpu.memory_space<vmem>> -> memref<1x2x128xi32, #tpu.memory_space<vmem>>
    %dma_wait3A_648 = tpu.memref_squeeze %dma_wait3A_647 : memref<1x2x128xi32, #tpu.memory_space<vmem>> -> memref<2x128xi32, #tpu.memory_space<vmem>>
    %dma_wait3A_649 = arith.constant 0 : i32
    %dma_wait3A_650 = tpu.memref_slice %dma_wait3A_648[%dma_wait3A_638, %dma_wait3A_649] : memref<2x128xi32, #tpu.memory_space<vmem>> -> memref<1x128xi32, #tpu.memory_space<vmem>>
    %dma_wait3A_651 = tpu.memref_squeeze %dma_wait3A_650 : memref<1x128xi32, #tpu.memory_space<vmem>> -> memref<128xi32, #tpu.memory_space<vmem>>
    %dma_wait3A_652 = arith.constant 0 : i32
    %dma_wait3A_653 = arith.constant 0 : i32
    %dma_wait3A_654 = tpu.memref_slice %arg2[%dma_wait3A_652, %dma_wait3A_653] : memref<10000x128xf32, #tpu.memory_space<hbm>> -> memref<10000x128xf32, #tpu.memory_space<hbm>>
    %dma_wait3A_655 = tpu.memref_slice %arg10[%dma_wait3A_640] : memref<2x!tpu.dma_semaphore, #tpu.memory_space<semaphore_mem>> -> memref<1x!tpu.dma_semaphore, #tpu.memory_space<semaphore_mem>>
    %dma_wait3A_656 = tpu.memref_squeeze %dma_wait3A_655 : memref<1x!tpu.dma_semaphore, #tpu.memory_space<semaphore_mem>> -> memref<!tpu.dma_semaphore, #tpu.memory_space<semaphore_mem>>
    tpu.wait_indirect_dma semaphore(%dma_wait3A_656 : memref<!tpu.dma_semaphore, #tpu.memory_space<semaphore_mem>>) src(%dma_wait3A_654 : memref<10000x128xf32, #tpu.memory_space<hbm>>) dst(%dma_wait3A_644 : memref<128x128xf32, #tpu.memory_space<vmem>>)
    %dma_start3A_657 = arith.constant 1 : i32
    %dma_start3A_658 = arith.constant 3 : i32
    %dma_start3A_659 = arith.constant 1 : i32
    %dma_start3A_660 = arith.constant 0 : i32
    %dma_start3A_661 = arith.constant 0 : i32
    %dma_start3A_662 = tpu.memref_slice %arg7[%dma_start3A_657, %dma_start3A_660, %dma_start3A_661] : memref<2x128x128xf32, #tpu.memory_space<vmem>> -> memref<1x128x128xf32, #tpu.memory_space<vmem>>
    %dma_start3A_663 = tpu.memref_squeeze %dma_start3A_662 : memref<1x128x128xf32, #tpu.memory_space<vmem>> -> memref<128x128xf32, #tpu.memory_space<vmem>>
    %dma_start3A_664 = arith.constant 0 : i32
    %dma_start3A_665 = arith.constant 0 : i32
    %dma_start3A_666 = tpu.memref_slice %arg6[%dma_start3A_658, %dma_start3A_664, %dma_start3A_665] : memref<4x2x128xi32, #tpu.memory_space<vmem>> -> memref<1x2x128xi32, #tpu.memory_space<vmem>>
    %dma_start3A_667 = tpu.memref_squeeze %dma_start3A_666 : memref<1x2x128xi32, #tpu.memory_space<vmem>> -> memref<2x128xi32, #tpu.memory_space<vmem>>
    %dma_start3A_668 = arith.constant 0 : i32
    %dma_start3A_669 = tpu.memref_slice %dma_start3A_667[%dma_start3A_659, %dma_start3A_668] : memref<2x128xi32, #tpu.memory_space<vmem>> -> memref<1x128xi32, #tpu.memory_space<vmem>>
    %dma_start3A_670 = tpu.memref_squeeze %dma_start3A_669 : memref<1x128xi32, #tpu.memory_space<vmem>> -> memref<128xi32, #tpu.memory_space<vmem>>
    %dma_start3A_671 = arith.constant 0 : i32
    %dma_start3A_672 = arith.constant 0 : i32
    %dma_start3A_673 = tpu.memref_slice %arg8[%dma_start3A_671, %dma_start3A_672] : memref<10240x128xf32, #tpu.memory_space<vmem_shared>> -> memref<10240x128xf32, #tpu.memory_space<vmem_shared>>
    tpu.enqueue_indirect_dma source(%dma_start3A_663 : memref<128x128xf32, #tpu.memory_space<vmem>>) target(%dma_start3A_673 : memref<10240x128xf32, #tpu.memory_space<vmem_shared>>) offsets(%dma_start3A_670 : memref<128xi32, #tpu.memory_space<vmem>>) semaphore(%arg11 : memref<!tpu.dma_semaphore, #tpu.memory_space<semaphore_mem>>) {add = true}
    %dma_wait3A_674 = arith.constant 1 : i32
    %dma_wait3A_675 = arith.constant 3 : i32
    %dma_wait3A_676 = arith.constant 1 : i32
    %dma_wait3A_677 = arith.constant 0 : i32
    %dma_wait3A_678 = arith.constant 0 : i32
    %dma_wait3A_679 = tpu.memref_slice %arg7[%dma_wait3A_674, %dma_wait3A_677, %dma_wait3A_678] : memref<2x128x128xf32, #tpu.memory_space<vmem>> -> memref<1x128x128xf32, #tpu.memory_space<vmem>>
    %dma_wait3A_680 = tpu.memref_squeeze %dma_wait3A_679 : memref<1x128x128xf32, #tpu.memory_space<vmem>> -> memref<128x128xf32, #tpu.memory_space<vmem>>
    %dma_wait3A_681 = arith.constant 0 : i32
    %dma_wait3A_682 = arith.constant 0 : i32
    %dma_wait3A_683 = tpu.memref_slice %arg6[%dma_wait3A_675, %dma_wait3A_681, %dma_wait3A_682] : memref<4x2x128xi32, #tpu.memory_space<vmem>> -> memref<1x2x128xi32, #tpu.memory_space<vmem>>
    %dma_wait3A_684 = tpu.memref_squeeze %dma_wait3A_683 : memref<1x2x128xi32, #tpu.memory_space<vmem>> -> memref<2x128xi32, #tpu.memory_space<vmem>>
    %dma_wait3A_685 = arith.constant 0 : i32
    %dma_wait3A_686 = tpu.memref_slice %dma_wait3A_684[%dma_wait3A_676, %dma_wait3A_685] : memref<2x128xi32, #tpu.memory_space<vmem>> -> memref<1x128xi32, #tpu.memory_space<vmem>>
    %dma_wait3A_687 = tpu.memref_squeeze %dma_wait3A_686 : memref<1x128xi32, #tpu.memory_space<vmem>> -> memref<128xi32, #tpu.memory_space<vmem>>
    %dma_wait3A_688 = arith.constant 0 : i32
    %dma_wait3A_689 = arith.constant 0 : i32
    %dma_wait3A_690 = tpu.memref_slice %arg8[%dma_wait3A_688, %dma_wait3A_689] : memref<10240x128xf32, #tpu.memory_space<vmem_shared>> -> memref<10240x128xf32, #tpu.memory_space<vmem_shared>>
    tpu.wait_indirect_dma semaphore(%arg11 : memref<!tpu.dma_semaphore, #tpu.memory_space<semaphore_mem>>) src(%dma_wait3A_680 : memref<128x128xf32, #tpu.memory_space<vmem>>) dst(%dma_wait3A_690 : memref<10240x128xf32, #tpu.memory_space<vmem_shared>>)
    %scan3A = arith.constant 0 : i32
    %scan3A_691 = arith.constant 18 : i32
    %scan3A_692 = arith.addi %scan3A, %scan3A_691 : i32
    %scan3A_693 = arith.constant 1 : i32
    scf.for %scan3A_1100 = %scan3A to %scan3A_692 step %scan3A_693  : i32 {
      %mul3A_1101 = arith.constant 1 : i32
      %mul3A_1102 = arith.muli %scan3A_1100, %mul3A_1101 : i32
      %add3A_1103 = arith.constant 1 : i32
      %add3A_1104 = arith.addi %add3A_1103, %mul3A_1102 : i32
      %mul3A_1105 = arith.constant 4 : i32
      %mul3A_1106 = arith.muli %add3A_1104, %mul3A_1105 : i32
      %add3A_1107 = arith.constant 0 : i32
      %add3A_1108 = arith.addi %mul3A_1106, %add3A_1107 : i32
      %dma_wait3A_1109 = arith.constant 0 : i32
      %dma_wait3A_1110 = arith.constant 1 : i32
      %dma_wait3A_1111 = arith.constant 1 : i32
      %dma_wait3A_1112 = arith.constant 0 : i32
      %dma_wait3A_1113 = arith.constant 0 : i32
      %dma_wait3A_1114 = tpu.memref_slice %arg6[%dma_wait3A_1110, %dma_wait3A_1112, %dma_wait3A_1113] : memref<4x2x128xi32, #tpu.memory_space<vmem>> -> memref<1x2x128xi32, #tpu.memory_space<vmem>>
      %dma_wait3A_1115 = tpu.memref_squeeze %dma_wait3A_1114 : memref<1x2x128xi32, #tpu.memory_space<vmem>> -> memref<2x128xi32, #tpu.memory_space<vmem>>
      %dma_wait3A_1116 = arith.constant 0 : i32
      %dma_wait3A_1117 = arith.constant 0 : i32
      %dma_wait3A_1118 = arith.constant 0 : i32
      %dma_wait3A_1119 = tpu.memref_slice %arg3[%add3A, %dma_wait3A_1116, %dma_wait3A_1117, %dma_wait3A_1118] : memref<32x80x2x128xi32, #tpu.memory_space<hbm>> -> memref<1x80x2x128xi32, #tpu.memory_space<hbm>>
      %dma_wait3A_1120 = tpu.memref_squeeze %dma_wait3A_1119 : memref<1x80x2x128xi32, #tpu.memory_space<hbm>> -> memref<80x2x128xi32, #tpu.memory_space<hbm>>
      %dma_wait3A_1121 = arith.constant 0 : i32
      %dma_wait3A_1122 = arith.constant 0 : i32
      %dma_wait3A_1123 = tpu.memref_slice %dma_wait3A_1120[%dma_wait3A_1109, %dma_wait3A_1121, %dma_wait3A_1122] : memref<80x2x128xi32, #tpu.memory_space<hbm>> -> memref<1x2x128xi32, #tpu.memory_space<hbm>>
      %dma_wait3A_1124 = tpu.memref_squeeze %dma_wait3A_1123 : memref<1x2x128xi32, #tpu.memory_space<hbm>> -> memref<2x128xi32, #tpu.memory_space<hbm>>
      %dma_wait3A_1125 = tpu.memref_slice %arg9[%dma_wait3A_1111] : memref<4x!tpu.dma_semaphore, #tpu.memory_space<semaphore_mem>> -> memref<1x!tpu.dma_semaphore, #tpu.memory_space<semaphore_mem>>
      %dma_wait3A_1126 = tpu.memref_squeeze %dma_wait3A_1125 : memref<1x!tpu.dma_semaphore, #tpu.memory_space<semaphore_mem>> -> memref<!tpu.dma_semaphore, #tpu.memory_space<semaphore_mem>>
      %dma_wait3A_1127 = arith.constant 0 : i32
      %dma_wait3A_1128 = arith.constant 0 : i32
      %dma_wait3A_1129 = tpu.memref_slice %arg6[%dma_wait3A_1110, %dma_wait3A_1127, %dma_wait3A_1128] : memref<4x2x128xi32, #tpu.memory_space<vmem>> -> memref<1x2x128xi32, #tpu.memory_space<vmem>>
      %dma_wait3A_1130 = tpu.memref_squeeze %dma_wait3A_1129 : memref<1x2x128xi32, #tpu.memory_space<vmem>> -> memref<2x128xi32, #tpu.memory_space<vmem>>
      %dma_wait3A_1131 = arith.constant 0 : i32
      %dma_wait3A_1132 = arith.constant 0 : i32
      %dma_wait3A_1133 = arith.constant 0 : i32
      %dma_wait3A_1134 = tpu.memref_slice %arg3[%add3A, %dma_wait3A_1131, %dma_wait3A_1132, %dma_wait3A_1133] : memref<32x80x2x128xi32, #tpu.memory_space<hbm>> -> memref<1x80x2x128xi32, #tpu.memory_space<hbm>>
      %dma_wait3A_1135 = tpu.memref_squeeze %dma_wait3A_1134 : memref<1x80x2x128xi32, #tpu.memory_space<hbm>> -> memref<80x2x128xi32, #tpu.memory_space<hbm>>
      %dma_wait3A_1136 = arith.constant 0 : i32
      %dma_wait3A_1137 = arith.constant 0 : i32
      %dma_wait3A_1138 = tpu.memref_slice %dma_wait3A_1135[%dma_wait3A_1109, %dma_wait3A_1136, %dma_wait3A_1137] : memref<80x2x128xi32, #tpu.memory_space<hbm>> -> memref<1x2x128xi32, #tpu.memory_space<hbm>>
      %dma_wait3A_1139 = tpu.memref_squeeze %dma_wait3A_1138 : memref<1x2x128xi32, #tpu.memory_space<hbm>> -> memref<2x128xi32, #tpu.memory_space<hbm>>
      tpu.wait_dma2 semaphore(%dma_wait3A_1126 : memref<!tpu.dma_semaphore, #tpu.memory_space<semaphore_mem>>) src(%dma_wait3A_1139 : memref<2x128xi32, #tpu.memory_space<hbm>>) dst(%dma_wait3A_1130 : memref<2x128xi32, #tpu.memory_space<vmem>>)
      %dma_start3A_1140 = arith.constant 1 : i32
      %dma_start3A_1141 = arith.constant 0 : i32
      %dma_start3A_1142 = arith.constant 1 : i32
      %dma_start3A_1143 = arith.constant 1 : i32
      %dma_start3A_1144 = arith.constant 0 : i32
      %dma_start3A_1145 = arith.constant 0 : i32
      %dma_start3A_1146 = tpu.memref_slice %arg7[%dma_start3A_1142, %dma_start3A_1144, %dma_start3A_1145] : memref<2x128x128xf32, #tpu.memory_space<vmem>> -> memref<1x128x128xf32, #tpu.memory_space<vmem>>
      %dma_start3A_1147 = tpu.memref_squeeze %dma_start3A_1146 : memref<1x128x128xf32, #tpu.memory_space<vmem>> -> memref<128x128xf32, #tpu.memory_space<vmem>>
      %dma_start3A_1148 = arith.constant 0 : i32
      %dma_start3A_1149 = arith.constant 0 : i32
      %dma_start3A_1150 = tpu.memref_slice %arg6[%dma_start3A_1140, %dma_start3A_1148, %dma_start3A_1149] : memref<4x2x128xi32, #tpu.memory_space<vmem>> -> memref<1x2x128xi32, #tpu.memory_space<vmem>>
      %dma_start3A_1151 = tpu.memref_squeeze %dma_start3A_1150 : memref<1x2x128xi32, #tpu.memory_space<vmem>> -> memref<2x128xi32, #tpu.memory_space<vmem>>
      %dma_start3A_1152 = arith.constant 0 : i32
      %dma_start3A_1153 = tpu.memref_slice %dma_start3A_1151[%dma_start3A_1141, %dma_start3A_1152] : memref<2x128xi32, #tpu.memory_space<vmem>> -> memref<1x128xi32, #tpu.memory_space<vmem>>
      %dma_start3A_1154 = tpu.memref_squeeze %dma_start3A_1153 : memref<1x128xi32, #tpu.memory_space<vmem>> -> memref<128xi32, #tpu.memory_space<vmem>>
      %dma_start3A_1155 = arith.constant 0 : i32
      %dma_start3A_1156 = arith.constant 0 : i32
      %dma_start3A_1157 = tpu.memref_slice %arg2[%dma_start3A_1155, %dma_start3A_1156] : memref<10000x128xf32, #tpu.memory_space<hbm>> -> memref<10000x128xf32, #tpu.memory_space<hbm>>
      %dma_start3A_1158 = tpu.memref_slice %arg10[%dma_start3A_1143] : memref<2x!tpu.dma_semaphore, #tpu.memory_space<semaphore_mem>> -> memref<1x!tpu.dma_semaphore, #tpu.memory_space<semaphore_mem>>
      %dma_start3A_1159 = tpu.memref_squeeze %dma_start3A_1158 : memref<1x!tpu.dma_semaphore, #tpu.memory_space<semaphore_mem>> -> memref<!tpu.dma_semaphore, #tpu.memory_space<semaphore_mem>>
      tpu.enqueue_indirect_dma source(%dma_start3A_1157 : memref<10000x128xf32, #tpu.memory_space<hbm>>) target(%dma_start3A_1147 : memref<128x128xf32, #tpu.memory_space<vmem>>) offsets(%dma_start3A_1154 : memref<128xi32, #tpu.memory_space<vmem>>) semaphore(%dma_start3A_1159 : memref<!tpu.dma_semaphore, #tpu.memory_space<semaphore_mem>>)
      %add3A_1160 = arith.constant 3 : i32
      %add3A_1161 = arith.addi %add3A_1108, %add3A_1160 : i32
      %dma_start3A_1162 = arith.constant 3 : i32
      %dma_start3A_1163 = arith.constant 3 : i32
      %dma_start3A_1164 = arith.constant 0 : i32
      %dma_start3A_1165 = arith.constant 0 : i32
      %dma_start3A_1166 = tpu.memref_slice %arg6[%dma_start3A_1162, %dma_start3A_1164, %dma_start3A_1165] : memref<4x2x128xi32, #tpu.memory_space<vmem>> -> memref<1x2x128xi32, #tpu.memory_space<vmem>>
      %dma_start3A_1167 = tpu.memref_squeeze %dma_start3A_1166 : memref<1x2x128xi32, #tpu.memory_space<vmem>> -> memref<2x128xi32, #tpu.memory_space<vmem>>
      %dma_start3A_1168 = arith.constant 0 : i32
      %dma_start3A_1169 = arith.constant 0 : i32
      %dma_start3A_1170 = arith.constant 0 : i32
      %dma_start3A_1171 = tpu.memref_slice %arg3[%add3A, %dma_start3A_1168, %dma_start3A_1169, %dma_start3A_1170] : memref<32x80x2x128xi32, #tpu.memory_space<hbm>> -> memref<1x80x2x128xi32, #tpu.memory_space<hbm>>
      %dma_start3A_1172 = tpu.memref_squeeze %dma_start3A_1171 : memref<1x80x2x128xi32, #tpu.memory_space<hbm>> -> memref<80x2x128xi32, #tpu.memory_space<hbm>>
      %dma_start3A_1173 = arith.constant 0 : i32
      %dma_start3A_1174 = arith.constant 0 : i32
      %dma_start3A_1175 = tpu.memref_slice %dma_start3A_1172[%add3A_1161, %dma_start3A_1173, %dma_start3A_1174] : memref<80x2x128xi32, #tpu.memory_space<hbm>> -> memref<1x2x128xi32, #tpu.memory_space<hbm>>
      %dma_start3A_1176 = tpu.memref_squeeze %dma_start3A_1175 : memref<1x2x128xi32, #tpu.memory_space<hbm>> -> memref<2x128xi32, #tpu.memory_space<hbm>>
      %dma_start3A_1177 = tpu.memref_slice %arg9[%dma_start3A_1163] : memref<4x!tpu.dma_semaphore, #tpu.memory_space<semaphore_mem>> -> memref<1x!tpu.dma_semaphore, #tpu.memory_space<semaphore_mem>>
      %dma_start3A_1178 = tpu.memref_squeeze %dma_start3A_1177 : memref<1x!tpu.dma_semaphore, #tpu.memory_space<semaphore_mem>> -> memref<!tpu.dma_semaphore, #tpu.memory_space<semaphore_mem>>
      %dma_start3A_1179 = arith.constant 0 : i32
      %dma_start3A_1180 = arith.constant 0 : i32
      %dma_start3A_1181 = tpu.memref_slice %arg6[%dma_start3A_1162, %dma_start3A_1179, %dma_start3A_1180] : memref<4x2x128xi32, #tpu.memory_space<vmem>> -> memref<1x2x128xi32, #tpu.memory_space<vmem>>
      %dma_start3A_1182 = tpu.memref_squeeze %dma_start3A_1181 : memref<1x2x128xi32, #tpu.memory_space<vmem>> -> memref<2x128xi32, #tpu.memory_space<vmem>>
      %dma_start3A_1183 = arith.constant 0 : i32
      %dma_start3A_1184 = arith.constant 0 : i32
      %dma_start3A_1185 = arith.constant 0 : i32
      %dma_start3A_1186 = tpu.memref_slice %arg3[%add3A, %dma_start3A_1183, %dma_start3A_1184, %dma_start3A_1185] : memref<32x80x2x128xi32, #tpu.memory_space<hbm>> -> memref<1x80x2x128xi32, #tpu.memory_space<hbm>>
      %dma_start3A_1187 = tpu.memref_squeeze %dma_start3A_1186 : memref<1x80x2x128xi32, #tpu.memory_space<hbm>> -> memref<80x2x128xi32, #tpu.memory_space<hbm>>
      %dma_start3A_1188 = arith.constant 0 : i32
      %dma_start3A_1189 = arith.constant 0 : i32
      %dma_start3A_1190 = tpu.memref_slice %dma_start3A_1187[%add3A_1161, %dma_start3A_1188, %dma_start3A_1189] : memref<80x2x128xi32, #tpu.memory_space<hbm>> -> memref<1x2x128xi32, #tpu.memory_space<hbm>>
      %dma_start3A_1191 = tpu.memref_squeeze %dma_start3A_1190 : memref<1x2x128xi32, #tpu.memory_space<hbm>> -> memref<2x128xi32, #tpu.memory_space<hbm>>
      tpu.enqueue_dma source(%dma_start3A_1191 : memref<2x128xi32, #tpu.memory_space<hbm>>) target(%dma_start3A_1182 : memref<2x128xi32, #tpu.memory_space<vmem>>) target_semaphore(%dma_start3A_1178 : memref<!tpu.dma_semaphore, #tpu.memory_space<semaphore_mem>>)
      %dma_wait3A_1192 = arith.constant 0 : i32
      %dma_wait3A_1193 = arith.constant 0 : i32
      %dma_wait3A_1194 = arith.constant 0 : i32
      %dma_wait3A_1195 = arith.constant 0 : i32
      %dma_wait3A_1196 = arith.constant 0 : i32
      %dma_wait3A_1197 = arith.constant 0 : i32
      %dma_wait3A_1198 = tpu.memref_slice %arg7[%dma_wait3A_1194, %dma_wait3A_1196, %dma_wait3A_1197] : memref<2x128x128xf32, #tpu.memory_space<vmem>> -> memref<1x128x128xf32, #tpu.memory_space<vmem>>
      %dma_wait3A_1199 = tpu.memref_squeeze %dma_wait3A_1198 : memref<1x128x128xf32, #tpu.memory_space<vmem>> -> memref<128x128xf32, #tpu.memory_space<vmem>>
      %dma_wait3A_1200 = arith.constant 0 : i32
      %dma_wait3A_1201 = arith.constant 0 : i32
      %dma_wait3A_1202 = tpu.memref_slice %arg6[%dma_wait3A_1192, %dma_wait3A_1200, %dma_wait3A_1201] : memref<4x2x128xi32, #tpu.memory_space<vmem>> -> memref<1x2x128xi32, #tpu.memory_space<vmem>>
      %dma_wait3A_1203 = tpu.memref_squeeze %dma_wait3A_1202 : memref<1x2x128xi32, #tpu.memory_space<vmem>> -> memref<2x128xi32, #tpu.memory_space<vmem>>
      %dma_wait3A_1204 = arith.constant 0 : i32
      %dma_wait3A_1205 = tpu.memref_slice %dma_wait3A_1203[%dma_wait3A_1193, %dma_wait3A_1204] : memref<2x128xi32, #tpu.memory_space<vmem>> -> memref<1x128xi32, #tpu.memory_space<vmem>>
      %dma_wait3A_1206 = tpu.memref_squeeze %dma_wait3A_1205 : memref<1x128xi32, #tpu.memory_space<vmem>> -> memref<128xi32, #tpu.memory_space<vmem>>
      %dma_wait3A_1207 = arith.constant 0 : i32
      %dma_wait3A_1208 = arith.constant 0 : i32
      %dma_wait3A_1209 = tpu.memref_slice %arg2[%dma_wait3A_1207, %dma_wait3A_1208] : memref<10000x128xf32, #tpu.memory_space<hbm>> -> memref<10000x128xf32, #tpu.memory_space<hbm>>
      %dma_wait3A_1210 = tpu.memref_slice %arg10[%dma_wait3A_1195] : memref<2x!tpu.dma_semaphore, #tpu.memory_space<semaphore_mem>> -> memref<1x!tpu.dma_semaphore, #tpu.memory_space<semaphore_mem>>
      %dma_wait3A_1211 = tpu.memref_squeeze %dma_wait3A_1210 : memref<1x!tpu.dma_semaphore, #tpu.memory_space<semaphore_mem>> -> memref<!tpu.dma_semaphore, #tpu.memory_space<semaphore_mem>>
      tpu.wait_indirect_dma semaphore(%dma_wait3A_1211 : memref<!tpu.dma_semaphore, #tpu.memory_space<semaphore_mem>>) src(%dma_wait3A_1209 : memref<10000x128xf32, #tpu.memory_space<hbm>>) dst(%dma_wait3A_1199 : memref<128x128xf32, #tpu.memory_space<vmem>>)
      %dma_start3A_1212 = arith.constant 0 : i32
      %dma_start3A_1213 = arith.constant 0 : i32
      %dma_start3A_1214 = arith.constant 1 : i32
      %dma_start3A_1215 = arith.constant 0 : i32
      %dma_start3A_1216 = arith.constant 0 : i32
      %dma_start3A_1217 = tpu.memref_slice %arg7[%dma_start3A_1212, %dma_start3A_1215, %dma_start3A_1216] : memref<2x128x128xf32, #tpu.memory_space<vmem>> -> memref<1x128x128xf32, #tpu.memory_space<vmem>>
      %dma_start3A_1218 = tpu.memref_squeeze %dma_start3A_1217 : memref<1x128x128xf32, #tpu.memory_space<vmem>> -> memref<128x128xf32, #tpu.memory_space<vmem>>
      %dma_start3A_1219 = arith.constant 0 : i32
      %dma_start3A_1220 = arith.constant 0 : i32
      %dma_start3A_1221 = tpu.memref_slice %arg6[%dma_start3A_1213, %dma_start3A_1219, %dma_start3A_1220] : memref<4x2x128xi32, #tpu.memory_space<vmem>> -> memref<1x2x128xi32, #tpu.memory_space<vmem>>
      %dma_start3A_1222 = tpu.memref_squeeze %dma_start3A_1221 : memref<1x2x128xi32, #tpu.memory_space<vmem>> -> memref<2x128xi32, #tpu.memory_space<vmem>>
      %dma_start3A_1223 = arith.constant 0 : i32
      %dma_start3A_1224 = tpu.memref_slice %dma_start3A_1222[%dma_start3A_1214, %dma_start3A_1223] : memref<2x128xi32, #tpu.memory_space<vmem>> -> memref<1x128xi32, #tpu.memory_space<vmem>>
      %dma_start3A_1225 = tpu.memref_squeeze %dma_start3A_1224 : memref<1x128xi32, #tpu.memory_space<vmem>> -> memref<128xi32, #tpu.memory_space<vmem>>
      %dma_start3A_1226 = arith.constant 0 : i32
      %dma_start3A_1227 = arith.constant 0 : i32
      %dma_start3A_1228 = tpu.memref_slice %arg8[%dma_start3A_1226, %dma_start3A_1227] : memref<10240x128xf32, #tpu.memory_space<vmem_shared>> -> memref<10240x128xf32, #tpu.memory_space<vmem_shared>>
      tpu.enqueue_indirect_dma source(%dma_start3A_1218 : memref<128x128xf32, #tpu.memory_space<vmem>>) target(%dma_start3A_1228 : memref<10240x128xf32, #tpu.memory_space<vmem_shared>>) offsets(%dma_start3A_1225 : memref<128xi32, #tpu.memory_space<vmem>>) semaphore(%arg11 : memref<!tpu.dma_semaphore, #tpu.memory_space<semaphore_mem>>) {add = true}
      %dma_wait3A_1229 = arith.constant 0 : i32
      %dma_wait3A_1230 = arith.constant 0 : i32
      %dma_wait3A_1231 = arith.constant 1 : i32
      %dma_wait3A_1232 = arith.constant 0 : i32
      %dma_wait3A_1233 = arith.constant 0 : i32
      %dma_wait3A_1234 = tpu.memref_slice %arg7[%dma_wait3A_1229, %dma_wait3A_1232, %dma_wait3A_1233] : memref<2x128x128xf32, #tpu.memory_space<vmem>> -> memref<1x128x128xf32, #tpu.memory_space<vmem>>
      %dma_wait3A_1235 = tpu.memref_squeeze %dma_wait3A_1234 : memref<1x128x128xf32, #tpu.memory_space<vmem>> -> memref<128x128xf32, #tpu.memory_space<vmem>>
      %dma_wait3A_1236 = arith.constant 0 : i32
      %dma_wait3A_1237 = arith.constant 0 : i32
      %dma_wait3A_1238 = tpu.memref_slice %arg6[%dma_wait3A_1230, %dma_wait3A_1236, %dma_wait3A_1237] : memref<4x2x128xi32, #tpu.memory_space<vmem>> -> memref<1x2x128xi32, #tpu.memory_space<vmem>>
      %dma_wait3A_1239 = tpu.memref_squeeze %dma_wait3A_1238 : memref<1x2x128xi32, #tpu.memory_space<vmem>> -> memref<2x128xi32, #tpu.memory_space<vmem>>
      %dma_wait3A_1240 = arith.constant 0 : i32
      %dma_wait3A_1241 = tpu.memref_slice %dma_wait3A_1239[%dma_wait3A_1231, %dma_wait3A_1240] : memref<2x128xi32, #tpu.memory_space<vmem>> -> memref<1x128xi32, #tpu.memory_space<vmem>>
      %dma_wait3A_1242 = tpu.memref_squeeze %dma_wait3A_1241 : memref<1x128xi32, #tpu.memory_space<vmem>> -> memref<128xi32, #tpu.memory_space<vmem>>
      %dma_wait3A_1243 = arith.constant 0 : i32
      %dma_wait3A_1244 = arith.constant 0 : i32
      %dma_wait3A_1245 = tpu.memref_slice %arg8[%dma_wait3A_1243, %dma_wait3A_1244] : memref<10240x128xf32, #tpu.memory_space<vmem_shared>> -> memref<10240x128xf32, #tpu.memory_space<vmem_shared>>
      tpu.wait_indirect_dma semaphore(%arg11 : memref<!tpu.dma_semaphore, #tpu.memory_space<semaphore_mem>>) src(%dma_wait3A_1235 : memref<128x128xf32, #tpu.memory_space<vmem>>) dst(%dma_wait3A_1245 : memref<10240x128xf32, #tpu.memory_space<vmem_shared>>)
      %add3A_1246 = arith.constant 1 : i32
      %add3A_1247 = arith.addi %mul3A_1106, %add3A_1246 : i32
      %dma_wait3A_1248 = arith.constant 0 : i32
      %dma_wait3A_1249 = arith.constant 2 : i32
      %dma_wait3A_1250 = arith.constant 2 : i32
      %dma_wait3A_1251 = arith.constant 0 : i32
      %dma_wait3A_1252 = arith.constant 0 : i32
      %dma_wait3A_1253 = tpu.memref_slice %arg6[%dma_wait3A_1249, %dma_wait3A_1251, %dma_wait3A_1252] : memref<4x2x128xi32, #tpu.memory_space<vmem>> -> memref<1x2x128xi32, #tpu.memory_space<vmem>>
      %dma_wait3A_1254 = tpu.memref_squeeze %dma_wait3A_1253 : memref<1x2x128xi32, #tpu.memory_space<vmem>> -> memref<2x128xi32, #tpu.memory_space<vmem>>
      %dma_wait3A_1255 = arith.constant 0 : i32
      %dma_wait3A_1256 = arith.constant 0 : i32
      %dma_wait3A_1257 = arith.constant 0 : i32
      %dma_wait3A_1258 = tpu.memref_slice %arg3[%add3A, %dma_wait3A_1255, %dma_wait3A_1256, %dma_wait3A_1257] : memref<32x80x2x128xi32, #tpu.memory_space<hbm>> -> memref<1x80x2x128xi32, #tpu.memory_space<hbm>>
      %dma_wait3A_1259 = tpu.memref_squeeze %dma_wait3A_1258 : memref<1x80x2x128xi32, #tpu.memory_space<hbm>> -> memref<80x2x128xi32, #tpu.memory_space<hbm>>
      %dma_wait3A_1260 = arith.constant 0 : i32
      %dma_wait3A_1261 = arith.constant 0 : i32
      %dma_wait3A_1262 = tpu.memref_slice %dma_wait3A_1259[%dma_wait3A_1248, %dma_wait3A_1260, %dma_wait3A_1261] : memref<80x2x128xi32, #tpu.memory_space<hbm>> -> memref<1x2x128xi32, #tpu.memory_space<hbm>>
      %dma_wait3A_1263 = tpu.memref_squeeze %dma_wait3A_1262 : memref<1x2x128xi32, #tpu.memory_space<hbm>> -> memref<2x128xi32, #tpu.memory_space<hbm>>
      %dma_wait3A_1264 = tpu.memref_slice %arg9[%dma_wait3A_1250] : memref<4x!tpu.dma_semaphore, #tpu.memory_space<semaphore_mem>> -> memref<1x!tpu.dma_semaphore, #tpu.memory_space<semaphore_mem>>
      %dma_wait3A_1265 = tpu.memref_squeeze %dma_wait3A_1264 : memref<1x!tpu.dma_semaphore, #tpu.memory_space<semaphore_mem>> -> memref<!tpu.dma_semaphore, #tpu.memory_space<semaphore_mem>>
      %dma_wait3A_1266 = arith.constant 0 : i32
      %dma_wait3A_1267 = arith.constant 0 : i32
      %dma_wait3A_1268 = tpu.memref_slice %arg6[%dma_wait3A_1249, %dma_wait3A_1266, %dma_wait3A_1267] : memref<4x2x128xi32, #tpu.memory_space<vmem>> -> memref<1x2x128xi32, #tpu.memory_space<vmem>>
      %dma_wait3A_1269 = tpu.memref_squeeze %dma_wait3A_1268 : memref<1x2x128xi32, #tpu.memory_space<vmem>> -> memref<2x128xi32, #tpu.memory_space<vmem>>
      %dma_wait3A_1270 = arith.constant 0 : i32
      %dma_wait3A_1271 = arith.constant 0 : i32
      %dma_wait3A_1272 = arith.constant 0 : i32
      %dma_wait3A_1273 = tpu.memref_slice %arg3[%add3A, %dma_wait3A_1270, %dma_wait3A_1271, %dma_wait3A_1272] : memref<32x80x2x128xi32, #tpu.memory_space<hbm>> -> memref<1x80x2x128xi32, #tpu.memory_space<hbm>>
      %dma_wait3A_1274 = tpu.memref_squeeze %dma_wait3A_1273 : memref<1x80x2x128xi32, #tpu.memory_space<hbm>> -> memref<80x2x128xi32, #tpu.memory_space<hbm>>
      %dma_wait3A_1275 = arith.constant 0 : i32
      %dma_wait3A_1276 = arith.constant 0 : i32
      %dma_wait3A_1277 = tpu.memref_slice %dma_wait3A_1274[%dma_wait3A_1248, %dma_wait3A_1275, %dma_wait3A_1276] : memref<80x2x128xi32, #tpu.memory_space<hbm>> -> memref<1x2x128xi32, #tpu.memory_space<hbm>>
      %dma_wait3A_1278 = tpu.memref_squeeze %dma_wait3A_1277 : memref<1x2x128xi32, #tpu.memory_space<hbm>> -> memref<2x128xi32, #tpu.memory_space<hbm>>
      tpu.wait_dma2 semaphore(%dma_wait3A_1265 : memref<!tpu.dma_semaphore, #tpu.memory_space<semaphore_mem>>) src(%dma_wait3A_1278 : memref<2x128xi32, #tpu.memory_space<hbm>>) dst(%dma_wait3A_1269 : memref<2x128xi32, #tpu.memory_space<vmem>>)
      %dma_start3A_1279 = arith.constant 2 : i32
      %dma_start3A_1280 = arith.constant 0 : i32
      %dma_start3A_1281 = arith.constant 0 : i32
      %dma_start3A_1282 = arith.constant 0 : i32
      %dma_start3A_1283 = arith.constant 0 : i32
      %dma_start3A_1284 = arith.constant 0 : i32
      %dma_start3A_1285 = tpu.memref_slice %arg7[%dma_start3A_1281, %dma_start3A_1283, %dma_start3A_1284] : memref<2x128x128xf32, #tpu.memory_space<vmem>> -> memref<1x128x128xf32, #tpu.memory_space<vmem>>
      %dma_start3A_1286 = tpu.memref_squeeze %dma_start3A_1285 : memref<1x128x128xf32, #tpu.memory_space<vmem>> -> memref<128x128xf32, #tpu.memory_space<vmem>>
      %dma_start3A_1287 = arith.constant 0 : i32
      %dma_start3A_1288 = arith.constant 0 : i32
      %dma_start3A_1289 = tpu.memref_slice %arg6[%dma_start3A_1279, %dma_start3A_1287, %dma_start3A_1288] : memref<4x2x128xi32, #tpu.memory_space<vmem>> -> memref<1x2x128xi32, #tpu.memory_space<vmem>>
      %dma_start3A_1290 = tpu.memref_squeeze %dma_start3A_1289 : memref<1x2x128xi32, #tpu.memory_space<vmem>> -> memref<2x128xi32, #tpu.memory_space<vmem>>
      %dma_start3A_1291 = arith.constant 0 : i32
      %dma_start3A_1292 = tpu.memref_slice %dma_start3A_1290[%dma_start3A_1280, %dma_start3A_1291] : memref<2x128xi32, #tpu.memory_space<vmem>> -> memref<1x128xi32, #tpu.memory_space<vmem>>
      %dma_start3A_1293 = tpu.memref_squeeze %dma_start3A_1292 : memref<1x128xi32, #tpu.memory_space<vmem>> -> memref<128xi32, #tpu.memory_space<vmem>>
      %dma_start3A_1294 = arith.constant 0 : i32
      %dma_start3A_1295 = arith.constant 0 : i32
      %dma_start3A_1296 = tpu.memref_slice %arg2[%dma_start3A_1294, %dma_start3A_1295] : memref<10000x128xf32, #tpu.memory_space<hbm>> -> memref<10000x128xf32, #tpu.memory_space<hbm>>
      %dma_start3A_1297 = tpu.memref_slice %arg10[%dma_start3A_1282] : memref<2x!tpu.dma_semaphore, #tpu.memory_space<semaphore_mem>> -> memref<1x!tpu.dma_semaphore, #tpu.memory_space<semaphore_mem>>
      %dma_start3A_1298 = tpu.memref_squeeze %dma_start3A_1297 : memref<1x!tpu.dma_semaphore, #tpu.memory_space<semaphore_mem>> -> memref<!tpu.dma_semaphore, #tpu.memory_space<semaphore_mem>>
      tpu.enqueue_indirect_dma source(%dma_start3A_1296 : memref<10000x128xf32, #tpu.memory_space<hbm>>) target(%dma_start3A_1286 : memref<128x128xf32, #tpu.memory_space<vmem>>) offsets(%dma_start3A_1293 : memref<128xi32, #tpu.memory_space<vmem>>) semaphore(%dma_start3A_1298 : memref<!tpu.dma_semaphore, #tpu.memory_space<semaphore_mem>>)
      %add3A_1299 = arith.constant 3 : i32
      %add3A_1300 = arith.addi %add3A_1247, %add3A_1299 : i32
      %dma_start3A_1301 = arith.constant 0 : i32
      %dma_start3A_1302 = arith.constant 0 : i32
      %dma_start3A_1303 = arith.constant 0 : i32
      %dma_start3A_1304 = arith.constant 0 : i32
      %dma_start3A_1305 = tpu.memref_slice %arg6[%dma_start3A_1301, %dma_start3A_1303, %dma_start3A_1304] : memref<4x2x128xi32, #tpu.memory_space<vmem>> -> memref<1x2x128xi32, #tpu.memory_space<vmem>>
      %dma_start3A_1306 = tpu.memref_squeeze %dma_start3A_1305 : memref<1x2x128xi32, #tpu.memory_space<vmem>> -> memref<2x128xi32, #tpu.memory_space<vmem>>
      %dma_start3A_1307 = arith.constant 0 : i32
      %dma_start3A_1308 = arith.constant 0 : i32
      %dma_start3A_1309 = arith.constant 0 : i32
      %dma_start3A_1310 = tpu.memref_slice %arg3[%add3A, %dma_start3A_1307, %dma_start3A_1308, %dma_start3A_1309] : memref<32x80x2x128xi32, #tpu.memory_space<hbm>> -> memref<1x80x2x128xi32, #tpu.memory_space<hbm>>
      %dma_start3A_1311 = tpu.memref_squeeze %dma_start3A_1310 : memref<1x80x2x128xi32, #tpu.memory_space<hbm>> -> memref<80x2x128xi32, #tpu.memory_space<hbm>>
      %dma_start3A_1312 = arith.constant 0 : i32
      %dma_start3A_1313 = arith.constant 0 : i32
      %dma_start3A_1314 = tpu.memref_slice %dma_start3A_1311[%add3A_1300, %dma_start3A_1312, %dma_start3A_1313] : memref<80x2x128xi32, #tpu.memory_space<hbm>> -> memref<1x2x128xi32, #tpu.memory_space<hbm>>
      %dma_start3A_1315 = tpu.memref_squeeze %dma_start3A_1314 : memref<1x2x128xi32, #tpu.memory_space<hbm>> -> memref<2x128xi32, #tpu.memory_space<hbm>>
      %dma_start3A_1316 = tpu.memref_slice %arg9[%dma_start3A_1302] : memref<4x!tpu.dma_semaphore, #tpu.memory_space<semaphore_mem>> -> memref<1x!tpu.dma_semaphore, #tpu.memory_space<semaphore_mem>>
      %dma_start3A_1317 = tpu.memref_squeeze %dma_start3A_1316 : memref<1x!tpu.dma_semaphore, #tpu.memory_space<semaphore_mem>> -> memref<!tpu.dma_semaphore, #tpu.memory_space<semaphore_mem>>
      %dma_start3A_1318 = arith.constant 0 : i32
      %dma_start3A_1319 = arith.constant 0 : i32
      %dma_start3A_1320 = tpu.memref_slice %arg6[%dma_start3A_1301, %dma_start3A_1318, %dma_start3A_1319] : memref<4x2x128xi32, #tpu.memory_space<vmem>> -> memref<1x2x128xi32, #tpu.memory_space<vmem>>
      %dma_start3A_1321 = tpu.memref_squeeze %dma_start3A_1320 : memref<1x2x128xi32, #tpu.memory_space<vmem>> -> memref<2x128xi32, #tpu.memory_space<vmem>>
      %dma_start3A_1322 = arith.constant 0 : i32
      %dma_start3A_1323 = arith.constant 0 : i32
      %dma_start3A_1324 = arith.constant 0 : i32
      %dma_start3A_1325 = tpu.memref_slice %arg3[%add3A, %dma_start3A_1322, %dma_start3A_1323, %dma_start3A_1324] : memref<32x80x2x128xi32, #tpu.memory_space<hbm>> -> memref<1x80x2x128xi32, #tpu.memory_space<hbm>>
      %dma_start3A_1326 = tpu.memref_squeeze %dma_start3A_1325 : memref<1x80x2x128xi32, #tpu.memory_space<hbm>> -> memref<80x2x128xi32, #tpu.memory_space<hbm>>
      %dma_start3A_1327 = arith.constant 0 : i32
      %dma_start3A_1328 = arith.constant 0 : i32
      %dma_start3A_1329 = tpu.memref_slice %dma_start3A_1326[%add3A_1300, %dma_start3A_1327, %dma_start3A_1328] : memref<80x2x128xi32, #tpu.memory_space<hbm>> -> memref<1x2x128xi32, #tpu.memory_space<hbm>>
      %dma_start3A_1330 = tpu.memref_squeeze %dma_start3A_1329 : memref<1x2x128xi32, #tpu.memory_space<hbm>> -> memref<2x128xi32, #tpu.memory_space<hbm>>
      tpu.enqueue_dma source(%dma_start3A_1330 : memref<2x128xi32, #tpu.memory_space<hbm>>) target(%dma_start3A_1321 : memref<2x128xi32, #tpu.memory_space<vmem>>) target_semaphore(%dma_start3A_1317 : memref<!tpu.dma_semaphore, #tpu.memory_space<semaphore_mem>>)
      %dma_wait3A_1331 = arith.constant 0 : i32
      %dma_wait3A_1332 = arith.constant 0 : i32
      %dma_wait3A_1333 = arith.constant 1 : i32
      %dma_wait3A_1334 = arith.constant 1 : i32
      %dma_wait3A_1335 = arith.constant 0 : i32
      %dma_wait3A_1336 = arith.constant 0 : i32
      %dma_wait3A_1337 = tpu.memref_slice %arg7[%dma_wait3A_1333, %dma_wait3A_1335, %dma_wait3A_1336] : memref<2x128x128xf32, #tpu.memory_space<vmem>> -> memref<1x128x128xf32, #tpu.memory_space<vmem>>
      %dma_wait3A_1338 = tpu.memref_squeeze %dma_wait3A_1337 : memref<1x128x128xf32, #tpu.memory_space<vmem>> -> memref<128x128xf32, #tpu.memory_space<vmem>>
      %dma_wait3A_1339 = arith.constant 0 : i32
      %dma_wait3A_1340 = arith.constant 0 : i32
      %dma_wait3A_1341 = tpu.memref_slice %arg6[%dma_wait3A_1331, %dma_wait3A_1339, %dma_wait3A_1340] : memref<4x2x128xi32, #tpu.memory_space<vmem>> -> memref<1x2x128xi32, #tpu.memory_space<vmem>>
      %dma_wait3A_1342 = tpu.memref_squeeze %dma_wait3A_1341 : memref<1x2x128xi32, #tpu.memory_space<vmem>> -> memref<2x128xi32, #tpu.memory_space<vmem>>
      %dma_wait3A_1343 = arith.constant 0 : i32
      %dma_wait3A_1344 = tpu.memref_slice %dma_wait3A_1342[%dma_wait3A_1332, %dma_wait3A_1343] : memref<2x128xi32, #tpu.memory_space<vmem>> -> memref<1x128xi32, #tpu.memory_space<vmem>>
      %dma_wait3A_1345 = tpu.memref_squeeze %dma_wait3A_1344 : memref<1x128xi32, #tpu.memory_space<vmem>> -> memref<128xi32, #tpu.memory_space<vmem>>
      %dma_wait3A_1346 = arith.constant 0 : i32
      %dma_wait3A_1347 = arith.constant 0 : i32
      %dma_wait3A_1348 = tpu.memref_slice %arg2[%dma_wait3A_1346, %dma_wait3A_1347] : memref<10000x128xf32, #tpu.memory_space<hbm>> -> memref<10000x128xf32, #tpu.memory_space<hbm>>
      %dma_wait3A_1349 = tpu.memref_slice %arg10[%dma_wait3A_1334] : memref<2x!tpu.dma_semaphore, #tpu.memory_space<semaphore_mem>> -> memref<1x!tpu.dma_semaphore, #tpu.memory_space<semaphore_mem>>
      %dma_wait3A_1350 = tpu.memref_squeeze %dma_wait3A_1349 : memref<1x!tpu.dma_semaphore, #tpu.memory_space<semaphore_mem>> -> memref<!tpu.dma_semaphore, #tpu.memory_space<semaphore_mem>>
      tpu.wait_indirect_dma semaphore(%dma_wait3A_1350 : memref<!tpu.dma_semaphore, #tpu.memory_space<semaphore_mem>>) src(%dma_wait3A_1348 : memref<10000x128xf32, #tpu.memory_space<hbm>>) dst(%dma_wait3A_1338 : memref<128x128xf32, #tpu.memory_space<vmem>>)
      %dma_start3A_1351 = arith.constant 1 : i32
      %dma_start3A_1352 = arith.constant 1 : i32
      %dma_start3A_1353 = arith.constant 1 : i32
      %dma_start3A_1354 = arith.constant 0 : i32
      %dma_start3A_1355 = arith.constant 0 : i32
      %dma_start3A_1356 = tpu.memref_slice %arg7[%dma_start3A_1351, %dma_start3A_1354, %dma_start3A_1355] : memref<2x128x128xf32, #tpu.memory_space<vmem>> -> memref<1x128x128xf32, #tpu.memory_space<vmem>>
      %dma_start3A_1357 = tpu.memref_squeeze %dma_start3A_1356 : memref<1x128x128xf32, #tpu.memory_space<vmem>> -> memref<128x128xf32, #tpu.memory_space<vmem>>
      %dma_start3A_1358 = arith.constant 0 : i32
      %dma_start3A_1359 = arith.constant 0 : i32
      %dma_start3A_1360 = tpu.memref_slice %arg6[%dma_start3A_1352, %dma_start3A_1358, %dma_start3A_1359] : memref<4x2x128xi32, #tpu.memory_space<vmem>> -> memref<1x2x128xi32, #tpu.memory_space<vmem>>
      %dma_start3A_1361 = tpu.memref_squeeze %dma_start3A_1360 : memref<1x2x128xi32, #tpu.memory_space<vmem>> -> memref<2x128xi32, #tpu.memory_space<vmem>>
      %dma_start3A_1362 = arith.constant 0 : i32
      %dma_start3A_1363 = tpu.memref_slice %dma_start3A_1361[%dma_start3A_1353, %dma_start3A_1362] : memref<2x128xi32, #tpu.memory_space<vmem>> -> memref<1x128xi32, #tpu.memory_space<vmem>>
      %dma_start3A_1364 = tpu.memref_squeeze %dma_start3A_1363 : memref<1x128xi32, #tpu.memory_space<vmem>> -> memref<128xi32, #tpu.memory_space<vmem>>
      %dma_start3A_1365 = arith.constant 0 : i32
      %dma_start3A_1366 = arith.constant 0 : i32
      %dma_start3A_1367 = tpu.memref_slice %arg8[%dma_start3A_1365, %dma_start3A_1366] : memref<10240x128xf32, #tpu.memory_space<vmem_shared>> -> memref<10240x128xf32, #tpu.memory_space<vmem_shared>>
      tpu.enqueue_indirect_dma source(%dma_start3A_1357 : memref<128x128xf32, #tpu.memory_space<vmem>>) target(%dma_start3A_1367 : memref<10240x128xf32, #tpu.memory_space<vmem_shared>>) offsets(%dma_start3A_1364 : memref<128xi32, #tpu.memory_space<vmem>>) semaphore(%arg11 : memref<!tpu.dma_semaphore, #tpu.memory_space<semaphore_mem>>) {add = true}
      %dma_wait3A_1368 = arith.constant 1 : i32
      %dma_wait3A_1369 = arith.constant 1 : i32
      %dma_wait3A_1370 = arith.constant 1 : i32
      %dma_wait3A_1371 = arith.constant 0 : i32
      %dma_wait3A_1372 = arith.constant 0 : i32
      %dma_wait3A_1373 = tpu.memref_slice %arg7[%dma_wait3A_1368, %dma_wait3A_1371, %dma_wait3A_1372] : memref<2x128x128xf32, #tpu.memory_space<vmem>> -> memref<1x128x128xf32, #tpu.memory_space<vmem>>
      %dma_wait3A_1374 = tpu.memref_squeeze %dma_wait3A_1373 : memref<1x128x128xf32, #tpu.memory_space<vmem>> -> memref<128x128xf32, #tpu.memory_space<vmem>>
      %dma_wait3A_1375 = arith.constant 0 : i32
      %dma_wait3A_1376 = arith.constant 0 : i32
      %dma_wait3A_1377 = tpu.memref_slice %arg6[%dma_wait3A_1369, %dma_wait3A_1375, %dma_wait3A_1376] : memref<4x2x128xi32, #tpu.memory_space<vmem>> -> memref<1x2x128xi32, #tpu.memory_space<vmem>>
      %dma_wait3A_1378 = tpu.memref_squeeze %dma_wait3A_1377 : memref<1x2x128xi32, #tpu.memory_space<vmem>> -> memref<2x128xi32, #tpu.memory_space<vmem>>
      %dma_wait3A_1379 = arith.constant 0 : i32
      %dma_wait3A_1380 = tpu.memref_slice %dma_wait3A_1378[%dma_wait3A_1370, %dma_wait3A_1379] : memref<2x128xi32, #tpu.memory_space<vmem>> -> memref<1x128xi32, #tpu.memory_space<vmem>>
      %dma_wait3A_1381 = tpu.memref_squeeze %dma_wait3A_1380 : memref<1x128xi32, #tpu.memory_space<vmem>> -> memref<128xi32, #tpu.memory_space<vmem>>
      %dma_wait3A_1382 = arith.constant 0 : i32
      %dma_wait3A_1383 = arith.constant 0 : i32
      %dma_wait3A_1384 = tpu.memref_slice %arg8[%dma_wait3A_1382, %dma_wait3A_1383] : memref<10240x128xf32, #tpu.memory_space<vmem_shared>> -> memref<10240x128xf32, #tpu.memory_space<vmem_shared>>
      tpu.wait_indirect_dma semaphore(%arg11 : memref<!tpu.dma_semaphore, #tpu.memory_space<semaphore_mem>>) src(%dma_wait3A_1374 : memref<128x128xf32, #tpu.memory_space<vmem>>) dst(%dma_wait3A_1384 : memref<10240x128xf32, #tpu.memory_space<vmem_shared>>)
      %add3A_1385 = arith.constant 2 : i32
      %add3A_1386 = arith.addi %mul3A_1106, %add3A_1385 : i32
      %dma_wait3A_1387 = arith.constant 0 : i32
      %dma_wait3A_1388 = arith.constant 3 : i32
      %dma_wait3A_1389 = arith.constant 3 : i32
      %dma_wait3A_1390 = arith.constant 0 : i32
      %dma_wait3A_1391 = arith.constant 0 : i32
      %dma_wait3A_1392 = tpu.memref_slice %arg6[%dma_wait3A_1388, %dma_wait3A_1390, %dma_wait3A_1391] : memref<4x2x128xi32, #tpu.memory_space<vmem>> -> memref<1x2x128xi32, #tpu.memory_space<vmem>>
      %dma_wait3A_1393 = tpu.memref_squeeze %dma_wait3A_1392 : memref<1x2x128xi32, #tpu.memory_space<vmem>> -> memref<2x128xi32, #tpu.memory_space<vmem>>
      %dma_wait3A_1394 = arith.constant 0 : i32
      %dma_wait3A_1395 = arith.constant 0 : i32
      %dma_wait3A_1396 = arith.constant 0 : i32
      %dma_wait3A_1397 = tpu.memref_slice %arg3[%add3A, %dma_wait3A_1394, %dma_wait3A_1395, %dma_wait3A_1396] : memref<32x80x2x128xi32, #tpu.memory_space<hbm>> -> memref<1x80x2x128xi32, #tpu.memory_space<hbm>>
      %dma_wait3A_1398 = tpu.memref_squeeze %dma_wait3A_1397 : memref<1x80x2x128xi32, #tpu.memory_space<hbm>> -> memref<80x2x128xi32, #tpu.memory_space<hbm>>
      %dma_wait3A_1399 = arith.constant 0 : i32
      %dma_wait3A_1400 = arith.constant 0 : i32
      %dma_wait3A_1401 = tpu.memref_slice %dma_wait3A_1398[%dma_wait3A_1387, %dma_wait3A_1399, %dma_wait3A_1400] : memref<80x2x128xi32, #tpu.memory_space<hbm>> -> memref<1x2x128xi32, #tpu.memory_space<hbm>>
      %dma_wait3A_1402 = tpu.memref_squeeze %dma_wait3A_1401 : memref<1x2x128xi32, #tpu.memory_space<hbm>> -> memref<2x128xi32, #tpu.memory_space<hbm>>
      %dma_wait3A_1403 = tpu.memref_slice %arg9[%dma_wait3A_1389] : memref<4x!tpu.dma_semaphore, #tpu.memory_space<semaphore_mem>> -> memref<1x!tpu.dma_semaphore, #tpu.memory_space<semaphore_mem>>
      %dma_wait3A_1404 = tpu.memref_squeeze %dma_wait3A_1403 : memref<1x!tpu.dma_semaphore, #tpu.memory_space<semaphore_mem>> -> memref<!tpu.dma_semaphore, #tpu.memory_space<semaphore_mem>>
      %dma_wait3A_1405 = arith.constant 0 : i32
      %dma_wait3A_1406 = arith.constant 0 : i32
      %dma_wait3A_1407 = tpu.memref_slice %arg6[%dma_wait3A_1388, %dma_wait3A_1405, %dma_wait3A_1406] : memref<4x2x128xi32, #tpu.memory_space<vmem>> -> memref<1x2x128xi32, #tpu.memory_space<vmem>>
      %dma_wait3A_1408 = tpu.memref_squeeze %dma_wait3A_1407 : memref<1x2x128xi32, #tpu.memory_space<vmem>> -> memref<2x128xi32, #tpu.memory_space<vmem>>
      %dma_wait3A_1409 = arith.constant 0 : i32
      %dma_wait3A_1410 = arith.constant 0 : i32
      %dma_wait3A_1411 = arith.constant 0 : i32
      %dma_wait3A_1412 = tpu.memref_slice %arg3[%add3A, %dma_wait3A_1409, %dma_wait3A_1410, %dma_wait3A_1411] : memref<32x80x2x128xi32, #tpu.memory_space<hbm>> -> memref<1x80x2x128xi32, #tpu.memory_space<hbm>>
      %dma_wait3A_1413 = tpu.memref_squeeze %dma_wait3A_1412 : memref<1x80x2x128xi32, #tpu.memory_space<hbm>> -> memref<80x2x128xi32, #tpu.memory_space<hbm>>
      %dma_wait3A_1414 = arith.constant 0 : i32
      %dma_wait3A_1415 = arith.constant 0 : i32
      %dma_wait3A_1416 = tpu.memref_slice %dma_wait3A_1413[%dma_wait3A_1387, %dma_wait3A_1414, %dma_wait3A_1415] : memref<80x2x128xi32, #tpu.memory_space<hbm>> -> memref<1x2x128xi32, #tpu.memory_space<hbm>>
      %dma_wait3A_1417 = tpu.memref_squeeze %dma_wait3A_1416 : memref<1x2x128xi32, #tpu.memory_space<hbm>> -> memref<2x128xi32, #tpu.memory_space<hbm>>
      tpu.wait_dma2 semaphore(%dma_wait3A_1404 : memref<!tpu.dma_semaphore, #tpu.memory_space<semaphore_mem>>) src(%dma_wait3A_1417 : memref<2x128xi32, #tpu.memory_space<hbm>>) dst(%dma_wait3A_1408 : memref<2x128xi32, #tpu.memory_space<vmem>>)
      %dma_start3A_1418 = arith.constant 3 : i32
      %dma_start3A_1419 = arith.constant 0 : i32
      %dma_start3A_1420 = arith.constant 1 : i32
      %dma_start3A_1421 = arith.constant 1 : i32
      %dma_start3A_1422 = arith.constant 0 : i32
      %dma_start3A_1423 = arith.constant 0 : i32
      %dma_start3A_1424 = tpu.memref_slice %arg7[%dma_start3A_1420, %dma_start3A_1422, %dma_start3A_1423] : memref<2x128x128xf32, #tpu.memory_space<vmem>> -> memref<1x128x128xf32, #tpu.memory_space<vmem>>
      %dma_start3A_1425 = tpu.memref_squeeze %dma_start3A_1424 : memref<1x128x128xf32, #tpu.memory_space<vmem>> -> memref<128x128xf32, #tpu.memory_space<vmem>>
      %dma_start3A_1426 = arith.constant 0 : i32
      %dma_start3A_1427 = arith.constant 0 : i32
      %dma_start3A_1428 = tpu.memref_slice %arg6[%dma_start3A_1418, %dma_start3A_1426, %dma_start3A_1427] : memref<4x2x128xi32, #tpu.memory_space<vmem>> -> memref<1x2x128xi32, #tpu.memory_space<vmem>>
      %dma_start3A_1429 = tpu.memref_squeeze %dma_start3A_1428 : memref<1x2x128xi32, #tpu.memory_space<vmem>> -> memref<2x128xi32, #tpu.memory_space<vmem>>
      %dma_start3A_1430 = arith.constant 0 : i32
      %dma_start3A_1431 = tpu.memref_slice %dma_start3A_1429[%dma_start3A_1419, %dma_start3A_1430] : memref<2x128xi32, #tpu.memory_space<vmem>> -> memref<1x128xi32, #tpu.memory_space<vmem>>
      %dma_start3A_1432 = tpu.memref_squeeze %dma_start3A_1431 : memref<1x128xi32, #tpu.memory_space<vmem>> -> memref<128xi32, #tpu.memory_space<vmem>>
      %dma_start3A_1433 = arith.constant 0 : i32
      %dma_start3A_1434 = arith.constant 0 : i32
      %dma_start3A_1435 = tpu.memref_slice %arg2[%dma_start3A_1433, %dma_start3A_1434] : memref<10000x128xf32, #tpu.memory_space<hbm>> -> memref<10000x128xf32, #tpu.memory_space<hbm>>
      %dma_start3A_1436 = tpu.memref_slice %arg10[%dma_start3A_1421] : memref<2x!tpu.dma_semaphore, #tpu.memory_space<semaphore_mem>> -> memref<1x!tpu.dma_semaphore, #tpu.memory_space<semaphore_mem>>
      %dma_start3A_1437 = tpu.memref_squeeze %dma_start3A_1436 : memref<1x!tpu.dma_semaphore, #tpu.memory_space<semaphore_mem>> -> memref<!tpu.dma_semaphore, #tpu.memory_space<semaphore_mem>>
      tpu.enqueue_indirect_dma source(%dma_start3A_1435 : memref<10000x128xf32, #tpu.memory_space<hbm>>) target(%dma_start3A_1425 : memref<128x128xf32, #tpu.memory_space<vmem>>) offsets(%dma_start3A_1432 : memref<128xi32, #tpu.memory_space<vmem>>) semaphore(%dma_start3A_1437 : memref<!tpu.dma_semaphore, #tpu.memory_space<semaphore_mem>>)
      %add3A_1438 = arith.constant 3 : i32
      %add3A_1439 = arith.addi %add3A_1386, %add3A_1438 : i32
      %dma_start3A_1440 = arith.constant 1 : i32
      %dma_start3A_1441 = arith.constant 1 : i32
      %dma_start3A_1442 = arith.constant 0 : i32
      %dma_start3A_1443 = arith.constant 0 : i32
      %dma_start3A_1444 = tpu.memref_slice %arg6[%dma_start3A_1440, %dma_start3A_1442, %dma_start3A_1443] : memref<4x2x128xi32, #tpu.memory_space<vmem>> -> memref<1x2x128xi32, #tpu.memory_space<vmem>>
      %dma_start3A_1445 = tpu.memref_squeeze %dma_start3A_1444 : memref<1x2x128xi32, #tpu.memory_space<vmem>> -> memref<2x128xi32, #tpu.memory_space<vmem>>
      %dma_start3A_1446 = arith.constant 0 : i32
      %dma_start3A_1447 = arith.constant 0 : i32
      %dma_start3A_1448 = arith.constant 0 : i32
      %dma_start3A_1449 = tpu.memref_slice %arg3[%add3A, %dma_start3A_1446, %dma_start3A_1447, %dma_start3A_1448] : memref<32x80x2x128xi32, #tpu.memory_space<hbm>> -> memref<1x80x2x128xi32, #tpu.memory_space<hbm>>
      %dma_start3A_1450 = tpu.memref_squeeze %dma_start3A_1449 : memref<1x80x2x128xi32, #tpu.memory_space<hbm>> -> memref<80x2x128xi32, #tpu.memory_space<hbm>>
      %dma_start3A_1451 = arith.constant 0 : i32
      %dma_start3A_1452 = arith.constant 0 : i32
      %dma_start3A_1453 = tpu.memref_slice %dma_start3A_1450[%add3A_1439, %dma_start3A_1451, %dma_start3A_1452] : memref<80x2x128xi32, #tpu.memory_space<hbm>> -> memref<1x2x128xi32, #tpu.memory_space<hbm>>
      %dma_start3A_1454 = tpu.memref_squeeze %dma_start3A_1453 : memref<1x2x128xi32, #tpu.memory_space<hbm>> -> memref<2x128xi32, #tpu.memory_space<hbm>>
      %dma_start3A_1455 = tpu.memref_slice %arg9[%dma_start3A_1441] : memref<4x!tpu.dma_semaphore, #tpu.memory_space<semaphore_mem>> -> memref<1x!tpu.dma_semaphore, #tpu.memory_space<semaphore_mem>>
      %dma_start3A_1456 = tpu.memref_squeeze %dma_start3A_1455 : memref<1x!tpu.dma_semaphore, #tpu.memory_space<semaphore_mem>> -> memref<!tpu.dma_semaphore, #tpu.memory_space<semaphore_mem>>
      %dma_start3A_1457 = arith.constant 0 : i32
      %dma_start3A_1458 = arith.constant 0 : i32
      %dma_start3A_1459 = tpu.memref_slice %arg6[%dma_start3A_1440, %dma_start3A_1457, %dma_start3A_1458] : memref<4x2x128xi32, #tpu.memory_space<vmem>> -> memref<1x2x128xi32, #tpu.memory_space<vmem>>
      %dma_start3A_1460 = tpu.memref_squeeze %dma_start3A_1459 : memref<1x2x128xi32, #tpu.memory_space<vmem>> -> memref<2x128xi32, #tpu.memory_space<vmem>>
      %dma_start3A_1461 = arith.constant 0 : i32
      %dma_start3A_1462 = arith.constant 0 : i32
      %dma_start3A_1463 = arith.constant 0 : i32
      %dma_start3A_1464 = tpu.memref_slice %arg3[%add3A, %dma_start3A_1461, %dma_start3A_1462, %dma_start3A_1463] : memref<32x80x2x128xi32, #tpu.memory_space<hbm>> -> memref<1x80x2x128xi32, #tpu.memory_space<hbm>>
      %dma_start3A_1465 = tpu.memref_squeeze %dma_start3A_1464 : memref<1x80x2x128xi32, #tpu.memory_space<hbm>> -> memref<80x2x128xi32, #tpu.memory_space<hbm>>
      %dma_start3A_1466 = arith.constant 0 : i32
      %dma_start3A_1467 = arith.constant 0 : i32
      %dma_start3A_1468 = tpu.memref_slice %dma_start3A_1465[%add3A_1439, %dma_start3A_1466, %dma_start3A_1467] : memref<80x2x128xi32, #tpu.memory_space<hbm>> -> memref<1x2x128xi32, #tpu.memory_space<hbm>>
      %dma_start3A_1469 = tpu.memref_squeeze %dma_start3A_1468 : memref<1x2x128xi32, #tpu.memory_space<hbm>> -> memref<2x128xi32, #tpu.memory_space<hbm>>
      tpu.enqueue_dma source(%dma_start3A_1469 : memref<2x128xi32, #tpu.memory_space<hbm>>) target(%dma_start3A_1460 : memref<2x128xi32, #tpu.memory_space<vmem>>) target_semaphore(%dma_start3A_1456 : memref<!tpu.dma_semaphore, #tpu.memory_space<semaphore_mem>>)
      %dma_wait3A_1470 = arith.constant 0 : i32
      %dma_wait3A_1471 = arith.constant 0 : i32
      %dma_wait3A_1472 = arith.constant 0 : i32
      %dma_wait3A_1473 = arith.constant 0 : i32
      %dma_wait3A_1474 = arith.constant 0 : i32
      %dma_wait3A_1475 = arith.constant 0 : i32
      %dma_wait3A_1476 = tpu.memref_slice %arg7[%dma_wait3A_1472, %dma_wait3A_1474, %dma_wait3A_1475] : memref<2x128x128xf32, #tpu.memory_space<vmem>> -> memref<1x128x128xf32, #tpu.memory_space<vmem>>
      %dma_wait3A_1477 = tpu.memref_squeeze %dma_wait3A_1476 : memref<1x128x128xf32, #tpu.memory_space<vmem>> -> memref<128x128xf32, #tpu.memory_space<vmem>>
      %dma_wait3A_1478 = arith.constant 0 : i32
      %dma_wait3A_1479 = arith.constant 0 : i32
      %dma_wait3A_1480 = tpu.memref_slice %arg6[%dma_wait3A_1470, %dma_wait3A_1478, %dma_wait3A_1479] : memref<4x2x128xi32, #tpu.memory_space<vmem>> -> memref<1x2x128xi32, #tpu.memory_space<vmem>>
      %dma_wait3A_1481 = tpu.memref_squeeze %dma_wait3A_1480 : memref<1x2x128xi32, #tpu.memory_space<vmem>> -> memref<2x128xi32, #tpu.memory_space<vmem>>
      %dma_wait3A_1482 = arith.constant 0 : i32
      %dma_wait3A_1483 = tpu.memref_slice %dma_wait3A_1481[%dma_wait3A_1471, %dma_wait3A_1482] : memref<2x128xi32, #tpu.memory_space<vmem>> -> memref<1x128xi32, #tpu.memory_space<vmem>>
      %dma_wait3A_1484 = tpu.memref_squeeze %dma_wait3A_1483 : memref<1x128xi32, #tpu.memory_space<vmem>> -> memref<128xi32, #tpu.memory_space<vmem>>
      %dma_wait3A_1485 = arith.constant 0 : i32
      %dma_wait3A_1486 = arith.constant 0 : i32
      %dma_wait3A_1487 = tpu.memref_slice %arg2[%dma_wait3A_1485, %dma_wait3A_1486] : memref<10000x128xf32, #tpu.memory_space<hbm>> -> memref<10000x128xf32, #tpu.memory_space<hbm>>
      %dma_wait3A_1488 = tpu.memref_slice %arg10[%dma_wait3A_1473] : memref<2x!tpu.dma_semaphore, #tpu.memory_space<semaphore_mem>> -> memref<1x!tpu.dma_semaphore, #tpu.memory_space<semaphore_mem>>
      %dma_wait3A_1489 = tpu.memref_squeeze %dma_wait3A_1488 : memref<1x!tpu.dma_semaphore, #tpu.memory_space<semaphore_mem>> -> memref<!tpu.dma_semaphore, #tpu.memory_space<semaphore_mem>>
      tpu.wait_indirect_dma semaphore(%dma_wait3A_1489 : memref<!tpu.dma_semaphore, #tpu.memory_space<semaphore_mem>>) src(%dma_wait3A_1487 : memref<10000x128xf32, #tpu.memory_space<hbm>>) dst(%dma_wait3A_1477 : memref<128x128xf32, #tpu.memory_space<vmem>>)
      %dma_start3A_1490 = arith.constant 0 : i32
      %dma_start3A_1491 = arith.constant 2 : i32
      %dma_start3A_1492 = arith.constant 1 : i32
      %dma_start3A_1493 = arith.constant 0 : i32
      %dma_start3A_1494 = arith.constant 0 : i32
      %dma_start3A_1495 = tpu.memref_slice %arg7[%dma_start3A_1490, %dma_start3A_1493, %dma_start3A_1494] : memref<2x128x128xf32, #tpu.memory_space<vmem>> -> memref<1x128x128xf32, #tpu.memory_space<vmem>>
      %dma_start3A_1496 = tpu.memref_squeeze %dma_start3A_1495 : memref<1x128x128xf32, #tpu.memory_space<vmem>> -> memref<128x128xf32, #tpu.memory_space<vmem>>
      %dma_start3A_1497 = arith.constant 0 : i32
      %dma_start3A_1498 = arith.constant 0 : i32
      %dma_start3A_1499 = tpu.memref_slice %arg6[%dma_start3A_1491, %dma_start3A_1497, %dma_start3A_1498] : memref<4x2x128xi32, #tpu.memory_space<vmem>> -> memref<1x2x128xi32, #tpu.memory_space<vmem>>
      %dma_start3A_1500 = tpu.memref_squeeze %dma_start3A_1499 : memref<1x2x128xi32, #tpu.memory_space<vmem>> -> memref<2x128xi32, #tpu.memory_space<vmem>>
      %dma_start3A_1501 = arith.constant 0 : i32
      %dma_start3A_1502 = tpu.memref_slice %dma_start3A_1500[%dma_start3A_1492, %dma_start3A_1501] : memref<2x128xi32, #tpu.memory_space<vmem>> -> memref<1x128xi32, #tpu.memory_space<vmem>>
      %dma_start3A_1503 = tpu.memref_squeeze %dma_start3A_1502 : memref<1x128xi32, #tpu.memory_space<vmem>> -> memref<128xi32, #tpu.memory_space<vmem>>
      %dma_start3A_1504 = arith.constant 0 : i32
      %dma_start3A_1505 = arith.constant 0 : i32
      %dma_start3A_1506 = tpu.memref_slice %arg8[%dma_start3A_1504, %dma_start3A_1505] : memref<10240x128xf32, #tpu.memory_space<vmem_shared>> -> memref<10240x128xf32, #tpu.memory_space<vmem_shared>>
      tpu.enqueue_indirect_dma source(%dma_start3A_1496 : memref<128x128xf32, #tpu.memory_space<vmem>>) target(%dma_start3A_1506 : memref<10240x128xf32, #tpu.memory_space<vmem_shared>>) offsets(%dma_start3A_1503 : memref<128xi32, #tpu.memory_space<vmem>>) semaphore(%arg11 : memref<!tpu.dma_semaphore, #tpu.memory_space<semaphore_mem>>) {add = true}
      %dma_wait3A_1507 = arith.constant 0 : i32
      %dma_wait3A_1508 = arith.constant 2 : i32
      %dma_wait3A_1509 = arith.constant 1 : i32
      %dma_wait3A_1510 = arith.constant 0 : i32
      %dma_wait3A_1511 = arith.constant 0 : i32
      %dma_wait3A_1512 = tpu.memref_slice %arg7[%dma_wait3A_1507, %dma_wait3A_1510, %dma_wait3A_1511] : memref<2x128x128xf32, #tpu.memory_space<vmem>> -> memref<1x128x128xf32, #tpu.memory_space<vmem>>
      %dma_wait3A_1513 = tpu.memref_squeeze %dma_wait3A_1512 : memref<1x128x128xf32, #tpu.memory_space<vmem>> -> memref<128x128xf32, #tpu.memory_space<vmem>>
      %dma_wait3A_1514 = arith.constant 0 : i32
      %dma_wait3A_1515 = arith.constant 0 : i32
      %dma_wait3A_1516 = tpu.memref_slice %arg6[%dma_wait3A_1508, %dma_wait3A_1514, %dma_wait3A_1515] : memref<4x2x128xi32, #tpu.memory_space<vmem>> -> memref<1x2x128xi32, #tpu.memory_space<vmem>>
      %dma_wait3A_1517 = tpu.memref_squeeze %dma_wait3A_1516 : memref<1x2x128xi32, #tpu.memory_space<vmem>> -> memref<2x128xi32, #tpu.memory_space<vmem>>
      %dma_wait3A_1518 = arith.constant 0 : i32
      %dma_wait3A_1519 = tpu.memref_slice %dma_wait3A_1517[%dma_wait3A_1509, %dma_wait3A_1518] : memref<2x128xi32, #tpu.memory_space<vmem>> -> memref<1x128xi32, #tpu.memory_space<vmem>>
      %dma_wait3A_1520 = tpu.memref_squeeze %dma_wait3A_1519 : memref<1x128xi32, #tpu.memory_space<vmem>> -> memref<128xi32, #tpu.memory_space<vmem>>
      %dma_wait3A_1521 = arith.constant 0 : i32
      %dma_wait3A_1522 = arith.constant 0 : i32
      %dma_wait3A_1523 = tpu.memref_slice %arg8[%dma_wait3A_1521, %dma_wait3A_1522] : memref<10240x128xf32, #tpu.memory_space<vmem_shared>> -> memref<10240x128xf32, #tpu.memory_space<vmem_shared>>
      tpu.wait_indirect_dma semaphore(%arg11 : memref<!tpu.dma_semaphore, #tpu.memory_space<semaphore_mem>>) src(%dma_wait3A_1513 : memref<128x128xf32, #tpu.memory_space<vmem>>) dst(%dma_wait3A_1523 : memref<10240x128xf32, #tpu.memory_space<vmem_shared>>)
      %add3A_1524 = arith.constant 3 : i32
      %add3A_1525 = arith.addi %mul3A_1106, %add3A_1524 : i32
      %dma_wait3A_1526 = arith.constant 0 : i32
      %dma_wait3A_1527 = arith.constant 0 : i32
      %dma_wait3A_1528 = arith.constant 0 : i32
      %dma_wait3A_1529 = arith.constant 0 : i32
      %dma_wait3A_1530 = arith.constant 0 : i32
      %dma_wait3A_1531 = tpu.memref_slice %arg6[%dma_wait3A_1527, %dma_wait3A_1529, %dma_wait3A_1530] : memref<4x2x128xi32, #tpu.memory_space<vmem>> -> memref<1x2x128xi32, #tpu.memory_space<vmem>>
      %dma_wait3A_1532 = tpu.memref_squeeze %dma_wait3A_1531 : memref<1x2x128xi32, #tpu.memory_space<vmem>> -> memref<2x128xi32, #tpu.memory_space<vmem>>
      %dma_wait3A_1533 = arith.constant 0 : i32
      %dma_wait3A_1534 = arith.constant 0 : i32
      %dma_wait3A_1535 = arith.constant 0 : i32
      %dma_wait3A_1536 = tpu.memref_slice %arg3[%add3A, %dma_wait3A_1533, %dma_wait3A_1534, %dma_wait3A_1535] : memref<32x80x2x128xi32, #tpu.memory_space<hbm>> -> memref<1x80x2x128xi32, #tpu.memory_space<hbm>>
      %dma_wait3A_1537 = tpu.memref_squeeze %dma_wait3A_1536 : memref<1x80x2x128xi32, #tpu.memory_space<hbm>> -> memref<80x2x128xi32, #tpu.memory_space<hbm>>
      %dma_wait3A_1538 = arith.constant 0 : i32
      %dma_wait3A_1539 = arith.constant 0 : i32
      %dma_wait3A_1540 = tpu.memref_slice %dma_wait3A_1537[%dma_wait3A_1526, %dma_wait3A_1538, %dma_wait3A_1539] : memref<80x2x128xi32, #tpu.memory_space<hbm>> -> memref<1x2x128xi32, #tpu.memory_space<hbm>>
      %dma_wait3A_1541 = tpu.memref_squeeze %dma_wait3A_1540 : memref<1x2x128xi32, #tpu.memory_space<hbm>> -> memref<2x128xi32, #tpu.memory_space<hbm>>
      %dma_wait3A_1542 = tpu.memref_slice %arg9[%dma_wait3A_1528] : memref<4x!tpu.dma_semaphore, #tpu.memory_space<semaphore_mem>> -> memref<1x!tpu.dma_semaphore, #tpu.memory_space<semaphore_mem>>
      %dma_wait3A_1543 = tpu.memref_squeeze %dma_wait3A_1542 : memref<1x!tpu.dma_semaphore, #tpu.memory_space<semaphore_mem>> -> memref<!tpu.dma_semaphore, #tpu.memory_space<semaphore_mem>>
      %dma_wait3A_1544 = arith.constant 0 : i32
      %dma_wait3A_1545 = arith.constant 0 : i32
      %dma_wait3A_1546 = tpu.memref_slice %arg6[%dma_wait3A_1527, %dma_wait3A_1544, %dma_wait3A_1545] : memref<4x2x128xi32, #tpu.memory_space<vmem>> -> memref<1x2x128xi32, #tpu.memory_space<vmem>>
      %dma_wait3A_1547 = tpu.memref_squeeze %dma_wait3A_1546 : memref<1x2x128xi32, #tpu.memory_space<vmem>> -> memref<2x128xi32, #tpu.memory_space<vmem>>
      %dma_wait3A_1548 = arith.constant 0 : i32
      %dma_wait3A_1549 = arith.constant 0 : i32
      %dma_wait3A_1550 = arith.constant 0 : i32
      %dma_wait3A_1551 = tpu.memref_slice %arg3[%add3A, %dma_wait3A_1548, %dma_wait3A_1549, %dma_wait3A_1550] : memref<32x80x2x128xi32, #tpu.memory_space<hbm>> -> memref<1x80x2x128xi32, #tpu.memory_space<hbm>>
      %dma_wait3A_1552 = tpu.memref_squeeze %dma_wait3A_1551 : memref<1x80x2x128xi32, #tpu.memory_space<hbm>> -> memref<80x2x128xi32, #tpu.memory_space<hbm>>
      %dma_wait3A_1553 = arith.constant 0 : i32
      %dma_wait3A_1554 = arith.constant 0 : i32
      %dma_wait3A_1555 = tpu.memref_slice %dma_wait3A_1552[%dma_wait3A_1526, %dma_wait3A_1553, %dma_wait3A_1554] : memref<80x2x128xi32, #tpu.memory_space<hbm>> -> memref<1x2x128xi32, #tpu.memory_space<hbm>>
      %dma_wait3A_1556 = tpu.memref_squeeze %dma_wait3A_1555 : memref<1x2x128xi32, #tpu.memory_space<hbm>> -> memref<2x128xi32, #tpu.memory_space<hbm>>
      tpu.wait_dma2 semaphore(%dma_wait3A_1543 : memref<!tpu.dma_semaphore, #tpu.memory_space<semaphore_mem>>) src(%dma_wait3A_1556 : memref<2x128xi32, #tpu.memory_space<hbm>>) dst(%dma_wait3A_1547 : memref<2x128xi32, #tpu.memory_space<vmem>>)
      %dma_start3A_1557 = arith.constant 0 : i32
      %dma_start3A_1558 = arith.constant 0 : i32
      %dma_start3A_1559 = arith.constant 0 : i32
      %dma_start3A_1560 = arith.constant 0 : i32
      %dma_start3A_1561 = arith.constant 0 : i32
      %dma_start3A_1562 = arith.constant 0 : i32
      %dma_start3A_1563 = tpu.memref_slice %arg7[%dma_start3A_1559, %dma_start3A_1561, %dma_start3A_1562] : memref<2x128x128xf32, #tpu.memory_space<vmem>> -> memref<1x128x128xf32, #tpu.memory_space<vmem>>
      %dma_start3A_1564 = tpu.memref_squeeze %dma_start3A_1563 : memref<1x128x128xf32, #tpu.memory_space<vmem>> -> memref<128x128xf32, #tpu.memory_space<vmem>>
      %dma_start3A_1565 = arith.constant 0 : i32
      %dma_start3A_1566 = arith.constant 0 : i32
      %dma_start3A_1567 = tpu.memref_slice %arg6[%dma_start3A_1557, %dma_start3A_1565, %dma_start3A_1566] : memref<4x2x128xi32, #tpu.memory_space<vmem>> -> memref<1x2x128xi32, #tpu.memory_space<vmem>>
      %dma_start3A_1568 = tpu.memref_squeeze %dma_start3A_1567 : memref<1x2x128xi32, #tpu.memory_space<vmem>> -> memref<2x128xi32, #tpu.memory_space<vmem>>
      %dma_start3A_1569 = arith.constant 0 : i32
      %dma_start3A_1570 = tpu.memref_slice %dma_start3A_1568[%dma_start3A_1558, %dma_start3A_1569] : memref<2x128xi32, #tpu.memory_space<vmem>> -> memref<1x128xi32, #tpu.memory_space<vmem>>
      %dma_start3A_1571 = tpu.memref_squeeze %dma_start3A_1570 : memref<1x128xi32, #tpu.memory_space<vmem>> -> memref<128xi32, #tpu.memory_space<vmem>>
      %dma_start3A_1572 = arith.constant 0 : i32
      %dma_start3A_1573 = arith.constant 0 : i32
      %dma_start3A_1574 = tpu.memref_slice %arg2[%dma_start3A_1572, %dma_start3A_1573] : memref<10000x128xf32, #tpu.memory_space<hbm>> -> memref<10000x128xf32, #tpu.memory_space<hbm>>
      %dma_start3A_1575 = tpu.memref_slice %arg10[%dma_start3A_1560] : memref<2x!tpu.dma_semaphore, #tpu.memory_space<semaphore_mem>> -> memref<1x!tpu.dma_semaphore, #tpu.memory_space<semaphore_mem>>
      %dma_start3A_1576 = tpu.memref_squeeze %dma_start3A_1575 : memref<1x!tpu.dma_semaphore, #tpu.memory_space<semaphore_mem>> -> memref<!tpu.dma_semaphore, #tpu.memory_space<semaphore_mem>>
      tpu.enqueue_indirect_dma source(%dma_start3A_1574 : memref<10000x128xf32, #tpu.memory_space<hbm>>) target(%dma_start3A_1564 : memref<128x128xf32, #tpu.memory_space<vmem>>) offsets(%dma_start3A_1571 : memref<128xi32, #tpu.memory_space<vmem>>) semaphore(%dma_start3A_1576 : memref<!tpu.dma_semaphore, #tpu.memory_space<semaphore_mem>>)
      %add3A_1577 = arith.constant 3 : i32
      %add3A_1578 = arith.addi %add3A_1525, %add3A_1577 : i32
      %dma_start3A_1579 = arith.constant 2 : i32
      %dma_start3A_1580 = arith.constant 2 : i32
      %dma_start3A_1581 = arith.constant 0 : i32
      %dma_start3A_1582 = arith.constant 0 : i32
      %dma_start3A_1583 = tpu.memref_slice %arg6[%dma_start3A_1579, %dma_start3A_1581, %dma_start3A_1582] : memref<4x2x128xi32, #tpu.memory_space<vmem>> -> memref<1x2x128xi32, #tpu.memory_space<vmem>>
      %dma_start3A_1584 = tpu.memref_squeeze %dma_start3A_1583 : memref<1x2x128xi32, #tpu.memory_space<vmem>> -> memref<2x128xi32, #tpu.memory_space<vmem>>
      %dma_start3A_1585 = arith.constant 0 : i32
      %dma_start3A_1586 = arith.constant 0 : i32
      %dma_start3A_1587 = arith.constant 0 : i32
      %dma_start3A_1588 = tpu.memref_slice %arg3[%add3A, %dma_start3A_1585, %dma_start3A_1586, %dma_start3A_1587] : memref<32x80x2x128xi32, #tpu.memory_space<hbm>> -> memref<1x80x2x128xi32, #tpu.memory_space<hbm>>
      %dma_start3A_1589 = tpu.memref_squeeze %dma_start3A_1588 : memref<1x80x2x128xi32, #tpu.memory_space<hbm>> -> memref<80x2x128xi32, #tpu.memory_space<hbm>>
      %dma_start3A_1590 = arith.constant 0 : i32
      %dma_start3A_1591 = arith.constant 0 : i32
      %dma_start3A_1592 = tpu.memref_slice %dma_start3A_1589[%add3A_1578, %dma_start3A_1590, %dma_start3A_1591] : memref<80x2x128xi32, #tpu.memory_space<hbm>> -> memref<1x2x128xi32, #tpu.memory_space<hbm>>
      %dma_start3A_1593 = tpu.memref_squeeze %dma_start3A_1592 : memref<1x2x128xi32, #tpu.memory_space<hbm>> -> memref<2x128xi32, #tpu.memory_space<hbm>>
      %dma_start3A_1594 = tpu.memref_slice %arg9[%dma_start3A_1580] : memref<4x!tpu.dma_semaphore, #tpu.memory_space<semaphore_mem>> -> memref<1x!tpu.dma_semaphore, #tpu.memory_space<semaphore_mem>>
      %dma_start3A_1595 = tpu.memref_squeeze %dma_start3A_1594 : memref<1x!tpu.dma_semaphore, #tpu.memory_space<semaphore_mem>> -> memref<!tpu.dma_semaphore, #tpu.memory_space<semaphore_mem>>
      %dma_start3A_1596 = arith.constant 0 : i32
      %dma_start3A_1597 = arith.constant 0 : i32
      %dma_start3A_1598 = tpu.memref_slice %arg6[%dma_start3A_1579, %dma_start3A_1596, %dma_start3A_1597] : memref<4x2x128xi32, #tpu.memory_space<vmem>> -> memref<1x2x128xi32, #tpu.memory_space<vmem>>
      %dma_start3A_1599 = tpu.memref_squeeze %dma_start3A_1598 : memref<1x2x128xi32, #tpu.memory_space<vmem>> -> memref<2x128xi32, #tpu.memory_space<vmem>>
      %dma_start3A_1600 = arith.constant 0 : i32
      %dma_start3A_1601 = arith.constant 0 : i32
      %dma_start3A_1602 = arith.constant 0 : i32
      %dma_start3A_1603 = tpu.memref_slice %arg3[%add3A, %dma_start3A_1600, %dma_start3A_1601, %dma_start3A_1602] : memref<32x80x2x128xi32, #tpu.memory_space<hbm>> -> memref<1x80x2x128xi32, #tpu.memory_space<hbm>>
      %dma_start3A_1604 = tpu.memref_squeeze %dma_start3A_1603 : memref<1x80x2x128xi32, #tpu.memory_space<hbm>> -> memref<80x2x128xi32, #tpu.memory_space<hbm>>
      %dma_start3A_1605 = arith.constant 0 : i32
      %dma_start3A_1606 = arith.constant 0 : i32
      %dma_start3A_1607 = tpu.memref_slice %dma_start3A_1604[%add3A_1578, %dma_start3A_1605, %dma_start3A_1606] : memref<80x2x128xi32, #tpu.memory_space<hbm>> -> memref<1x2x128xi32, #tpu.memory_space<hbm>>
      %dma_start3A_1608 = tpu.memref_squeeze %dma_start3A_1607 : memref<1x2x128xi32, #tpu.memory_space<hbm>> -> memref<2x128xi32, #tpu.memory_space<hbm>>
      tpu.enqueue_dma source(%dma_start3A_1608 : memref<2x128xi32, #tpu.memory_space<hbm>>) target(%dma_start3A_1599 : memref<2x128xi32, #tpu.memory_space<vmem>>) target_semaphore(%dma_start3A_1595 : memref<!tpu.dma_semaphore, #tpu.memory_space<semaphore_mem>>)
      %dma_wait3A_1609 = arith.constant 0 : i32
      %dma_wait3A_1610 = arith.constant 0 : i32
      %dma_wait3A_1611 = arith.constant 1 : i32
      %dma_wait3A_1612 = arith.constant 1 : i32
      %dma_wait3A_1613 = arith.constant 0 : i32
      %dma_wait3A_1614 = arith.constant 0 : i32
      %dma_wait3A_1615 = tpu.memref_slice %arg7[%dma_wait3A_1611, %dma_wait3A_1613, %dma_wait3A_1614] : memref<2x128x128xf32, #tpu.memory_space<vmem>> -> memref<1x128x128xf32, #tpu.memory_space<vmem>>
      %dma_wait3A_1616 = tpu.memref_squeeze %dma_wait3A_1615 : memref<1x128x128xf32, #tpu.memory_space<vmem>> -> memref<128x128xf32, #tpu.memory_space<vmem>>
      %dma_wait3A_1617 = arith.constant 0 : i32
      %dma_wait3A_1618 = arith.constant 0 : i32
      %dma_wait3A_1619 = tpu.memref_slice %arg6[%dma_wait3A_1609, %dma_wait3A_1617, %dma_wait3A_1618] : memref<4x2x128xi32, #tpu.memory_space<vmem>> -> memref<1x2x128xi32, #tpu.memory_space<vmem>>
      %dma_wait3A_1620 = tpu.memref_squeeze %dma_wait3A_1619 : memref<1x2x128xi32, #tpu.memory_space<vmem>> -> memref<2x128xi32, #tpu.memory_space<vmem>>
      %dma_wait3A_1621 = arith.constant 0 : i32
      %dma_wait3A_1622 = tpu.memref_slice %dma_wait3A_1620[%dma_wait3A_1610, %dma_wait3A_1621] : memref<2x128xi32, #tpu.memory_space<vmem>> -> memref<1x128xi32, #tpu.memory_space<vmem>>
      %dma_wait3A_1623 = tpu.memref_squeeze %dma_wait3A_1622 : memref<1x128xi32, #tpu.memory_space<vmem>> -> memref<128xi32, #tpu.memory_space<vmem>>
      %dma_wait3A_1624 = arith.constant 0 : i32
      %dma_wait3A_1625 = arith.constant 0 : i32
      %dma_wait3A_1626 = tpu.memref_slice %arg2[%dma_wait3A_1624, %dma_wait3A_1625] : memref<10000x128xf32, #tpu.memory_space<hbm>> -> memref<10000x128xf32, #tpu.memory_space<hbm>>
      %dma_wait3A_1627 = tpu.memref_slice %arg10[%dma_wait3A_1612] : memref<2x!tpu.dma_semaphore, #tpu.memory_space<semaphore_mem>> -> memref<1x!tpu.dma_semaphore, #tpu.memory_space<semaphore_mem>>
      %dma_wait3A_1628 = tpu.memref_squeeze %dma_wait3A_1627 : memref<1x!tpu.dma_semaphore, #tpu.memory_space<semaphore_mem>> -> memref<!tpu.dma_semaphore, #tpu.memory_space<semaphore_mem>>
      tpu.wait_indirect_dma semaphore(%dma_wait3A_1628 : memref<!tpu.dma_semaphore, #tpu.memory_space<semaphore_mem>>) src(%dma_wait3A_1626 : memref<10000x128xf32, #tpu.memory_space<hbm>>) dst(%dma_wait3A_1616 : memref<128x128xf32, #tpu.memory_space<vmem>>)
      %dma_start3A_1629 = arith.constant 1 : i32
      %dma_start3A_1630 = arith.constant 3 : i32
      %dma_start3A_1631 = arith.constant 1 : i32
      %dma_start3A_1632 = arith.constant 0 : i32
      %dma_start3A_1633 = arith.constant 0 : i32
      %dma_start3A_1634 = tpu.memref_slice %arg7[%dma_start3A_1629, %dma_start3A_1632, %dma_start3A_1633] : memref<2x128x128xf32, #tpu.memory_space<vmem>> -> memref<1x128x128xf32, #tpu.memory_space<vmem>>
      %dma_start3A_1635 = tpu.memref_squeeze %dma_start3A_1634 : memref<1x128x128xf32, #tpu.memory_space<vmem>> -> memref<128x128xf32, #tpu.memory_space<vmem>>
      %dma_start3A_1636 = arith.constant 0 : i32
      %dma_start3A_1637 = arith.constant 0 : i32
      %dma_start3A_1638 = tpu.memref_slice %arg6[%dma_start3A_1630, %dma_start3A_1636, %dma_start3A_1637] : memref<4x2x128xi32, #tpu.memory_space<vmem>> -> memref<1x2x128xi32, #tpu.memory_space<vmem>>
      %dma_start3A_1639 = tpu.memref_squeeze %dma_start3A_1638 : memref<1x2x128xi32, #tpu.memory_space<vmem>> -> memref<2x128xi32, #tpu.memory_space<vmem>>
      %dma_start3A_1640 = arith.constant 0 : i32
      %dma_start3A_1641 = tpu.memref_slice %dma_start3A_1639[%dma_start3A_1631, %dma_start3A_1640] : memref<2x128xi32, #tpu.memory_space<vmem>> -> memref<1x128xi32, #tpu.memory_space<vmem>>
      %dma_start3A_1642 = tpu.memref_squeeze %dma_start3A_1641 : memref<1x128xi32, #tpu.memory_space<vmem>> -> memref<128xi32, #tpu.memory_space<vmem>>
      %dma_start3A_1643 = arith.constant 0 : i32
      %dma_start3A_1644 = arith.constant 0 : i32
      %dma_start3A_1645 = tpu.memref_slice %arg8[%dma_start3A_1643, %dma_start3A_1644] : memref<10240x128xf32, #tpu.memory_space<vmem_shared>> -> memref<10240x128xf32, #tpu.memory_space<vmem_shared>>
      tpu.enqueue_indirect_dma source(%dma_start3A_1635 : memref<128x128xf32, #tpu.memory_space<vmem>>) target(%dma_start3A_1645 : memref<10240x128xf32, #tpu.memory_space<vmem_shared>>) offsets(%dma_start3A_1642 : memref<128xi32, #tpu.memory_space<vmem>>) semaphore(%arg11 : memref<!tpu.dma_semaphore, #tpu.memory_space<semaphore_mem>>) {add = true}
      %dma_wait3A_1646 = arith.constant 1 : i32
      %dma_wait3A_1647 = arith.constant 3 : i32
      %dma_wait3A_1648 = arith.constant 1 : i32
      %dma_wait3A_1649 = arith.constant 0 : i32
      %dma_wait3A_1650 = arith.constant 0 : i32
      %dma_wait3A_1651 = tpu.memref_slice %arg7[%dma_wait3A_1646, %dma_wait3A_1649, %dma_wait3A_1650] : memref<2x128x128xf32, #tpu.memory_space<vmem>> -> memref<1x128x128xf32, #tpu.memory_space<vmem>>
      %dma_wait3A_1652 = tpu.memref_squeeze %dma_wait3A_1651 : memref<1x128x128xf32, #tpu.memory_space<vmem>> -> memref<128x128xf32, #tpu.memory_space<vmem>>
      %dma_wait3A_1653 = arith.constant 0 : i32
      %dma_wait3A_1654 = arith.constant 0 : i32
      %dma_wait3A_1655 = tpu.memref_slice %arg6[%dma_wait3A_1647, %dma_wait3A_1653, %dma_wait3A_1654] : memref<4x2x128xi32, #tpu.memory_space<vmem>> -> memref<1x2x128xi32, #tpu.memory_space<vmem>>
      %dma_wait3A_1656 = tpu.memref_squeeze %dma_wait3A_1655 : memref<1x2x128xi32, #tpu.memory_space<vmem>> -> memref<2x128xi32, #tpu.memory_space<vmem>>
      %dma_wait3A_1657 = arith.constant 0 : i32
      %dma_wait3A_1658 = tpu.memref_slice %dma_wait3A_1656[%dma_wait3A_1648, %dma_wait3A_1657] : memref<2x128xi32, #tpu.memory_space<vmem>> -> memref<1x128xi32, #tpu.memory_space<vmem>>
      %dma_wait3A_1659 = tpu.memref_squeeze %dma_wait3A_1658 : memref<1x128xi32, #tpu.memory_space<vmem>> -> memref<128xi32, #tpu.memory_space<vmem>>
      %dma_wait3A_1660 = arith.constant 0 : i32
      %dma_wait3A_1661 = arith.constant 0 : i32
      %dma_wait3A_1662 = tpu.memref_slice %arg8[%dma_wait3A_1660, %dma_wait3A_1661] : memref<10240x128xf32, #tpu.memory_space<vmem_shared>> -> memref<10240x128xf32, #tpu.memory_space<vmem_shared>>
      tpu.wait_indirect_dma semaphore(%arg11 : memref<!tpu.dma_semaphore, #tpu.memory_space<semaphore_mem>>) src(%dma_wait3A_1652 : memref<128x128xf32, #tpu.memory_space<vmem>>) dst(%dma_wait3A_1662 : memref<10240x128xf32, #tpu.memory_space<vmem_shared>>)
    }
    %scan3A_694 = arith.constant 18 : i32
    %dma_wait3A_695 = arith.constant 0 : i32
    %dma_wait3A_696 = arith.constant 1 : i32
    %dma_wait3A_697 = arith.constant 1 : i32
    %dma_wait3A_698 = arith.constant 0 : i32
    %dma_wait3A_699 = arith.constant 0 : i32
    %dma_wait3A_700 = tpu.memref_slice %arg6[%dma_wait3A_696, %dma_wait3A_698, %dma_wait3A_699] : memref<4x2x128xi32, #tpu.memory_space<vmem>> -> memref<1x2x128xi32, #tpu.memory_space<vmem>>
    %dma_wait3A_701 = tpu.memref_squeeze %dma_wait3A_700 : memref<1x2x128xi32, #tpu.memory_space<vmem>> -> memref<2x128xi32, #tpu.memory_space<vmem>>
    %dma_wait3A_702 = arith.constant 0 : i32
    %dma_wait3A_703 = arith.constant 0 : i32
    %dma_wait3A_704 = arith.constant 0 : i32
    %dma_wait3A_705 = tpu.memref_slice %arg3[%add3A, %dma_wait3A_702, %dma_wait3A_703, %dma_wait3A_704] : memref<32x80x2x128xi32, #tpu.memory_space<hbm>> -> memref<1x80x2x128xi32, #tpu.memory_space<hbm>>
    %dma_wait3A_706 = tpu.memref_squeeze %dma_wait3A_705 : memref<1x80x2x128xi32, #tpu.memory_space<hbm>> -> memref<80x2x128xi32, #tpu.memory_space<hbm>>
    %dma_wait3A_707 = arith.constant 0 : i32
    %dma_wait3A_708 = arith.constant 0 : i32
    %dma_wait3A_709 = tpu.memref_slice %dma_wait3A_706[%dma_wait3A_695, %dma_wait3A_707, %dma_wait3A_708] : memref<80x2x128xi32, #tpu.memory_space<hbm>> -> memref<1x2x128xi32, #tpu.memory_space<hbm>>
    %dma_wait3A_710 = tpu.memref_squeeze %dma_wait3A_709 : memref<1x2x128xi32, #tpu.memory_space<hbm>> -> memref<2x128xi32, #tpu.memory_space<hbm>>
    %dma_wait3A_711 = tpu.memref_slice %arg9[%dma_wait3A_697] : memref<4x!tpu.dma_semaphore, #tpu.memory_space<semaphore_mem>> -> memref<1x!tpu.dma_semaphore, #tpu.memory_space<semaphore_mem>>
    %dma_wait3A_712 = tpu.memref_squeeze %dma_wait3A_711 : memref<1x!tpu.dma_semaphore, #tpu.memory_space<semaphore_mem>> -> memref<!tpu.dma_semaphore, #tpu.memory_space<semaphore_mem>>
    %dma_wait3A_713 = arith.constant 0 : i32
    %dma_wait3A_714 = arith.constant 0 : i32
    %dma_wait3A_715 = tpu.memref_slice %arg6[%dma_wait3A_696, %dma_wait3A_713, %dma_wait3A_714] : memref<4x2x128xi32, #tpu.memory_space<vmem>> -> memref<1x2x128xi32, #tpu.memory_space<vmem>>
    %dma_wait3A_716 = tpu.memref_squeeze %dma_wait3A_715 : memref<1x2x128xi32, #tpu.memory_space<vmem>> -> memref<2x128xi32, #tpu.memory_space<vmem>>
    %dma_wait3A_717 = arith.constant 0 : i32
    %dma_wait3A_718 = arith.constant 0 : i32
    %dma_wait3A_719 = arith.constant 0 : i32
    %dma_wait3A_720 = tpu.memref_slice %arg3[%add3A, %dma_wait3A_717, %dma_wait3A_718, %dma_wait3A_719] : memref<32x80x2x128xi32, #tpu.memory_space<hbm>> -> memref<1x80x2x128xi32, #tpu.memory_space<hbm>>
    %dma_wait3A_721 = tpu.memref_squeeze %dma_wait3A_720 : memref<1x80x2x128xi32, #tpu.memory_space<hbm>> -> memref<80x2x128xi32, #tpu.memory_space<hbm>>
    %dma_wait3A_722 = arith.constant 0 : i32
    %dma_wait3A_723 = arith.constant 0 : i32
    %dma_wait3A_724 = tpu.memref_slice %dma_wait3A_721[%dma_wait3A_695, %dma_wait3A_722, %dma_wait3A_723] : memref<80x2x128xi32, #tpu.memory_space<hbm>> -> memref<1x2x128xi32, #tpu.memory_space<hbm>>
    %dma_wait3A_725 = tpu.memref_squeeze %dma_wait3A_724 : memref<1x2x128xi32, #tpu.memory_space<hbm>> -> memref<2x128xi32, #tpu.memory_space<hbm>>
    tpu.wait_dma2 semaphore(%dma_wait3A_712 : memref<!tpu.dma_semaphore, #tpu.memory_space<semaphore_mem>>) src(%dma_wait3A_725 : memref<2x128xi32, #tpu.memory_space<hbm>>) dst(%dma_wait3A_716 : memref<2x128xi32, #tpu.memory_space<vmem>>)
    %dma_start3A_726 = arith.constant 1 : i32
    %dma_start3A_727 = arith.constant 0 : i32
    %dma_start3A_728 = arith.constant 1 : i32
    %dma_start3A_729 = arith.constant 1 : i32
    %dma_start3A_730 = arith.constant 0 : i32
    %dma_start3A_731 = arith.constant 0 : i32
    %dma_start3A_732 = tpu.memref_slice %arg7[%dma_start3A_728, %dma_start3A_730, %dma_start3A_731] : memref<2x128x128xf32, #tpu.memory_space<vmem>> -> memref<1x128x128xf32, #tpu.memory_space<vmem>>
    %dma_start3A_733 = tpu.memref_squeeze %dma_start3A_732 : memref<1x128x128xf32, #tpu.memory_space<vmem>> -> memref<128x128xf32, #tpu.memory_space<vmem>>
    %dma_start3A_734 = arith.constant 0 : i32
    %dma_start3A_735 = arith.constant 0 : i32
    %dma_start3A_736 = tpu.memref_slice %arg6[%dma_start3A_726, %dma_start3A_734, %dma_start3A_735] : memref<4x2x128xi32, #tpu.memory_space<vmem>> -> memref<1x2x128xi32, #tpu.memory_space<vmem>>
    %dma_start3A_737 = tpu.memref_squeeze %dma_start3A_736 : memref<1x2x128xi32, #tpu.memory_space<vmem>> -> memref<2x128xi32, #tpu.memory_space<vmem>>
    %dma_start3A_738 = arith.constant 0 : i32
    %dma_start3A_739 = tpu.memref_slice %dma_start3A_737[%dma_start3A_727, %dma_start3A_738] : memref<2x128xi32, #tpu.memory_space<vmem>> -> memref<1x128xi32, #tpu.memory_space<vmem>>
    %dma_start3A_740 = tpu.memref_squeeze %dma_start3A_739 : memref<1x128xi32, #tpu.memory_space<vmem>> -> memref<128xi32, #tpu.memory_space<vmem>>
    %dma_start3A_741 = arith.constant 0 : i32
    %dma_start3A_742 = arith.constant 0 : i32
    %dma_start3A_743 = tpu.memref_slice %arg2[%dma_start3A_741, %dma_start3A_742] : memref<10000x128xf32, #tpu.memory_space<hbm>> -> memref<10000x128xf32, #tpu.memory_space<hbm>>
    %dma_start3A_744 = tpu.memref_slice %arg10[%dma_start3A_729] : memref<2x!tpu.dma_semaphore, #tpu.memory_space<semaphore_mem>> -> memref<1x!tpu.dma_semaphore, #tpu.memory_space<semaphore_mem>>
    %dma_start3A_745 = tpu.memref_squeeze %dma_start3A_744 : memref<1x!tpu.dma_semaphore, #tpu.memory_space<semaphore_mem>> -> memref<!tpu.dma_semaphore, #tpu.memory_space<semaphore_mem>>
    tpu.enqueue_indirect_dma source(%dma_start3A_743 : memref<10000x128xf32, #tpu.memory_space<hbm>>) target(%dma_start3A_733 : memref<128x128xf32, #tpu.memory_space<vmem>>) offsets(%dma_start3A_740 : memref<128xi32, #tpu.memory_space<vmem>>) semaphore(%dma_start3A_745 : memref<!tpu.dma_semaphore, #tpu.memory_space<semaphore_mem>>)
    %dma_start3A_746 = arith.constant 79 : i32
    %dma_start3A_747 = arith.constant 3 : i32
    %dma_start3A_748 = arith.constant 3 : i32
    %dma_start3A_749 = arith.constant 0 : i32
    %dma_start3A_750 = arith.constant 0 : i32
    %dma_start3A_751 = tpu.memref_slice %arg6[%dma_start3A_747, %dma_start3A_749, %dma_start3A_750] : memref<4x2x128xi32, #tpu.memory_space<vmem>> -> memref<1x2x128xi32, #tpu.memory_space<vmem>>
    %dma_start3A_752 = tpu.memref_squeeze %dma_start3A_751 : memref<1x2x128xi32, #tpu.memory_space<vmem>> -> memref<2x128xi32, #tpu.memory_space<vmem>>
    %dma_start3A_753 = arith.constant 0 : i32
    %dma_start3A_754 = arith.constant 0 : i32
    %dma_start3A_755 = arith.constant 0 : i32
    %dma_start3A_756 = tpu.memref_slice %arg3[%add3A, %dma_start3A_753, %dma_start3A_754, %dma_start3A_755] : memref<32x80x2x128xi32, #tpu.memory_space<hbm>> -> memref<1x80x2x128xi32, #tpu.memory_space<hbm>>
    %dma_start3A_757 = tpu.memref_squeeze %dma_start3A_756 : memref<1x80x2x128xi32, #tpu.memory_space<hbm>> -> memref<80x2x128xi32, #tpu.memory_space<hbm>>
    %dma_start3A_758 = arith.constant 0 : i32
    %dma_start3A_759 = arith.constant 0 : i32
    %dma_start3A_760 = tpu.memref_slice %dma_start3A_757[%dma_start3A_746, %dma_start3A_758, %dma_start3A_759] : memref<80x2x128xi32, #tpu.memory_space<hbm>> -> memref<1x2x128xi32, #tpu.memory_space<hbm>>
    %dma_start3A_761 = tpu.memref_squeeze %dma_start3A_760 : memref<1x2x128xi32, #tpu.memory_space<hbm>> -> memref<2x128xi32, #tpu.memory_space<hbm>>
    %dma_start3A_762 = tpu.memref_slice %arg9[%dma_start3A_748] : memref<4x!tpu.dma_semaphore, #tpu.memory_space<semaphore_mem>> -> memref<1x!tpu.dma_semaphore, #tpu.memory_space<semaphore_mem>>
    %dma_start3A_763 = tpu.memref_squeeze %dma_start3A_762 : memref<1x!tpu.dma_semaphore, #tpu.memory_space<semaphore_mem>> -> memref<!tpu.dma_semaphore, #tpu.memory_space<semaphore_mem>>
    %dma_start3A_764 = arith.constant 0 : i32
    %dma_start3A_765 = arith.constant 0 : i32
    %dma_start3A_766 = tpu.memref_slice %arg6[%dma_start3A_747, %dma_start3A_764, %dma_start3A_765] : memref<4x2x128xi32, #tpu.memory_space<vmem>> -> memref<1x2x128xi32, #tpu.memory_space<vmem>>
    %dma_start3A_767 = tpu.memref_squeeze %dma_start3A_766 : memref<1x2x128xi32, #tpu.memory_space<vmem>> -> memref<2x128xi32, #tpu.memory_space<vmem>>
    %dma_start3A_768 = arith.constant 0 : i32
    %dma_start3A_769 = arith.constant 0 : i32
    %dma_start3A_770 = arith.constant 0 : i32
    %dma_start3A_771 = tpu.memref_slice %arg3[%add3A, %dma_start3A_768, %dma_start3A_769, %dma_start3A_770] : memref<32x80x2x128xi32, #tpu.memory_space<hbm>> -> memref<1x80x2x128xi32, #tpu.memory_space<hbm>>
    %dma_start3A_772 = tpu.memref_squeeze %dma_start3A_771 : memref<1x80x2x128xi32, #tpu.memory_space<hbm>> -> memref<80x2x128xi32, #tpu.memory_space<hbm>>
    %dma_start3A_773 = arith.constant 0 : i32
    %dma_start3A_774 = arith.constant 0 : i32
    %dma_start3A_775 = tpu.memref_slice %dma_start3A_772[%dma_start3A_746, %dma_start3A_773, %dma_start3A_774] : memref<80x2x128xi32, #tpu.memory_space<hbm>> -> memref<1x2x128xi32, #tpu.memory_space<hbm>>
    %dma_start3A_776 = tpu.memref_squeeze %dma_start3A_775 : memref<1x2x128xi32, #tpu.memory_space<hbm>> -> memref<2x128xi32, #tpu.memory_space<hbm>>
    tpu.enqueue_dma source(%dma_start3A_776 : memref<2x128xi32, #tpu.memory_space<hbm>>) target(%dma_start3A_767 : memref<2x128xi32, #tpu.memory_space<vmem>>) target_semaphore(%dma_start3A_763 : memref<!tpu.dma_semaphore, #tpu.memory_space<semaphore_mem>>)
    %dma_wait3A_777 = arith.constant 0 : i32
    %dma_wait3A_778 = arith.constant 0 : i32
    %dma_wait3A_779 = arith.constant 0 : i32
    %dma_wait3A_780 = arith.constant 0 : i32
    %dma_wait3A_781 = arith.constant 0 : i32
    %dma_wait3A_782 = arith.constant 0 : i32
    %dma_wait3A_783 = tpu.memref_slice %arg7[%dma_wait3A_779, %dma_wait3A_781, %dma_wait3A_782] : memref<2x128x128xf32, #tpu.memory_space<vmem>> -> memref<1x128x128xf32, #tpu.memory_space<vmem>>
    %dma_wait3A_784 = tpu.memref_squeeze %dma_wait3A_783 : memref<1x128x128xf32, #tpu.memory_space<vmem>> -> memref<128x128xf32, #tpu.memory_space<vmem>>
    %dma_wait3A_785 = arith.constant 0 : i32
    %dma_wait3A_786 = arith.constant 0 : i32
    %dma_wait3A_787 = tpu.memref_slice %arg6[%dma_wait3A_777, %dma_wait3A_785, %dma_wait3A_786] : memref<4x2x128xi32, #tpu.memory_space<vmem>> -> memref<1x2x128xi32, #tpu.memory_space<vmem>>
    %dma_wait3A_788 = tpu.memref_squeeze %dma_wait3A_787 : memref<1x2x128xi32, #tpu.memory_space<vmem>> -> memref<2x128xi32, #tpu.memory_space<vmem>>
    %dma_wait3A_789 = arith.constant 0 : i32
    %dma_wait3A_790 = tpu.memref_slice %dma_wait3A_788[%dma_wait3A_778, %dma_wait3A_789] : memref<2x128xi32, #tpu.memory_space<vmem>> -> memref<1x128xi32, #tpu.memory_space<vmem>>
    %dma_wait3A_791 = tpu.memref_squeeze %dma_wait3A_790 : memref<1x128xi32, #tpu.memory_space<vmem>> -> memref<128xi32, #tpu.memory_space<vmem>>
    %dma_wait3A_792 = arith.constant 0 : i32
    %dma_wait3A_793 = arith.constant 0 : i32
    %dma_wait3A_794 = tpu.memref_slice %arg2[%dma_wait3A_792, %dma_wait3A_793] : memref<10000x128xf32, #tpu.memory_space<hbm>> -> memref<10000x128xf32, #tpu.memory_space<hbm>>
    %dma_wait3A_795 = tpu.memref_slice %arg10[%dma_wait3A_780] : memref<2x!tpu.dma_semaphore, #tpu.memory_space<semaphore_mem>> -> memref<1x!tpu.dma_semaphore, #tpu.memory_space<semaphore_mem>>
    %dma_wait3A_796 = tpu.memref_squeeze %dma_wait3A_795 : memref<1x!tpu.dma_semaphore, #tpu.memory_space<semaphore_mem>> -> memref<!tpu.dma_semaphore, #tpu.memory_space<semaphore_mem>>
    tpu.wait_indirect_dma semaphore(%dma_wait3A_796 : memref<!tpu.dma_semaphore, #tpu.memory_space<semaphore_mem>>) src(%dma_wait3A_794 : memref<10000x128xf32, #tpu.memory_space<hbm>>) dst(%dma_wait3A_784 : memref<128x128xf32, #tpu.memory_space<vmem>>)
    %dma_start3A_797 = arith.constant 0 : i32
    %dma_start3A_798 = arith.constant 0 : i32
    %dma_start3A_799 = arith.constant 1 : i32
    %dma_start3A_800 = arith.constant 0 : i32
    %dma_start3A_801 = arith.constant 0 : i32
    %dma_start3A_802 = tpu.memref_slice %arg7[%dma_start3A_797, %dma_start3A_800, %dma_start3A_801] : memref<2x128x128xf32, #tpu.memory_space<vmem>> -> memref<1x128x128xf32, #tpu.memory_space<vmem>>
    %dma_start3A_803 = tpu.memref_squeeze %dma_start3A_802 : memref<1x128x128xf32, #tpu.memory_space<vmem>> -> memref<128x128xf32, #tpu.memory_space<vmem>>
    %dma_start3A_804 = arith.constant 0 : i32
    %dma_start3A_805 = arith.constant 0 : i32
    %dma_start3A_806 = tpu.memref_slice %arg6[%dma_start3A_798, %dma_start3A_804, %dma_start3A_805] : memref<4x2x128xi32, #tpu.memory_space<vmem>> -> memref<1x2x128xi32, #tpu.memory_space<vmem>>
    %dma_start3A_807 = tpu.memref_squeeze %dma_start3A_806 : memref<1x2x128xi32, #tpu.memory_space<vmem>> -> memref<2x128xi32, #tpu.memory_space<vmem>>
    %dma_start3A_808 = arith.constant 0 : i32
    %dma_start3A_809 = tpu.memref_slice %dma_start3A_807[%dma_start3A_799, %dma_start3A_808] : memref<2x128xi32, #tpu.memory_space<vmem>> -> memref<1x128xi32, #tpu.memory_space<vmem>>
    %dma_start3A_810 = tpu.memref_squeeze %dma_start3A_809 : memref<1x128xi32, #tpu.memory_space<vmem>> -> memref<128xi32, #tpu.memory_space<vmem>>
    %dma_start3A_811 = arith.constant 0 : i32
    %dma_start3A_812 = arith.constant 0 : i32
    %dma_start3A_813 = tpu.memref_slice %arg8[%dma_start3A_811, %dma_start3A_812] : memref<10240x128xf32, #tpu.memory_space<vmem_shared>> -> memref<10240x128xf32, #tpu.memory_space<vmem_shared>>
    tpu.enqueue_indirect_dma source(%dma_start3A_803 : memref<128x128xf32, #tpu.memory_space<vmem>>) target(%dma_start3A_813 : memref<10240x128xf32, #tpu.memory_space<vmem_shared>>) offsets(%dma_start3A_810 : memref<128xi32, #tpu.memory_space<vmem>>) semaphore(%arg11 : memref<!tpu.dma_semaphore, #tpu.memory_space<semaphore_mem>>) {add = true}
    %dma_wait3A_814 = arith.constant 0 : i32
    %dma_wait3A_815 = arith.constant 0 : i32
    %dma_wait3A_816 = arith.constant 1 : i32
    %dma_wait3A_817 = arith.constant 0 : i32
    %dma_wait3A_818 = arith.constant 0 : i32
    %dma_wait3A_819 = tpu.memref_slice %arg7[%dma_wait3A_814, %dma_wait3A_817, %dma_wait3A_818] : memref<2x128x128xf32, #tpu.memory_space<vmem>> -> memref<1x128x128xf32, #tpu.memory_space<vmem>>
    %dma_wait3A_820 = tpu.memref_squeeze %dma_wait3A_819 : memref<1x128x128xf32, #tpu.memory_space<vmem>> -> memref<128x128xf32, #tpu.memory_space<vmem>>
    %dma_wait3A_821 = arith.constant 0 : i32
    %dma_wait3A_822 = arith.constant 0 : i32
    %dma_wait3A_823 = tpu.memref_slice %arg6[%dma_wait3A_815, %dma_wait3A_821, %dma_wait3A_822] : memref<4x2x128xi32, #tpu.memory_space<vmem>> -> memref<1x2x128xi32, #tpu.memory_space<vmem>>
    %dma_wait3A_824 = tpu.memref_squeeze %dma_wait3A_823 : memref<1x2x128xi32, #tpu.memory_space<vmem>> -> memref<2x128xi32, #tpu.memory_space<vmem>>
    %dma_wait3A_825 = arith.constant 0 : i32
    %dma_wait3A_826 = tpu.memref_slice %dma_wait3A_824[%dma_wait3A_816, %dma_wait3A_825] : memref<2x128xi32, #tpu.memory_space<vmem>> -> memref<1x128xi32, #tpu.memory_space<vmem>>
    %dma_wait3A_827 = tpu.memref_squeeze %dma_wait3A_826 : memref<1x128xi32, #tpu.memory_space<vmem>> -> memref<128xi32, #tpu.memory_space<vmem>>
    %dma_wait3A_828 = arith.constant 0 : i32
    %dma_wait3A_829 = arith.constant 0 : i32
    %dma_wait3A_830 = tpu.memref_slice %arg8[%dma_wait3A_828, %dma_wait3A_829] : memref<10240x128xf32, #tpu.memory_space<vmem_shared>> -> memref<10240x128xf32, #tpu.memory_space<vmem_shared>>
    tpu.wait_indirect_dma semaphore(%arg11 : memref<!tpu.dma_semaphore, #tpu.memory_space<semaphore_mem>>) src(%dma_wait3A_820 : memref<128x128xf32, #tpu.memory_space<vmem>>) dst(%dma_wait3A_830 : memref<10240x128xf32, #tpu.memory_space<vmem_shared>>)
    %dma_wait3A_831 = arith.constant 0 : i32
    %dma_wait3A_832 = arith.constant 2 : i32
    %dma_wait3A_833 = arith.constant 2 : i32
    %dma_wait3A_834 = arith.constant 0 : i32
    %dma_wait3A_835 = arith.constant 0 : i32
    %dma_wait3A_836 = tpu.memref_slice %arg6[%dma_wait3A_832, %dma_wait3A_834, %dma_wait3A_835] : memref<4x2x128xi32, #tpu.memory_space<vmem>> -> memref<1x2x128xi32, #tpu.memory_space<vmem>>
    %dma_wait3A_837 = tpu.memref_squeeze %dma_wait3A_836 : memref<1x2x128xi32, #tpu.memory_space<vmem>> -> memref<2x128xi32, #tpu.memory_space<vmem>>
    %dma_wait3A_838 = arith.constant 0 : i32
    %dma_wait3A_839 = arith.constant 0 : i32
    %dma_wait3A_840 = arith.constant 0 : i32
    %dma_wait3A_841 = tpu.memref_slice %arg3[%add3A, %dma_wait3A_838, %dma_wait3A_839, %dma_wait3A_840] : memref<32x80x2x128xi32, #tpu.memory_space<hbm>> -> memref<1x80x2x128xi32, #tpu.memory_space<hbm>>
    %dma_wait3A_842 = tpu.memref_squeeze %dma_wait3A_841 : memref<1x80x2x128xi32, #tpu.memory_space<hbm>> -> memref<80x2x128xi32, #tpu.memory_space<hbm>>
    %dma_wait3A_843 = arith.constant 0 : i32
    %dma_wait3A_844 = arith.constant 0 : i32
    %dma_wait3A_845 = tpu.memref_slice %dma_wait3A_842[%dma_wait3A_831, %dma_wait3A_843, %dma_wait3A_844] : memref<80x2x128xi32, #tpu.memory_space<hbm>> -> memref<1x2x128xi32, #tpu.memory_space<hbm>>
    %dma_wait3A_846 = tpu.memref_squeeze %dma_wait3A_845 : memref<1x2x128xi32, #tpu.memory_space<hbm>> -> memref<2x128xi32, #tpu.memory_space<hbm>>
    %dma_wait3A_847 = tpu.memref_slice %arg9[%dma_wait3A_833] : memref<4x!tpu.dma_semaphore, #tpu.memory_space<semaphore_mem>> -> memref<1x!tpu.dma_semaphore, #tpu.memory_space<semaphore_mem>>
    %dma_wait3A_848 = tpu.memref_squeeze %dma_wait3A_847 : memref<1x!tpu.dma_semaphore, #tpu.memory_space<semaphore_mem>> -> memref<!tpu.dma_semaphore, #tpu.memory_space<semaphore_mem>>
    %dma_wait3A_849 = arith.constant 0 : i32
    %dma_wait3A_850 = arith.constant 0 : i32
    %dma_wait3A_851 = tpu.memref_slice %arg6[%dma_wait3A_832, %dma_wait3A_849, %dma_wait3A_850] : memref<4x2x128xi32, #tpu.memory_space<vmem>> -> memref<1x2x128xi32, #tpu.memory_space<vmem>>
    %dma_wait3A_852 = tpu.memref_squeeze %dma_wait3A_851 : memref<1x2x128xi32, #tpu.memory_space<vmem>> -> memref<2x128xi32, #tpu.memory_space<vmem>>
    %dma_wait3A_853 = arith.constant 0 : i32
    %dma_wait3A_854 = arith.constant 0 : i32
    %dma_wait3A_855 = arith.constant 0 : i32
    %dma_wait3A_856 = tpu.memref_slice %arg3[%add3A, %dma_wait3A_853, %dma_wait3A_854, %dma_wait3A_855] : memref<32x80x2x128xi32, #tpu.memory_space<hbm>> -> memref<1x80x2x128xi32, #tpu.memory_space<hbm>>
    %dma_wait3A_857 = tpu.memref_squeeze %dma_wait3A_856 : memref<1x80x2x128xi32, #tpu.memory_space<hbm>> -> memref<80x2x128xi32, #tpu.memory_space<hbm>>
    %dma_wait3A_858 = arith.constant 0 : i32
    %dma_wait3A_859 = arith.constant 0 : i32
    %dma_wait3A_860 = tpu.memref_slice %dma_wait3A_857[%dma_wait3A_831, %dma_wait3A_858, %dma_wait3A_859] : memref<80x2x128xi32, #tpu.memory_space<hbm>> -> memref<1x2x128xi32, #tpu.memory_space<hbm>>
    %dma_wait3A_861 = tpu.memref_squeeze %dma_wait3A_860 : memref<1x2x128xi32, #tpu.memory_space<hbm>> -> memref<2x128xi32, #tpu.memory_space<hbm>>
    tpu.wait_dma2 semaphore(%dma_wait3A_848 : memref<!tpu.dma_semaphore, #tpu.memory_space<semaphore_mem>>) src(%dma_wait3A_861 : memref<2x128xi32, #tpu.memory_space<hbm>>) dst(%dma_wait3A_852 : memref<2x128xi32, #tpu.memory_space<vmem>>)
    %dma_start3A_862 = arith.constant 2 : i32
    %dma_start3A_863 = arith.constant 0 : i32
    %dma_start3A_864 = arith.constant 0 : i32
    %dma_start3A_865 = arith.constant 0 : i32
    %dma_start3A_866 = arith.constant 0 : i32
    %dma_start3A_867 = arith.constant 0 : i32
    %dma_start3A_868 = tpu.memref_slice %arg7[%dma_start3A_864, %dma_start3A_866, %dma_start3A_867] : memref<2x128x128xf32, #tpu.memory_space<vmem>> -> memref<1x128x128xf32, #tpu.memory_space<vmem>>
    %dma_start3A_869 = tpu.memref_squeeze %dma_start3A_868 : memref<1x128x128xf32, #tpu.memory_space<vmem>> -> memref<128x128xf32, #tpu.memory_space<vmem>>
    %dma_start3A_870 = arith.constant 0 : i32
    %dma_start3A_871 = arith.constant 0 : i32
    %dma_start3A_872 = tpu.memref_slice %arg6[%dma_start3A_862, %dma_start3A_870, %dma_start3A_871] : memref<4x2x128xi32, #tpu.memory_space<vmem>> -> memref<1x2x128xi32, #tpu.memory_space<vmem>>
    %dma_start3A_873 = tpu.memref_squeeze %dma_start3A_872 : memref<1x2x128xi32, #tpu.memory_space<vmem>> -> memref<2x128xi32, #tpu.memory_space<vmem>>
    %dma_start3A_874 = arith.constant 0 : i32
    %dma_start3A_875 = tpu.memref_slice %dma_start3A_873[%dma_start3A_863, %dma_start3A_874] : memref<2x128xi32, #tpu.memory_space<vmem>> -> memref<1x128xi32, #tpu.memory_space<vmem>>
    %dma_start3A_876 = tpu.memref_squeeze %dma_start3A_875 : memref<1x128xi32, #tpu.memory_space<vmem>> -> memref<128xi32, #tpu.memory_space<vmem>>
    %dma_start3A_877 = arith.constant 0 : i32
    %dma_start3A_878 = arith.constant 0 : i32
    %dma_start3A_879 = tpu.memref_slice %arg2[%dma_start3A_877, %dma_start3A_878] : memref<10000x128xf32, #tpu.memory_space<hbm>> -> memref<10000x128xf32, #tpu.memory_space<hbm>>
    %dma_start3A_880 = tpu.memref_slice %arg10[%dma_start3A_865] : memref<2x!tpu.dma_semaphore, #tpu.memory_space<semaphore_mem>> -> memref<1x!tpu.dma_semaphore, #tpu.memory_space<semaphore_mem>>
    %dma_start3A_881 = tpu.memref_squeeze %dma_start3A_880 : memref<1x!tpu.dma_semaphore, #tpu.memory_space<semaphore_mem>> -> memref<!tpu.dma_semaphore, #tpu.memory_space<semaphore_mem>>
    tpu.enqueue_indirect_dma source(%dma_start3A_879 : memref<10000x128xf32, #tpu.memory_space<hbm>>) target(%dma_start3A_869 : memref<128x128xf32, #tpu.memory_space<vmem>>) offsets(%dma_start3A_876 : memref<128xi32, #tpu.memory_space<vmem>>) semaphore(%dma_start3A_881 : memref<!tpu.dma_semaphore, #tpu.memory_space<semaphore_mem>>)
    %dma_wait3A_882 = arith.constant 0 : i32
    %dma_wait3A_883 = arith.constant 0 : i32
    %dma_wait3A_884 = arith.constant 1 : i32
    %dma_wait3A_885 = arith.constant 1 : i32
    %dma_wait3A_886 = arith.constant 0 : i32
    %dma_wait3A_887 = arith.constant 0 : i32
    %dma_wait3A_888 = tpu.memref_slice %arg7[%dma_wait3A_884, %dma_wait3A_886, %dma_wait3A_887] : memref<2x128x128xf32, #tpu.memory_space<vmem>> -> memref<1x128x128xf32, #tpu.memory_space<vmem>>
    %dma_wait3A_889 = tpu.memref_squeeze %dma_wait3A_888 : memref<1x128x128xf32, #tpu.memory_space<vmem>> -> memref<128x128xf32, #tpu.memory_space<vmem>>
    %dma_wait3A_890 = arith.constant 0 : i32
    %dma_wait3A_891 = arith.constant 0 : i32
    %dma_wait3A_892 = tpu.memref_slice %arg6[%dma_wait3A_882, %dma_wait3A_890, %dma_wait3A_891] : memref<4x2x128xi32, #tpu.memory_space<vmem>> -> memref<1x2x128xi32, #tpu.memory_space<vmem>>
    %dma_wait3A_893 = tpu.memref_squeeze %dma_wait3A_892 : memref<1x2x128xi32, #tpu.memory_space<vmem>> -> memref<2x128xi32, #tpu.memory_space<vmem>>
    %dma_wait3A_894 = arith.constant 0 : i32
    %dma_wait3A_895 = tpu.memref_slice %dma_wait3A_893[%dma_wait3A_883, %dma_wait3A_894] : memref<2x128xi32, #tpu.memory_space<vmem>> -> memref<1x128xi32, #tpu.memory_space<vmem>>
    %dma_wait3A_896 = tpu.memref_squeeze %dma_wait3A_895 : memref<1x128xi32, #tpu.memory_space<vmem>> -> memref<128xi32, #tpu.memory_space<vmem>>
    %dma_wait3A_897 = arith.constant 0 : i32
    %dma_wait3A_898 = arith.constant 0 : i32
    %dma_wait3A_899 = tpu.memref_slice %arg2[%dma_wait3A_897, %dma_wait3A_898] : memref<10000x128xf32, #tpu.memory_space<hbm>> -> memref<10000x128xf32, #tpu.memory_space<hbm>>
    %dma_wait3A_900 = tpu.memref_slice %arg10[%dma_wait3A_885] : memref<2x!tpu.dma_semaphore, #tpu.memory_space<semaphore_mem>> -> memref<1x!tpu.dma_semaphore, #tpu.memory_space<semaphore_mem>>
    %dma_wait3A_901 = tpu.memref_squeeze %dma_wait3A_900 : memref<1x!tpu.dma_semaphore, #tpu.memory_space<semaphore_mem>> -> memref<!tpu.dma_semaphore, #tpu.memory_space<semaphore_mem>>
    tpu.wait_indirect_dma semaphore(%dma_wait3A_901 : memref<!tpu.dma_semaphore, #tpu.memory_space<semaphore_mem>>) src(%dma_wait3A_899 : memref<10000x128xf32, #tpu.memory_space<hbm>>) dst(%dma_wait3A_889 : memref<128x128xf32, #tpu.memory_space<vmem>>)
    %dma_start3A_902 = arith.constant 1 : i32
    %dma_start3A_903 = arith.constant 1 : i32
    %dma_start3A_904 = arith.constant 1 : i32
    %dma_start3A_905 = arith.constant 0 : i32
    %dma_start3A_906 = arith.constant 0 : i32
    %dma_start3A_907 = tpu.memref_slice %arg7[%dma_start3A_902, %dma_start3A_905, %dma_start3A_906] : memref<2x128x128xf32, #tpu.memory_space<vmem>> -> memref<1x128x128xf32, #tpu.memory_space<vmem>>
    %dma_start3A_908 = tpu.memref_squeeze %dma_start3A_907 : memref<1x128x128xf32, #tpu.memory_space<vmem>> -> memref<128x128xf32, #tpu.memory_space<vmem>>
    %dma_start3A_909 = arith.constant 0 : i32
    %dma_start3A_910 = arith.constant 0 : i32
    %dma_start3A_911 = tpu.memref_slice %arg6[%dma_start3A_903, %dma_start3A_909, %dma_start3A_910] : memref<4x2x128xi32, #tpu.memory_space<vmem>> -> memref<1x2x128xi32, #tpu.memory_space<vmem>>
    %dma_start3A_912 = tpu.memref_squeeze %dma_start3A_911 : memref<1x2x128xi32, #tpu.memory_space<vmem>> -> memref<2x128xi32, #tpu.memory_space<vmem>>
    %dma_start3A_913 = arith.constant 0 : i32
    %dma_start3A_914 = tpu.memref_slice %dma_start3A_912[%dma_start3A_904, %dma_start3A_913] : memref<2x128xi32, #tpu.memory_space<vmem>> -> memref<1x128xi32, #tpu.memory_space<vmem>>
    %dma_start3A_915 = tpu.memref_squeeze %dma_start3A_914 : memref<1x128xi32, #tpu.memory_space<vmem>> -> memref<128xi32, #tpu.memory_space<vmem>>
    %dma_start3A_916 = arith.constant 0 : i32
    %dma_start3A_917 = arith.constant 0 : i32
    %dma_start3A_918 = tpu.memref_slice %arg8[%dma_start3A_916, %dma_start3A_917] : memref<10240x128xf32, #tpu.memory_space<vmem_shared>> -> memref<10240x128xf32, #tpu.memory_space<vmem_shared>>
    tpu.enqueue_indirect_dma source(%dma_start3A_908 : memref<128x128xf32, #tpu.memory_space<vmem>>) target(%dma_start3A_918 : memref<10240x128xf32, #tpu.memory_space<vmem_shared>>) offsets(%dma_start3A_915 : memref<128xi32, #tpu.memory_space<vmem>>) semaphore(%arg11 : memref<!tpu.dma_semaphore, #tpu.memory_space<semaphore_mem>>) {add = true}
    %dma_wait3A_919 = arith.constant 1 : i32
    %dma_wait3A_920 = arith.constant 1 : i32
    %dma_wait3A_921 = arith.constant 1 : i32
    %dma_wait3A_922 = arith.constant 0 : i32
    %dma_wait3A_923 = arith.constant 0 : i32
    %dma_wait3A_924 = tpu.memref_slice %arg7[%dma_wait3A_919, %dma_wait3A_922, %dma_wait3A_923] : memref<2x128x128xf32, #tpu.memory_space<vmem>> -> memref<1x128x128xf32, #tpu.memory_space<vmem>>
    %dma_wait3A_925 = tpu.memref_squeeze %dma_wait3A_924 : memref<1x128x128xf32, #tpu.memory_space<vmem>> -> memref<128x128xf32, #tpu.memory_space<vmem>>
    %dma_wait3A_926 = arith.constant 0 : i32
    %dma_wait3A_927 = arith.constant 0 : i32
    %dma_wait3A_928 = tpu.memref_slice %arg6[%dma_wait3A_920, %dma_wait3A_926, %dma_wait3A_927] : memref<4x2x128xi32, #tpu.memory_space<vmem>> -> memref<1x2x128xi32, #tpu.memory_space<vmem>>
    %dma_wait3A_929 = tpu.memref_squeeze %dma_wait3A_928 : memref<1x2x128xi32, #tpu.memory_space<vmem>> -> memref<2x128xi32, #tpu.memory_space<vmem>>
    %dma_wait3A_930 = arith.constant 0 : i32
    %dma_wait3A_931 = tpu.memref_slice %dma_wait3A_929[%dma_wait3A_921, %dma_wait3A_930] : memref<2x128xi32, #tpu.memory_space<vmem>> -> memref<1x128xi32, #tpu.memory_space<vmem>>
    %dma_wait3A_932 = tpu.memref_squeeze %dma_wait3A_931 : memref<1x128xi32, #tpu.memory_space<vmem>> -> memref<128xi32, #tpu.memory_space<vmem>>
    %dma_wait3A_933 = arith.constant 0 : i32
    %dma_wait3A_934 = arith.constant 0 : i32
    %dma_wait3A_935 = tpu.memref_slice %arg8[%dma_wait3A_933, %dma_wait3A_934] : memref<10240x128xf32, #tpu.memory_space<vmem_shared>> -> memref<10240x128xf32, #tpu.memory_space<vmem_shared>>
    tpu.wait_indirect_dma semaphore(%arg11 : memref<!tpu.dma_semaphore, #tpu.memory_space<semaphore_mem>>) src(%dma_wait3A_925 : memref<128x128xf32, #tpu.memory_space<vmem>>) dst(%dma_wait3A_935 : memref<10240x128xf32, #tpu.memory_space<vmem_shared>>)
    %dma_wait3A_936 = arith.constant 0 : i32
    %dma_wait3A_937 = arith.constant 3 : i32
    %dma_wait3A_938 = arith.constant 3 : i32
    %dma_wait3A_939 = arith.constant 0 : i32
    %dma_wait3A_940 = arith.constant 0 : i32
    %dma_wait3A_941 = tpu.memref_slice %arg6[%dma_wait3A_937, %dma_wait3A_939, %dma_wait3A_940] : memref<4x2x128xi32, #tpu.memory_space<vmem>> -> memref<1x2x128xi32, #tpu.memory_space<vmem>>
    %dma_wait3A_942 = tpu.memref_squeeze %dma_wait3A_941 : memref<1x2x128xi32, #tpu.memory_space<vmem>> -> memref<2x128xi32, #tpu.memory_space<vmem>>
    %dma_wait3A_943 = arith.constant 0 : i32
    %dma_wait3A_944 = arith.constant 0 : i32
    %dma_wait3A_945 = arith.constant 0 : i32
    %dma_wait3A_946 = tpu.memref_slice %arg3[%add3A, %dma_wait3A_943, %dma_wait3A_944, %dma_wait3A_945] : memref<32x80x2x128xi32, #tpu.memory_space<hbm>> -> memref<1x80x2x128xi32, #tpu.memory_space<hbm>>
    %dma_wait3A_947 = tpu.memref_squeeze %dma_wait3A_946 : memref<1x80x2x128xi32, #tpu.memory_space<hbm>> -> memref<80x2x128xi32, #tpu.memory_space<hbm>>
    %dma_wait3A_948 = arith.constant 0 : i32
    %dma_wait3A_949 = arith.constant 0 : i32
    %dma_wait3A_950 = tpu.memref_slice %dma_wait3A_947[%dma_wait3A_936, %dma_wait3A_948, %dma_wait3A_949] : memref<80x2x128xi32, #tpu.memory_space<hbm>> -> memref<1x2x128xi32, #tpu.memory_space<hbm>>
    %dma_wait3A_951 = tpu.memref_squeeze %dma_wait3A_950 : memref<1x2x128xi32, #tpu.memory_space<hbm>> -> memref<2x128xi32, #tpu.memory_space<hbm>>
    %dma_wait3A_952 = tpu.memref_slice %arg9[%dma_wait3A_938] : memref<4x!tpu.dma_semaphore, #tpu.memory_space<semaphore_mem>> -> memref<1x!tpu.dma_semaphore, #tpu.memory_space<semaphore_mem>>
    %dma_wait3A_953 = tpu.memref_squeeze %dma_wait3A_952 : memref<1x!tpu.dma_semaphore, #tpu.memory_space<semaphore_mem>> -> memref<!tpu.dma_semaphore, #tpu.memory_space<semaphore_mem>>
    %dma_wait3A_954 = arith.constant 0 : i32
    %dma_wait3A_955 = arith.constant 0 : i32
    %dma_wait3A_956 = tpu.memref_slice %arg6[%dma_wait3A_937, %dma_wait3A_954, %dma_wait3A_955] : memref<4x2x128xi32, #tpu.memory_space<vmem>> -> memref<1x2x128xi32, #tpu.memory_space<vmem>>
    %dma_wait3A_957 = tpu.memref_squeeze %dma_wait3A_956 : memref<1x2x128xi32, #tpu.memory_space<vmem>> -> memref<2x128xi32, #tpu.memory_space<vmem>>
    %dma_wait3A_958 = arith.constant 0 : i32
    %dma_wait3A_959 = arith.constant 0 : i32
    %dma_wait3A_960 = arith.constant 0 : i32
    %dma_wait3A_961 = tpu.memref_slice %arg3[%add3A, %dma_wait3A_958, %dma_wait3A_959, %dma_wait3A_960] : memref<32x80x2x128xi32, #tpu.memory_space<hbm>> -> memref<1x80x2x128xi32, #tpu.memory_space<hbm>>
    %dma_wait3A_962 = tpu.memref_squeeze %dma_wait3A_961 : memref<1x80x2x128xi32, #tpu.memory_space<hbm>> -> memref<80x2x128xi32, #tpu.memory_space<hbm>>
    %dma_wait3A_963 = arith.constant 0 : i32
    %dma_wait3A_964 = arith.constant 0 : i32
    %dma_wait3A_965 = tpu.memref_slice %dma_wait3A_962[%dma_wait3A_936, %dma_wait3A_963, %dma_wait3A_964] : memref<80x2x128xi32, #tpu.memory_space<hbm>> -> memref<1x2x128xi32, #tpu.memory_space<hbm>>
    %dma_wait3A_966 = tpu.memref_squeeze %dma_wait3A_965 : memref<1x2x128xi32, #tpu.memory_space<hbm>> -> memref<2x128xi32, #tpu.memory_space<hbm>>
    tpu.wait_dma2 semaphore(%dma_wait3A_953 : memref<!tpu.dma_semaphore, #tpu.memory_space<semaphore_mem>>) src(%dma_wait3A_966 : memref<2x128xi32, #tpu.memory_space<hbm>>) dst(%dma_wait3A_957 : memref<2x128xi32, #tpu.memory_space<vmem>>)
    %dma_start3A_967 = arith.constant 3 : i32
    %dma_start3A_968 = arith.constant 0 : i32
    %dma_start3A_969 = arith.constant 1 : i32
    %dma_start3A_970 = arith.constant 1 : i32
    %dma_start3A_971 = arith.constant 0 : i32
    %dma_start3A_972 = arith.constant 0 : i32
    %dma_start3A_973 = tpu.memref_slice %arg7[%dma_start3A_969, %dma_start3A_971, %dma_start3A_972] : memref<2x128x128xf32, #tpu.memory_space<vmem>> -> memref<1x128x128xf32, #tpu.memory_space<vmem>>
    %dma_start3A_974 = tpu.memref_squeeze %dma_start3A_973 : memref<1x128x128xf32, #tpu.memory_space<vmem>> -> memref<128x128xf32, #tpu.memory_space<vmem>>
    %dma_start3A_975 = arith.constant 0 : i32
    %dma_start3A_976 = arith.constant 0 : i32
    %dma_start3A_977 = tpu.memref_slice %arg6[%dma_start3A_967, %dma_start3A_975, %dma_start3A_976] : memref<4x2x128xi32, #tpu.memory_space<vmem>> -> memref<1x2x128xi32, #tpu.memory_space<vmem>>
    %dma_start3A_978 = tpu.memref_squeeze %dma_start3A_977 : memref<1x2x128xi32, #tpu.memory_space<vmem>> -> memref<2x128xi32, #tpu.memory_space<vmem>>
    %dma_start3A_979 = arith.constant 0 : i32
    %dma_start3A_980 = tpu.memref_slice %dma_start3A_978[%dma_start3A_968, %dma_start3A_979] : memref<2x128xi32, #tpu.memory_space<vmem>> -> memref<1x128xi32, #tpu.memory_space<vmem>>
    %dma_start3A_981 = tpu.memref_squeeze %dma_start3A_980 : memref<1x128xi32, #tpu.memory_space<vmem>> -> memref<128xi32, #tpu.memory_space<vmem>>
    %dma_start3A_982 = arith.constant 0 : i32
    %dma_start3A_983 = arith.constant 0 : i32
    %dma_start3A_984 = tpu.memref_slice %arg2[%dma_start3A_982, %dma_start3A_983] : memref<10000x128xf32, #tpu.memory_space<hbm>> -> memref<10000x128xf32, #tpu.memory_space<hbm>>
    %dma_start3A_985 = tpu.memref_slice %arg10[%dma_start3A_970] : memref<2x!tpu.dma_semaphore, #tpu.memory_space<semaphore_mem>> -> memref<1x!tpu.dma_semaphore, #tpu.memory_space<semaphore_mem>>
    %dma_start3A_986 = tpu.memref_squeeze %dma_start3A_985 : memref<1x!tpu.dma_semaphore, #tpu.memory_space<semaphore_mem>> -> memref<!tpu.dma_semaphore, #tpu.memory_space<semaphore_mem>>
    tpu.enqueue_indirect_dma source(%dma_start3A_984 : memref<10000x128xf32, #tpu.memory_space<hbm>>) target(%dma_start3A_974 : memref<128x128xf32, #tpu.memory_space<vmem>>) offsets(%dma_start3A_981 : memref<128xi32, #tpu.memory_space<vmem>>) semaphore(%dma_start3A_986 : memref<!tpu.dma_semaphore, #tpu.memory_space<semaphore_mem>>)
    %dma_wait3A_987 = arith.constant 0 : i32
    %dma_wait3A_988 = arith.constant 0 : i32
    %dma_wait3A_989 = arith.constant 0 : i32
    %dma_wait3A_990 = arith.constant 0 : i32
    %dma_wait3A_991 = arith.constant 0 : i32
    %dma_wait3A_992 = arith.constant 0 : i32
    %dma_wait3A_993 = tpu.memref_slice %arg7[%dma_wait3A_989, %dma_wait3A_991, %dma_wait3A_992] : memref<2x128x128xf32, #tpu.memory_space<vmem>> -> memref<1x128x128xf32, #tpu.memory_space<vmem>>
    %dma_wait3A_994 = tpu.memref_squeeze %dma_wait3A_993 : memref<1x128x128xf32, #tpu.memory_space<vmem>> -> memref<128x128xf32, #tpu.memory_space<vmem>>
    %dma_wait3A_995 = arith.constant 0 : i32
    %dma_wait3A_996 = arith.constant 0 : i32
    %dma_wait3A_997 = tpu.memref_slice %arg6[%dma_wait3A_987, %dma_wait3A_995, %dma_wait3A_996] : memref<4x2x128xi32, #tpu.memory_space<vmem>> -> memref<1x2x128xi32, #tpu.memory_space<vmem>>
    %dma_wait3A_998 = tpu.memref_squeeze %dma_wait3A_997 : memref<1x2x128xi32, #tpu.memory_space<vmem>> -> memref<2x128xi32, #tpu.memory_space<vmem>>
    %dma_wait3A_999 = arith.constant 0 : i32
    %dma_wait3A_1000 = tpu.memref_slice %dma_wait3A_998[%dma_wait3A_988, %dma_wait3A_999] : memref<2x128xi32, #tpu.memory_space<vmem>> -> memref<1x128xi32, #tpu.memory_space<vmem>>
    %dma_wait3A_1001 = tpu.memref_squeeze %dma_wait3A_1000 : memref<1x128xi32, #tpu.memory_space<vmem>> -> memref<128xi32, #tpu.memory_space<vmem>>
    %dma_wait3A_1002 = arith.constant 0 : i32
    %dma_wait3A_1003 = arith.constant 0 : i32
    %dma_wait3A_1004 = tpu.memref_slice %arg2[%dma_wait3A_1002, %dma_wait3A_1003] : memref<10000x128xf32, #tpu.memory_space<hbm>> -> memref<10000x128xf32, #tpu.memory_space<hbm>>
    %dma_wait3A_1005 = tpu.memref_slice %arg10[%dma_wait3A_990] : memref<2x!tpu.dma_semaphore, #tpu.memory_space<semaphore_mem>> -> memref<1x!tpu.dma_semaphore, #tpu.memory_space<semaphore_mem>>
    %dma_wait3A_1006 = tpu.memref_squeeze %dma_wait3A_1005 : memref<1x!tpu.dma_semaphore, #tpu.memory_space<semaphore_mem>> -> memref<!tpu.dma_semaphore, #tpu.memory_space<semaphore_mem>>
    tpu.wait_indirect_dma semaphore(%dma_wait3A_1006 : memref<!tpu.dma_semaphore, #tpu.memory_space<semaphore_mem>>) src(%dma_wait3A_1004 : memref<10000x128xf32, #tpu.memory_space<hbm>>) dst(%dma_wait3A_994 : memref<128x128xf32, #tpu.memory_space<vmem>>)
    %dma_start3A_1007 = arith.constant 0 : i32
    %dma_start3A_1008 = arith.constant 2 : i32
    %dma_start3A_1009 = arith.constant 1 : i32
    %dma_start3A_1010 = arith.constant 0 : i32
    %dma_start3A_1011 = arith.constant 0 : i32
    %dma_start3A_1012 = tpu.memref_slice %arg7[%dma_start3A_1007, %dma_start3A_1010, %dma_start3A_1011] : memref<2x128x128xf32, #tpu.memory_space<vmem>> -> memref<1x128x128xf32, #tpu.memory_space<vmem>>
    %dma_start3A_1013 = tpu.memref_squeeze %dma_start3A_1012 : memref<1x128x128xf32, #tpu.memory_space<vmem>> -> memref<128x128xf32, #tpu.memory_space<vmem>>
    %dma_start3A_1014 = arith.constant 0 : i32
    %dma_start3A_1015 = arith.constant 0 : i32
    %dma_start3A_1016 = tpu.memref_slice %arg6[%dma_start3A_1008, %dma_start3A_1014, %dma_start3A_1015] : memref<4x2x128xi32, #tpu.memory_space<vmem>> -> memref<1x2x128xi32, #tpu.memory_space<vmem>>
    %dma_start3A_1017 = tpu.memref_squeeze %dma_start3A_1016 : memref<1x2x128xi32, #tpu.memory_space<vmem>> -> memref<2x128xi32, #tpu.memory_space<vmem>>
    %dma_start3A_1018 = arith.constant 0 : i32
    %dma_start3A_1019 = tpu.memref_slice %dma_start3A_1017[%dma_start3A_1009, %dma_start3A_1018] : memref<2x128xi32, #tpu.memory_space<vmem>> -> memref<1x128xi32, #tpu.memory_space<vmem>>
    %dma_start3A_1020 = tpu.memref_squeeze %dma_start3A_1019 : memref<1x128xi32, #tpu.memory_space<vmem>> -> memref<128xi32, #tpu.memory_space<vmem>>
    %dma_start3A_1021 = arith.constant 0 : i32
    %dma_start3A_1022 = arith.constant 0 : i32
    %dma_start3A_1023 = tpu.memref_slice %arg8[%dma_start3A_1021, %dma_start3A_1022] : memref<10240x128xf32, #tpu.memory_space<vmem_shared>> -> memref<10240x128xf32, #tpu.memory_space<vmem_shared>>
    tpu.enqueue_indirect_dma source(%dma_start3A_1013 : memref<128x128xf32, #tpu.memory_space<vmem>>) target(%dma_start3A_1023 : memref<10240x128xf32, #tpu.memory_space<vmem_shared>>) offsets(%dma_start3A_1020 : memref<128xi32, #tpu.memory_space<vmem>>) semaphore(%arg11 : memref<!tpu.dma_semaphore, #tpu.memory_space<semaphore_mem>>) {add = true}
    %dma_wait3A_1024 = arith.constant 0 : i32
    %dma_wait3A_1025 = arith.constant 2 : i32
    %dma_wait3A_1026 = arith.constant 1 : i32
    %dma_wait3A_1027 = arith.constant 0 : i32
    %dma_wait3A_1028 = arith.constant 0 : i32
    %dma_wait3A_1029 = tpu.memref_slice %arg7[%dma_wait3A_1024, %dma_wait3A_1027, %dma_wait3A_1028] : memref<2x128x128xf32, #tpu.memory_space<vmem>> -> memref<1x128x128xf32, #tpu.memory_space<vmem>>
    %dma_wait3A_1030 = tpu.memref_squeeze %dma_wait3A_1029 : memref<1x128x128xf32, #tpu.memory_space<vmem>> -> memref<128x128xf32, #tpu.memory_space<vmem>>
    %dma_wait3A_1031 = arith.constant 0 : i32
    %dma_wait3A_1032 = arith.constant 0 : i32
    %dma_wait3A_1033 = tpu.memref_slice %arg6[%dma_wait3A_1025, %dma_wait3A_1031, %dma_wait3A_1032] : memref<4x2x128xi32, #tpu.memory_space<vmem>> -> memref<1x2x128xi32, #tpu.memory_space<vmem>>
    %dma_wait3A_1034 = tpu.memref_squeeze %dma_wait3A_1033 : memref<1x2x128xi32, #tpu.memory_space<vmem>> -> memref<2x128xi32, #tpu.memory_space<vmem>>
    %dma_wait3A_1035 = arith.constant 0 : i32
    %dma_wait3A_1036 = tpu.memref_slice %dma_wait3A_1034[%dma_wait3A_1026, %dma_wait3A_1035] : memref<2x128xi32, #tpu.memory_space<vmem>> -> memref<1x128xi32, #tpu.memory_space<vmem>>
    %dma_wait3A_1037 = tpu.memref_squeeze %dma_wait3A_1036 : memref<1x128xi32, #tpu.memory_space<vmem>> -> memref<128xi32, #tpu.memory_space<vmem>>
    %dma_wait3A_1038 = arith.constant 0 : i32
    %dma_wait3A_1039 = arith.constant 0 : i32
    %dma_wait3A_1040 = tpu.memref_slice %arg8[%dma_wait3A_1038, %dma_wait3A_1039] : memref<10240x128xf32, #tpu.memory_space<vmem_shared>> -> memref<10240x128xf32, #tpu.memory_space<vmem_shared>>
    tpu.wait_indirect_dma semaphore(%arg11 : memref<!tpu.dma_semaphore, #tpu.memory_space<semaphore_mem>>) src(%dma_wait3A_1030 : memref<128x128xf32, #tpu.memory_space<vmem>>) dst(%dma_wait3A_1040 : memref<10240x128xf32, #tpu.memory_space<vmem_shared>>)
    %dma_wait3A_1041 = arith.constant 0 : i32
    %dma_wait3A_1042 = arith.constant 0 : i32
    %dma_wait3A_1043 = arith.constant 1 : i32
    %dma_wait3A_1044 = arith.constant 1 : i32
    %dma_wait3A_1045 = arith.constant 0 : i32
    %dma_wait3A_1046 = arith.constant 0 : i32
    %dma_wait3A_1047 = tpu.memref_slice %arg7[%dma_wait3A_1043, %dma_wait3A_1045, %dma_wait3A_1046] : memref<2x128x128xf32, #tpu.memory_space<vmem>> -> memref<1x128x128xf32, #tpu.memory_space<vmem>>
    %dma_wait3A_1048 = tpu.memref_squeeze %dma_wait3A_1047 : memref<1x128x128xf32, #tpu.memory_space<vmem>> -> memref<128x128xf32, #tpu.memory_space<vmem>>
    %dma_wait3A_1049 = arith.constant 0 : i32
    %dma_wait3A_1050 = arith.constant 0 : i32
    %dma_wait3A_1051 = tpu.memref_slice %arg6[%dma_wait3A_1041, %dma_wait3A_1049, %dma_wait3A_1050] : memref<4x2x128xi32, #tpu.memory_space<vmem>> -> memref<1x2x128xi32, #tpu.memory_space<vmem>>
    %dma_wait3A_1052 = tpu.memref_squeeze %dma_wait3A_1051 : memref<1x2x128xi32, #tpu.memory_space<vmem>> -> memref<2x128xi32, #tpu.memory_space<vmem>>
    %dma_wait3A_1053 = arith.constant 0 : i32
    %dma_wait3A_1054 = tpu.memref_slice %dma_wait3A_1052[%dma_wait3A_1042, %dma_wait3A_1053] : memref<2x128xi32, #tpu.memory_space<vmem>> -> memref<1x128xi32, #tpu.memory_space<vmem>>
    %dma_wait3A_1055 = tpu.memref_squeeze %dma_wait3A_1054 : memref<1x128xi32, #tpu.memory_space<vmem>> -> memref<128xi32, #tpu.memory_space<vmem>>
    %dma_wait3A_1056 = arith.constant 0 : i32
    %dma_wait3A_1057 = arith.constant 0 : i32
    %dma_wait3A_1058 = tpu.memref_slice %arg2[%dma_wait3A_1056, %dma_wait3A_1057] : memref<10000x128xf32, #tpu.memory_space<hbm>> -> memref<10000x128xf32, #tpu.memory_space<hbm>>
    %dma_wait3A_1059 = tpu.memref_slice %arg10[%dma_wait3A_1044] : memref<2x!tpu.dma_semaphore, #tpu.memory_space<semaphore_mem>> -> memref<1x!tpu.dma_semaphore, #tpu.memory_space<semaphore_mem>>
    %dma_wait3A_1060 = tpu.memref_squeeze %dma_wait3A_1059 : memref<1x!tpu.dma_semaphore, #tpu.memory_space<semaphore_mem>> -> memref<!tpu.dma_semaphore, #tpu.memory_space<semaphore_mem>>
    tpu.wait_indirect_dma semaphore(%dma_wait3A_1060 : memref<!tpu.dma_semaphore, #tpu.memory_space<semaphore_mem>>) src(%dma_wait3A_1058 : memref<10000x128xf32, #tpu.memory_space<hbm>>) dst(%dma_wait3A_1048 : memref<128x128xf32, #tpu.memory_space<vmem>>)
    %dma_start3A_1061 = arith.constant 1 : i32
    %dma_start3A_1062 = arith.constant 3 : i32
    %dma_start3A_1063 = arith.constant 1 : i32
    %dma_start3A_1064 = arith.constant 0 : i32
    %dma_start3A_1065 = arith.constant 0 : i32
    %dma_start3A_1066 = tpu.memref_slice %arg7[%dma_start3A_1061, %dma_start3A_1064, %dma_start3A_1065] : memref<2x128x128xf32, #tpu.memory_space<vmem>> -> memref<1x128x128xf32, #tpu.memory_space<vmem>>
    %dma_start3A_1067 = tpu.memref_squeeze %dma_start3A_1066 : memref<1x128x128xf32, #tpu.memory_space<vmem>> -> memref<128x128xf32, #tpu.memory_space<vmem>>
    %dma_start3A_1068 = arith.constant 0 : i32
    %dma_start3A_1069 = arith.constant 0 : i32
    %dma_start3A_1070 = tpu.memref_slice %arg6[%dma_start3A_1062, %dma_start3A_1068, %dma_start3A_1069] : memref<4x2x128xi32, #tpu.memory_space<vmem>> -> memref<1x2x128xi32, #tpu.memory_space<vmem>>
    %dma_start3A_1071 = tpu.memref_squeeze %dma_start3A_1070 : memref<1x2x128xi32, #tpu.memory_space<vmem>> -> memref<2x128xi32, #tpu.memory_space<vmem>>
    %dma_start3A_1072 = arith.constant 0 : i32
    %dma_start3A_1073 = tpu.memref_slice %dma_start3A_1071[%dma_start3A_1063, %dma_start3A_1072] : memref<2x128xi32, #tpu.memory_space<vmem>> -> memref<1x128xi32, #tpu.memory_space<vmem>>
    %dma_start3A_1074 = tpu.memref_squeeze %dma_start3A_1073 : memref<1x128xi32, #tpu.memory_space<vmem>> -> memref<128xi32, #tpu.memory_space<vmem>>
    %dma_start3A_1075 = arith.constant 0 : i32
    %dma_start3A_1076 = arith.constant 0 : i32
    %dma_start3A_1077 = tpu.memref_slice %arg8[%dma_start3A_1075, %dma_start3A_1076] : memref<10240x128xf32, #tpu.memory_space<vmem_shared>> -> memref<10240x128xf32, #tpu.memory_space<vmem_shared>>
    tpu.enqueue_indirect_dma source(%dma_start3A_1067 : memref<128x128xf32, #tpu.memory_space<vmem>>) target(%dma_start3A_1077 : memref<10240x128xf32, #tpu.memory_space<vmem_shared>>) offsets(%dma_start3A_1074 : memref<128xi32, #tpu.memory_space<vmem>>) semaphore(%arg11 : memref<!tpu.dma_semaphore, #tpu.memory_space<semaphore_mem>>) {add = true}
    %dma_wait3A_1078 = arith.constant 1 : i32
    %dma_wait3A_1079 = arith.constant 3 : i32
    %dma_wait3A_1080 = arith.constant 1 : i32
    %dma_wait3A_1081 = arith.constant 0 : i32
    %dma_wait3A_1082 = arith.constant 0 : i32
    %dma_wait3A_1083 = tpu.memref_slice %arg7[%dma_wait3A_1078, %dma_wait3A_1081, %dma_wait3A_1082] : memref<2x128x128xf32, #tpu.memory_space<vmem>> -> memref<1x128x128xf32, #tpu.memory_space<vmem>>
    %dma_wait3A_1084 = tpu.memref_squeeze %dma_wait3A_1083 : memref<1x128x128xf32, #tpu.memory_space<vmem>> -> memref<128x128xf32, #tpu.memory_space<vmem>>
    %dma_wait3A_1085 = arith.constant 0 : i32
    %dma_wait3A_1086 = arith.constant 0 : i32
    %dma_wait3A_1087 = tpu.memref_slice %arg6[%dma_wait3A_1079, %dma_wait3A_1085, %dma_wait3A_1086] : memref<4x2x128xi32, #tpu.memory_space<vmem>> -> memref<1x2x128xi32, #tpu.memory_space<vmem>>
    %dma_wait3A_1088 = tpu.memref_squeeze %dma_wait3A_1087 : memref<1x2x128xi32, #tpu.memory_space<vmem>> -> memref<2x128xi32, #tpu.memory_space<vmem>>
    %dma_wait3A_1089 = arith.constant 0 : i32
    %dma_wait3A_1090 = tpu.memref_slice %dma_wait3A_1088[%dma_wait3A_1080, %dma_wait3A_1089] : memref<2x128xi32, #tpu.memory_space<vmem>> -> memref<1x128xi32, #tpu.memory_space<vmem>>
    %dma_wait3A_1091 = tpu.memref_squeeze %dma_wait3A_1090 : memref<1x128xi32, #tpu.memory_space<vmem>> -> memref<128xi32, #tpu.memory_space<vmem>>
    %dma_wait3A_1092 = arith.constant 0 : i32
    %dma_wait3A_1093 = arith.constant 0 : i32
    %dma_wait3A_1094 = tpu.memref_slice %arg8[%dma_wait3A_1092, %dma_wait3A_1093] : memref<10240x128xf32, #tpu.memory_space<vmem_shared>> -> memref<10240x128xf32, #tpu.memory_space<vmem_shared>>
    tpu.wait_indirect_dma semaphore(%arg11 : memref<!tpu.dma_semaphore, #tpu.memory_space<semaphore_mem>>) src(%dma_wait3A_1084 : memref<128x128xf32, #tpu.memory_space<vmem>>) dst(%dma_wait3A_1094 : memref<10240x128xf32, #tpu.memory_space<vmem_shared>>)
    %barrier3A_1095 = arith.constant 0 : index
    tpu.barrier barrier_id(%barrier3A_1095)
    %mul3A_1096 = arith.constant 640 : i32
    %mul3A_1097 = arith.muli %arg1, %mul3A_1096 : i32
    %mul3A_1098 = arith.constant 640 : i32
    %mul3A_1099 = arith.muli %arg1, %mul3A_1098 : i32
    "tpu.region"() ({
      %run_scoped3A = tpu.sem_alloc : memref<!tpu.dma_semaphore, #tpu.memory_space<semaphore_mem>>
      %dma_start3A_1100 = arith.constant 0 : i32
      %dma_start3A_1101 = arith.constant 0 : i32
      %dma_start3A_1102 = tpu.memref_slice %arg5[%arg0, %dma_start3A_1100, %dma_start3A_1101] : memref<2x10240x128xf32, #tpu.memory_space<hbm>> -> memref<1x10240x128xf32, #tpu.memory_space<hbm>>
      %dma_start3A_1103 = tpu.memref_squeeze %dma_start3A_1102 : memref<1x10240x128xf32, #tpu.memory_space<hbm>> -> memref<10240x128xf32, #tpu.memory_space<hbm>>
      %dma_start3A_1104 = arith.constant 0 : i32
      %dma_start3A_1105 = tpu.memref_slice %dma_start3A_1103[%mul3A_1099, %dma_start3A_1104] : memref<10240x128xf32, #tpu.memory_space<hbm>> -> memref<640x128xf32, #tpu.memory_space<hbm>>
      %dma_start3A_1106 = arith.constant 0 : i32
      %dma_start3A_1107 = tpu.memref_slice %arg8[%mul3A_1097, %dma_start3A_1106] : memref<10240x128xf32, #tpu.memory_space<vmem_shared>> -> memref<640x128xf32, #tpu.memory_space<vmem_shared>>
      tpu.enqueue_dma source(%dma_start3A_1107 : memref<640x128xf32, #tpu.memory_space<vmem_shared>>) target(%dma_start3A_1105 : memref<640x128xf32, #tpu.memory_space<hbm>>) target_semaphore(%run_scoped3A : memref<!tpu.dma_semaphore, #tpu.memory_space<semaphore_mem>>)
      %dma_wait3A_1108 = arith.constant 0 : i32
      %dma_wait3A_1109 = arith.constant 0 : i32
      %dma_wait3A_1110 = tpu.memref_slice %arg5[%arg0, %dma_wait3A_1108, %dma_wait3A_1109] : memref<2x10240x128xf32, #tpu.memory_space<hbm>> -> memref<1x10240x128xf32, #tpu.memory_space<hbm>>
      %dma_wait3A_1111 = tpu.memref_squeeze %dma_wait3A_1110 : memref<1x10240x128xf32, #tpu.memory_space<hbm>> -> memref<10240x128xf32, #tpu.memory_space<hbm>>
      %dma_wait3A_1112 = arith.constant 0 : i32
      %dma_wait3A_1113 = tpu.memref_slice %dma_wait3A_1111[%mul3A_1099, %dma_wait3A_1112] : memref<10240x128xf32, #tpu.memory_space<hbm>> -> memref<640x128xf32, #tpu.memory_space<hbm>>
      %dma_wait3A_1114 = arith.constant 0 : i32
      %dma_wait3A_1115 = tpu.memref_slice %arg8[%mul3A_1097, %dma_wait3A_1114] : memref<10240x128xf32, #tpu.memory_space<vmem_shared>> -> memref<640x128xf32, #tpu.memory_space<vmem_shared>>
      tpu.wait_dma2 semaphore(%run_scoped3A : memref<!tpu.dma_semaphore, #tpu.memory_space<semaphore_mem>>) src(%dma_wait3A_1115 : memref<640x128xf32, #tpu.memory_space<vmem_shared>>) dst(%dma_wait3A_1113 : memref<640x128xf32, #tpu.memory_space<hbm>>)
      tpu.yield
    }) : () -> ()
    return
  }
}

module attributes {stable_mosaic.version = 14 : i64} {
  func.func @body(%arg0: memref<10000x128xf32, #tpu.memory_space<vmem>>, %arg1: memref<2x10240x128xf32, #tpu.memory_space<vmem>>, %arg2: memref<128x128xf32, #tpu.memory_space<vmem>>, %arg3: memref<1x128xf32, #tpu.memory_space<vmem>>, %arg4: memref<128x128xf32, #tpu.memory_space<vmem>>, %arg5: memref<10000x128xf32, #tpu.memory_space<vmem>>) attributes {dimension_semantics = [], scalar_prefetch = 0 : i64, scratch_operands = 0 : i64, tpu.core_type = #tpu.core_type<tc>} {
    %get3A = arith.constant 0 : index
    %get3A_0 = arith.constant 0 : index
    %get3A_1 = arith.constant 0 : index
    %get3A_2 = vector.load %arg1[%get3A, %get3A_0, %get3A_1] : memref<2x10240x128xf32, #tpu.memory_space<vmem>>, vector<1x10240x128xf32>
    %get3A_3 = vector.shape_cast %get3A_2 : vector<1x10240x128xf32> to vector<10240x128xf32>
    %get3A_4 = arith.constant 1 : index
    %get3A_5 = arith.constant 0 : index
    %get3A_6 = arith.constant 0 : index
    %get3A_7 = vector.load %arg1[%get3A_4, %get3A_5, %get3A_6] : memref<2x10240x128xf32, #tpu.memory_space<vmem>>, vector<1x10240x128xf32>
    %get3A_8 = vector.shape_cast %get3A_7 : vector<1x10240x128xf32> to vector<10240x128xf32>
    %add3A = arith.addf %get3A_3, %get3A_8 : vector<10240x128xf32>
    %get3A_9 = arith.constant 0 : index
    %get3A_10 = arith.constant 0 : index
    %get3A_11 = vector.load %arg2[%get3A_9, %get3A_10] : memref<128x128xf32, #tpu.memory_space<vmem>>, vector<128x128xf32>
    %dot_general3A = arith.constant dense<0.000000e+00> : vector<10240x128xf32>
    %dot_general3A_12 = tpu.matmul %add3A, %get3A_11, %dot_general3A {dimension_numbers = #tpu.dot_dimension_numbers<[1], [0], [0], [1], [0, 0, 1, 1], [], []>, transpose_lhs_hint = false} : vector<10240x128xf32>, vector<128x128xf32>, vector<10240x128xf32> -> vector<10240x128xf32>
    %slice3A = vector.extract_strided_slice %dot_general3A_12 {offsets = [0, 0], sizes = [10000, 128], strides = [1, 1]} : vector<10240x128xf32> to vector<10000x128xf32>
    %get3A_13 = arith.constant 0 : index
    %get3A_14 = arith.constant 0 : index
    %get3A_15 = vector.load %arg0[%get3A_13, %get3A_14] : memref<10000x128xf32, #tpu.memory_space<vmem>>, vector<10000x128xf32>
    %get3A_16 = arith.constant 0 : index
    %get3A_17 = arith.constant 0 : index
    %get3A_18 = vector.load %arg4[%get3A_16, %get3A_17] : memref<128x128xf32, #tpu.memory_space<vmem>>, vector<128x128xf32>
    %dot_general3A_19 = arith.constant dense<0.000000e+00> : vector<10000x128xf32>
    %dot_general3A_20 = tpu.matmul %get3A_15, %get3A_18, %dot_general3A_19 {dimension_numbers = #tpu.dot_dimension_numbers<[1], [0], [0], [1], [0, 0, 1, 1], [], []>, transpose_lhs_hint = false} : vector<10000x128xf32>, vector<128x128xf32>, vector<10000x128xf32> -> vector<10000x128xf32>
    %add3A_21 = arith.addf %slice3A, %dot_general3A_20 : vector<10000x128xf32>
    %get3A_22 = arith.constant 0 : index
    %get3A_23 = arith.constant 0 : index
    %get3A_24 = vector.load %arg3[%get3A_22, %get3A_23] : memref<1x128xf32, #tpu.memory_space<vmem>>, vector<1x128xf32>
    %add3A_25 = vector.broadcast %get3A_24 : vector<1x128xf32> to vector<10000x128xf32>
    %add3A_26 = arith.addf %add3A_21, %add3A_25 : vector<10000x128xf32>
    %gt3A = arith.constant 0.000000e+00 : f32
    %gt3A_27 = vector.broadcast %gt3A : f32 to vector<10000x128xf32>
    %gt3A_28 = arith.cmpf ogt, %add3A_26, %gt3A_27 : vector<10000x128xf32>
    %mul3A = arith.constant 0.00999999977 : f32
    %mul3A_29 = vector.broadcast %mul3A : f32 to vector<10000x128xf32>
    %mul3A_30 = arith.mulf %mul3A_29, %add3A_26 : vector<10000x128xf32>
    %select_n3A = arith.select %gt3A_28, %add3A_26, %mul3A_30 : vector<10000x128xi1>, vector<10000x128xf32>
    %swap3A = arith.constant 0 : index
    %swap3A_31 = arith.constant 0 : index
    %swap3A_32 = vector.load %arg5[%swap3A, %swap3A_31] : memref<10000x128xf32, #tpu.memory_space<vmem>>, vector<10000x128xf32>
    tpu.vector_store %arg5[%swap3A, %swap3A_31], %select_n3A {strides = array<i32>} : memref<10000x128xf32, #tpu.memory_space<vmem>>, vector<10000x128xf32>,
    return
  }
}

module attributes {stable_mosaic.version = 14 : i64} {
  func.func @body(%arg0: memref<10000x128xf32, #tpu.memory_space<vmem>>, %arg1: memref<2x10240x128xf32, #tpu.memory_space<vmem>>, %arg2: memref<128x128xf32, #tpu.memory_space<vmem>>, %arg3: memref<1x128xf32, #tpu.memory_space<vmem>>, %arg4: memref<128x128xf32, #tpu.memory_space<vmem>>, %arg5: memref<10000x128xf32, #tpu.memory_space<vmem>>) attributes {dimension_semantics = [], scalar_prefetch = 0 : i64, scratch_operands = 0 : i64, tpu.core_type = #tpu.core_type<tc>} {
    %get3A = arith.constant 0 : index
    %get3A_0 = arith.constant 0 : index
    %get3A_1 = arith.constant 0 : index
    %get3A_2 = vector.load %arg1[%get3A, %get3A_0, %get3A_1] : memref<2x10240x128xf32, #tpu.memory_space<vmem>>, vector<1x10240x128xf32>
    %get3A_3 = vector.shape_cast %get3A_2 : vector<1x10240x128xf32> to vector<10240x128xf32>
    %get3A_4 = arith.constant 1 : index
    %get3A_5 = arith.constant 0 : index
    %get3A_6 = arith.constant 0 : index
    %get3A_7 = vector.load %arg1[%get3A_4, %get3A_5, %get3A_6] : memref<2x10240x128xf32, #tpu.memory_space<vmem>>, vector<1x10240x128xf32>
    %get3A_8 = vector.shape_cast %get3A_7 : vector<1x10240x128xf32> to vector<10240x128xf32>
    %add3A = arith.addf %get3A_3, %get3A_8 : vector<10240x128xf32>
    %get3A_9 = arith.constant 0 : index
    %get3A_10 = arith.constant 0 : index
    %get3A_11 = vector.load %arg2[%get3A_9, %get3A_10] : memref<128x128xf32, #tpu.memory_space<vmem>>, vector<128x128xf32>
    %dot_general3A = arith.constant dense<0.000000e+00> : vector<10240x128xf32>
    %dot_general3A_12 = tpu.matmul %add3A, %get3A_11, %dot_general3A {dimension_numbers = #tpu.dot_dimension_numbers<[1], [0], [0], [1], [0, 0, 1, 1], [], []>, transpose_lhs_hint = false} : vector<10240x128xf32>, vector<128x128xf32>, vector<10240x128xf32> -> vector<10240x128xf32>
    %slice3A = vector.extract_strided_slice %dot_general3A_12 {offsets = [0, 0], sizes = [10000, 128], strides = [1, 1]} : vector<10240x128xf32> to vector<10000x128xf32>
    %get3A_13 = arith.constant 0 : index
    %get3A_14 = arith.constant 0 : index
    %get3A_15 = vector.load %arg0[%get3A_13, %get3A_14] : memref<10000x128xf32, #tpu.memory_space<vmem>>, vector<10000x128xf32>
    %get3A_16 = arith.constant 0 : index
    %get3A_17 = arith.constant 0 : index
    %get3A_18 = vector.load %arg4[%get3A_16, %get3A_17] : memref<128x128xf32, #tpu.memory_space<vmem>>, vector<128x128xf32>
    %dot_general3A_19 = arith.constant dense<0.000000e+00> : vector<10000x128xf32>
    %dot_general3A_20 = tpu.matmul %get3A_15, %get3A_18, %dot_general3A_19 {dimension_numbers = #tpu.dot_dimension_numbers<[1], [0], [0], [1], [0, 0, 1, 1], [], []>, transpose_lhs_hint = false} : vector<10000x128xf32>, vector<128x128xf32>, vector<10000x128xf32> -> vector<10000x128xf32>
    %add3A_21 = arith.addf %slice3A, %dot_general3A_20 : vector<10000x128xf32>
    %get3A_22 = arith.constant 0 : index
    %get3A_23 = arith.constant 0 : index
    %get3A_24 = vector.load %arg3[%get3A_22, %get3A_23] : memref<1x128xf32, #tpu.memory_space<vmem>>, vector<1x128xf32>
    %add3A_25 = vector.broadcast %get3A_24 : vector<1x128xf32> to vector<10000x128xf32>
    %add3A_26 = arith.addf %add3A_21, %add3A_25 : vector<10000x128xf32>
    %gt3A = arith.constant 0.000000e+00 : f32
    %gt3A_27 = vector.broadcast %gt3A : f32 to vector<10000x128xf32>
    %gt3A_28 = arith.cmpf ogt, %add3A_26, %gt3A_27 : vector<10000x128xf32>
    %mul3A = arith.constant 0.00999999977 : f32
    %mul3A_29 = vector.broadcast %mul3A : f32 to vector<10000x128xf32>
    %mul3A_30 = arith.mulf %mul3A_29, %add3A_26 : vector<10000x128xf32>
    %select_n3A = arith.select %gt3A_28, %add3A_26, %mul3A_30 : vector<10000x128xi1>, vector<10000x128xf32>
    %swap3A = arith.constant 0 : index
    %swap3A_31 = arith.constant 0 : index
    %swap3A_32 = vector.load %arg5[%swap3A, %swap3A_31] : memref<10000x128xf32, #tpu.memory_space<vmem>>, vector<10000x128xf32>
    tpu.vector_store %arg5[%swap3A, %swap3A_31], %select_n3A {strides = array<i32>} : memref<10000x128xf32, #tpu.memory_space<vmem>>, vector<10000x128xf32>,
    return
  }
}

</mosaic_0001>

<sc_bundles>
// kernel: kernel.6.cloned.1.call-start
scs
__scs_entry_jumppad:
0x0: {  	(pc) =	sbr.rel $0x88, $3  }
0x1: {  	(tag) =	ssettag $0x0;
	lr =	simm.s32 $0x1  }
0x2: {  	[smem:$0x3F99] =	sst lr;
	_ =	strace $0xD0000000  }
0x3: {  	_ = 	snop  }
0x4: {  	_ = 	snop  }
0x5: {  	_ = 	snop  }
0x6: {  	_ = 	snop  }
0x7: {  	_ = 	snop  }
__scs_overlays_trampoline_lowered:
0x8: {  	[smem:$0x3FA8] =	sst s0  }
0x9: {  	[smem:$0x3FA9] =	sst s1  }
0xa: {  	[smem:$0x3FAA] =	sst s2  }
0xb: {  	[smem:$0x3FAB] =	sst s3  }
0xc: {  	[smem:$0x3FAC] =	sst s4  }
0xd: {  	[smem:$0x3FAD] =	sst s5  }
0xe: {  	[smem:$0x3FAE] =	sst s6  }
0xf: {  	[smem:$0x3FAF] =	sst s7  }
0x10: {  	[smem:$0x3FB0] =	sst s8  }
0x11: {  	[smem:$0x3FB1] =	sst s9;
	s0 =	simm.s32 @!p0 $0x0  }
0x12: {  	s1 =	sld [smem:$0x3F97];
	s0 =	simm.s32 @p0 $0x1  }
0x13: {  	[smem:$0x3FB2] =	sst s0;
	s0 =	simm.s32 @!p1 $0x0  }
0x14: {  	s2 =	sld [smem:$0x3F96];
	s0 =	simm.s32 @p1 $0x1  }
0x15: {  	[smem:$0x3FB3] =	sst s0;
	s0 =	simm.s32 @!p2 $0x0  }
0x16: {  	s3 =	sld [smem:$0x3FDB];
	s0 =	simm.s32 @p2 $0x1  }
0x17: {  	s4 =	simm.s32 $0x1BF5;
	[smem:$0x3FB5] =	sst s0  }
0x18: {  	s0 =	sld [smem:$0x3F98];
	_ =	swait.ge [sflag:s4], $0x0  }
0x19: {  	s7 =	sld [smem:$0x3F99]  }
0x1a: {  	s8 =	sadd.s32 $0xFFFFE003, lr  }
0x1b: {  	s9 =	sadd.s32 $0xFFFFFEF7, lr;
	s5 =	simm.s32 $0xFFFFFFFF;
	p2 =	slt.u32 s8, $0xFFFFF086  }
0x1c: {  	p1 =	slt.u32 s9, $0xF7A;
	s5 =	simm.s32 @!p2 $0x0  }
0x1d: {  	s5 =	simm.s32 @p1 $0x1;
	p0 =	seq.s32 s7, s2  }
0x1e: {  	s7 =	smul.u32 @!p0 $0xF7A, s2;
	p2 =	seq.s32 @!p0 s5, $0x0  }
0x1f: {  	s9 =	smul.u32 $0xF7A, s1;
	s8 =	simm.s32 @!p0 $0x1BF5;
	p2 =	por !p2, p0  }
0x20: {  	[sflag:s8] =	ssyncset.s32 @!p0 $0xFFFFF086;
	s6 =	sadd.s32 @!p0 s3, s7;
	s7 =	simm.s32 @!p0 $0x108  }
0x21: {  	s3 =	sadd.s32 s3, s9;
	s6 =	sadd.s32 @!p0 $0x88, s6;
	s7 =	simm.s32 @p2 $0x1082  }
0x22: {  	[simem:s7], [sflag:s8] =	dma.local @!p0 [hbm:s6], $0xF7A  }
0x23: {  	s9 =	sor.u32 $0xD0000000, s2;
	s6 =	simm.s32 $0x108;
	_ =	swait.ge @!p0 [sflag:s8], $0x0  }
0x24: {  	s3 =	sadd.s32 $0x88, s3;
	s6 =	simm.s32 @!p1 $0x1082;
	[sflag:s4] =	ssyncset.s32 $0xFFFFF086  }
0x25: {  	[simem:s6], [sflag:s4] =	dma.local [hbm:s3], $0xF7A  }
0x26: {  	[smem:$0x3F99] =	sst s1;
	(tag) =	ssettag s2;
	_ =	strace s9  }
0x27: {  	s1 =	sld [smem:$0x3FA9]  }
0x28: {  	s2 =	sld [smem:$0x3FAA]  }
0x29: {  	s4 =	sld [smem:$0x3FAC]  }
0x2a: {  	p0 =	seq.s32 s5, $0x0;
	s5 =	sld [smem:$0x3FAD]  }
0x2b: {  	s6 =	sld [smem:$0x3FAE]  }
0x2c: {  	s7 =	sld [smem:$0x3FAF]  }
0x2d: {  	s3 =	simm.s32 $0x108;
	s8 =	sld [smem:$0x3FB0]  }
0x2e: {  	s3 =	simm.s32 @!p0 $0x1082;
	s9 =	sld [smem:$0x3FB1]  }
0x2f: {  	lr =	sadd.s32 s0, s3;
	s0 =	sld [smem:$0x3FA8]  }
0x30: {  	s3 =	sld [smem:$0x3FAB]  }
0x31: {  	[smem:$0x3FB4] =	sst s10  }
0x32: {  	s10 =	sld [smem:$0x3FB2];
	_ =	sdelay $0x3  }
0x33: {  	p0 =	seq.s32 s10, $0x1;
	s10 =	sld [smem:$0x3FB4];
	_ =	sdelay $0x3  }
0x34: {  	[smem:$0x3FB4] =	sst s10  }
0x35: {  	s10 =	sld [smem:$0x3FB3];
	_ =	sdelay $0x3  }
0x36: {  	p1 =	seq.s32 s10, $0x1;
	s10 =	sld [smem:$0x3FB4];
	_ =	sdelay $0x3  }
0x37: {  	[smem:$0x3FB4] =	sst s10  }
0x38: {  	s10 =	sld [smem:$0x3FB5]  }
0x39: {  	_ = 	snop;
	(pc) =	sbr.ind lr, $3  }
0x3a: {  	_ = 	snop  }
0x3b: {  	_ = 	snop  }
0x3c: {  	p2 =	seq.s32 s10, $0x1;
	s10 =	sld [smem:$0x3FB4]  }
0x3d: {  	_ =	shalt  }
0x3e: {  	_ =	shalt  }
0x3f: {  	_ =	shalt  }
0x40: {  	_ =	shalt  }
0x41: {  	_ =	shalt  }
0x42: {  	_ =	shalt  }
0x43: {  	_ =	shalt  }
0x44: {  	_ =	shalt  }
0x45: {  	_ =	shalt  }
0x46: {  	_ =	shalt  }
0x47: {  	_ =	shalt  }
0x48: {  	_ =	shalt  }
0x49: {  	_ =	shalt  }
0x4a: {  	_ =	shalt  }
0x4b: {  	_ =	shalt  }
0x4c: {  	_ =	shalt  }
0x4d: {  	_ =	shalt  }
0x4e: {  	_ =	shalt  }
0x4f: {  	_ =	shalt  }
0x50: {  	_ =	shalt  }
0x51: {  	_ =	shalt  }
0x52: {  	_ =	shalt  }
0x53: {  	_ =	shalt  }
0x54: {  	_ =	shalt  }
0x55: {  	_ =	shalt  }
0x56: {  	_ =	shalt  }
0x57: {  	_ =	shalt  }
0x58: {  	_ =	shalt  }
0x59: {  	_ =	shalt  }
0x5a: {  	_ =	shalt  }
0x5b: {  	_ =	shalt  }
0x5c: {  	_ =	shalt  }
0x5d: {  	_ =	shalt  }
0x5e: {  	_ =	shalt  }
0x5f: {  	_ =	shalt  }
0x60: {  	_ =	shalt  }
0x61: {  	_ =	shalt  }
0x62: {  	_ =	shalt  }
0x63: {  	_ =	shalt  }
0x64: {  	_ =	shalt  }
0x65: {  	_ =	shalt  }
0x66: {  	_ =	shalt  }
0x67: {  	_ =	shalt  }
0x68: {  	_ =	shalt  }
0x69: {  	_ =	shalt  }
0x6a: {  	_ =	shalt  }
0x6b: {  	_ =	shalt  }
0x6c: {  	_ =	shalt  }
0x6d: {  	_ =	shalt  }
0x6e: {  	_ =	shalt  }
0x6f: {  	_ =	shalt  }
0x70: {  	_ =	shalt  }
0x71: {  	_ =	shalt  }
0x72: {  	_ =	shalt  }
0x73: {  	_ =	shalt  }
0x74: {  	_ =	shalt  }
0x75: {  	_ =	shalt  }
0x76: {  	_ =	shalt  }
0x77: {  	_ =	shalt  }
0x78: {  	_ =	shalt  }
0x79: {  	_ =	shalt  }
0x7a: {  	_ =	shalt  }
0x7b: {  	_ =	shalt  }
0x7c: {  	_ =	shalt  }
0x7d: {  	_ =	shalt  }
0x7e: {  	_ =	shalt  }
0x7f: {  	_ =	shalt  }
0x80: {  	_ =	shalt  }
0x81: {  	_ =	shalt  }
0x82: {  	_ =	shalt  }
0x83: {  	_ =	shalt  }
0x84: {  	_ =	shalt  }
0x85: {  	_ =	shalt  }
0x86: {  	_ =	shalt  }
0x87: {  	_ =	shalt  }
.Lfunc_end0:
.L_simem_size_0:
called_computation_lowered:
.L_overlay_start_0:
0x88: {  	s2 =	sld [smem:$0x3FD9]  }
0x89: {  	s3 =	sld [smem:$0x3FFE];
	_ =	sdelay $0x1  }
0x8a: {  	s1 =	srdreg.scid  }
0x8b: {  	s0 =	sand.u32 $0x1, s1  }
0x8c: {  	s17 =	sshll.u32 s0, $0xA;
	s2 =	sadd.s32 s3, s2  }
0x8d: {  	s2 =	sadd.s32 s2, s17  }
0x8e: {  	[smem:$0x3FC0] =	sst s2  }
0x8f: {  	_ = 	snop  }
0x90: {  	s2 =	sld [smem:$0x3FC9];
	(tm) =	ssettm $0x1  }
0x91: {  	s18 =	sld [smem:$0x3FFB];
	_ =	sdelay $0x3  }
0x92: {  	_ =	strace s18  }
0x93: {  	s3 =	sld [smem:$0x3FFC];
	_ =	sdelay $0x3  }
0x94: {  	_ =	strace s3  }
0x95: {  	s3 =	sld [smem:$0x3FFD];
	_ =	sdelay $0x3  }
0x96: {  	_ =	strace s3  }
0x97: {  	_ =	strace $0x8FFFFFFF  }
0x98: {  	s19 =	sld [smem:$0x3FDB];
	_ =	sdelay $0x1  }
0x99: {  	s4 =	simm.s32 $_scs_section_size  }
0x9a: {  	s5 =	simm.s32 $_size__tile_overlayer_lowered;
	s6 =	simm.s32 $_tile_overlayer_lowered  }
0x9b: {  	s22 =	simm.s32 $0x1BFF;
	s21 =	sshll.u32 s6, $0x1;
	s3 =	sadd.s32 s4, s19  }
0x9c: {  	s7 =	simm.s32 $0x0;
	s20 =	sshll.u32 s5, $0x1;
	s5 =	sadd.s32 s21, s3  }
0x9d: {  	[timem:s7], [sflag:s22] =	dma.local [hbm:s5], s20  }
0x9e: {  	_ =	swait.ge [sflag:s22], s20  }
0x9f: {  	s4 =	ssub.s32 $0x0, s20;
	[sflag:s22] =	ssyncset.done $0x0  }
0xa0: {  	[sflag:s22] =	ssyncadd.s32 s4;
	_ =	sdelay $0x1  }
0xa1: {  	s23 =	simm.s32 $0x1B8B  }
0xa2: {  	_ =	swait.ge [sflag:s23], $0x1  }
0xa3: {  	[sflag:s23] =	ssyncset.done $0x0  }
0xa4: {  	s25 =	simm.s32 $0x1B8E;
	s24 =	sld [smem:$0x3FFE];
	[sflag:s23] =	ssyncadd.s32 $0xFFFFFFFF  }
0xa5: {  	s26 =	simm.s32 $execute0_lowered;
	[smem:$0x3FD2] =	sst s25  }
0xa6: {  	s5 =	sshll.u32 s26, $0x1;
	_ =	strace $0x80000046;
	[dreg:$0x1] =	wrdreg $0xFFFFFFFF  }
0xa7: {  	s28 =	simm.s32 $_size_execute0_lowered;
	s3 =	sadd.s32 s3, s5;
	[dreg:$0x0] =	wrdreg $0x0  }
0xa8: {  	s5 =	sshll.u32 s28, $0x1;
	[dreg:$0x2] =	wrdreg s3  }
0xa9: {  	[dreg:$0x3] =	wrdreg s5  }
0xaa: {  	[dreg:$0x4] =	wrdreg $0xC0  }
0xab: {  	_ =	task [dreg:s7], $0x5FFFF  }
0xac: {  	[dreg:$0x1] =	wrdreg $0xFFFFFFFF  }
0xad: {  	[dreg:$0x0] =	wrdreg $0x60  }
0xae: {  	[dreg:$0x2] =	wrdreg s2  }
0xaf: {  	[dreg:$0x3] =	wrdreg s24  }
0xb0: {  	[dreg:$0x4] =	wrdreg $0x84000  }
0xb1: {  	[dreg:$0x5] =	wrdreg $0x9  }
0xb2: {  	_ =	task.clear_ibuf [dreg:s7], $0x6FFFF;
	_ =	strace $0x90000046  }
0xb3: {  	s29 =	simm.s32 $0x9;
	_ =	strace $0x80000048  }
0xb4: {  	_ =	swait.ge [sflag:s29], $0x1  }
0xb5: {  	[sflag:s29] =	ssyncadd.s32 $0xFFFFFFFF  }
0xb6: {  	_ =	strace $0x90000048  }
0xb7: {  	_ =	sfence  }
0xb8: {  	s30 =	sld [smem:$0x0];
	_ =	sdelay $0x2  }
0xb9: {  	s31 =	sshll.u32 s1, $0xD;
	s1 =	sshrl.u32 s1, $0x2  }
0xba: {  	s3 =	sand.u32 $0x4000, s31;
	s1 =	sadd.s32 s1, s30  }
0xbb: {  	s0 =	sor.u32 s3, s0;
	s1 =	sshll.u32 s1, $0x11  }
0xbc: {  	s0 =	sor.u32 s1, s0  }
0xbd: {  	s0 =	sadd.s32 $0x8F2B, s0  }
0xbe: {  	[sflag:s0] =	ssyncadd.remote.s32 $0x1  }
0xbf: {  	_ =	sfence.sel $0xFFFF  }
0xc0: {  	[dreg:$0x0] =	wrdreg $0xFFFFFFFF;
	(pc) =	sbr.abs _section_cstart, $3  }
0xc1: {  	[dreg:$0x1] =	wrdreg $0xFFFFFFFF  }
0xc2: {  	_ =	task.clear_ibuf [dreg:s7], $0x2FFFF;
	_ =	strace $0x9FFFFFFF  }
0xc3: {  	(tm) =	ssettm $0x7FFFFFFF  }
tec
execute0_lowered:
.L_overlay_start_1:
0x0: {  	(tag) =	ssettag $0x1  }
0x1: {  	s1 =	rddreg [dreg:$0x0]  }
0x2: {  	s0 =	srdreg.scid;
	s5 =	rddreg [dreg:$0x1]  }
0x3: {  	s10 =	stileid.u32;
	s3 =	rddreg [dreg:$0x2];
	s4 =	simm.s32 $0x0  }
0x4: {  	s12 =	simm.s32 $0x100;
	s14 =	simm.s32 $0x200;
	s15 =	simm.s32 $0x1  }
0x5: {  	s16 =	simm.s32 $0x80;
	s17 =	simm.s32 $0x400;
	s18 =	simm.s32 $0x2  }
0x6: {  	s19 =	simm.s32 $0x4400;
	s28 =	simm.s32 $0x180;
	s29 =	simm.s32 $0x4  }
0x7: {  	s30 =	simm.s32 $0x280;
	s31 =	simm.s32 $0x380;
	s24 =	smul.u32 $0x2800, s10  }
0x8: {  	s0 =	sand.u32 $0x1, s0;
	[smem:$0x7FF] =	sst s4;
	s7 =	smul.u32 $0x50000, s10  }
0x9: {  	s25 =	sshll.u32 s10, $0x6;
	s2 =	sshll.u32 s0, $0x4;
	s6 =	smul.u32 $0x28000, s0  }
0xa: {  	_ =	strace $0x80000047;
	s0 =	ssub.s32 $0x2, s0;
	s2 =	sor.u32 s10, s2  }
0xb: {  	s8 =	sadd.s32 s24, s5;
	s9 =	sshrl.u32 s0, $0x1;
	s21 =	sshrl.u32 s7, $0x2  }
0xc: {  	s10 =	simm.s32 $0x8;
	s2 =	smul.u32 $0xA00, s2;
	s0 =	ssub.s32 s0, s9  }
0xd: {  	s22 =	sadd.s32 s21, s3;
	s23 =	sadd.s32 $0x15E00, s8;
	s21 =	simm.s32 $0x300  }
0xe: {  	[dreg:$0x4] =	wrdreg s23;
	s0 =	smax.u32 s0, $0x1;
	s9 =	sshrl.u32 s22, $0x3  }
0xf: {  	s22 =	simm.s32 $0x5;
	s23 =	simm.s32 $0x7;
	s2 =	sadd.s32 s2, s5  }
0x10: {  	s5 =	sadd.s32 s6, s5;
	s6 =	sor.u32 $0x1C08, s25;
	[dreg:$0x5] =	wrdreg s0  }
0x11: {  	s25 =	simm.s32 $0x3;
	s7 =	sadd.s32 $0x1E00, s2;
	s26 =	sadd.s32 $0x3DE00, s5  }
0x12: {  	s2 =	simm.s32 $0x0;
	s11 =	sadd.s32 $0x20, s7;
	s13 =	sadd.s32 $0x40, s7  }
0x13: {  	s20 =	sadd.s32 $0x60, s7;
	s24 =	sadd.s32 s24, s26;
	s26 =	simm.s32 $0x6  }
.LBB2_1:
0x14: {  	s0 =	rddreg [dreg:$0x4]  }
0x15: {  	[spmem:s9], [sflag:s6] =	dma.local [hbm:s0], $0x2800  }
0x16: {  	_ =	swait.ge [sflag:s10], $0x2800  }
0x17: {  	[sflag:s10] =	ssyncset.done $0x0  }
0x18: {  	[sflag:s10] =	ssyncadd.s32 $0xFFFFD800  }
0x19: {  	[tilespmem:s4], [sflag:$0x1] =	stream.linear.gather [hbm4b:s7+s4], $0x100, $0x38;
	[tilespmem:$0x1C400] =	vst v63  }
0x1a: {  	_ = 	snop  }
0x1b: {  	[tilespmem:s12], [sflag:$0x2] =	stream.linear.gather [hbm4b:s11+s4], $0x100, $0x38;
	[tilespmem:$0x1C400] =	vst v63  }
0x1c: {  	_ = 	snop  }
0x1d: {  	[tilespmem:s14], [sflag:$0x3] =	stream.linear.gather [hbm4b:s13+s4], $0x100, $0x38;
	[tilespmem:$0x1C400] =	vst v63  }
0x1e: {  	_ =	swait.ge [sflag:s15], $0x100  }
0x1f: {  	[sflag:s15] =	ssyncset.done $0x0  }
0x20: {  	[sflag:s15] =	ssyncadd.s32 $0xFFFFFF00  }
0x21: {  	[tilespmem:s17], [sflag:$0x5] =	stream.indirect.gather [hbm4b:s1+s16], $0x80, s4, s16, $0xb8;
	[tilespmem:$0x1C400] =	vst v63  }
0x22: {  	[bflag:$0x0] =	sbarrier.arrive $0xFFFF  }
0x23: {  	_ =	swait.ge [sflag:s18], $0x100  }
0x24: {  	[sflag:s18] =	ssyncset.done $0x0  }
0x25: {  	[sflag:s18] =	ssyncadd.s32 $0xFFFFFF00  }
0x26: {  	[tilespmem:s19], [sflag:$0x6] =	stream.indirect.gather [hbm4b:s1+s16], $0x80, s12, s16, $0xb8;
	[tilespmem:$0x1C400] =	vst v63  }
0x27: {  	_ = 	snop  }
0x28: {  	[tilespmem:s21], [sflag:$0x4] =	stream.linear.gather [hbm4b:s20+s4], $0x100, $0x38;
	[tilespmem:$0x1C400] =	vst v63  }
0x29: {  	_ =	swait.ge [sflag:s22], $0x4000  }
0x2a: {  	[sflag:s22] =	ssyncset.done $0x0  }
0x2b: {  	[sflag:s22] =	ssyncadd.s32 $0xFFFFC000  }
0x2c: {  	[spmem:s3] =	stream.indirect.scatter.add.f32 [tilespmem:s17], [sflag:$0x7], $0x80, s16, s16, $0xb8;
	[tilespmem:$0x1C400] =	vst v63  }
0x2d: {  	_ =	swait.ge [sflag:s23], $0x4000  }
0x2e: {  	[sflag:s23] =	ssyncset.done $0x0  }
0x2f: {  	[sflag:s23] =	ssyncadd.s32 $0xFFFFC000  }
0x30: {  	_ =	swait.ge [sflag:s25], $0x100  }
0x31: {  	[sflag:s25] =	ssyncset.done $0x0  }
0x32: {  	[sflag:s25] =	ssyncadd.s32 $0xFFFFFF00  }
0x33: {  	[tilespmem:s17], [sflag:$0x5] =	stream.indirect.gather [hbm4b:s1+s16], $0x80, s14, s16, $0xb8;
	[tilespmem:$0x1C400] =	vst v63  }
0x34: {  	s5 =	sadd.s32 $0x80, s7  }
0x35: {  	[tilespmem:s4], [sflag:$0x1] =	stream.linear.gather [hbm4b:s5+s4], $0x100, $0x38;
	[tilespmem:$0x1C400] =	vst v63  }
0x36: {  	_ =	swait.ge [sflag:s26], $0x4000  }
0x37: {  	[sflag:s26] =	ssyncset.done $0x0  }
0x38: {  	[sflag:s26] =	ssyncadd.s32 $0xFFFFC000  }
0x39: {  	[spmem:s3] =	stream.indirect.scatter.add.f32 [tilespmem:s19], [sflag:$0x7], $0x80, s28, s16, $0xb8;
	[tilespmem:$0x1C400] =	vst v63  }
0x3a: {  	_ =	swait.ge [sflag:s23], $0x4000  }
0x3b: {  	[sflag:s23] =	ssyncset.done $0x0  }
0x3c: {  	[sflag:s23] =	ssyncadd.s32 $0xFFFFC000  }
0x3d: {  	_ =	swait.ge [sflag:s29], $0x100  }
0x3e: {  	[sflag:s29] =	ssyncset.done $0x0  }
0x3f: {  	[sflag:s29] =	ssyncadd.s32 $0xFFFFFF00  }
0x40: {  	[tilespmem:s19], [sflag:$0x6] =	stream.indirect.gather [hbm4b:s1+s16], $0x80, s21, s16, $0xb8;
	[tilespmem:$0x1C400] =	vst v63  }
0x41: {  	s8 =	sadd.s32 $0xA0, s7  }
0x42: {  	[tilespmem:s12], [sflag:$0x2] =	stream.linear.gather [hbm4b:s8+s4], $0x100, $0x38;
	[tilespmem:$0x1C400] =	vst v63  }
0x43: {  	_ =	swait.ge [sflag:s22], $0x4000  }
0x44: {  	[sflag:s22] =	ssyncset.done $0x0  }
0x45: {  	[sflag:s22] =	ssyncadd.s32 $0xFFFFC000  }
0x46: {  	[spmem:s3] =	stream.indirect.scatter.add.f32 [tilespmem:s17], [sflag:$0x7], $0x80, s30, s16, $0xb8;
	[tilespmem:$0x1C400] =	vst v63  }
0x47: {  	_ =	swait.ge [sflag:s23], $0x4000  }
0x48: {  	[sflag:s23] =	ssyncset.done $0x0  }
0x49: {  	[sflag:s23] =	ssyncadd.s32 $0xFFFFC000  }
0x4a: {  	_ =	swait.ge [sflag:s15], $0x100  }
0x4b: {  	[sflag:s15] =	ssyncset.done $0x0  }
0x4c: {  	[sflag:s15] =	ssyncadd.s32 $0xFFFFFF00  }
0x4d: {  	[tilespmem:s17], [sflag:$0x5] =	stream.indirect.gather [hbm4b:s1+s16], $0x80, s4, s16, $0xb8;
	[tilespmem:$0x1C400] =	vst v63  }
0x4e: {  	s5 =	sadd.s32 $0xC0, s7  }
0x4f: {  	[tilespmem:s14], [sflag:$0x3] =	stream.linear.gather [hbm4b:s5+s4], $0x100, $0x38;
	[tilespmem:$0x1C400] =	vst v63  }
0x50: {  	_ =	swait.ge [sflag:s26], $0x4000  }
0x51: {  	[sflag:s26] =	ssyncset.done $0x0  }
0x52: {  	[sflag:s26] =	ssyncadd.s32 $0xFFFFC000  }
0x53: {  	[spmem:s3] =	stream.indirect.scatter.add.f32 [tilespmem:s19], [sflag:$0x7], $0x80, s31, s16, $0xb8;
	[tilespmem:$0x1C400] =	vst v63  }
0x54: {  	_ =	swait.ge [sflag:s23], $0x4000  }
0x55: {  	[sflag:s23] =	ssyncset.done $0x0  }
0x56: {  	[sflag:s23] =	ssyncadd.s32 $0xFFFFC000  }
0x57: {  	_ =	swait.ge [sflag:s18], $0x100  }
0x58: {  	[sflag:s18] =	ssyncset.done $0x0  }
0x59: {  	s0 =	sadd.s32 $0xFFFFF700, s7;
	[sflag:s18] =	ssyncadd.s32 $0xFFFFFF00  }
0x5a: {  	[tilespmem:s19], [sflag:$0x6] =	stream.indirect.gather [hbm4b:s1+s16], $0x80, s12, s16, $0xb8;
	[tilespmem:$0x1C400] =	vst v63  }
0x5b: {  	s5 =	sadd.s32 $0x9E0, s0  }
0x5c: {  	[tilespmem:s21], [sflag:$0x4] =	stream.linear.gather [hbm4b:s5+s4], $0x100, $0x38;
	[tilespmem:$0x1C400] =	vst v63  }
0x5d: {  	_ =	swait.ge [sflag:s22], $0x4000  }
0x5e: {  	[sflag:s22] =	ssyncset.done $0x0  }
0x5f: {  	[sflag:s22] =	ssyncadd.s32 $0xFFFFC000  }
0x60: {  	[spmem:s3] =	stream.indirect.scatter.add.f32 [tilespmem:s17], [sflag:$0x7], $0x80, s16, s16, $0xb8;
	[tilespmem:$0x1C400] =	vst v63  }
0x61: {  	_ =	swait.ge [sflag:s23], $0x4000  }
0x62: {  	[sflag:s23] =	ssyncset.done $0x0  }
0x63: {  	[sflag:s23] =	ssyncadd.s32 $0xFFFFC000  }
0x64: {  	_ =	swait.ge [sflag:s25], $0x100  }
0x65: {  	[sflag:s25] =	ssyncset.done $0x0  }
0x66: {  	[sflag:s25] =	ssyncadd.s32 $0xFFFFFF00  }
0x67: {  	[tilespmem:s17], [sflag:$0x5] =	stream.indirect.gather [hbm4b:s1+s16], $0x80, s14, s16, $0xb8;
	[tilespmem:$0x1C400] =	vst v63  }
0x68: {  	s8 =	sadd.s32 $0xA00, s0  }
0x69: {  	[tilespmem:s4], [sflag:$0x1] =	stream.linear.gather [hbm4b:s8+s4], $0x100, $0x38;
	[tilespmem:$0x1C400] =	vst v63  }
0x6a: {  	_ =	swait.ge [sflag:s26], $0x4000  }
0x6b: {  	[sflag:s26] =	ssyncset.done $0x0  }
0x6c: {  	[sflag:s26] =	ssyncadd.s32 $0xFFFFC000  }
0x6d: {  	[spmem:s3] =	stream.indirect.scatter.add.f32 [tilespmem:s19], [sflag:$0x7], $0x80, s28, s16, $0xb8;
	[tilespmem:$0x1C400] =	vst v63  }
0x6e: {  	_ =	swait.ge [sflag:s23], $0x4000  }
0x6f: {  	[sflag:s23] =	ssyncset.done $0x0  }
0x70: {  	[sflag:s23] =	ssyncadd.s32 $0xFFFFC000  }
0x71: {  	_ =	swait.ge [sflag:s29], $0x100  }
0x72: {  	[sflag:s29] =	ssyncset.done $0x0  }
0x73: {  	[sflag:s29] =	ssyncadd.s32 $0xFFFFFF00  }
0x74: {  	[tilespmem:s19], [sflag:$0x6] =	stream.indirect.gather [hbm4b:s1+s16], $0x80, s21, s16, $0xb8;
	[tilespmem:$0x1C400] =	vst v63  }
0x75: {  	s8 =	sadd.s32 $0xA20, s0  }
0x76: {  	[tilespmem:s12], [sflag:$0x2] =	stream.linear.gather [hbm4b:s8+s4], $0x100, $0x38;
	[tilespmem:$0x1C400] =	vst v63  }
0x77: {  	_ =	swait.ge [sflag:s22], $0x4000  }
0x78: {  	[sflag:s22] =	ssyncset.done $0x0  }
0x79: {  	[sflag:s22] =	ssyncadd.s32 $0xFFFFC000  }
0x7a: {  	[spmem:s3] =	stream.indirect.scatter.add.f32 [tilespmem:s17], [sflag:$0x7], $0x80, s30, s16, $0xb8;
	[tilespmem:$0x1C400] =	vst v63  }
0x7b: {  	_ =	swait.ge [sflag:s23], $0x4000  }
0x7c: {  	[sflag:s23] =	ssyncset.done $0x0  }
0x7d: {  	[sflag:s23] =	ssyncadd.s32 $0xFFFFC000  }
0x7e: {  	_ =	swait.ge [sflag:s15], $0x100  }
0x7f: {  	[sflag:s15] =	ssyncset.done $0x0  }
0x80: {  	[sflag:s15] =	ssyncadd.s32 $0xFFFFFF00  }
0x81: {  	[tilespmem:s17], [sflag:$0x5] =	stream.indirect.gather [hbm4b:s1+s16], $0x80, s4, s16, $0xb8;
	[tilespmem:$0x1C400] =	vst v63  }
0x82: {  	s0 =	sadd.s32 $0xA40, s0  }
0x83: {  	[tilespmem:s14], [sflag:$0x3] =	stream.linear.gather [hbm4b:s0+s4], $0x100, $0x38;
	[tilespmem:$0x1C400] =	vst v63  }
0x84: {  	_ =	swait.ge [sflag:s26], $0x4000  }
0x85: {  	[sflag:s26] =	ssyncset.done $0x0  }
0x86: {  	[sflag:s26] =	ssyncadd.s32 $0xFFFFC000  }
0x87: {  	[spmem:s3] =	stream.indirect.scatter.add.f32 [tilespmem:s19], [sflag:$0x7], $0x80, s31, s16, $0xb8;
	[tilespmem:$0x1C400] =	vst v63  }
0x88: {  	_ =	swait.ge [sflag:s23], $0x4000  }
0x89: {  	s0 =	simm.s32 $0xFFFFF780;
	[sflag:s23] =	ssyncset.done $0x0  }
.LBB2_2:
0x8a: {  	p0 =	sne.s32 s0, $0xFFFFFF80  }
0x8b: {  	[sflag:s23] =	ssyncadd.s32 $0xFFFFC000;
	s5 =	smov.u32 s0;
	s0 =	sadd.s32 $0x80, s0  }
0x8c: {  	_ =	swait.ge [sflag:s18], $0x100  }
0x8d: {  	[sflag:s18] =	ssyncset.done $0x0  }
0x8e: {  	s5 =	sadd.s32 s5, s7;
	[sflag:s18] =	ssyncadd.s32 $0xFFFFFF00  }
0x8f: {  	[tilespmem:s19], [sflag:$0x6] =	stream.indirect.gather [hbm4b:s1+s16], $0x80, s12, s16, $0xb8;
	[tilespmem:$0x1C400] =	vst v63  }
0x90: {  	s8 =	sadd.s32 $0x9E0, s5  }
0x91: {  	[tilespmem:s21], [sflag:$0x4] =	stream.linear.gather [hbm4b:s8+s4], $0x100, $0x38;
	[tilespmem:$0x1C400] =	vst v63  }
0x92: {  	_ =	swait.ge [sflag:s22], $0x4000  }
0x93: {  	[sflag:s22] =	ssyncset.done $0x0  }
0x94: {  	[sflag:s22] =	ssyncadd.s32 $0xFFFFC000  }
0x95: {  	[spmem:s3] =	stream.indirect.scatter.add.f32 [tilespmem:s17], [sflag:$0x7], $0x80, s16, s16, $0xb8;
	[tilespmem:$0x1C400] =	vst v63  }
0x96: {  	_ =	swait.ge [sflag:s23], $0x4000  }
0x97: {  	[sflag:s23] =	ssyncset.done $0x0  }
0x98: {  	[sflag:s23] =	ssyncadd.s32 $0xFFFFC000  }
0x99: {  	_ =	swait.ge [sflag:s25], $0x100  }
0x9a: {  	[sflag:s25] =	ssyncset.done $0x0  }
0x9b: {  	[sflag:s25] =	ssyncadd.s32 $0xFFFFFF00  }
0x9c: {  	[tilespmem:s17], [sflag:$0x5] =	stream.indirect.gather [hbm4b:s1+s16], $0x80, s14, s16, $0xb8;
	[tilespmem:$0x1C400] =	vst v63  }
0x9d: {  	s8 =	sadd.s32 $0xA00, s5  }
0x9e: {  	[tilespmem:s4], [sflag:$0x1] =	stream.linear.gather [hbm4b:s8+s4], $0x100, $0x38;
	[tilespmem:$0x1C400] =	vst v63  }
0x9f: {  	_ =	swait.ge [sflag:s26], $0x4000  }
0xa0: {  	[sflag:s26] =	ssyncset.done $0x0  }
0xa1: {  	[sflag:s26] =	ssyncadd.s32 $0xFFFFC000  }
0xa2: {  	[spmem:s3] =	stream.indirect.scatter.add.f32 [tilespmem:s19], [sflag:$0x7], $0x80, s28, s16, $0xb8;
	[tilespmem:$0x1C400] =	vst v63  }
0xa3: {  	_ =	swait.ge [sflag:s23], $0x4000  }
0xa4: {  	[sflag:s23] =	ssyncset.done $0x0  }
0xa5: {  	[sflag:s23] =	ssyncadd.s32 $0xFFFFC000  }
0xa6: {  	_ =	swait.ge [sflag:s29], $0x100  }
0xa7: {  	[sflag:s29] =	ssyncset.done $0x0  }
0xa8: {  	[sflag:s29] =	ssyncadd.s32 $0xFFFFFF00  }
0xa9: {  	[tilespmem:s19], [sflag:$0x6] =	stream.indirect.gather [hbm4b:s1+s16], $0x80, s21, s16, $0xb8;
	[tilespmem:$0x1C400] =	vst v63  }
0xaa: {  	s8 =	sadd.s32 $0xA20, s5  }
0xab: {  	[tilespmem:s12], [sflag:$0x2] =	stream.linear.gather [hbm4b:s8+s4], $0x100, $0x38;
	[tilespmem:$0x1C400] =	vst v63  }
0xac: {  	_ =	swait.ge [sflag:s22], $0x4000  }
0xad: {  	[sflag:s22] =	ssyncset.done $0x0  }
0xae: {  	[sflag:s22] =	ssyncadd.s32 $0xFFFFC000  }
0xaf: {  	[spmem:s3] =	stream.indirect.scatter.add.f32 [tilespmem:s17], [sflag:$0x7], $0x80, s30, s16, $0xb8;
	[tilespmem:$0x1C400] =	vst v63  }
0xb0: {  	_ =	swait.ge [sflag:s23], $0x4000  }
0xb1: {  	[sflag:s23] =	ssyncset.done $0x0  }
0xb2: {  	[sflag:s23] =	ssyncadd.s32 $0xFFFFC000  }
0xb3: {  	_ =	swait.ge [sflag:s15], $0x100  }
0xb4: {  	[sflag:s15] =	ssyncset.done $0x0  }
0xb5: {  	[sflag:s15] =	ssyncadd.s32 $0xFFFFFF00  }
0xb6: {  	[tilespmem:s17], [sflag:$0x5] =	stream.indirect.gather [hbm4b:s1+s16], $0x80, s4, s16, $0xb8;
	[tilespmem:$0x1C400] =	vst v63  }
0xb7: {  	s5 =	sadd.s32 $0xA40, s5  }
0xb8: {  	[tilespmem:s14], [sflag:$0x3] =	stream.linear.gather [hbm4b:s5+s4], $0x100, $0x38;
	[tilespmem:$0x1C400] =	vst v63  }
0xb9: {  	_ =	swait.ge [sflag:s26], $0x4000  }
.Ltmp0:
0xba: {  	[sflag:s26] =	ssyncset.done $0x0;
	(pc) =	sbr.rel @p0 .LBB2_2-.Ltmp0, $4  }
0xbb: {  	[sflag:s26] =	ssyncadd.s32 $0xFFFFC000  }
0xbc: {  	[spmem:s3] =	stream.indirect.scatter.add.f32 [tilespmem:s19], [sflag:$0x7], $0x80, s31, s16, $0xb8;
	[tilespmem:$0x1C400] =	vst v63  }
0xbd: {  	_ =	swait.ge [sflag:s23], $0x4000  }
0xbe: {  	[sflag:s23] =	ssyncset.done $0x0  }
0xbf: {  	[sflag:s23] =	ssyncadd.s32 $0xFFFFC000  }
0xc0: {  	_ =	swait.ge [sflag:s18], $0x100  }
0xc1: {  	[sflag:s18] =	ssyncset.done $0x0  }
0xc2: {  	[sflag:s18] =	ssyncadd.s32 $0xFFFFFF00  }
0xc3: {  	[tilespmem:s19], [sflag:$0x6] =	stream.indirect.gather [hbm4b:s1+s16], $0x80, s12, s16, $0xb8;
	[tilespmem:$0x1C400] =	vst v63  }
0xc4: {  	s0 =	sadd.s32 $0x9E0, s7  }
0xc5: {  	[tilespmem:s21], [sflag:$0x4] =	stream.linear.gather [hbm4b:s0+s4], $0x100, $0x38;
	[tilespmem:$0x1C400] =	vst v63  }
0xc6: {  	_ =	swait.ge [sflag:s22], $0x4000  }
0xc7: {  	[sflag:s22] =	ssyncset.done $0x0  }
0xc8: {  	[sflag:s22] =	ssyncadd.s32 $0xFFFFC000  }
0xc9: {  	[spmem:s3] =	stream.indirect.scatter.add.f32 [tilespmem:s17], [sflag:$0x7], $0x80, s16, s16, $0xb8;
	[tilespmem:$0x1C400] =	vst v63  }
0xca: {  	_ =	swait.ge [sflag:s23], $0x4000  }
0xcb: {  	[sflag:s23] =	ssyncset.done $0x0  }
0xcc: {  	[sflag:s23] =	ssyncadd.s32 $0xFFFFC000  }
0xcd: {  	_ =	swait.ge [sflag:s25], $0x100  }
0xce: {  	[sflag:s25] =	ssyncset.done $0x0  }
0xcf: {  	[sflag:s25] =	ssyncadd.s32 $0xFFFFFF00  }
0xd0: {  	[tilespmem:s17], [sflag:$0x5] =	stream.indirect.gather [hbm4b:s1+s16], $0x80, s14, s16, $0xb8;
	[tilespmem:$0x1C400] =	vst v63  }
0xd1: {  	_ =	swait.ge [sflag:s26], $0x4000  }
0xd2: {  	[sflag:s26] =	ssyncset.done $0x0  }
0xd3: {  	[sflag:s26] =	ssyncadd.s32 $0xFFFFC000  }
0xd4: {  	[spmem:s3] =	stream.indirect.scatter.add.f32 [tilespmem:s19], [sflag:$0x7], $0x80, s28, s16, $0xb8;
	[tilespmem:$0x1C400] =	vst v63  }
0xd5: {  	_ =	swait.ge [sflag:s23], $0x4000  }
0xd6: {  	[sflag:s23] =	ssyncset.done $0x0  }
0xd7: {  	[sflag:s23] =	ssyncadd.s32 $0xFFFFC000  }
0xd8: {  	_ =	swait.ge [sflag:s29], $0x100  }
0xd9: {  	[sflag:s29] =	ssyncset.done $0x0  }
0xda: {  	[sflag:s29] =	ssyncadd.s32 $0xFFFFFF00  }
0xdb: {  	[tilespmem:s19], [sflag:$0x6] =	stream.indirect.gather [hbm4b:s1+s16], $0x80, s21, s16, $0xb8;
	[tilespmem:$0x1C400] =	vst v63  }
0xdc: {  	_ =	swait.ge [sflag:s22], $0x4000  }
0xdd: {  	[sflag:s22] =	ssyncset.done $0x0  }
0xde: {  	[sflag:s22] =	ssyncadd.s32 $0xFFFFC000  }
0xdf: {  	[spmem:s3] =	stream.indirect.scatter.add.f32 [tilespmem:s17], [sflag:$0x7], $0x80, s30, s16, $0xb8;
	[tilespmem:$0x1C400] =	vst v63  }
0xe0: {  	_ =	swait.ge [sflag:s23], $0x4000  }
0xe1: {  	[sflag:s23] =	ssyncset.done $0x0  }
0xe2: {  	[sflag:s23] =	ssyncadd.s32 $0xFFFFC000  }
0xe3: {  	_ =	swait.ge [sflag:s26], $0x4000  }
0xe4: {  	[sflag:s26] =	ssyncset.done $0x0  }
0xe5: {  	[sflag:s26] =	ssyncadd.s32 $0xFFFFC000  }
0xe6: {  	[spmem:s3] =	stream.indirect.scatter.add.f32 [tilespmem:s19], [sflag:$0x7], $0x80, s31, s16, $0xb8;
	[tilespmem:$0x1C400] =	vst v63  }
0xe7: {  	_ =	swait.ge [sflag:s23], $0x4000  }
0xe8: {  	[sflag:s23] =	ssyncset.done $0x0  }
0xe9: {  	[sflag:s23] =	ssyncadd.s32 $0xFFFFC000  }
0xea: {  	[bflag:$0x0] =	sbarrier.arrive $0xFFFF  }
0xeb: {  	[hbm:s24], [sflag:s6] =	dma.local [spmem:s9], $0x2800  }
0xec: {  	_ =	swait.ge [sflag:s10], $0x2800  }
0xed: {  	s2 =	sadd.s32 $0x1, s2;
	s8 =	rddreg [dreg:$0x5]  }
0xee: {  	p0 =	sne.s32 s2, s8  }
.Ltmp1:
0xef: {  	_ = 	snop;
	(pc) =	sbr.rel @p0 .LBB2_1-.Ltmp1, $3  }
0xf0: {  	_ =	sdelay $0x1  }
0xf1: {  	[sflag:s10] =	ssyncset.done $0x0  }
0xf2: {  	[sflag:s10] =	ssyncadd.s32 $0xFFFFD800  }
0xf3: {  	_ =	sfence.sel $0x180000  }
0xf4: {  	[bflag:$0x0] =	sbarrier.arrive $0xFFFF  }
0xf5: {  	_ =	strace $0x90000047  }
0xf6: {  	s0 =	stileid.u32;
	[bflag:$0x2] =	sbarrier.arrive $0xFFFF  }
0xf7: {  	p0 =	sne.s32 s0, $0x0;
	s0 =	rddreg [dreg:$0x3]  }
0xf8: {  	s0 =	sadd.s32 @!p0 $0x100000, s0  }
0xf9: {  	[sflag:s0] =	ssyncadd.tile.s32 @!p0 $0x1;
	_ =	shalt  }
.Lfunc_end2:
_tile_overlayer_lowered:
.L_overlay_start_2:
0xfa: {  	(tag) =	ssettag $0x2  }
0xfb: {  	s0 =	rddreg [dreg:$0x0];
	s2 =	stileid.u32  }
0xfc: {  	s1 =	rddreg [dreg:$0x1];
	p0 =	sne.s32 s2, $0x0  }
0xfd: {  	s3 =	rddreg [dreg:$0x2];
	[bflag:$0x3] =	sbarrier.arrive $0xFFFF;
	s2 =	simm.s32 @!p0 $0x1C08  }
0xfe: {  	[timem:s3], [sflag:s2] =	dma.local @!p0 [hbm:s0], s1  }
0xff: {  	s0 =	simm.s32 @!p0 $0x8  }
0x100: {  	_ =	swait.ge @!p0 [sflag:s0], s1  }
0x101: {  	s1 =	ssub.s32 @!p0 $0x0, s1;
	[sflag:s0] =	ssyncset.done @!p0 $0x0  }
0x102: {  	[sflag:s0] =	ssyncadd.s32 @!p0 s1  }
0x103: {  	[bflag:$0x3] =	sbarrier.arrive $0xFFFF  }
0x104: {  	_ =	shalt  }

// kernel: kernel.9.cloned.1.call-start
scs
__scs_entry_jumppad:
0x0: {  	(pc) =	sbr.rel $0x88, $3  }
0x1: {  	(tag) =	ssettag $0x0;
	lr =	simm.s32 $0x1  }
0x2: {  	[smem:$0x3F99] =	sst lr;
	_ =	strace $0xD0000000  }
0x3: {  	_ = 	snop  }
0x4: {  	_ = 	snop  }
0x5: {  	_ = 	snop  }
0x6: {  	_ = 	snop  }
0x7: {  	_ = 	snop  }
__scs_overlays_trampoline_lowered:
0x8: {  	[smem:$0x3FA8] =	sst s0  }
0x9: {  	[smem:$0x3FA9] =	sst s1  }
0xa: {  	[smem:$0x3FAA] =	sst s2  }
0xb: {  	[smem:$0x3FAB] =	sst s3  }
0xc: {  	[smem:$0x3FAC] =	sst s4  }
0xd: {  	[smem:$0x3FAD] =	sst s5  }
0xe: {  	[smem:$0x3FAE] =	sst s6  }
0xf: {  	[smem:$0x3FAF] =	sst s7  }
0x10: {  	[smem:$0x3FB0] =	sst s8  }
0x11: {  	[smem:$0x3FB1] =	sst s9;
	s0 =	simm.s32 @!p0 $0x0  }
0x12: {  	s1 =	sld [smem:$0x3F97];
	s0 =	simm.s32 @p0 $0x1  }
0x13: {  	[smem:$0x3FB2] =	sst s0;
	s0 =	simm.s32 @!p1 $0x0  }
0x14: {  	s2 =	sld [smem:$0x3F96];
	s0 =	simm.s32 @p1 $0x1  }
0x15: {  	[smem:$0x3FB3] =	sst s0;
	s0 =	simm.s32 @!p2 $0x0  }
0x16: {  	s3 =	sld [smem:$0x3FDB];
	s0 =	simm.s32 @p2 $0x1  }
0x17: {  	s4 =	simm.s32 $0x1BF5;
	[smem:$0x3FB5] =	sst s0  }
0x18: {  	s0 =	sld [smem:$0x3F98];
	_ =	swait.ge [sflag:s4], $0x0  }
0x19: {  	s7 =	sld [smem:$0x3F99]  }
0x1a: {  	s8 =	sadd.s32 $0xFFFFE003, lr  }
0x1b: {  	s9 =	sadd.s32 $0xFFFFFEF7, lr;
	s5 =	simm.s32 $0xFFFFFFFF;
	p2 =	slt.u32 s8, $0xFFFFF086  }
0x1c: {  	p1 =	slt.u32 s9, $0xF7A;
	s5 =	simm.s32 @!p2 $0x0  }
0x1d: {  	s5 =	simm.s32 @p1 $0x1;
	p0 =	seq.s32 s7, s2  }
0x1e: {  	s7 =	smul.u32 @!p0 $0xF7A, s2;
	p2 =	seq.s32 @!p0 s5, $0x0  }
0x1f: {  	s9 =	smul.u32 $0xF7A, s1;
	s8 =	simm.s32 @!p0 $0x1BF5;
	p2 =	por !p2, p0  }
0x20: {  	[sflag:s8] =	ssyncset.s32 @!p0 $0xFFFFF086;
	s6 =	sadd.s32 @!p0 s3, s7;
	s7 =	simm.s32 @!p0 $0x108  }
0x21: {  	s3 =	sadd.s32 s3, s9;
	s6 =	sadd.s32 @!p0 $0x88, s6;
	s7 =	simm.s32 @p2 $0x1082  }
0x22: {  	[simem:s7], [sflag:s8] =	dma.local @!p0 [hbm:s6], $0xF7A  }
0x23: {  	s9 =	sor.u32 $0xD0000000, s2;
	s6 =	simm.s32 $0x108;
	_ =	swait.ge @!p0 [sflag:s8], $0x0  }
0x24: {  	s3 =	sadd.s32 $0x88, s3;
	s6 =	simm.s32 @!p1 $0x1082;
	[sflag:s4] =	ssyncset.s32 $0xFFFFF086  }
0x25: {  	[simem:s6], [sflag:s4] =	dma.local [hbm:s3], $0xF7A  }
0x26: {  	[smem:$0x3F99] =	sst s1;
	(tag) =	ssettag s2;
	_ =	strace s9  }
0x27: {  	s1 =	sld [smem:$0x3FA9]  }
0x28: {  	s2 =	sld [smem:$0x3FAA]  }
0x29: {  	s4 =	sld [smem:$0x3FAC]  }
0x2a: {  	p0 =	seq.s32 s5, $0x0;
	s5 =	sld [smem:$0x3FAD]  }
0x2b: {  	s6 =	sld [smem:$0x3FAE]  }
0x2c: {  	s7 =	sld [smem:$0x3FAF]  }
0x2d: {  	s3 =	simm.s32 $0x108;
	s8 =	sld [smem:$0x3FB0]  }
0x2e: {  	s3 =	simm.s32 @!p0 $0x1082;
	s9 =	sld [smem:$0x3FB1]  }
0x2f: {  	lr =	sadd.s32 s0, s3;
	s0 =	sld [smem:$0x3FA8]  }
0x30: {  	s3 =	sld [smem:$0x3FAB]  }
0x31: {  	[smem:$0x3FB4] =	sst s10  }
0x32: {  	s10 =	sld [smem:$0x3FB2];
	_ =	sdelay $0x3  }
0x33: {  	p0 =	seq.s32 s10, $0x1;
	s10 =	sld [smem:$0x3FB4];
	_ =	sdelay $0x3  }
0x34: {  	[smem:$0x3FB4] =	sst s10  }
0x35: {  	s10 =	sld [smem:$0x3FB3];
	_ =	sdelay $0x3  }
0x36: {  	p1 =	seq.s32 s10, $0x1;
	s10 =	sld [smem:$0x3FB4];
	_ =	sdelay $0x3  }
0x37: {  	[smem:$0x3FB4] =	sst s10  }
0x38: {  	s10 =	sld [smem:$0x3FB5]  }
0x39: {  	_ = 	snop;
	(pc) =	sbr.ind lr, $3  }
0x3a: {  	_ = 	snop  }
0x3b: {  	_ = 	snop  }
0x3c: {  	p2 =	seq.s32 s10, $0x1;
	s10 =	sld [smem:$0x3FB4]  }
0x3d: {  	_ =	shalt  }
0x3e: {  	_ =	shalt  }
0x3f: {  	_ =	shalt  }
0x40: {  	_ =	shalt  }
0x41: {  	_ =	shalt  }
0x42: {  	_ =	shalt  }
0x43: {  	_ =	shalt  }
0x44: {  	_ =	shalt  }
0x45: {  	_ =	shalt  }
0x46: {  	_ =	shalt  }
0x47: {  	_ =	shalt  }
0x48: {  	_ =	shalt  }
0x49: {  	_ =	shalt  }
0x4a: {  	_ =	shalt  }
0x4b: {  	_ =	shalt  }
0x4c: {  	_ =	shalt  }
0x4d: {  	_ =	shalt  }
0x4e: {  	_ =	shalt  }
0x4f: {  	_ =	shalt  }
0x50: {  	_ =	shalt  }
0x51: {  	_ =	shalt  }
0x52: {  	_ =	shalt  }
0x53: {  	_ =	shalt  }
0x54: {  	_ =	shalt  }
0x55: {  	_ =	shalt  }
0x56: {  	_ =	shalt  }
0x57: {  	_ =	shalt  }
0x58: {  	_ =	shalt  }
0x59: {  	_ =	shalt  }
0x5a: {  	_ =	shalt  }
0x5b: {  	_ =	shalt  }
0x5c: {  	_ =	shalt  }
0x5d: {  	_ =	shalt  }
0x5e: {  	_ =	shalt  }
0x5f: {  	_ =	shalt  }
0x60: {  	_ =	shalt  }
0x61: {  	_ =	shalt  }
0x62: {  	_ =	shalt  }
0x63: {  	_ =	shalt  }
0x64: {  	_ =	shalt  }
0x65: {  	_ =	shalt  }
0x66: {  	_ =	shalt  }
0x67: {  	_ =	shalt  }
0x68: {  	_ =	shalt  }
0x69: {  	_ =	shalt  }
0x6a: {  	_ =	shalt  }
0x6b: {  	_ =	shalt  }
0x6c: {  	_ =	shalt  }
0x6d: {  	_ =	shalt  }
0x6e: {  	_ =	shalt  }
0x6f: {  	_ =	shalt  }
0x70: {  	_ =	shalt  }
0x71: {  	_ =	shalt  }
0x72: {  	_ =	shalt  }
0x73: {  	_ =	shalt  }
0x74: {  	_ =	shalt  }
0x75: {  	_ =	shalt  }
0x76: {  	_ =	shalt  }
0x77: {  	_ =	shalt  }
0x78: {  	_ =	shalt  }
0x79: {  	_ =	shalt  }
0x7a: {  	_ =	shalt  }
0x7b: {  	_ =	shalt  }
0x7c: {  	_ =	shalt  }
0x7d: {  	_ =	shalt  }
0x7e: {  	_ =	shalt  }
0x7f: {  	_ =	shalt  }
0x80: {  	_ =	shalt  }
0x81: {  	_ =	shalt  }
0x82: {  	_ =	shalt  }
0x83: {  	_ =	shalt  }
0x84: {  	_ =	shalt  }
0x85: {  	_ =	shalt  }
0x86: {  	_ =	shalt  }
0x87: {  	_ =	shalt  }
.Lfunc_end0:
.L_simem_size_0:
called_computation.1_lowered:
.L_overlay_start_0:
0x88: {  	s2 =	sld [smem:$0x3FD9]  }
0x89: {  	s3 =	sld [smem:$0x3FFE];
	_ =	sdelay $0x1  }
0x8a: {  	s1 =	srdreg.scid  }
0x8b: {  	s0 =	sand.u32 $0x1, s1  }
0x8c: {  	s17 =	sshll.u32 s0, $0xA;
	s2 =	sadd.s32 s3, s2  }
0x8d: {  	s2 =	sadd.s32 s2, s17  }
0x8e: {  	[smem:$0x3FC0] =	sst s2  }
0x8f: {  	_ = 	snop  }
0x90: {  	s2 =	sld [smem:$0x3FD0];
	(tm) =	ssettm $0x1  }
0x91: {  	s18 =	sld [smem:$0x3FFB];
	_ =	sdelay $0x3  }
0x92: {  	_ =	strace s18  }
0x93: {  	s3 =	sld [smem:$0x3FFC];
	_ =	sdelay $0x3  }
0x94: {  	_ =	strace s3  }
0x95: {  	s3 =	sld [smem:$0x3FFD];
	_ =	sdelay $0x3  }
0x96: {  	_ =	strace s3  }
0x97: {  	_ =	strace $0x8FFFFFFF  }
0x98: {  	s19 =	sld [smem:$0x3FDB];
	_ =	sdelay $0x1  }
0x99: {  	s4 =	simm.s32 $_scs_section_size  }
0x9a: {  	s5 =	simm.s32 $_size__tile_overlayer_lowered;
	s6 =	simm.s32 $_tile_overlayer_lowered  }
0x9b: {  	s22 =	simm.s32 $0x1BFF;
	s21 =	sshll.u32 s6, $0x1;
	s3 =	sadd.s32 s4, s19  }
0x9c: {  	s7 =	simm.s32 $0x0;
	s20 =	sshll.u32 s5, $0x1;
	s5 =	sadd.s32 s21, s3  }
0x9d: {  	[timem:s7], [sflag:s22] =	dma.local [hbm:s5], s20  }
0x9e: {  	_ =	swait.ge [sflag:s22], s20  }
0x9f: {  	s4 =	ssub.s32 $0x0, s20;
	[sflag:s22] =	ssyncset.done $0x0  }
0xa0: {  	[sflag:s22] =	ssyncadd.s32 s4;
	_ =	sdelay $0x1  }
0xa1: {  	s23 =	simm.s32 $0x1B8B  }
0xa2: {  	_ =	swait.ge [sflag:s23], $0x1  }
0xa3: {  	[sflag:s23] =	ssyncset.done $0x0  }
0xa4: {  	s25 =	simm.s32 $0x1B8E;
	s24 =	sld [smem:$0x3FFE];
	[sflag:s23] =	ssyncadd.s32 $0xFFFFFFFF  }
0xa5: {  	s26 =	simm.s32 $execute0_lowered;
	[smem:$0x3FD2] =	sst s25  }
0xa6: {  	s5 =	sshll.u32 s26, $0x1;
	_ =	strace $0x80000049;
	[dreg:$0x1] =	wrdreg $0xFFFFFFFF  }
0xa7: {  	s28 =	simm.s32 $_size_execute0_lowered;
	s3 =	sadd.s32 s3, s5;
	[dreg:$0x0] =	wrdreg $0x0  }
0xa8: {  	s5 =	sshll.u32 s28, $0x1;
	[dreg:$0x2] =	wrdreg s3  }
0xa9: {  	[dreg:$0x3] =	wrdreg s5  }
0xaa: {  	[dreg:$0x4] =	wrdreg $0xC0  }
0xab: {  	_ =	task [dreg:s7], $0x5FFFF  }
0xac: {  	[dreg:$0x1] =	wrdreg $0xFFFFFFFF  }
0xad: {  	[dreg:$0x0] =	wrdreg $0x60  }
0xae: {  	[dreg:$0x2] =	wrdreg s2  }
0xaf: {  	[dreg:$0x3] =	wrdreg s24  }
0xb0: {  	[dreg:$0x4] =	wrdreg $0x84000  }
0xb1: {  	[dreg:$0x5] =	wrdreg $0x9  }
0xb2: {  	_ =	task.clear_ibuf [dreg:s7], $0x6FFFF;
	_ =	strace $0x90000049  }
0xb3: {  	s29 =	simm.s32 $0x9;
	_ =	strace $0x8000004B  }
0xb4: {  	_ =	swait.ge [sflag:s29], $0x1  }
0xb5: {  	[sflag:s29] =	ssyncadd.s32 $0xFFFFFFFF  }
0xb6: {  	_ =	strace $0x9000004B  }
0xb7: {  	_ =	sfence  }
0xb8: {  	s30 =	sld [smem:$0x0];
	_ =	sdelay $0x2  }
0xb9: {  	s31 =	sshll.u32 s1, $0xD;
	s1 =	sshrl.u32 s1, $0x2  }
0xba: {  	s3 =	sand.u32 $0x4000, s31;
	s1 =	sadd.s32 s1, s30  }
0xbb: {  	s0 =	sor.u32 s3, s0;
	s1 =	sshll.u32 s1, $0x11  }
0xbc: {  	s0 =	sor.u32 s1, s0  }
0xbd: {  	s0 =	sadd.s32 $0x8F2B, s0  }
0xbe: {  	[sflag:s0] =	ssyncadd.remote.s32 $0x1  }
0xbf: {  	_ =	sfence.sel $0xFFFF  }
0xc0: {  	[dreg:$0x0] =	wrdreg $0xFFFFFFFF;
	(pc) =	sbr.abs _section_cstart, $3  }
0xc1: {  	[dreg:$0x1] =	wrdreg $0xFFFFFFFF  }
0xc2: {  	_ =	task.clear_ibuf [dreg:s7], $0x2FFFF;
	_ =	strace $0x9FFFFFFF  }
0xc3: {  	(tm) =	ssettm $0x7FFFFFFF  }
tec
execute0_lowered:
.L_overlay_start_1:
0x0: {  	(tag) =	ssettag $0x1  }
0x1: {  	s1 =	rddreg [dreg:$0x0]  }
0x2: {  	s0 =	srdreg.scid;
	s5 =	rddreg [dreg:$0x1]  }
0x3: {  	s10 =	stileid.u32;
	s3 =	rddreg [dreg:$0x2];
	s4 =	simm.s32 $0x0  }
0x4: {  	s12 =	simm.s32 $0x100;
	s14 =	simm.s32 $0x200;
	s15 =	simm.s32 $0x1  }
0x5: {  	s16 =	simm.s32 $0x80;
	s17 =	simm.s32 $0x400;
	s18 =	simm.s32 $0x2  }
0x6: {  	s19 =	simm.s32 $0x4400;
	s28 =	simm.s32 $0x180;
	s29 =	simm.s32 $0x4  }
0x7: {  	s30 =	simm.s32 $0x280;
	s31 =	simm.s32 $0x380;
	s24 =	smul.u32 $0x2800, s10  }
0x8: {  	s0 =	sand.u32 $0x1, s0;
	[smem:$0x7FF] =	sst s4;
	s7 =	smul.u32 $0x50000, s10  }
0x9: {  	s25 =	sshll.u32 s10, $0x6;
	s2 =	sshll.u32 s0, $0x4;
	s6 =	smul.u32 $0x28000, s0  }
0xa: {  	_ =	strace $0x8000004A;
	s0 =	ssub.s32 $0x2, s0;
	s2 =	sor.u32 s10, s2  }
0xb: {  	s8 =	sadd.s32 s24, s5;
	s9 =	sshrl.u32 s0, $0x1;
	s21 =	sshrl.u32 s7, $0x2  }
0xc: {  	s10 =	simm.s32 $0x8;
	s2 =	smul.u32 $0xA00, s2;
	s0 =	ssub.s32 s0, s9  }
0xd: {  	s22 =	sadd.s32 s21, s3;
	s23 =	sadd.s32 $0x15E00, s8;
	s21 =	simm.s32 $0x300  }
0xe: {  	[dreg:$0x4] =	wrdreg s23;
	s0 =	smax.u32 s0, $0x1;
	s9 =	sshrl.u32 s22, $0x3  }
0xf: {  	s22 =	simm.s32 $0x5;
	s23 =	simm.s32 $0x7;
	s2 =	sadd.s32 s2, s5  }
0x10: {  	s5 =	sadd.s32 s6, s5;
	s6 =	sor.u32 $0x1C08, s25;
	[dreg:$0x5] =	wrdreg s0  }
0x11: {  	s25 =	simm.s32 $0x3;
	s7 =	sadd.s32 $0x1E00, s2;
	s26 =	sadd.s32 $0x3DE00, s5  }
0x12: {  	s2 =	simm.s32 $0x0;
	s11 =	sadd.s32 $0x20, s7;
	s13 =	sadd.s32 $0x40, s7  }
0x13: {  	s20 =	sadd.s32 $0x60, s7;
	s24 =	sadd.s32 s24, s26;
	s26 =	simm.s32 $0x6  }
.LBB2_1:
0x14: {  	s0 =	rddreg [dreg:$0x4]  }
0x15: {  	[spmem:s9], [sflag:s6] =	dma.local [hbm:s0], $0x2800  }
0x16: {  	_ =	swait.ge [sflag:s10], $0x2800  }
0x17: {  	[sflag:s10] =	ssyncset.done $0x0  }
0x18: {  	[sflag:s10] =	ssyncadd.s32 $0xFFFFD800  }
0x19: {  	[tilespmem:s4], [sflag:$0x1] =	stream.linear.gather [hbm4b:s7+s4], $0x100, $0x38;
	[tilespmem:$0x1C400] =	vst v63  }
0x1a: {  	_ = 	snop  }
0x1b: {  	[tilespmem:s12], [sflag:$0x2] =	stream.linear.gather [hbm4b:s11+s4], $0x100, $0x38;
	[tilespmem:$0x1C400] =	vst v63  }
0x1c: {  	_ = 	snop  }
0x1d: {  	[tilespmem:s14], [sflag:$0x3] =	stream.linear.gather [hbm4b:s13+s4], $0x100, $0x38;
	[tilespmem:$0x1C400] =	vst v63  }
0x1e: {  	_ =	swait.ge [sflag:s15], $0x100  }
0x1f: {  	[sflag:s15] =	ssyncset.done $0x0  }
0x20: {  	[sflag:s15] =	ssyncadd.s32 $0xFFFFFF00  }
0x21: {  	[tilespmem:s17], [sflag:$0x5] =	stream.indirect.gather [hbm4b:s1+s16], $0x80, s4, s16, $0xb8;
	[tilespmem:$0x1C400] =	vst v63  }
0x22: {  	[bflag:$0x0] =	sbarrier.arrive $0xFFFF  }
0x23: {  	_ =	swait.ge [sflag:s18], $0x100  }
0x24: {  	[sflag:s18] =	ssyncset.done $0x0  }
0x25: {  	[sflag:s18] =	ssyncadd.s32 $0xFFFFFF00  }
0x26: {  	[tilespmem:s19], [sflag:$0x6] =	stream.indirect.gather [hbm4b:s1+s16], $0x80, s12, s16, $0xb8;
	[tilespmem:$0x1C400] =	vst v63  }
0x27: {  	_ = 	snop  }
0x28: {  	[tilespmem:s21], [sflag:$0x4] =	stream.linear.gather [hbm4b:s20+s4], $0x100, $0x38;
	[tilespmem:$0x1C400] =	vst v63  }
0x29: {  	_ =	swait.ge [sflag:s22], $0x4000  }
0x2a: {  	[sflag:s22] =	ssyncset.done $0x0  }
0x2b: {  	[sflag:s22] =	ssyncadd.s32 $0xFFFFC000  }
0x2c: {  	[spmem:s3] =	stream.indirect.scatter.add.f32 [tilespmem:s17], [sflag:$0x7], $0x80, s16, s16, $0xb8;
	[tilespmem:$0x1C400] =	vst v63  }
0x2d: {  	_ =	swait.ge [sflag:s23], $0x4000  }
0x2e: {  	[sflag:s23] =	ssyncset.done $0x0  }
0x2f: {  	[sflag:s23] =	ssyncadd.s32 $0xFFFFC000  }
0x30: {  	_ =	swait.ge [sflag:s25], $0x100  }
0x31: {  	[sflag:s25] =	ssyncset.done $0x0  }
0x32: {  	[sflag:s25] =	ssyncadd.s32 $0xFFFFFF00  }
0x33: {  	[tilespmem:s17], [sflag:$0x5] =	stream.indirect.gather [hbm4b:s1+s16], $0x80, s14, s16, $0xb8;
	[tilespmem:$0x1C400] =	vst v63  }
0x34: {  	s5 =	sadd.s32 $0x80, s7  }
0x35: {  	[tilespmem:s4], [sflag:$0x1] =	stream.linear.gather [hbm4b:s5+s4], $0x100, $0x38;
	[tilespmem:$0x1C400] =	vst v63  }
0x36: {  	_ =	swait.ge [sflag:s26], $0x4000  }
0x37: {  	[sflag:s26] =	ssyncset.done $0x0  }
0x38: {  	[sflag:s26] =	ssyncadd.s32 $0xFFFFC000  }
0x39: {  	[spmem:s3] =	stream.indirect.scatter.add.f32 [tilespmem:s19], [sflag:$0x7], $0x80, s28, s16, $0xb8;
	[tilespmem:$0x1C400] =	vst v63  }
0x3a: {  	_ =	swait.ge [sflag:s23], $0x4000  }
0x3b: {  	[sflag:s23] =	ssyncset.done $0x0  }
0x3c: {  	[sflag:s23] =	ssyncadd.s32 $0xFFFFC000  }
0x3d: {  	_ =	swait.ge [sflag:s29], $0x100  }
0x3e: {  	[sflag:s29] =	ssyncset.done $0x0  }
0x3f: {  	[sflag:s29] =	ssyncadd.s32 $0xFFFFFF00  }
0x40: {  	[tilespmem:s19], [sflag:$0x6] =	stream.indirect.gather [hbm4b:s1+s16], $0x80, s21, s16, $0xb8;
	[tilespmem:$0x1C400] =	vst v63  }
0x41: {  	s8 =	sadd.s32 $0xA0, s7  }
0x42: {  	[tilespmem:s12], [sflag:$0x2] =	stream.linear.gather [hbm4b:s8+s4], $0x100, $0x38;
	[tilespmem:$0x1C400] =	vst v63  }
0x43: {  	_ =	swait.ge [sflag:s22], $0x4000  }
0x44: {  	[sflag:s22] =	ssyncset.done $0x0  }
0x45: {  	[sflag:s22] =	ssyncadd.s32 $0xFFFFC000  }
0x46: {  	[spmem:s3] =	stream.indirect.scatter.add.f32 [tilespmem:s17], [sflag:$0x7], $0x80, s30, s16, $0xb8;
	[tilespmem:$0x1C400] =	vst v63  }
0x47: {  	_ =	swait.ge [sflag:s23], $0x4000  }
0x48: {  	[sflag:s23] =	ssyncset.done $0x0  }
0x49: {  	[sflag:s23] =	ssyncadd.s32 $0xFFFFC000  }
0x4a: {  	_ =	swait.ge [sflag:s15], $0x100  }
0x4b: {  	[sflag:s15] =	ssyncset.done $0x0  }
0x4c: {  	[sflag:s15] =	ssyncadd.s32 $0xFFFFFF00  }
0x4d: {  	[tilespmem:s17], [sflag:$0x5] =	stream.indirect.gather [hbm4b:s1+s16], $0x80, s4, s16, $0xb8;
	[tilespmem:$0x1C400] =	vst v63  }
0x4e: {  	s5 =	sadd.s32 $0xC0, s7  }
0x4f: {  	[tilespmem:s14], [sflag:$0x3] =	stream.linear.gather [hbm4b:s5+s4], $0x100, $0x38;
	[tilespmem:$0x1C400] =	vst v63  }
0x50: {  	_ =	swait.ge [sflag:s26], $0x4000  }
0x51: {  	[sflag:s26] =	ssyncset.done $0x0  }
0x52: {  	[sflag:s26] =	ssyncadd.s32 $0xFFFFC000  }
0x53: {  	[spmem:s3] =	stream.indirect.scatter.add.f32 [tilespmem:s19], [sflag:$0x7], $0x80, s31, s16, $0xb8;
	[tilespmem:$0x1C400] =	vst v63  }
0x54: {  	_ =	swait.ge [sflag:s23], $0x4000  }
0x55: {  	[sflag:s23] =	ssyncset.done $0x0  }
0x56: {  	[sflag:s23] =	ssyncadd.s32 $0xFFFFC000  }
0x57: {  	_ =	swait.ge [sflag:s18], $0x100  }
0x58: {  	[sflag:s18] =	ssyncset.done $0x0  }
0x59: {  	s0 =	sadd.s32 $0xFFFFF700, s7;
	[sflag:s18] =	ssyncadd.s32 $0xFFFFFF00  }
0x5a: {  	[tilespmem:s19], [sflag:$0x6] =	stream.indirect.gather [hbm4b:s1+s16], $0x80, s12, s16, $0xb8;
	[tilespmem:$0x1C400] =	vst v63  }
0x5b: {  	s5 =	sadd.s32 $0x9E0, s0  }
0x5c: {  	[tilespmem:s21], [sflag:$0x4] =	stream.linear.gather [hbm4b:s5+s4], $0x100, $0x38;
	[tilespmem:$0x1C400] =	vst v63  }
0x5d: {  	_ =	swait.ge [sflag:s22], $0x4000  }
0x5e: {  	[sflag:s22] =	ssyncset.done $0x0  }
0x5f: {  	[sflag:s22] =	ssyncadd.s32 $0xFFFFC000  }
0x60: {  	[spmem:s3] =	stream.indirect.scatter.add.f32 [tilespmem:s17], [sflag:$0x7], $0x80, s16, s16, $0xb8;
	[tilespmem:$0x1C400] =	vst v63  }
0x61: {  	_ =	swait.ge [sflag:s23], $0x4000  }
0x62: {  	[sflag:s23] =	ssyncset.done $0x0  }
0x63: {  	[sflag:s23] =	ssyncadd.s32 $0xFFFFC000  }
0x64: {  	_ =	swait.ge [sflag:s25], $0x100  }
0x65: {  	[sflag:s25] =	ssyncset.done $0x0  }
0x66: {  	[sflag:s25] =	ssyncadd.s32 $0xFFFFFF00  }
0x67: {  	[tilespmem:s17], [sflag:$0x5] =	stream.indirect.gather [hbm4b:s1+s16], $0x80, s14, s16, $0xb8;
	[tilespmem:$0x1C400] =	vst v63  }
0x68: {  	s8 =	sadd.s32 $0xA00, s0  }
0x69: {  	[tilespmem:s4], [sflag:$0x1] =	stream.linear.gather [hbm4b:s8+s4], $0x100, $0x38;
	[tilespmem:$0x1C400] =	vst v63  }
0x6a: {  	_ =	swait.ge [sflag:s26], $0x4000  }
0x6b: {  	[sflag:s26] =	ssyncset.done $0x0  }
0x6c: {  	[sflag:s26] =	ssyncadd.s32 $0xFFFFC000  }
0x6d: {  	[spmem:s3] =	stream.indirect.scatter.add.f32 [tilespmem:s19], [sflag:$0x7], $0x80, s28, s16, $0xb8;
	[tilespmem:$0x1C400] =	vst v63  }
0x6e: {  	_ =	swait.ge [sflag:s23], $0x4000  }
0x6f: {  	[sflag:s23] =	ssyncset.done $0x0  }
0x70: {  	[sflag:s23] =	ssyncadd.s32 $0xFFFFC000  }
0x71: {  	_ =	swait.ge [sflag:s29], $0x100  }
0x72: {  	[sflag:s29] =	ssyncset.done $0x0  }
0x73: {  	[sflag:s29] =	ssyncadd.s32 $0xFFFFFF00  }
0x74: {  	[tilespmem:s19], [sflag:$0x6] =	stream.indirect.gather [hbm4b:s1+s16], $0x80, s21, s16, $0xb8;
	[tilespmem:$0x1C400] =	vst v63  }
0x75: {  	s8 =	sadd.s32 $0xA20, s0  }
0x76: {  	[tilespmem:s12], [sflag:$0x2] =	stream.linear.gather [hbm4b:s8+s4], $0x100, $0x38;
	[tilespmem:$0x1C400] =	vst v63  }
0x77: {  	_ =	swait.ge [sflag:s22], $0x4000  }
0x78: {  	[sflag:s22] =	ssyncset.done $0x0  }
0x79: {  	[sflag:s22] =	ssyncadd.s32 $0xFFFFC000  }
0x7a: {  	[spmem:s3] =	stream.indirect.scatter.add.f32 [tilespmem:s17], [sflag:$0x7], $0x80, s30, s16, $0xb8;
	[tilespmem:$0x1C400] =	vst v63  }
0x7b: {  	_ =	swait.ge [sflag:s23], $0x4000  }
0x7c: {  	[sflag:s23] =	ssyncset.done $0x0  }
0x7d: {  	[sflag:s23] =	ssyncadd.s32 $0xFFFFC000  }
0x7e: {  	_ =	swait.ge [sflag:s15], $0x100  }
0x7f: {  	[sflag:s15] =	ssyncset.done $0x0  }
0x80: {  	[sflag:s15] =	ssyncadd.s32 $0xFFFFFF00  }
0x81: {  	[tilespmem:s17], [sflag:$0x5] =	stream.indirect.gather [hbm4b:s1+s16], $0x80, s4, s16, $0xb8;
	[tilespmem:$0x1C400] =	vst v63  }
0x82: {  	s0 =	sadd.s32 $0xA40, s0  }
0x83: {  	[tilespmem:s14], [sflag:$0x3] =	stream.linear.gather [hbm4b:s0+s4], $0x100, $0x38;
	[tilespmem:$0x1C400] =	vst v63  }
0x84: {  	_ =	swait.ge [sflag:s26], $0x4000  }
0x85: {  	[sflag:s26] =	ssyncset.done $0x0  }
0x86: {  	[sflag:s26] =	ssyncadd.s32 $0xFFFFC000  }
0x87: {  	[spmem:s3] =	stream.indirect.scatter.add.f32 [tilespmem:s19], [sflag:$0x7], $0x80, s31, s16, $0xb8;
	[tilespmem:$0x1C400] =	vst v63  }
0x88: {  	_ =	swait.ge [sflag:s23], $0x4000  }
0x89: {  	s0 =	simm.s32 $0xFFFFF780;
	[sflag:s23] =	ssyncset.done $0x0  }
.LBB2_2:
0x8a: {  	p0 =	sne.s32 s0, $0xFFFFFF80  }
0x8b: {  	[sflag:s23] =	ssyncadd.s32 $0xFFFFC000;
	s5 =	smov.u32 s0;
	s0 =	sadd.s32 $0x80, s0  }
0x8c: {  	_ =	swait.ge [sflag:s18], $0x100  }
0x8d: {  	[sflag:s18] =	ssyncset.done $0x0  }
0x8e: {  	s5 =	sadd.s32 s5, s7;
	[sflag:s18] =	ssyncadd.s32 $0xFFFFFF00  }
0x8f: {  	[tilespmem:s19], [sflag:$0x6] =	stream.indirect.gather [hbm4b:s1+s16], $0x80, s12, s16, $0xb8;
	[tilespmem:$0x1C400] =	vst v63  }
0x90: {  	s8 =	sadd.s32 $0x9E0, s5  }
0x91: {  	[tilespmem:s21], [sflag:$0x4] =	stream.linear.gather [hbm4b:s8+s4], $0x100, $0x38;
	[tilespmem:$0x1C400] =	vst v63  }
0x92: {  	_ =	swait.ge [sflag:s22], $0x4000  }
0x93: {  	[sflag:s22] =	ssyncset.done $0x0  }
0x94: {  	[sflag:s22] =	ssyncadd.s32 $0xFFFFC000  }
0x95: {  	[spmem:s3] =	stream.indirect.scatter.add.f32 [tilespmem:s17], [sflag:$0x7], $0x80, s16, s16, $0xb8;
	[tilespmem:$0x1C400] =	vst v63  }
0x96: {  	_ =	swait.ge [sflag:s23], $0x4000  }
0x97: {  	[sflag:s23] =	ssyncset.done $0x0  }
0x98: {  	[sflag:s23] =	ssyncadd.s32 $0xFFFFC000  }
0x99: {  	_ =	swait.ge [sflag:s25], $0x100  }
0x9a: {  	[sflag:s25] =	ssyncset.done $0x0  }
0x9b: {  	[sflag:s25] =	ssyncadd.s32 $0xFFFFFF00  }
0x9c: {  	[tilespmem:s17], [sflag:$0x5] =	stream.indirect.gather [hbm4b:s1+s16], $0x80, s14, s16, $0xb8;
	[tilespmem:$0x1C400] =	vst v63  }
0x9d: {  	s8 =	sadd.s32 $0xA00, s5  }
0x9e: {  	[tilespmem:s4], [sflag:$0x1] =	stream.linear.gather [hbm4b:s8+s4], $0x100, $0x38;
	[tilespmem:$0x1C400] =	vst v63  }
0x9f: {  	_ =	swait.ge [sflag:s26], $0x4000  }
0xa0: {  	[sflag:s26] =	ssyncset.done $0x0  }
0xa1: {  	[sflag:s26] =	ssyncadd.s32 $0xFFFFC000  }
0xa2: {  	[spmem:s3] =	stream.indirect.scatter.add.f32 [tilespmem:s19], [sflag:$0x7], $0x80, s28, s16, $0xb8;
	[tilespmem:$0x1C400] =	vst v63  }
0xa3: {  	_ =	swait.ge [sflag:s23], $0x4000  }
0xa4: {  	[sflag:s23] =	ssyncset.done $0x0  }
0xa5: {  	[sflag:s23] =	ssyncadd.s32 $0xFFFFC000  }
0xa6: {  	_ =	swait.ge [sflag:s29], $0x100  }
0xa7: {  	[sflag:s29] =	ssyncset.done $0x0  }
0xa8: {  	[sflag:s29] =	ssyncadd.s32 $0xFFFFFF00  }
0xa9: {  	[tilespmem:s19], [sflag:$0x6] =	stream.indirect.gather [hbm4b:s1+s16], $0x80, s21, s16, $0xb8;
	[tilespmem:$0x1C400] =	vst v63  }
0xaa: {  	s8 =	sadd.s32 $0xA20, s5  }
0xab: {  	[tilespmem:s12], [sflag:$0x2] =	stream.linear.gather [hbm4b:s8+s4], $0x100, $0x38;
	[tilespmem:$0x1C400] =	vst v63  }
0xac: {  	_ =	swait.ge [sflag:s22], $0x4000  }
0xad: {  	[sflag:s22] =	ssyncset.done $0x0  }
0xae: {  	[sflag:s22] =	ssyncadd.s32 $0xFFFFC000  }
0xaf: {  	[spmem:s3] =	stream.indirect.scatter.add.f32 [tilespmem:s17], [sflag:$0x7], $0x80, s30, s16, $0xb8;
	[tilespmem:$0x1C400] =	vst v63  }
0xb0: {  	_ =	swait.ge [sflag:s23], $0x4000  }
0xb1: {  	[sflag:s23] =	ssyncset.done $0x0  }
0xb2: {  	[sflag:s23] =	ssyncadd.s32 $0xFFFFC000  }
0xb3: {  	_ =	swait.ge [sflag:s15], $0x100  }
0xb4: {  	[sflag:s15] =	ssyncset.done $0x0  }
0xb5: {  	[sflag:s15] =	ssyncadd.s32 $0xFFFFFF00  }
0xb6: {  	[tilespmem:s17], [sflag:$0x5] =	stream.indirect.gather [hbm4b:s1+s16], $0x80, s4, s16, $0xb8;
	[tilespmem:$0x1C400] =	vst v63  }
0xb7: {  	s5 =	sadd.s32 $0xA40, s5  }
0xb8: {  	[tilespmem:s14], [sflag:$0x3] =	stream.linear.gather [hbm4b:s5+s4], $0x100, $0x38;
	[tilespmem:$0x1C400] =	vst v63  }
0xb9: {  	_ =	swait.ge [sflag:s26], $0x4000  }
.Ltmp0:
0xba: {  	[sflag:s26] =	ssyncset.done $0x0;
	(pc) =	sbr.rel @p0 .LBB2_2-.Ltmp0, $4  }
0xbb: {  	[sflag:s26] =	ssyncadd.s32 $0xFFFFC000  }
0xbc: {  	[spmem:s3] =	stream.indirect.scatter.add.f32 [tilespmem:s19], [sflag:$0x7], $0x80, s31, s16, $0xb8;
	[tilespmem:$0x1C400] =	vst v63  }
0xbd: {  	_ =	swait.ge [sflag:s23], $0x4000  }
0xbe: {  	[sflag:s23] =	ssyncset.done $0x0  }
0xbf: {  	[sflag:s23] =	ssyncadd.s32 $0xFFFFC000  }
0xc0: {  	_ =	swait.ge [sflag:s18], $0x100  }
0xc1: {  	[sflag:s18] =	ssyncset.done $0x0  }
0xc2: {  	[sflag:s18] =	ssyncadd.s32 $0xFFFFFF00  }
0xc3: {  	[tilespmem:s19], [sflag:$0x6] =	stream.indirect.gather [hbm4b:s1+s16], $0x80, s12, s16, $0xb8;
	[tilespmem:$0x1C400] =	vst v63  }
0xc4: {  	s0 =	sadd.s32 $0x9E0, s7  }
0xc5: {  	[tilespmem:s21], [sflag:$0x4] =	stream.linear.gather [hbm4b:s0+s4], $0x100, $0x38;
	[tilespmem:$0x1C400] =	vst v63  }
0xc6: {  	_ =	swait.ge [sflag:s22], $0x4000  }
0xc7: {  	[sflag:s22] =	ssyncset.done $0x0  }
0xc8: {  	[sflag:s22] =	ssyncadd.s32 $0xFFFFC000  }
0xc9: {  	[spmem:s3] =	stream.indirect.scatter.add.f32 [tilespmem:s17], [sflag:$0x7], $0x80, s16, s16, $0xb8;
	[tilespmem:$0x1C400] =	vst v63  }
0xca: {  	_ =	swait.ge [sflag:s23], $0x4000  }
0xcb: {  	[sflag:s23] =	ssyncset.done $0x0  }
0xcc: {  	[sflag:s23] =	ssyncadd.s32 $0xFFFFC000  }
0xcd: {  	_ =	swait.ge [sflag:s25], $0x100  }
0xce: {  	[sflag:s25] =	ssyncset.done $0x0  }
0xcf: {  	[sflag:s25] =	ssyncadd.s32 $0xFFFFFF00  }
0xd0: {  	[tilespmem:s17], [sflag:$0x5] =	stream.indirect.gather [hbm4b:s1+s16], $0x80, s14, s16, $0xb8;
	[tilespmem:$0x1C400] =	vst v63  }
0xd1: {  	_ =	swait.ge [sflag:s26], $0x4000  }
0xd2: {  	[sflag:s26] =	ssyncset.done $0x0  }
0xd3: {  	[sflag:s26] =	ssyncadd.s32 $0xFFFFC000  }
0xd4: {  	[spmem:s3] =	stream.indirect.scatter.add.f32 [tilespmem:s19], [sflag:$0x7], $0x80, s28, s16, $0xb8;
	[tilespmem:$0x1C400] =	vst v63  }
0xd5: {  	_ =	swait.ge [sflag:s23], $0x4000  }
0xd6: {  	[sflag:s23] =	ssyncset.done $0x0  }
0xd7: {  	[sflag:s23] =	ssyncadd.s32 $0xFFFFC000  }
0xd8: {  	_ =	swait.ge [sflag:s29], $0x100  }
0xd9: {  	[sflag:s29] =	ssyncset.done $0x0  }
0xda: {  	[sflag:s29] =	ssyncadd.s32 $0xFFFFFF00  }
0xdb: {  	[tilespmem:s19], [sflag:$0x6] =	stream.indirect.gather [hbm4b:s1+s16], $0x80, s21, s16, $0xb8;
	[tilespmem:$0x1C400] =	vst v63  }
0xdc: {  	_ =	swait.ge [sflag:s22], $0x4000  }
0xdd: {  	[sflag:s22] =	ssyncset.done $0x0  }
0xde: {  	[sflag:s22] =	ssyncadd.s32 $0xFFFFC000  }
0xdf: {  	[spmem:s3] =	stream.indirect.scatter.add.f32 [tilespmem:s17], [sflag:$0x7], $0x80, s30, s16, $0xb8;
	[tilespmem:$0x1C400] =	vst v63  }
0xe0: {  	_ =	swait.ge [sflag:s23], $0x4000  }
0xe1: {  	[sflag:s23] =	ssyncset.done $0x0  }
0xe2: {  	[sflag:s23] =	ssyncadd.s32 $0xFFFFC000  }
0xe3: {  	_ =	swait.ge [sflag:s26], $0x4000  }
0xe4: {  	[sflag:s26] =	ssyncset.done $0x0  }
0xe5: {  	[sflag:s26] =	ssyncadd.s32 $0xFFFFC000  }
0xe6: {  	[spmem:s3] =	stream.indirect.scatter.add.f32 [tilespmem:s19], [sflag:$0x7], $0x80, s31, s16, $0xb8;
	[tilespmem:$0x1C400] =	vst v63  }
0xe7: {  	_ =	swait.ge [sflag:s23], $0x4000  }
0xe8: {  	[sflag:s23] =	ssyncset.done $0x0  }
0xe9: {  	[sflag:s23] =	ssyncadd.s32 $0xFFFFC000  }
0xea: {  	[bflag:$0x0] =	sbarrier.arrive $0xFFFF  }
0xeb: {  	[hbm:s24], [sflag:s6] =	dma.local [spmem:s9], $0x2800  }
0xec: {  	_ =	swait.ge [sflag:s10], $0x2800  }
0xed: {  	s2 =	sadd.s32 $0x1, s2;
	s8 =	rddreg [dreg:$0x5]  }
0xee: {  	p0 =	sne.s32 s2, s8  }
.Ltmp1:
0xef: {  	_ = 	snop;
	(pc) =	sbr.rel @p0 .LBB2_1-.Ltmp1, $3  }
0xf0: {  	_ =	sdelay $0x1  }
0xf1: {  	[sflag:s10] =	ssyncset.done $0x0  }
0xf2: {  	[sflag:s10] =	ssyncadd.s32 $0xFFFFD800  }
0xf3: {  	_ =	sfence.sel $0x180000  }
0xf4: {  	[bflag:$0x0] =	sbarrier.arrive $0xFFFF  }
0xf5: {  	_ =	strace $0x9000004A  }
0xf6: {  	s0 =	stileid.u32;
	[bflag:$0x2] =	sbarrier.arrive $0xFFFF  }
0xf7: {  	p0 =	sne.s32 s0, $0x0;
	s0 =	rddreg [dreg:$0x3]  }
0xf8: {  	s0 =	sadd.s32 @!p0 $0x100000, s0  }
0xf9: {  	[sflag:s0] =	ssyncadd.tile.s32 @!p0 $0x1;
	_ =	shalt  }
.Lfunc_end2:
_tile_overlayer_lowered:
.L_overlay_start_2:
0xfa: {  	(tag) =	ssettag $0x2  }
0xfb: {  	s0 =	rddreg [dreg:$0x0];
	s2 =	stileid.u32  }
0xfc: {  	s1 =	rddreg [dreg:$0x1];
	p0 =	sne.s32 s2, $0x0  }
0xfd: {  	s3 =	rddreg [dreg:$0x2];
	[bflag:$0x3] =	sbarrier.arrive $0xFFFF;
	s2 =	simm.s32 @!p0 $0x1C08  }
0xfe: {  	[timem:s3], [sflag:s2] =	dma.local @!p0 [hbm:s0], s1  }
0xff: {  	s0 =	simm.s32 @!p0 $0x8  }
0x100: {  	_ =	swait.ge @!p0 [sflag:s0], s1  }
0x101: {  	s1 =	ssub.s32 @!p0 $0x0, s1;
	[sflag:s0] =	ssyncset.done @!p0 $0x0  }
0x102: {  	[sflag:s0] =	ssyncadd.s32 @!p0 s1  }
0x103: {  	[bflag:$0x3] =	sbarrier.arrive $0xFFFF  }
0x104: {  	_ =	shalt  }

</sc_bundles>
